<compile_context>
chip_gen: v7x
topology: tpu7x:2x2x1
jax: 0.10.2.dev20260603
libtpu: 0.0.44.dev20260713+nightly
codegen_flags: <defaults>
</compile_context>

<pallas_src>
import functools

import jax
import jax.numpy as jnp
from jax import lax
from jax.experimental import pallas as pl
from jax.experimental.pallas import tpu as pltpu
from jax.experimental.pallas import tpu_sc as plsc

EMB = 64
VOCAB = 1000000
NUM_CORES = 2
NUM_SUBCORES = 16
NUM_WORKERS = NUM_CORES * NUM_SUBCORES

N_FULL_IB = VOCAB // 128
TAIL = VOCAB - N_FULL_IB * 128
IB_PER_W = 246
DUMMY_ROW = 1000064
ROWS_PAD = DUMMY_ROW + 128

_MESH = dict(core_axis_name="c", subcore_axis_name="s")


def _worker_id():
    return lax.axis_index("s") * NUM_CORES + lax.axis_index("c")


def _iota16(base):
    return lax.iota(jnp.int32, 16) + base


def _transpose16(src, dst, temp, rows_grp, cols_grp):
    iota1 = lax.iota(jnp.int32, 16)
    iota17 = iota1 * 17

    @plsc.parallel_loop(0, rows_grp * cols_grp, step=1, unroll=2)
    def _(blk):
        a = blk // cols_grp
        c = lax.rem(blk, cols_grp)
        base = blk * 288
        vals = []
        for q in range(16):
            vals.append(src[a * 16 + q, pl.ds(c * 16, 16)])
        for q in range(16):
            plsc.store_scatter(temp, [iota1 + (base + q * 17)], vals[q])
        loaded = []
        for p in range(16):
            loaded.append(plsc.load_gather(temp, [iota17 + (base + p)]))
        for p in range(16):
            dst[c * 16 + p, pl.ds(a * 16, 16)] = loaded[p]



@jax.jit
def _rowize(tT, tail):

    @functools.partial(
        pl.kernel,
        out_type=jax.ShapeDtypeStruct((ROWS_PAD, 128), jnp.float32),
        mesh=plsc.VectorSubcoreMesh(**_MESH),
        scratch_types=[
            pltpu.VMEM((3, EMB, 128), jnp.float32),
            pltpu.VMEM((3, 128, 128), jnp.float32),
            pltpu.VMEM((32 * 288,), jnp.float32),
            pltpu.SemaphoreType.DMA,
            pltpu.SemaphoreType.DMA,
            pltpu.SemaphoreType.DMA,
            pltpu.SemaphoreType.DMA,
            pltpu.SemaphoreType.DMA,
            pltpu.SemaphoreType.DMA,
        ],
        compiler_params=pltpu.CompilerParams(use_tc_tiling_on_sc=True, needs_layout_passes=False),
    )
    def k(tT_hbm, tail_hbm, rows_hbm, stage_v, trows_v, temp_v, g0, g1, g2, s0, s1, s2):
        wid = _worker_id()
        ib_lo = wid * IB_PER_W
        gsems = (g0, g1, g2)
        ssems = (s0, s1, s2)

        def fire_load(t, b):
            ib = lax.min(ib_lo + t, N_FULL_IB - 1)
            col0 = pl.multiple_of(ib * 128, 128)
            pltpu.async_copy(
                tT_hbm.at[pl.ds(0, EMB), pl.ds(col0, 128)],
                stage_v.at[b], gsems[b],
            )

        def wait_load(b):
            pltpu.make_async_copy(
                tT_hbm.at[pl.ds(0, EMB), pl.ds(0, 128)], stage_v.at[b],
                gsems[b],
            ).wait()

        def fire_store(t, b):
            ib = ib_lo + t
            row0 = pl.multiple_of(
                jnp.where(ib < N_FULL_IB, ib * 128, DUMMY_ROW), 128
            )
            pltpu.async_copy(
                trows_v.at[b],
                rows_hbm.at[pl.ds(row0, 128), pl.ds(0, 128)],
                ssems[b],
            )

        def wait_store(b):
            pltpu.make_async_copy(
                trows_v.at[b],
                rows_hbm.at[pl.ds(0, 128), pl.ds(0, 128)], ssems[b],
            ).wait()

        def transpose(b):
            _transpose16(stage_v.at[b], trows_v.at[b], temp_v,
                         EMB // 16, 128 // 16)

        fire_load(0, 0)
        fire_load(1, 1)

        def trio(p, carry):
            for b in range(3):
                t = 3 * p + b

                @pl.when(t + 2 < IB_PER_W)
                def _():
                    fire_load(t + 2, (b + 2) % 3)

                wait_load(b)

                @pl.when(t >= 3)
                def _():
                    wait_store(b)

                transpose(b)
                fire_store(t, b)
            return carry

        lax.fori_loop(0, IB_PER_W // 3, trio, 0)
        wait_store(0)
        wait_store(1)
        wait_store(2)

        @pl.when(wid == NUM_WORKERS - 1)
        def _():
            pltpu.sync_copy(
                tail_hbm,
                rows_hbm.at[pl.ds(N_FULL_IB * 128, TAIL), pl.ds(0, 128)],
            )

    return k(tT, tail)


@jax.jit
def _gather(xcol, rows):
    n_j = xcol.shape[0] // (NUM_WORKERS * 128)
    per_w = n_j * 128

    @functools.partial(
        pl.kernel,
        out_type=jax.ShapeDtypeStruct((n_j, 8, NUM_WORKERS, 8, 128), jnp.float32),
        mesh=plsc.VectorSubcoreMesh(**_MESH),
        scratch_types=[
            pltpu.VMEM((per_w,), jnp.int32),
            pltpu.VMEM((3, 128, 128), jnp.float32),
            pltpu.VMEM((3, EMB, 128), jnp.float32),
            pltpu.VMEM((32 * 288,), jnp.float32),
            pltpu.SemaphoreType.DMA,
            pltpu.SemaphoreType.DMA,
            pltpu.SemaphoreType.DMA,
            pltpu.SemaphoreType.DMA,
            pltpu.SemaphoreType.DMA,
            pltpu.SemaphoreType.DMA,
        ],
        compiler_params=pltpu.CompilerParams(use_tc_tiling_on_sc=True, needs_layout_passes=False),
    )
    def k(xcol_hbm, rows_hbm, out_hbm, idx_v, rows_v, tiles_v, temp_v, g0, g1, g2, s0, s1, s2):
        wid = _worker_id()
        gsems = (g0, g1, g2)
        ssems = (s0, s1, s2)

        base = pl.multiple_of(wid * per_w, 128)
        pltpu.sync_copy(xcol_hbm.at[pl.ds(base, per_w)], idx_v)

        def fire_gather(j, b):
            off = pl.multiple_of(j * 128, 128)
            pltpu.async_copy(
                rows_hbm.at[idx_v.at[pl.ds(off, 128)]], rows_v.at[b], gsems[b],
            )

        def wait_gather(b):
            pltpu.make_async_copy(
                rows_hbm.at[pl.ds(0, 128)], rows_v.at[b], gsems[b],
            ).wait()

        def fire_stores(j, b):
            for kb in range(8):
                pltpu.async_copy(
                    tiles_v.at[b, pl.ds(kb * 8, 8), :],
                    out_hbm.at[j, kb, wid], ssems[b],
                )

        def wait_stores(b):
            pltpu.make_async_copy(
                rows_hbm.at[pl.ds(0, EMB), pl.ds(0, 128)], tiles_v.at[b],
                ssems[b],
            ).wait()

        def transpose(b):
            _transpose16(rows_v.at[b], tiles_v.at[b], temp_v,
                         128 // 16, EMB // 16)

        fire_gather(0, 0)
        fire_gather(1, 1)

        def trio(p, carry):
            for b in range(3):
                j = 3 * p + b

                @pl.when(j + 2 < n_j)
                def _():
                    fire_gather(j + 2, (b + 2) % 3)

                @pl.when(j < n_j)
                def _():
                    wait_gather(b)

                    @pl.when(j >= 3)
                    def _():
                        wait_stores(b)

                    transpose(b)
                    fire_stores(j, b)
            return carry

        lax.fori_loop(0, (n_j + 2) // 3, trio, 0)
        wait_stores(0)
        wait_stores(1)
        wait_stores(2)

    return k(xcol, rows)


def kernel(x, table):
    n_i, n_j = x.shape
    xcol = (
        x.T.astype(jnp.int32)
        .reshape(n_j, NUM_WORKERS, 128)
        .transpose(1, 0, 2)
        .reshape(-1)
    )
    tT = table.T
    tail = jnp.pad(
        lax.slice(table, (N_FULL_IB * 128, 0), (VOCAB, EMB)),
        ((0, 0), (0, 128 - EMB)),
    )
    rows = _rowize(tT, tail)
    out5d = _gather(xcol, rows)
    return out5d.transpose(2, 4, 0, 1, 3).reshape(n_i, n_j, EMB)

# --- scband reference (transcript-rebuilt; emitter-appended) ---
"""Pipeline reference for scband-token-embeddings-16724602651057 (READ-ONLY COPY).

The authoritative reference and input builder live on the scoring server;
editing this copy changes nothing except your own understanding.
"""

import jax, jax.numpy as jnp
import numpy as np

VOCAB = 1000000
EMB = 64

def setup_inputs(seed: int = 0) -> dict:
    key = jax.random.key(seed)
    k1, k2 = jax.random.split(key)
    x = jax.random.randint(k1, (4096, 200), 0, VOCAB, dtype=jnp.int64 if jax.config.jax_enable_x64 else jnp.int32)
    table = jax.random.normal(k2, (VOCAB, EMB), dtype=jnp.float32)
    return {"x": x, "table": table}

def reference(x, table):
    # nn.Embedding forward: gather rows of the table by index
    return jnp.take(table, x, axis=0)

if __name__ == "__main__":
    import jax
    _d = setup_inputs()
    print(jax.jit(kernel)(*tuple(_d.values())))

</pallas_src>

<mosaic_0001>
#map = affine_map<(d0, d1) -> (0, 0)>
module attributes {stable_mosaic.version = 14 : i64} {
  func.func @k(%arg0: i32, %arg1: i32, %arg2: memref<64x1000000xf32, #tpu.memory_space<hbm>>, %arg3: memref<64x128xf32, #tpu.memory_space<hbm>>, %arg4: memref<1000192x128xf32, #tpu.memory_space<hbm>>, %arg5: memref<3x64x128xf32, #tpu.memory_space<vmem>>, %arg6: memref<3x128x128xf32, #tpu.memory_space<vmem>>, %arg7: memref<9216xf32, #tpu.memory_space<vmem>>, %arg8: memref<!tpu.dma_semaphore, #tpu.memory_space<semaphore_mem>>, %arg9: memref<!tpu.dma_semaphore, #tpu.memory_space<semaphore_mem>>, %arg10: memref<!tpu.dma_semaphore, #tpu.memory_space<semaphore_mem>>, %arg11: memref<!tpu.dma_semaphore, #tpu.memory_space<semaphore_mem>>, %arg12: memref<!tpu.dma_semaphore, #tpu.memory_space<semaphore_mem>>, %arg13: memref<!tpu.dma_semaphore, #tpu.memory_space<semaphore_mem>>) attributes {dimension_semantics = [#tpu.dimension_semantics<core_parallel>, #tpu.dimension_semantics<subcore_parallel>], iteration_bounds = array<i64: 2, 16>, scalar_prefetch = 0 : i64, scratch_operands = 9 : i64, tpu.core_type = #tpu.core_type<sc_vector_subcore>, window_params = [{transform_indices = #map}, {transform_indices = #map}, {transform_indices = #map}]} {
    %mul3A = arith.constant 2 : i32
    %mul3A_0 = arith.muli %arg1, %mul3A : i32
    %add3A = arith.addi %mul3A_0, %arg0 : i32
    %mul3A_1 = arith.constant 246 : i32
    %mul3A_2 = arith.muli %add3A, %mul3A_1 : i32
    %add3A_3 = arith.constant 0 : i32
    %add3A_4 = arith.addi %mul3A_2, %add3A_3 : i32
    %min3A = arith.constant 7811 : i32
    %min3A_5 = arith.minsi %add3A_4, %min3A : i32
    %mul3A_6 = arith.constant 128 : i32
    %mul3A_7 = arith.muli %min3A_5, %mul3A_6 : i32
    %multiple_of3A = tpu.assume_multiple %mul3A_7, 128 : i32
    %dma_start3A = arith.constant 0 : i32
    %dma_start3A_8 = arith.constant 0 : i32
    %dma_start3A_9 = arith.constant 0 : i32
    %dma_start3A_10 = tpu.memref_slice %arg5[%dma_start3A, %dma_start3A_8, %dma_start3A_9] : memref<3x64x128xf32, #tpu.memory_space<vmem>> -> memref<1x64x128xf32, #tpu.memory_space<vmem>>
    %dma_start3A_11 = tpu.memref_squeeze %dma_start3A_10 : memref<1x64x128xf32, #tpu.memory_space<vmem>> -> memref<64x128xf32, #tpu.memory_space<vmem>>
    %dma_start3A_12 = arith.constant 0 : i32
    %dma_start3A_13 = tpu.memref_slice %arg2[%dma_start3A_12, %multiple_of3A] : memref<64x1000000xf32, #tpu.memory_space<hbm>> -> memref<64x128xf32, #tpu.memory_space<hbm>>
    %dma_start3A_14 = arith.constant 0 : i32
    %dma_start3A_15 = arith.constant 0 : i32
    %dma_start3A_16 = tpu.memref_slice %arg5[%dma_start3A, %dma_start3A_14, %dma_start3A_15] : memref<3x64x128xf32, #tpu.memory_space<vmem>> -> memref<1x64x128xf32, #tpu.memory_space<vmem>>
    %dma_start3A_17 = tpu.memref_squeeze %dma_start3A_16 : memref<1x64x128xf32, #tpu.memory_space<vmem>> -> memref<64x128xf32, #tpu.memory_space<vmem>>
    %dma_start3A_18 = arith.constant 0 : i32
    %dma_start3A_19 = tpu.memref_slice %arg2[%dma_start3A_18, %multiple_of3A] : memref<64x1000000xf32, #tpu.memory_space<hbm>> -> memref<64x128xf32, #tpu.memory_space<hbm>>
    tpu.enqueue_dma source(%dma_start3A_19 : memref<64x128xf32, #tpu.memory_space<hbm>>) target(%dma_start3A_17 : memref<64x128xf32, #tpu.memory_space<vmem>>) target_semaphore(%arg8 : memref<!tpu.dma_semaphore, #tpu.memory_space<semaphore_mem>>)
    %add3A_20 = arith.constant 1 : i32
    %add3A_21 = arith.addi %mul3A_2, %add3A_20 : i32
    %min3A_22 = arith.constant 7811 : i32
    %min3A_23 = arith.minsi %add3A_21, %min3A_22 : i32
    %mul3A_24 = arith.constant 128 : i32
    %mul3A_25 = arith.muli %min3A_23, %mul3A_24 : i32
    %multiple_of3A_26 = tpu.assume_multiple %mul3A_25, 128 : i32
    %dma_start3A_27 = arith.constant 1 : i32
    %dma_start3A_28 = arith.constant 0 : i32
    %dma_start3A_29 = arith.constant 0 : i32
    %dma_start3A_30 = tpu.memref_slice %arg5[%dma_start3A_27, %dma_start3A_28, %dma_start3A_29] : memref<3x64x128xf32, #tpu.memory_space<vmem>> -> memref<1x64x128xf32, #tpu.memory_space<vmem>>
    %dma_start3A_31 = tpu.memref_squeeze %dma_start3A_30 : memref<1x64x128xf32, #tpu.memory_space<vmem>> -> memref<64x128xf32, #tpu.memory_space<vmem>>
    %dma_start3A_32 = arith.constant 0 : i32
    %dma_start3A_33 = tpu.memref_slice %arg2[%dma_start3A_32, %multiple_of3A_26] : memref<64x1000000xf32, #tpu.memory_space<hbm>> -> memref<64x128xf32, #tpu.memory_space<hbm>>
    %dma_start3A_34 = arith.constant 0 : i32
    %dma_start3A_35 = arith.constant 0 : i32
    %dma_start3A_36 = tpu.memref_slice %arg5[%dma_start3A_27, %dma_start3A_34, %dma_start3A_35] : memref<3x64x128xf32, #tpu.memory_space<vmem>> -> memref<1x64x128xf32, #tpu.memory_space<vmem>>
    %dma_start3A_37 = tpu.memref_squeeze %dma_start3A_36 : memref<1x64x128xf32, #tpu.memory_space<vmem>> -> memref<64x128xf32, #tpu.memory_space<vmem>>
    %dma_start3A_38 = arith.constant 0 : i32
    %dma_start3A_39 = tpu.memref_slice %arg2[%dma_start3A_38, %multiple_of3A_26] : memref<64x1000000xf32, #tpu.memory_space<hbm>> -> memref<64x128xf32, #tpu.memory_space<hbm>>
    tpu.enqueue_dma source(%dma_start3A_39 : memref<64x128xf32, #tpu.memory_space<hbm>>) target(%dma_start3A_37 : memref<64x128xf32, #tpu.memory_space<vmem>>) target_semaphore(%arg9 : memref<!tpu.dma_semaphore, #tpu.memory_space<semaphore_mem>>)
    %scan3A = arith.constant 0 : i32
    %scan3A_40 = arith.constant 0 : i32
    %scan3A_41 = arith.constant 82 : i32
    %scan3A_42 = arith.addi %scan3A_40, %scan3A_41 : i32
    %scan3A_43 = arith.constant 1 : i32
    scf.for %scan3A_91 = %scan3A_40 to %scan3A_42 step %scan3A_43  : i32 {
      %mul3A_92 = arith.constant 3 : i32
      %mul3A_93 = arith.muli %mul3A_92, %scan3A_91 : i32
      %add3A_94 = arith.constant 0 : i32
      %add3A_95 = arith.addi %mul3A_93, %add3A_94 : i32
      %add3A_96 = arith.constant 2 : i32
      %add3A_97 = arith.addi %add3A_95, %add3A_96 : i32
      %lt3A = arith.constant 246 : i32
      %lt3A_98 = arith.cmpi slt, %add3A_97, %lt3A : i32
      %convert_element_type3A_99 = arith.extui %lt3A_98 : i1 to i32
      %cond3A_100 = arith.constant 0 : i32
      %cond3A_101 = arith.cmpi ne, %convert_element_type3A_99, %cond3A_100 : i32
      scf.if %cond3A_101 {
        %add3A_269 = arith.constant 2 : i32
        %add3A_270 = arith.addi %add3A_95, %add3A_269 : i32
        %add3A_271 = arith.addi %mul3A_2, %add3A_270 : i32
        %min3A_272 = arith.constant 7811 : i32
        %min3A_273 = arith.minsi %add3A_271, %min3A_272 : i32
        %mul3A_274 = arith.constant 128 : i32
        %mul3A_275 = arith.muli %min3A_273, %mul3A_274 : i32
        %multiple_of3A_276 = tpu.assume_multiple %mul3A_275, 128 : i32
        %dma_start3A_277 = arith.constant 2 : i32
        %dma_start3A_278 = arith.constant 0 : i32
        %dma_start3A_279 = arith.constant 0 : i32
        %dma_start3A_280 = tpu.memref_slice %arg5[%dma_start3A_277, %dma_start3A_278, %dma_start3A_279] : memref<3x64x128xf32, #tpu.memory_space<vmem>> -> memref<1x64x128xf32, #tpu.memory_space<vmem>>
        %dma_start3A_281 = tpu.memref_squeeze %dma_start3A_280 : memref<1x64x128xf32, #tpu.memory_space<vmem>> -> memref<64x128xf32, #tpu.memory_space<vmem>>
        %dma_start3A_282 = arith.constant 0 : i32
        %dma_start3A_283 = tpu.memref_slice %arg2[%dma_start3A_282, %multiple_of3A_276] : memref<64x1000000xf32, #tpu.memory_space<hbm>> -> memref<64x128xf32, #tpu.memory_space<hbm>>
        %dma_start3A_284 = arith.constant 0 : i32
        %dma_start3A_285 = arith.constant 0 : i32
        %dma_start3A_286 = tpu.memref_slice %arg5[%dma_start3A_277, %dma_start3A_284, %dma_start3A_285] : memref<3x64x128xf32, #tpu.memory_space<vmem>> -> memref<1x64x128xf32, #tpu.memory_space<vmem>>
        %dma_start3A_287 = tpu.memref_squeeze %dma_start3A_286 : memref<1x64x128xf32, #tpu.memory_space<vmem>> -> memref<64x128xf32, #tpu.memory_space<vmem>>
        %dma_start3A_288 = arith.constant 0 : i32
        %dma_start3A_289 = tpu.memref_slice %arg2[%dma_start3A_288, %multiple_of3A_276] : memref<64x1000000xf32, #tpu.memory_space<hbm>> -> memref<64x128xf32, #tpu.memory_space<hbm>>
        tpu.enqueue_dma source(%dma_start3A_289 : memref<64x128xf32, #tpu.memory_space<hbm>>) target(%dma_start3A_287 : memref<64x128xf32, #tpu.memory_space<vmem>>) target_semaphore(%arg10 : memref<!tpu.dma_semaphore, #tpu.memory_space<semaphore_mem>>)
      } else {
      }
      %dma_wait3A_102 = arith.constant 0 : i32
      %dma_wait3A_103 = arith.constant 0 : i32
      %dma_wait3A_104 = arith.constant 0 : i32
      %dma_wait3A_105 = tpu.memref_slice %arg5[%dma_wait3A_102, %dma_wait3A_103, %dma_wait3A_104] : memref<3x64x128xf32, #tpu.memory_space<vmem>> -> memref<1x64x128xf32, #tpu.memory_space<vmem>>
      %dma_wait3A_106 = tpu.memref_squeeze %dma_wait3A_105 : memref<1x64x128xf32, #tpu.memory_space<vmem>> -> memref<64x128xf32, #tpu.memory_space<vmem>>
      %dma_wait3A_107 = arith.constant 0 : i32
      %dma_wait3A_108 = arith.constant 0 : i32
      %dma_wait3A_109 = tpu.memref_slice %arg2[%dma_wait3A_107, %dma_wait3A_108] : memref<64x1000000xf32, #tpu.memory_space<hbm>> -> memref<64x128xf32, #tpu.memory_space<hbm>>
      %dma_wait3A_110 = arith.constant 0 : i32
      %dma_wait3A_111 = arith.constant 0 : i32
      %dma_wait3A_112 = tpu.memref_slice %arg5[%dma_wait3A_102, %dma_wait3A_110, %dma_wait3A_111] : memref<3x64x128xf32, #tpu.memory_space<vmem>> -> memref<1x64x128xf32, #tpu.memory_space<vmem>>
      %dma_wait3A_113 = tpu.memref_squeeze %dma_wait3A_112 : memref<1x64x128xf32, #tpu.memory_space<vmem>> -> memref<64x128xf32, #tpu.memory_space<vmem>>
      %dma_wait3A_114 = arith.constant 0 : i32
      %dma_wait3A_115 = arith.constant 0 : i32
      %dma_wait3A_116 = tpu.memref_slice %arg2[%dma_wait3A_114, %dma_wait3A_115] : memref<64x1000000xf32, #tpu.memory_space<hbm>> -> memref<64x128xf32, #tpu.memory_space<hbm>>
      tpu.wait_dma2 semaphore(%arg8 : memref<!tpu.dma_semaphore, #tpu.memory_space<semaphore_mem>>) src(%dma_wait3A_116 : memref<64x128xf32, #tpu.memory_space<hbm>>) dst(%dma_wait3A_113 : memref<64x128xf32, #tpu.memory_space<vmem>>)
      %ge3A = arith.constant 3 : i32
      %ge3A_117 = arith.cmpi sge, %add3A_95, %ge3A : i32
      %convert_element_type3A_118 = arith.extui %ge3A_117 : i1 to i32
      %cond3A_119 = arith.constant 0 : i32
      %cond3A_120 = arith.cmpi ne, %convert_element_type3A_118, %cond3A_119 : i32
      scf.if %cond3A_120 {
        %dma_wait3A_269 = arith.constant 0 : i32
        %dma_wait3A_270 = arith.constant 0 : i32
        %dma_wait3A_271 = arith.constant 0 : i32
        %dma_wait3A_272 = tpu.memref_slice %arg6[%dma_wait3A_269, %dma_wait3A_270, %dma_wait3A_271] : memref<3x128x128xf32, #tpu.memory_space<vmem>> -> memref<1x128x128xf32, #tpu.memory_space<vmem>>
        %dma_wait3A_273 = tpu.memref_squeeze %dma_wait3A_272 : memref<1x128x128xf32, #tpu.memory_space<vmem>> -> memref<128x128xf32, #tpu.memory_space<vmem>>
        %dma_wait3A_274 = arith.constant 0 : i32
        %dma_wait3A_275 = arith.constant 0 : i32
        %dma_wait3A_276 = tpu.memref_slice %arg4[%dma_wait3A_274, %dma_wait3A_275] : memref<1000192x128xf32, #tpu.memory_space<hbm>> -> memref<128x128xf32, #tpu.memory_space<hbm>>
        %dma_wait3A_277 = arith.constant 0 : i32
        %dma_wait3A_278 = arith.constant 0 : i32
        %dma_wait3A_279 = tpu.memref_slice %arg4[%dma_wait3A_277, %dma_wait3A_278] : memref<1000192x128xf32, #tpu.memory_space<hbm>> -> memref<128x128xf32, #tpu.memory_space<hbm>>
        %dma_wait3A_280 = arith.constant 0 : i32
        %dma_wait3A_281 = arith.constant 0 : i32
        %dma_wait3A_282 = tpu.memref_slice %arg6[%dma_wait3A_269, %dma_wait3A_280, %dma_wait3A_281] : memref<3x128x128xf32, #tpu.memory_space<vmem>> -> memref<1x128x128xf32, #tpu.memory_space<vmem>>
        %dma_wait3A_283 = tpu.memref_squeeze %dma_wait3A_282 : memref<1x128x128xf32, #tpu.memory_space<vmem>> -> memref<128x128xf32, #tpu.memory_space<vmem>>
        tpu.wait_dma2 semaphore(%arg11 : memref<!tpu.dma_semaphore, #tpu.memory_space<semaphore_mem>>) src(%dma_wait3A_283 : memref<128x128xf32, #tpu.memory_space<vmem>>) dst(%dma_wait3A_279 : memref<128x128xf32, #tpu.memory_space<hbm>>)
      } else {
      }
      %iota3A = tpu.iota {dimensions = array<i32: 0>} : vector<16xi32>
      %mul3A_121 = arith.constant 17 : i32
      %mul3A_122 = vector.broadcast %mul3A_121 : i32 to vector<16xi32>
      %mul3A_123 = arith.muli %iota3A, %mul3A_122 : vector<16xi32>
      %parallel_loop3A = arith.constant 0 : i32
      %parallel_loop3A_124 = arith.constant 32 : i32
      %parallel_loop3A_125 = arith.constant 1 : i32
      %parallel_loop3A_126 = arith.constant 0 : i32
      %parallel_loop3A_127 = arith.constant 0 : i32
      scf.for %parallel_loop3A_269 = %parallel_loop3A to %parallel_loop3A_124 step %parallel_loop3A_125  : i32 {
        %parallel_loop3A_270 = arith.constant 8 : i32
        %parallel_loop3A_271 = arith.divsi %parallel_loop3A_269, %parallel_loop3A_270 : i32
        %parallel_loop3A_272 = arith.constant 0 : i32
        %parallel_loop3A_273 = arith.cmpi sgt, %parallel_loop3A_269, %parallel_loop3A_272 : i32
        %parallel_loop3A_274 = arith.extui %parallel_loop3A_273 : i1 to i32
        %parallel_loop3A_275 = arith.constant 0 : i32
        %parallel_loop3A_276 = arith.cmpi slt, %parallel_loop3A_269, %parallel_loop3A_275 : i32
        %parallel_loop3A_277 = arith.extui %parallel_loop3A_276 : i1 to i32
        %parallel_loop3A_278 = arith.subi %parallel_loop3A_274, %parallel_loop3A_277 : i32
        %parallel_loop3A_279 = arith.constant 0 : i32
        %parallel_loop3A_280 = arith.cmpi sgt, %parallel_loop3A_270, %parallel_loop3A_279 : i32
        %parallel_loop3A_281 = arith.extui %parallel_loop3A_280 : i1 to i32
        %parallel_loop3A_282 = arith.constant 0 : i32
        %parallel_loop3A_283 = arith.cmpi slt, %parallel_loop3A_270, %parallel_loop3A_282 : i32
        %parallel_loop3A_284 = arith.extui %parallel_loop3A_283 : i1 to i32
        %parallel_loop3A_285 = arith.subi %parallel_loop3A_281, %parallel_loop3A_284 : i32
        %parallel_loop3A_286 = arith.cmpi ne, %parallel_loop3A_278, %parallel_loop3A_285 : i32
        %parallel_loop3A_287 = arith.remsi %parallel_loop3A_269, %parallel_loop3A_270 : i32
        %parallel_loop3A_288 = arith.constant 0 : i32
        %parallel_loop3A_289 = arith.cmpi ne, %parallel_loop3A_287, %parallel_loop3A_288 : i32
        %parallel_loop3A_290 = arith.andi %parallel_loop3A_286, %parallel_loop3A_289 : i1
        %parallel_loop3A_291 = arith.constant 1 : i32
        %parallel_loop3A_292 = arith.subi %parallel_loop3A_271, %parallel_loop3A_291 : i32
        %parallel_loop3A_293 = arith.select %parallel_loop3A_290, %parallel_loop3A_292, %parallel_loop3A_271 : i32
        %parallel_loop3A_294 = arith.constant 8 : i32
        %parallel_loop3A_295 = arith.remsi %parallel_loop3A_269, %parallel_loop3A_294 : i32
        %parallel_loop3A_296 = arith.constant 288 : i32
        %parallel_loop3A_297 = arith.muli %parallel_loop3A_269, %parallel_loop3A_296 : i32
        %parallel_loop3A_298 = arith.constant 16 : i32
        %parallel_loop3A_299 = arith.muli %parallel_loop3A_293, %parallel_loop3A_298 : i32
        %parallel_loop3A_300 = arith.constant 0 : i32
        %parallel_loop3A_301 = arith.addi %parallel_loop3A_299, %parallel_loop3A_300 : i32
        %parallel_loop3A_302 = arith.constant 16 : i32
        %parallel_loop3A_303 = arith.muli %parallel_loop3A_295, %parallel_loop3A_302 : i32
        %parallel_loop3A_304 = arith.constant 0 : i32
        %parallel_loop3A_305 = arith.constant 0 : i32
        %parallel_loop3A_306 = tpu.memref_slice %arg5[%parallel_loop3A_126, %parallel_loop3A_304, %parallel_loop3A_305] : memref<3x64x128xf32, #tpu.memory_space<vmem>> -> memref<1x64x128xf32, #tpu.memory_space<vmem>>
        %parallel_loop3A_307 = tpu.memref_squeeze %parallel_loop3A_306 : memref<1x64x128xf32, #tpu.memory_space<vmem>> -> memref<64x128xf32, #tpu.memory_space<vmem>>
        %parallel_loop3A_308 = arith.index_cast %parallel_loop3A_301 : i32 to index
        %parallel_loop3A_309 = arith.index_cast %parallel_loop3A_303 : i32 to index
        %parallel_loop3A_310 = tpu.vector_load %parallel_loop3A_307[%parallel_loop3A_308, %parallel_loop3A_309] {strides = array<i32>} : memref<64x128xf32, #tpu.memory_space<vmem>>, vector<16xf32>,
        %parallel_loop3A_311 = arith.constant 16 : i32
        %parallel_loop3A_312 = arith.muli %parallel_loop3A_293, %parallel_loop3A_311 : i32
        %parallel_loop3A_313 = arith.constant 1 : i32
        %parallel_loop3A_314 = arith.addi %parallel_loop3A_312, %parallel_loop3A_313 : i32
        %parallel_loop3A_315 = arith.constant 16 : i32
        %parallel_loop3A_316 = arith.muli %parallel_loop3A_295, %parallel_loop3A_315 : i32
        %parallel_loop3A_317 = arith.constant 0 : i32
        %parallel_loop3A_318 = arith.constant 0 : i32
        %parallel_loop3A_319 = tpu.memref_slice %arg5[%parallel_loop3A_126, %parallel_loop3A_317, %parallel_loop3A_318] : memref<3x64x128xf32, #tpu.memory_space<vmem>> -> memref<1x64x128xf32, #tpu.memory_space<vmem>>
        %parallel_loop3A_320 = tpu.memref_squeeze %parallel_loop3A_319 : memref<1x64x128xf32, #tpu.memory_space<vmem>> -> memref<64x128xf32, #tpu.memory_space<vmem>>
        %parallel_loop3A_321 = arith.index_cast %parallel_loop3A_314 : i32 to index
        %parallel_loop3A_322 = arith.index_cast %parallel_loop3A_316 : i32 to index
        %parallel_loop3A_323 = tpu.vector_load %parallel_loop3A_320[%parallel_loop3A_321, %parallel_loop3A_322] {strides = array<i32>} : memref<64x128xf32, #tpu.memory_space<vmem>>, vector<16xf32>,
        %parallel_loop3A_324 = arith.constant 16 : i32
        %parallel_loop3A_325 = arith.muli %parallel_loop3A_293, %parallel_loop3A_324 : i32
        %parallel_loop3A_326 = arith.constant 2 : i32
        %parallel_loop3A_327 = arith.addi %parallel_loop3A_325, %parallel_loop3A_326 : i32
        %parallel_loop3A_328 = arith.constant 16 : i32
        %parallel_loop3A_329 = arith.muli %parallel_loop3A_295, %parallel_loop3A_328 : i32
        %parallel_loop3A_330 = arith.constant 0 : i32
        %parallel_loop3A_331 = arith.constant 0 : i32
        %parallel_loop3A_332 = tpu.memref_slice %arg5[%parallel_loop3A_126, %parallel_loop3A_330, %parallel_loop3A_331] : memref<3x64x128xf32, #tpu.memory_space<vmem>> -> memref<1x64x128xf32, #tpu.memory_space<vmem>>
        %parallel_loop3A_333 = tpu.memref_squeeze %parallel_loop3A_332 : memref<1x64x128xf32, #tpu.memory_space<vmem>> -> memref<64x128xf32, #tpu.memory_space<vmem>>
        %parallel_loop3A_334 = arith.index_cast %parallel_loop3A_327 : i32 to index
        %parallel_loop3A_335 = arith.index_cast %parallel_loop3A_329 : i32 to index
        %parallel_loop3A_336 = tpu.vector_load %parallel_loop3A_333[%parallel_loop3A_334, %parallel_loop3A_335] {strides = array<i32>} : memref<64x128xf32, #tpu.memory_space<vmem>>, vector<16xf32>,
        %parallel_loop3A_337 = arith.constant 16 : i32
        %parallel_loop3A_338 = arith.muli %parallel_loop3A_293, %parallel_loop3A_337 : i32
        %parallel_loop3A_339 = arith.constant 3 : i32
        %parallel_loop3A_340 = arith.addi %parallel_loop3A_338, %parallel_loop3A_339 : i32
        %parallel_loop3A_341 = arith.constant 16 : i32
        %parallel_loop3A_342 = arith.muli %parallel_loop3A_295, %parallel_loop3A_341 : i32
        %parallel_loop3A_343 = arith.constant 0 : i32
        %parallel_loop3A_344 = arith.constant 0 : i32
        %parallel_loop3A_345 = tpu.memref_slice %arg5[%parallel_loop3A_126, %parallel_loop3A_343, %parallel_loop3A_344] : memref<3x64x128xf32, #tpu.memory_space<vmem>> -> memref<1x64x128xf32, #tpu.memory_space<vmem>>
        %parallel_loop3A_346 = tpu.memref_squeeze %parallel_loop3A_345 : memref<1x64x128xf32, #tpu.memory_space<vmem>> -> memref<64x128xf32, #tpu.memory_space<vmem>>
        %parallel_loop3A_347 = arith.index_cast %parallel_loop3A_340 : i32 to index
        %parallel_loop3A_348 = arith.index_cast %parallel_loop3A_342 : i32 to index
        %parallel_loop3A_349 = tpu.vector_load %parallel_loop3A_346[%parallel_loop3A_347, %parallel_loop3A_348] {strides = array<i32>} : memref<64x128xf32, #tpu.memory_space<vmem>>, vector<16xf32>,
        %parallel_loop3A_350 = arith.constant 16 : i32
        %parallel_loop3A_351 = arith.muli %parallel_loop3A_293, %parallel_loop3A_350 : i32
        %parallel_loop3A_352 = arith.constant 4 : i32
        %parallel_loop3A_353 = arith.addi %parallel_loop3A_351, %parallel_loop3A_352 : i32
        %parallel_loop3A_354 = arith.constant 16 : i32
        %parallel_loop3A_355 = arith.muli %parallel_loop3A_295, %parallel_loop3A_354 : i32
        %parallel_loop3A_356 = arith.constant 0 : i32
        %parallel_loop3A_357 = arith.constant 0 : i32
        %parallel_loop3A_358 = tpu.memref_slice %arg5[%parallel_loop3A_126, %parallel_loop3A_356, %parallel_loop3A_357] : memref<3x64x128xf32, #tpu.memory_space<vmem>> -> memref<1x64x128xf32, #tpu.memory_space<vmem>>
        %parallel_loop3A_359 = tpu.memref_squeeze %parallel_loop3A_358 : memref<1x64x128xf32, #tpu.memory_space<vmem>> -> memref<64x128xf32, #tpu.memory_space<vmem>>
        %parallel_loop3A_360 = arith.index_cast %parallel_loop3A_353 : i32 to index
        %parallel_loop3A_361 = arith.index_cast %parallel_loop3A_355 : i32 to index
        %parallel_loop3A_362 = tpu.vector_load %parallel_loop3A_359[%parallel_loop3A_360, %parallel_loop3A_361] {strides = array<i32>} : memref<64x128xf32, #tpu.memory_space<vmem>>, vector<16xf32>,
        %parallel_loop3A_363 = arith.constant 16 : i32
        %parallel_loop3A_364 = arith.muli %parallel_loop3A_293, %parallel_loop3A_363 : i32
        %parallel_loop3A_365 = arith.constant 5 : i32
        %parallel_loop3A_366 = arith.addi %parallel_loop3A_364, %parallel_loop3A_365 : i32
        %parallel_loop3A_367 = arith.constant 16 : i32
        %parallel_loop3A_368 = arith.muli %parallel_loop3A_295, %parallel_loop3A_367 : i32
        %parallel_loop3A_369 = arith.constant 0 : i32
        %parallel_loop3A_370 = arith.constant 0 : i32
        %parallel_loop3A_371 = tpu.memref_slice %arg5[%parallel_loop3A_126, %parallel_loop3A_369, %parallel_loop3A_370] : memref<3x64x128xf32, #tpu.memory_space<vmem>> -> memref<1x64x128xf32, #tpu.memory_space<vmem>>
        %parallel_loop3A_372 = tpu.memref_squeeze %parallel_loop3A_371 : memref<1x64x128xf32, #tpu.memory_space<vmem>> -> memref<64x128xf32, #tpu.memory_space<vmem>>
        %parallel_loop3A_373 = arith.index_cast %parallel_loop3A_366 : i32 to index
        %parallel_loop3A_374 = arith.index_cast %parallel_loop3A_368 : i32 to index
        %parallel_loop3A_375 = tpu.vector_load %parallel_loop3A_372[%parallel_loop3A_373, %parallel_loop3A_374] {strides = array<i32>} : memref<64x128xf32, #tpu.memory_space<vmem>>, vector<16xf32>,
        %parallel_loop3A_376 = arith.constant 16 : i32
        %parallel_loop3A_377 = arith.muli %parallel_loop3A_293, %parallel_loop3A_376 : i32
        %parallel_loop3A_378 = arith.constant 6 : i32
        %parallel_loop3A_379 = arith.addi %parallel_loop3A_377, %parallel_loop3A_378 : i32
        %parallel_loop3A_380 = arith.constant 16 : i32
        %parallel_loop3A_381 = arith.muli %parallel_loop3A_295, %parallel_loop3A_380 : i32
        %parallel_loop3A_382 = arith.constant 0 : i32
        %parallel_loop3A_383 = arith.constant 0 : i32
        %parallel_loop3A_384 = tpu.memref_slice %arg5[%parallel_loop3A_126, %parallel_loop3A_382, %parallel_loop3A_383] : memref<3x64x128xf32, #tpu.memory_space<vmem>> -> memref<1x64x128xf32, #tpu.memory_space<vmem>>
        %parallel_loop3A_385 = tpu.memref_squeeze %parallel_loop3A_384 : memref<1x64x128xf32, #tpu.memory_space<vmem>> -> memref<64x128xf32, #tpu.memory_space<vmem>>
        %parallel_loop3A_386 = arith.index_cast %parallel_loop3A_379 : i32 to index
        %parallel_loop3A_387 = arith.index_cast %parallel_loop3A_381 : i32 to index
        %parallel_loop3A_388 = tpu.vector_load %parallel_loop3A_385[%parallel_loop3A_386, %parallel_loop3A_387] {strides = array<i32>} : memref<64x128xf32, #tpu.memory_space<vmem>>, vector<16xf32>,
        %parallel_loop3A_389 = arith.constant 16 : i32
        %parallel_loop3A_390 = arith.muli %parallel_loop3A_293, %parallel_loop3A_389 : i32
        %parallel_loop3A_391 = arith.constant 7 : i32
        %parallel_loop3A_392 = arith.addi %parallel_loop3A_390, %parallel_loop3A_391 : i32
        %parallel_loop3A_393 = arith.constant 16 : i32
        %parallel_loop3A_394 = arith.muli %parallel_loop3A_295, %parallel_loop3A_393 : i32
        %parallel_loop3A_395 = arith.constant 0 : i32
        %parallel_loop3A_396 = arith.constant 0 : i32
        %parallel_loop3A_397 = tpu.memref_slice %arg5[%parallel_loop3A_126, %parallel_loop3A_395, %parallel_loop3A_396] : memref<3x64x128xf32, #tpu.memory_space<vmem>> -> memref<1x64x128xf32, #tpu.memory_space<vmem>>
        %parallel_loop3A_398 = tpu.memref_squeeze %parallel_loop3A_397 : memref<1x64x128xf32, #tpu.memory_space<vmem>> -> memref<64x128xf32, #tpu.memory_space<vmem>>
        %parallel_loop3A_399 = arith.index_cast %parallel_loop3A_392 : i32 to index
        %parallel_loop3A_400 = arith.index_cast %parallel_loop3A_394 : i32 to index
        %parallel_loop3A_401 = tpu.vector_load %parallel_loop3A_398[%parallel_loop3A_399, %parallel_loop3A_400] {strides = array<i32>} : memref<64x128xf32, #tpu.memory_space<vmem>>, vector<16xf32>,
        %parallel_loop3A_402 = arith.constant 16 : i32
        %parallel_loop3A_403 = arith.muli %parallel_loop3A_293, %parallel_loop3A_402 : i32
        %parallel_loop3A_404 = arith.constant 8 : i32
        %parallel_loop3A_405 = arith.addi %parallel_loop3A_403, %parallel_loop3A_404 : i32
        %parallel_loop3A_406 = arith.constant 16 : i32
        %parallel_loop3A_407 = arith.muli %parallel_loop3A_295, %parallel_loop3A_406 : i32
        %parallel_loop3A_408 = arith.constant 0 : i32
        %parallel_loop3A_409 = arith.constant 0 : i32
        %parallel_loop3A_410 = tpu.memref_slice %arg5[%parallel_loop3A_126, %parallel_loop3A_408, %parallel_loop3A_409] : memref<3x64x128xf32, #tpu.memory_space<vmem>> -> memref<1x64x128xf32, #tpu.memory_space<vmem>>
        %parallel_loop3A_411 = tpu.memref_squeeze %parallel_loop3A_410 : memref<1x64x128xf32, #tpu.memory_space<vmem>> -> memref<64x128xf32, #tpu.memory_space<vmem>>
        %parallel_loop3A_412 = arith.index_cast %parallel_loop3A_405 : i32 to index
        %parallel_loop3A_413 = arith.index_cast %parallel_loop3A_407 : i32 to index
        %parallel_loop3A_414 = tpu.vector_load %parallel_loop3A_411[%parallel_loop3A_412, %parallel_loop3A_413] {strides = array<i32>} : memref<64x128xf32, #tpu.memory_space<vmem>>, vector<16xf32>,
        %parallel_loop3A_415 = arith.constant 16 : i32
        %parallel_loop3A_416 = arith.muli %parallel_loop3A_293, %parallel_loop3A_415 : i32
        %parallel_loop3A_417 = arith.constant 9 : i32
        %parallel_loop3A_418 = arith.addi %parallel_loop3A_416, %parallel_loop3A_417 : i32
        %parallel_loop3A_419 = arith.constant 16 : i32
        %parallel_loop3A_420 = arith.muli %parallel_loop3A_295, %parallel_loop3A_419 : i32
        %parallel_loop3A_421 = arith.constant 0 : i32
        %parallel_loop3A_422 = arith.constant 0 : i32
        %parallel_loop3A_423 = tpu.memref_slice %arg5[%parallel_loop3A_126, %parallel_loop3A_421, %parallel_loop3A_422] : memref<3x64x128xf32, #tpu.memory_space<vmem>> -> memref<1x64x128xf32, #tpu.memory_space<vmem>>
        %parallel_loop3A_424 = tpu.memref_squeeze %parallel_loop3A_423 : memref<1x64x128xf32, #tpu.memory_space<vmem>> -> memref<64x128xf32, #tpu.memory_space<vmem>>
        %parallel_loop3A_425 = arith.index_cast %parallel_loop3A_418 : i32 to index
        %parallel_loop3A_426 = arith.index_cast %parallel_loop3A_420 : i32 to index
        %parallel_loop3A_427 = tpu.vector_load %parallel_loop3A_424[%parallel_loop3A_425, %parallel_loop3A_426] {strides = array<i32>} : memref<64x128xf32, #tpu.memory_space<vmem>>, vector<16xf32>,
        %parallel_loop3A_428 = arith.constant 16 : i32
        %parallel_loop3A_429 = arith.muli %parallel_loop3A_293, %parallel_loop3A_428 : i32
        %parallel_loop3A_430 = arith.constant 10 : i32
        %parallel_loop3A_431 = arith.addi %parallel_loop3A_429, %parallel_loop3A_430 : i32
        %parallel_loop3A_432 = arith.constant 16 : i32
        %parallel_loop3A_433 = arith.muli %parallel_loop3A_295, %parallel_loop3A_432 : i32
        %parallel_loop3A_434 = arith.constant 0 : i32
        %parallel_loop3A_435 = arith.constant 0 : i32
        %parallel_loop3A_436 = tpu.memref_slice %arg5[%parallel_loop3A_126, %parallel_loop3A_434, %parallel_loop3A_435] : memref<3x64x128xf32, #tpu.memory_space<vmem>> -> memref<1x64x128xf32, #tpu.memory_space<vmem>>
        %parallel_loop3A_437 = tpu.memref_squeeze %parallel_loop3A_436 : memref<1x64x128xf32, #tpu.memory_space<vmem>> -> memref<64x128xf32, #tpu.memory_space<vmem>>
        %parallel_loop3A_438 = arith.index_cast %parallel_loop3A_431 : i32 to index
        %parallel_loop3A_439 = arith.index_cast %parallel_loop3A_433 : i32 to index
        %parallel_loop3A_440 = tpu.vector_load %parallel_loop3A_437[%parallel_loop3A_438, %parallel_loop3A_439] {strides = array<i32>} : memref<64x128xf32, #tpu.memory_space<vmem>>, vector<16xf32>,
        %parallel_loop3A_441 = arith.constant 16 : i32
        %parallel_loop3A_442 = arith.muli %parallel_loop3A_293, %parallel_loop3A_441 : i32
        %parallel_loop3A_443 = arith.constant 11 : i32
        %parallel_loop3A_444 = arith.addi %parallel_loop3A_442, %parallel_loop3A_443 : i32
        %parallel_loop3A_445 = arith.constant 16 : i32
        %parallel_loop3A_446 = arith.muli %parallel_loop3A_295, %parallel_loop3A_445 : i32
        %parallel_loop3A_447 = arith.constant 0 : i32
        %parallel_loop3A_448 = arith.constant 0 : i32
        %parallel_loop3A_449 = tpu.memref_slice %arg5[%parallel_loop3A_126, %parallel_loop3A_447, %parallel_loop3A_448] : memref<3x64x128xf32, #tpu.memory_space<vmem>> -> memref<1x64x128xf32, #tpu.memory_space<vmem>>
        %parallel_loop3A_450 = tpu.memref_squeeze %parallel_loop3A_449 : memref<1x64x128xf32, #tpu.memory_space<vmem>> -> memref<64x128xf32, #tpu.memory_space<vmem>>
        %parallel_loop3A_451 = arith.index_cast %parallel_loop3A_444 : i32 to index
        %parallel_loop3A_452 = arith.index_cast %parallel_loop3A_446 : i32 to index
        %parallel_loop3A_453 = tpu.vector_load %parallel_loop3A_450[%parallel_loop3A_451, %parallel_loop3A_452] {strides = array<i32>} : memref<64x128xf32, #tpu.memory_space<vmem>>, vector<16xf32>,
        %parallel_loop3A_454 = arith.constant 16 : i32
        %parallel_loop3A_455 = arith.muli %parallel_loop3A_293, %parallel_loop3A_454 : i32
        %parallel_loop3A_456 = arith.constant 12 : i32
        %parallel_loop3A_457 = arith.addi %parallel_loop3A_455, %parallel_loop3A_456 : i32
        %parallel_loop3A_458 = arith.constant 16 : i32
        %parallel_loop3A_459 = arith.muli %parallel_loop3A_295, %parallel_loop3A_458 : i32
        %parallel_loop3A_460 = arith.constant 0 : i32
        %parallel_loop3A_461 = arith.constant 0 : i32
        %parallel_loop3A_462 = tpu.memref_slice %arg5[%parallel_loop3A_126, %parallel_loop3A_460, %parallel_loop3A_461] : memref<3x64x128xf32, #tpu.memory_space<vmem>> -> memref<1x64x128xf32, #tpu.memory_space<vmem>>
        %parallel_loop3A_463 = tpu.memref_squeeze %parallel_loop3A_462 : memref<1x64x128xf32, #tpu.memory_space<vmem>> -> memref<64x128xf32, #tpu.memory_space<vmem>>
        %parallel_loop3A_464 = arith.index_cast %parallel_loop3A_457 : i32 to index
        %parallel_loop3A_465 = arith.index_cast %parallel_loop3A_459 : i32 to index
        %parallel_loop3A_466 = tpu.vector_load %parallel_loop3A_463[%parallel_loop3A_464, %parallel_loop3A_465] {strides = array<i32>} : memref<64x128xf32, #tpu.memory_space<vmem>>, vector<16xf32>,
        %parallel_loop3A_467 = arith.constant 16 : i32
        %parallel_loop3A_468 = arith.muli %parallel_loop3A_293, %parallel_loop3A_467 : i32
        %parallel_loop3A_469 = arith.constant 13 : i32
        %parallel_loop3A_470 = arith.addi %parallel_loop3A_468, %parallel_loop3A_469 : i32
        %parallel_loop3A_471 = arith.constant 16 : i32
        %parallel_loop3A_472 = arith.muli %parallel_loop3A_295, %parallel_loop3A_471 : i32
        %parallel_loop3A_473 = arith.constant 0 : i32
        %parallel_loop3A_474 = arith.constant 0 : i32
        %parallel_loop3A_475 = tpu.memref_slice %arg5[%parallel_loop3A_126, %parallel_loop3A_473, %parallel_loop3A_474] : memref<3x64x128xf32, #tpu.memory_space<vmem>> -> memref<1x64x128xf32, #tpu.memory_space<vmem>>
        %parallel_loop3A_476 = tpu.memref_squeeze %parallel_loop3A_475 : memref<1x64x128xf32, #tpu.memory_space<vmem>> -> memref<64x128xf32, #tpu.memory_space<vmem>>
        %parallel_loop3A_477 = arith.index_cast %parallel_loop3A_470 : i32 to index
        %parallel_loop3A_478 = arith.index_cast %parallel_loop3A_472 : i32 to index
        %parallel_loop3A_479 = tpu.vector_load %parallel_loop3A_476[%parallel_loop3A_477, %parallel_loop3A_478] {strides = array<i32>} : memref<64x128xf32, #tpu.memory_space<vmem>>, vector<16xf32>,
        %parallel_loop3A_480 = arith.constant 16 : i32
        %parallel_loop3A_481 = arith.muli %parallel_loop3A_293, %parallel_loop3A_480 : i32
        %parallel_loop3A_482 = arith.constant 14 : i32
        %parallel_loop3A_483 = arith.addi %parallel_loop3A_481, %parallel_loop3A_482 : i32
        %parallel_loop3A_484 = arith.constant 16 : i32
        %parallel_loop3A_485 = arith.muli %parallel_loop3A_295, %parallel_loop3A_484 : i32
        %parallel_loop3A_486 = arith.constant 0 : i32
        %parallel_loop3A_487 = arith.constant 0 : i32
        %parallel_loop3A_488 = tpu.memref_slice %arg5[%parallel_loop3A_126, %parallel_loop3A_486, %parallel_loop3A_487] : memref<3x64x128xf32, #tpu.memory_space<vmem>> -> memref<1x64x128xf32, #tpu.memory_space<vmem>>
        %parallel_loop3A_489 = tpu.memref_squeeze %parallel_loop3A_488 : memref<1x64x128xf32, #tpu.memory_space<vmem>> -> memref<64x128xf32, #tpu.memory_space<vmem>>
        %parallel_loop3A_490 = arith.index_cast %parallel_loop3A_483 : i32 to index
        %parallel_loop3A_491 = arith.index_cast %parallel_loop3A_485 : i32 to index
        %parallel_loop3A_492 = tpu.vector_load %parallel_loop3A_489[%parallel_loop3A_490, %parallel_loop3A_491] {strides = array<i32>} : memref<64x128xf32, #tpu.memory_space<vmem>>, vector<16xf32>,
        %parallel_loop3A_493 = arith.constant 16 : i32
        %parallel_loop3A_494 = arith.muli %parallel_loop3A_293, %parallel_loop3A_493 : i32
        %parallel_loop3A_495 = arith.constant 15 : i32
        %parallel_loop3A_496 = arith.addi %parallel_loop3A_494, %parallel_loop3A_495 : i32
        %parallel_loop3A_497 = arith.constant 16 : i32
        %parallel_loop3A_498 = arith.muli %parallel_loop3A_295, %parallel_loop3A_497 : i32
        %parallel_loop3A_499 = arith.constant 0 : i32
        %parallel_loop3A_500 = arith.constant 0 : i32
        %parallel_loop3A_501 = tpu.memref_slice %arg5[%parallel_loop3A_126, %parallel_loop3A_499, %parallel_loop3A_500] : memref<3x64x128xf32, #tpu.memory_space<vmem>> -> memref<1x64x128xf32, #tpu.memory_space<vmem>>
        %parallel_loop3A_502 = tpu.memref_squeeze %parallel_loop3A_501 : memref<1x64x128xf32, #tpu.memory_space<vmem>> -> memref<64x128xf32, #tpu.memory_space<vmem>>
        %parallel_loop3A_503 = arith.index_cast %parallel_loop3A_496 : i32 to index
        %parallel_loop3A_504 = arith.index_cast %parallel_loop3A_498 : i32 to index
        %parallel_loop3A_505 = tpu.vector_load %parallel_loop3A_502[%parallel_loop3A_503, %parallel_loop3A_504] {strides = array<i32>} : memref<64x128xf32, #tpu.memory_space<vmem>>, vector<16xf32>,
        %parallel_loop3A_506 = arith.constant 0 : i32
        %parallel_loop3A_507 = arith.addi %parallel_loop3A_297, %parallel_loop3A_506 : i32
        %parallel_loop3A_508 = vector.broadcast %parallel_loop3A_507 : i32 to vector<16xi32>
        %parallel_loop3A_509 = arith.addi %iota3A, %parallel_loop3A_508 : vector<16xi32>
        tpu.vector_store_idx %arg7[%parallel_loop3A_509], %parallel_loop3A_310 : memref<9216xf32, #tpu.memory_space<vmem>>[vector<16xi32>], vector<16xf32>,
        %parallel_loop3A_510 = arith.constant 17 : i32
        %parallel_loop3A_511 = arith.addi %parallel_loop3A_297, %parallel_loop3A_510 : i32
        %parallel_loop3A_512 = vector.broadcast %parallel_loop3A_511 : i32 to vector<16xi32>
        %parallel_loop3A_513 = arith.addi %iota3A, %parallel_loop3A_512 : vector<16xi32>
        tpu.vector_store_idx %arg7[%parallel_loop3A_513], %parallel_loop3A_323 : memref<9216xf32, #tpu.memory_space<vmem>>[vector<16xi32>], vector<16xf32>,
        %parallel_loop3A_514 = arith.constant 34 : i32
        %parallel_loop3A_515 = arith.addi %parallel_loop3A_297, %parallel_loop3A_514 : i32
        %parallel_loop3A_516 = vector.broadcast %parallel_loop3A_515 : i32 to vector<16xi32>
        %parallel_loop3A_517 = arith.addi %iota3A, %parallel_loop3A_516 : vector<16xi32>
        tpu.vector_store_idx %arg7[%parallel_loop3A_517], %parallel_loop3A_336 : memref<9216xf32, #tpu.memory_space<vmem>>[vector<16xi32>], vector<16xf32>,
        %parallel_loop3A_518 = arith.constant 51 : i32
        %parallel_loop3A_519 = arith.addi %parallel_loop3A_297, %parallel_loop3A_518 : i32
        %parallel_loop3A_520 = vector.broadcast %parallel_loop3A_519 : i32 to vector<16xi32>
        %parallel_loop3A_521 = arith.addi %iota3A, %parallel_loop3A_520 : vector<16xi32>
        tpu.vector_store_idx %arg7[%parallel_loop3A_521], %parallel_loop3A_349 : memref<9216xf32, #tpu.memory_space<vmem>>[vector<16xi32>], vector<16xf32>,
        %parallel_loop3A_522 = arith.constant 68 : i32
        %parallel_loop3A_523 = arith.addi %parallel_loop3A_297, %parallel_loop3A_522 : i32
        %parallel_loop3A_524 = vector.broadcast %parallel_loop3A_523 : i32 to vector<16xi32>
        %parallel_loop3A_525 = arith.addi %iota3A, %parallel_loop3A_524 : vector<16xi32>
        tpu.vector_store_idx %arg7[%parallel_loop3A_525], %parallel_loop3A_362 : memref<9216xf32, #tpu.memory_space<vmem>>[vector<16xi32>], vector<16xf32>,
        %parallel_loop3A_526 = arith.constant 85 : i32
        %parallel_loop3A_527 = arith.addi %parallel_loop3A_297, %parallel_loop3A_526 : i32
        %parallel_loop3A_528 = vector.broadcast %parallel_loop3A_527 : i32 to vector<16xi32>
        %parallel_loop3A_529 = arith.addi %iota3A, %parallel_loop3A_528 : vector<16xi32>
        tpu.vector_store_idx %arg7[%parallel_loop3A_529], %parallel_loop3A_375 : memref<9216xf32, #tpu.memory_space<vmem>>[vector<16xi32>], vector<16xf32>,
        %parallel_loop3A_530 = arith.constant 102 : i32
        %parallel_loop3A_531 = arith.addi %parallel_loop3A_297, %parallel_loop3A_530 : i32
        %parallel_loop3A_532 = vector.broadcast %parallel_loop3A_531 : i32 to vector<16xi32>
        %parallel_loop3A_533 = arith.addi %iota3A, %parallel_loop3A_532 : vector<16xi32>
        tpu.vector_store_idx %arg7[%parallel_loop3A_533], %parallel_loop3A_388 : memref<9216xf32, #tpu.memory_space<vmem>>[vector<16xi32>], vector<16xf32>,
        %parallel_loop3A_534 = arith.constant 119 : i32
        %parallel_loop3A_535 = arith.addi %parallel_loop3A_297, %parallel_loop3A_534 : i32
        %parallel_loop3A_536 = vector.broadcast %parallel_loop3A_535 : i32 to vector<16xi32>
        %parallel_loop3A_537 = arith.addi %iota3A, %parallel_loop3A_536 : vector<16xi32>
        tpu.vector_store_idx %arg7[%parallel_loop3A_537], %parallel_loop3A_401 : memref<9216xf32, #tpu.memory_space<vmem>>[vector<16xi32>], vector<16xf32>,
        %parallel_loop3A_538 = arith.constant 136 : i32
        %parallel_loop3A_539 = arith.addi %parallel_loop3A_297, %parallel_loop3A_538 : i32
        %parallel_loop3A_540 = vector.broadcast %parallel_loop3A_539 : i32 to vector<16xi32>
        %parallel_loop3A_541 = arith.addi %iota3A, %parallel_loop3A_540 : vector<16xi32>
        tpu.vector_store_idx %arg7[%parallel_loop3A_541], %parallel_loop3A_414 : memref<9216xf32, #tpu.memory_space<vmem>>[vector<16xi32>], vector<16xf32>,
        %parallel_loop3A_542 = arith.constant 153 : i32
        %parallel_loop3A_543 = arith.addi %parallel_loop3A_297, %parallel_loop3A_542 : i32
        %parallel_loop3A_544 = vector.broadcast %parallel_loop3A_543 : i32 to vector<16xi32>
        %parallel_loop3A_545 = arith.addi %iota3A, %parallel_loop3A_544 : vector<16xi32>
        tpu.vector_store_idx %arg7[%parallel_loop3A_545], %parallel_loop3A_427 : memref<9216xf32, #tpu.memory_space<vmem>>[vector<16xi32>], vector<16xf32>,
        %parallel_loop3A_546 = arith.constant 170 : i32
        %parallel_loop3A_547 = arith.addi %parallel_loop3A_297, %parallel_loop3A_546 : i32
        %parallel_loop3A_548 = vector.broadcast %parallel_loop3A_547 : i32 to vector<16xi32>
        %parallel_loop3A_549 = arith.addi %iota3A, %parallel_loop3A_548 : vector<16xi32>
        tpu.vector_store_idx %arg7[%parallel_loop3A_549], %parallel_loop3A_440 : memref<9216xf32, #tpu.memory_space<vmem>>[vector<16xi32>], vector<16xf32>,
        %parallel_loop3A_550 = arith.constant 187 : i32
        %parallel_loop3A_551 = arith.addi %parallel_loop3A_297, %parallel_loop3A_550 : i32
        %parallel_loop3A_552 = vector.broadcast %parallel_loop3A_551 : i32 to vector<16xi32>
        %parallel_loop3A_553 = arith.addi %iota3A, %parallel_loop3A_552 : vector<16xi32>
        tpu.vector_store_idx %arg7[%parallel_loop3A_553], %parallel_loop3A_453 : memref<9216xf32, #tpu.memory_space<vmem>>[vector<16xi32>], vector<16xf32>,
        %parallel_loop3A_554 = arith.constant 204 : i32
        %parallel_loop3A_555 = arith.addi %parallel_loop3A_297, %parallel_loop3A_554 : i32
        %parallel_loop3A_556 = vector.broadcast %parallel_loop3A_555 : i32 to vector<16xi32>
        %parallel_loop3A_557 = arith.addi %iota3A, %parallel_loop3A_556 : vector<16xi32>
        tpu.vector_store_idx %arg7[%parallel_loop3A_557], %parallel_loop3A_466 : memref<9216xf32, #tpu.memory_space<vmem>>[vector<16xi32>], vector<16xf32>,
        %parallel_loop3A_558 = arith.constant 221 : i32
        %parallel_loop3A_559 = arith.addi %parallel_loop3A_297, %parallel_loop3A_558 : i32
        %parallel_loop3A_560 = vector.broadcast %parallel_loop3A_559 : i32 to vector<16xi32>
        %parallel_loop3A_561 = arith.addi %iota3A, %parallel_loop3A_560 : vector<16xi32>
        tpu.vector_store_idx %arg7[%parallel_loop3A_561], %parallel_loop3A_479 : memref<9216xf32, #tpu.memory_space<vmem>>[vector<16xi32>], vector<16xf32>,
        %parallel_loop3A_562 = arith.constant 238 : i32
        %parallel_loop3A_563 = arith.addi %parallel_loop3A_297, %parallel_loop3A_562 : i32
        %parallel_loop3A_564 = vector.broadcast %parallel_loop3A_563 : i32 to vector<16xi32>
        %parallel_loop3A_565 = arith.addi %iota3A, %parallel_loop3A_564 : vector<16xi32>
        tpu.vector_store_idx %arg7[%parallel_loop3A_565], %parallel_loop3A_492 : memref<9216xf32, #tpu.memory_space<vmem>>[vector<16xi32>], vector<16xf32>,
        %parallel_loop3A_566 = arith.constant 255 : i32
        %parallel_loop3A_567 = arith.addi %parallel_loop3A_297, %parallel_loop3A_566 : i32
        %parallel_loop3A_568 = vector.broadcast %parallel_loop3A_567 : i32 to vector<16xi32>
        %parallel_loop3A_569 = arith.addi %iota3A, %parallel_loop3A_568 : vector<16xi32>
        tpu.vector_store_idx %arg7[%parallel_loop3A_569], %parallel_loop3A_505 : memref<9216xf32, #tpu.memory_space<vmem>>[vector<16xi32>], vector<16xf32>,
        %parallel_loop3A_570 = arith.constant 0 : i32
        %parallel_loop3A_571 = arith.addi %parallel_loop3A_297, %parallel_loop3A_570 : i32
        %parallel_loop3A_572 = vector.broadcast %parallel_loop3A_571 : i32 to vector<16xi32>
        %parallel_loop3A_573 = arith.addi %mul3A_123, %parallel_loop3A_572 : vector<16xi32>
        %parallel_loop3A_574 = tpu.vector_load_idx %arg7[%parallel_loop3A_573] : memref<9216xf32, #tpu.memory_space<vmem>>[vector<16xi32>], vector<16xf32>,
        %parallel_loop3A_575 = arith.constant 1 : i32
        %parallel_loop3A_576 = arith.addi %parallel_loop3A_297, %parallel_loop3A_575 : i32
        %parallel_loop3A_577 = vector.broadcast %parallel_loop3A_576 : i32 to vector<16xi32>
        %parallel_loop3A_578 = arith.addi %mul3A_123, %parallel_loop3A_577 : vector<16xi32>
        %parallel_loop3A_579 = tpu.vector_load_idx %arg7[%parallel_loop3A_578] : memref<9216xf32, #tpu.memory_space<vmem>>[vector<16xi32>], vector<16xf32>,
        %parallel_loop3A_580 = arith.constant 2 : i32
        %parallel_loop3A_581 = arith.addi %parallel_loop3A_297, %parallel_loop3A_580 : i32
        %parallel_loop3A_582 = vector.broadcast %parallel_loop3A_581 : i32 to vector<16xi32>
        %parallel_loop3A_583 = arith.addi %mul3A_123, %parallel_loop3A_582 : vector<16xi32>
        %parallel_loop3A_584 = tpu.vector_load_idx %arg7[%parallel_loop3A_583] : memref<9216xf32, #tpu.memory_space<vmem>>[vector<16xi32>], vector<16xf32>,
        %parallel_loop3A_585 = arith.constant 3 : i32
        %parallel_loop3A_586 = arith.addi %parallel_loop3A_297, %parallel_loop3A_585 : i32
        %parallel_loop3A_587 = vector.broadcast %parallel_loop3A_586 : i32 to vector<16xi32>
        %parallel_loop3A_588 = arith.addi %mul3A_123, %parallel_loop3A_587 : vector<16xi32>
        %parallel_loop3A_589 = tpu.vector_load_idx %arg7[%parallel_loop3A_588] : memref<9216xf32, #tpu.memory_space<vmem>>[vector<16xi32>], vector<16xf32>,
        %parallel_loop3A_590 = arith.constant 4 : i32
        %parallel_loop3A_591 = arith.addi %parallel_loop3A_297, %parallel_loop3A_590 : i32
        %parallel_loop3A_592 = vector.broadcast %parallel_loop3A_591 : i32 to vector<16xi32>
        %parallel_loop3A_593 = arith.addi %mul3A_123, %parallel_loop3A_592 : vector<16xi32>
        %parallel_loop3A_594 = tpu.vector_load_idx %arg7[%parallel_loop3A_593] : memref<9216xf32, #tpu.memory_space<vmem>>[vector<16xi32>], vector<16xf32>,
        %parallel_loop3A_595 = arith.constant 5 : i32
        %parallel_loop3A_596 = arith.addi %parallel_loop3A_297, %parallel_loop3A_595 : i32
        %parallel_loop3A_597 = vector.broadcast %parallel_loop3A_596 : i32 to vector<16xi32>
        %parallel_loop3A_598 = arith.addi %mul3A_123, %parallel_loop3A_597 : vector<16xi32>
        %parallel_loop3A_599 = tpu.vector_load_idx %arg7[%parallel_loop3A_598] : memref<9216xf32, #tpu.memory_space<vmem>>[vector<16xi32>], vector<16xf32>,
        %parallel_loop3A_600 = arith.constant 6 : i32
        %parallel_loop3A_601 = arith.addi %parallel_loop3A_297, %parallel_loop3A_600 : i32
        %parallel_loop3A_602 = vector.broadcast %parallel_loop3A_601 : i32 to vector<16xi32>
        %parallel_loop3A_603 = arith.addi %mul3A_123, %parallel_loop3A_602 : vector<16xi32>
        %parallel_loop3A_604 = tpu.vector_load_idx %arg7[%parallel_loop3A_603] : memref<9216xf32, #tpu.memory_space<vmem>>[vector<16xi32>], vector<16xf32>,
        %parallel_loop3A_605 = arith.constant 7 : i32
        %parallel_loop3A_606 = arith.addi %parallel_loop3A_297, %parallel_loop3A_605 : i32
        %parallel_loop3A_607 = vector.broadcast %parallel_loop3A_606 : i32 to vector<16xi32>
        %parallel_loop3A_608 = arith.addi %mul3A_123, %parallel_loop3A_607 : vector<16xi32>
        %parallel_loop3A_609 = tpu.vector_load_idx %arg7[%parallel_loop3A_608] : memref<9216xf32, #tpu.memory_space<vmem>>[vector<16xi32>], vector<16xf32>,
        %parallel_loop3A_610 = arith.constant 8 : i32
        %parallel_loop3A_611 = arith.addi %parallel_loop3A_297, %parallel_loop3A_610 : i32
        %parallel_loop3A_612 = vector.broadcast %parallel_loop3A_611 : i32 to vector<16xi32>
        %parallel_loop3A_613 = arith.addi %mul3A_123, %parallel_loop3A_612 : vector<16xi32>
        %parallel_loop3A_614 = tpu.vector_load_idx %arg7[%parallel_loop3A_613] : memref<9216xf32, #tpu.memory_space<vmem>>[vector<16xi32>], vector<16xf32>,
        %parallel_loop3A_615 = arith.constant 9 : i32
        %parallel_loop3A_616 = arith.addi %parallel_loop3A_297, %parallel_loop3A_615 : i32
        %parallel_loop3A_617 = vector.broadcast %parallel_loop3A_616 : i32 to vector<16xi32>
        %parallel_loop3A_618 = arith.addi %mul3A_123, %parallel_loop3A_617 : vector<16xi32>
        %parallel_loop3A_619 = tpu.vector_load_idx %arg7[%parallel_loop3A_618] : memref<9216xf32, #tpu.memory_space<vmem>>[vector<16xi32>], vector<16xf32>,
        %parallel_loop3A_620 = arith.constant 10 : i32
        %parallel_loop3A_621 = arith.addi %parallel_loop3A_297, %parallel_loop3A_620 : i32
        %parallel_loop3A_622 = vector.broadcast %parallel_loop3A_621 : i32 to vector<16xi32>
        %parallel_loop3A_623 = arith.addi %mul3A_123, %parallel_loop3A_622 : vector<16xi32>
        %parallel_loop3A_624 = tpu.vector_load_idx %arg7[%parallel_loop3A_623] : memref<9216xf32, #tpu.memory_space<vmem>>[vector<16xi32>], vector<16xf32>,
        %parallel_loop3A_625 = arith.constant 11 : i32
        %parallel_loop3A_626 = arith.addi %parallel_loop3A_297, %parallel_loop3A_625 : i32
        %parallel_loop3A_627 = vector.broadcast %parallel_loop3A_626 : i32 to vector<16xi32>
        %parallel_loop3A_628 = arith.addi %mul3A_123, %parallel_loop3A_627 : vector<16xi32>
        %parallel_loop3A_629 = tpu.vector_load_idx %arg7[%parallel_loop3A_628] : memref<9216xf32, #tpu.memory_space<vmem>>[vector<16xi32>], vector<16xf32>,
        %parallel_loop3A_630 = arith.constant 12 : i32
        %parallel_loop3A_631 = arith.addi %parallel_loop3A_297, %parallel_loop3A_630 : i32
        %parallel_loop3A_632 = vector.broadcast %parallel_loop3A_631 : i32 to vector<16xi32>
        %parallel_loop3A_633 = arith.addi %mul3A_123, %parallel_loop3A_632 : vector<16xi32>
        %parallel_loop3A_634 = tpu.vector_load_idx %arg7[%parallel_loop3A_633] : memref<9216xf32, #tpu.memory_space<vmem>>[vector<16xi32>], vector<16xf32>,
        %parallel_loop3A_635 = arith.constant 13 : i32
        %parallel_loop3A_636 = arith.addi %parallel_loop3A_297, %parallel_loop3A_635 : i32
        %parallel_loop3A_637 = vector.broadcast %parallel_loop3A_636 : i32 to vector<16xi32>
        %parallel_loop3A_638 = arith.addi %mul3A_123, %parallel_loop3A_637 : vector<16xi32>
        %parallel_loop3A_639 = tpu.vector_load_idx %arg7[%parallel_loop3A_638] : memref<9216xf32, #tpu.memory_space<vmem>>[vector<16xi32>], vector<16xf32>,
        %parallel_loop3A_640 = arith.constant 14 : i32
        %parallel_loop3A_641 = arith.addi %parallel_loop3A_297, %parallel_loop3A_640 : i32
        %parallel_loop3A_642 = vector.broadcast %parallel_loop3A_641 : i32 to vector<16xi32>
        %parallel_loop3A_643 = arith.addi %mul3A_123, %parallel_loop3A_642 : vector<16xi32>
        %parallel_loop3A_644 = tpu.vector_load_idx %arg7[%parallel_loop3A_643] : memref<9216xf32, #tpu.memory_space<vmem>>[vector<16xi32>], vector<16xf32>,
        %parallel_loop3A_645 = arith.constant 15 : i32
        %parallel_loop3A_646 = arith.addi %parallel_loop3A_297, %parallel_loop3A_645 : i32
        %parallel_loop3A_647 = vector.broadcast %parallel_loop3A_646 : i32 to vector<16xi32>
        %parallel_loop3A_648 = arith.addi %mul3A_123, %parallel_loop3A_647 : vector<16xi32>
        %parallel_loop3A_649 = tpu.vector_load_idx %arg7[%parallel_loop3A_648] : memref<9216xf32, #tpu.memory_space<vmem>>[vector<16xi32>], vector<16xf32>,
        %parallel_loop3A_650 = arith.constant 16 : i32
        %parallel_loop3A_651 = arith.muli %parallel_loop3A_295, %parallel_loop3A_650 : i32
        %parallel_loop3A_652 = arith.constant 0 : i32
        %parallel_loop3A_653 = arith.addi %parallel_loop3A_651, %parallel_loop3A_652 : i32
        %parallel_loop3A_654 = arith.constant 16 : i32
        %parallel_loop3A_655 = arith.muli %parallel_loop3A_293, %parallel_loop3A_654 : i32
        %parallel_loop3A_656 = arith.constant 0 : i32
        %parallel_loop3A_657 = arith.constant 0 : i32
        %parallel_loop3A_658 = tpu.memref_slice %arg6[%parallel_loop3A_127, %parallel_loop3A_656, %parallel_loop3A_657] : memref<3x128x128xf32, #tpu.memory_space<vmem>> -> memref<1x128x128xf32, #tpu.memory_space<vmem>>
        %parallel_loop3A_659 = tpu.memref_squeeze %parallel_loop3A_658 : memref<1x128x128xf32, #tpu.memory_space<vmem>> -> memref<128x128xf32, #tpu.memory_space<vmem>>
        %parallel_loop3A_660 = arith.index_cast %parallel_loop3A_653 : i32 to index
        %parallel_loop3A_661 = arith.index_cast %parallel_loop3A_655 : i32 to index
        %parallel_loop3A_662 = tpu.vector_load %parallel_loop3A_659[%parallel_loop3A_660, %parallel_loop3A_661] {strides = array<i32>} : memref<128x128xf32, #tpu.memory_space<vmem>>, vector<16xf32>,
        tpu.vector_store %parallel_loop3A_659[%parallel_loop3A_660, %parallel_loop3A_661], %parallel_loop3A_574 {strides = array<i32>} : memref<128x128xf32, #tpu.memory_space<vmem>>, vector<16xf32>,
        %parallel_loop3A_663 = arith.constant 16 : i32
        %parallel_loop3A_664 = arith.muli %parallel_loop3A_295, %parallel_loop3A_663 : i32
        %parallel_loop3A_665 = arith.constant 1 : i32
        %parallel_loop3A_666 = arith.addi %parallel_loop3A_664, %parallel_loop3A_665 : i32
        %parallel_loop3A_667 = arith.constant 16 : i32
        %parallel_loop3A_668 = arith.muli %parallel_loop3A_293, %parallel_loop3A_667 : i32
        %parallel_loop3A_669 = arith.constant 0 : i32
        %parallel_loop3A_670 = arith.constant 0 : i32
        %parallel_loop3A_671 = tpu.memref_slice %arg6[%parallel_loop3A_127, %parallel_loop3A_669, %parallel_loop3A_670] : memref<3x128x128xf32, #tpu.memory_space<vmem>> -> memref<1x128x128xf32, #tpu.memory_space<vmem>>
        %parallel_loop3A_672 = tpu.memref_squeeze %parallel_loop3A_671 : memref<1x128x128xf32, #tpu.memory_space<vmem>> -> memref<128x128xf32, #tpu.memory_space<vmem>>
        %parallel_loop3A_673 = arith.index_cast %parallel_loop3A_666 : i32 to index
        %parallel_loop3A_674 = arith.index_cast %parallel_loop3A_668 : i32 to index
        %parallel_loop3A_675 = tpu.vector_load %parallel_loop3A_672[%parallel_loop3A_673, %parallel_loop3A_674] {strides = array<i32>} : memref<128x128xf32, #tpu.memory_space<vmem>>, vector<16xf32>,
        tpu.vector_store %parallel_loop3A_672[%parallel_loop3A_673, %parallel_loop3A_674], %parallel_loop3A_579 {strides = array<i32>} : memref<128x128xf32, #tpu.memory_space<vmem>>, vector<16xf32>,
        %parallel_loop3A_676 = arith.constant 16 : i32
        %parallel_loop3A_677 = arith.muli %parallel_loop3A_295, %parallel_loop3A_676 : i32
        %parallel_loop3A_678 = arith.constant 2 : i32
        %parallel_loop3A_679 = arith.addi %parallel_loop3A_677, %parallel_loop3A_678 : i32
        %parallel_loop3A_680 = arith.constant 16 : i32
        %parallel_loop3A_681 = arith.muli %parallel_loop3A_293, %parallel_loop3A_680 : i32
        %parallel_loop3A_682 = arith.constant 0 : i32
        %parallel_loop3A_683 = arith.constant 0 : i32
        %parallel_loop3A_684 = tpu.memref_slice %arg6[%parallel_loop3A_127, %parallel_loop3A_682, %parallel_loop3A_683] : memref<3x128x128xf32, #tpu.memory_space<vmem>> -> memref<1x128x128xf32, #tpu.memory_space<vmem>>
        %parallel_loop3A_685 = tpu.memref_squeeze %parallel_loop3A_684 : memref<1x128x128xf32, #tpu.memory_space<vmem>> -> memref<128x128xf32, #tpu.memory_space<vmem>>
        %parallel_loop3A_686 = arith.index_cast %parallel_loop3A_679 : i32 to index
        %parallel_loop3A_687 = arith.index_cast %parallel_loop3A_681 : i32 to index
        %parallel_loop3A_688 = tpu.vector_load %parallel_loop3A_685[%parallel_loop3A_686, %parallel_loop3A_687] {strides = array<i32>} : memref<128x128xf32, #tpu.memory_space<vmem>>, vector<16xf32>,
        tpu.vector_store %parallel_loop3A_685[%parallel_loop3A_686, %parallel_loop3A_687], %parallel_loop3A_584 {strides = array<i32>} : memref<128x128xf32, #tpu.memory_space<vmem>>, vector<16xf32>,
        %parallel_loop3A_689 = arith.constant 16 : i32
        %parallel_loop3A_690 = arith.muli %parallel_loop3A_295, %parallel_loop3A_689 : i32
        %parallel_loop3A_691 = arith.constant 3 : i32
        %parallel_loop3A_692 = arith.addi %parallel_loop3A_690, %parallel_loop3A_691 : i32
        %parallel_loop3A_693 = arith.constant 16 : i32
        %parallel_loop3A_694 = arith.muli %parallel_loop3A_293, %parallel_loop3A_693 : i32
        %parallel_loop3A_695 = arith.constant 0 : i32
        %parallel_loop3A_696 = arith.constant 0 : i32
        %parallel_loop3A_697 = tpu.memref_slice %arg6[%parallel_loop3A_127, %parallel_loop3A_695, %parallel_loop3A_696] : memref<3x128x128xf32, #tpu.memory_space<vmem>> -> memref<1x128x128xf32, #tpu.memory_space<vmem>>
        %parallel_loop3A_698 = tpu.memref_squeeze %parallel_loop3A_697 : memref<1x128x128xf32, #tpu.memory_space<vmem>> -> memref<128x128xf32, #tpu.memory_space<vmem>>
        %parallel_loop3A_699 = arith.index_cast %parallel_loop3A_692 : i32 to index
        %parallel_loop3A_700 = arith.index_cast %parallel_loop3A_694 : i32 to index
        %parallel_loop3A_701 = tpu.vector_load %parallel_loop3A_698[%parallel_loop3A_699, %parallel_loop3A_700] {strides = array<i32>} : memref<128x128xf32, #tpu.memory_space<vmem>>, vector<16xf32>,
        tpu.vector_store %parallel_loop3A_698[%parallel_loop3A_699, %parallel_loop3A_700], %parallel_loop3A_589 {strides = array<i32>} : memref<128x128xf32, #tpu.memory_space<vmem>>, vector<16xf32>,
        %parallel_loop3A_702 = arith.constant 16 : i32
        %parallel_loop3A_703 = arith.muli %parallel_loop3A_295, %parallel_loop3A_702 : i32
        %parallel_loop3A_704 = arith.constant 4 : i32
        %parallel_loop3A_705 = arith.addi %parallel_loop3A_703, %parallel_loop3A_704 : i32
        %parallel_loop3A_706 = arith.constant 16 : i32
        %parallel_loop3A_707 = arith.muli %parallel_loop3A_293, %parallel_loop3A_706 : i32
        %parallel_loop3A_708 = arith.constant 0 : i32
        %parallel_loop3A_709 = arith.constant 0 : i32
        %parallel_loop3A_710 = tpu.memref_slice %arg6[%parallel_loop3A_127, %parallel_loop3A_708, %parallel_loop3A_709] : memref<3x128x128xf32, #tpu.memory_space<vmem>> -> memref<1x128x128xf32, #tpu.memory_space<vmem>>
        %parallel_loop3A_711 = tpu.memref_squeeze %parallel_loop3A_710 : memref<1x128x128xf32, #tpu.memory_space<vmem>> -> memref<128x128xf32, #tpu.memory_space<vmem>>
        %parallel_loop3A_712 = arith.index_cast %parallel_loop3A_705 : i32 to index
        %parallel_loop3A_713 = arith.index_cast %parallel_loop3A_707 : i32 to index
        %parallel_loop3A_714 = tpu.vector_load %parallel_loop3A_711[%parallel_loop3A_712, %parallel_loop3A_713] {strides = array<i32>} : memref<128x128xf32, #tpu.memory_space<vmem>>, vector<16xf32>,
        tpu.vector_store %parallel_loop3A_711[%parallel_loop3A_712, %parallel_loop3A_713], %parallel_loop3A_594 {strides = array<i32>} : memref<128x128xf32, #tpu.memory_space<vmem>>, vector<16xf32>,
        %parallel_loop3A_715 = arith.constant 16 : i32
        %parallel_loop3A_716 = arith.muli %parallel_loop3A_295, %parallel_loop3A_715 : i32
        %parallel_loop3A_717 = arith.constant 5 : i32
        %parallel_loop3A_718 = arith.addi %parallel_loop3A_716, %parallel_loop3A_717 : i32
        %parallel_loop3A_719 = arith.constant 16 : i32
        %parallel_loop3A_720 = arith.muli %parallel_loop3A_293, %parallel_loop3A_719 : i32
        %parallel_loop3A_721 = arith.constant 0 : i32
        %parallel_loop3A_722 = arith.constant 0 : i32
        %parallel_loop3A_723 = tpu.memref_slice %arg6[%parallel_loop3A_127, %parallel_loop3A_721, %parallel_loop3A_722] : memref<3x128x128xf32, #tpu.memory_space<vmem>> -> memref<1x128x128xf32, #tpu.memory_space<vmem>>
        %parallel_loop3A_724 = tpu.memref_squeeze %parallel_loop3A_723 : memref<1x128x128xf32, #tpu.memory_space<vmem>> -> memref<128x128xf32, #tpu.memory_space<vmem>>
        %parallel_loop3A_725 = arith.index_cast %parallel_loop3A_718 : i32 to index
        %parallel_loop3A_726 = arith.index_cast %parallel_loop3A_720 : i32 to index
        %parallel_loop3A_727 = tpu.vector_load %parallel_loop3A_724[%parallel_loop3A_725, %parallel_loop3A_726] {strides = array<i32>} : memref<128x128xf32, #tpu.memory_space<vmem>>, vector<16xf32>,
        tpu.vector_store %parallel_loop3A_724[%parallel_loop3A_725, %parallel_loop3A_726], %parallel_loop3A_599 {strides = array<i32>} : memref<128x128xf32, #tpu.memory_space<vmem>>, vector<16xf32>,
        %parallel_loop3A_728 = arith.constant 16 : i32
        %parallel_loop3A_729 = arith.muli %parallel_loop3A_295, %parallel_loop3A_728 : i32
        %parallel_loop3A_730 = arith.constant 6 : i32
        %parallel_loop3A_731 = arith.addi %parallel_loop3A_729, %parallel_loop3A_730 : i32
        %parallel_loop3A_732 = arith.constant 16 : i32
        %parallel_loop3A_733 = arith.muli %parallel_loop3A_293, %parallel_loop3A_732 : i32
        %parallel_loop3A_734 = arith.constant 0 : i32
        %parallel_loop3A_735 = arith.constant 0 : i32
        %parallel_loop3A_736 = tpu.memref_slice %arg6[%parallel_loop3A_127, %parallel_loop3A_734, %parallel_loop3A_735] : memref<3x128x128xf32, #tpu.memory_space<vmem>> -> memref<1x128x128xf32, #tpu.memory_space<vmem>>
        %parallel_loop3A_737 = tpu.memref_squeeze %parallel_loop3A_736 : memref<1x128x128xf32, #tpu.memory_space<vmem>> -> memref<128x128xf32, #tpu.memory_space<vmem>>
        %parallel_loop3A_738 = arith.index_cast %parallel_loop3A_731 : i32 to index
        %parallel_loop3A_739 = arith.index_cast %parallel_loop3A_733 : i32 to index
        %parallel_loop3A_740 = tpu.vector_load %parallel_loop3A_737[%parallel_loop3A_738, %parallel_loop3A_739] {strides = array<i32>} : memref<128x128xf32, #tpu.memory_space<vmem>>, vector<16xf32>,
        tpu.vector_store %parallel_loop3A_737[%parallel_loop3A_738, %parallel_loop3A_739], %parallel_loop3A_604 {strides = array<i32>} : memref<128x128xf32, #tpu.memory_space<vmem>>, vector<16xf32>,
        %parallel_loop3A_741 = arith.constant 16 : i32
        %parallel_loop3A_742 = arith.muli %parallel_loop3A_295, %parallel_loop3A_741 : i32
        %parallel_loop3A_743 = arith.constant 7 : i32
        %parallel_loop3A_744 = arith.addi %parallel_loop3A_742, %parallel_loop3A_743 : i32
        %parallel_loop3A_745 = arith.constant 16 : i32
        %parallel_loop3A_746 = arith.muli %parallel_loop3A_293, %parallel_loop3A_745 : i32
        %parallel_loop3A_747 = arith.constant 0 : i32
        %parallel_loop3A_748 = arith.constant 0 : i32
        %parallel_loop3A_749 = tpu.memref_slice %arg6[%parallel_loop3A_127, %parallel_loop3A_747, %parallel_loop3A_748] : memref<3x128x128xf32, #tpu.memory_space<vmem>> -> memref<1x128x128xf32, #tpu.memory_space<vmem>>
        %parallel_loop3A_750 = tpu.memref_squeeze %parallel_loop3A_749 : memref<1x128x128xf32, #tpu.memory_space<vmem>> -> memref<128x128xf32, #tpu.memory_space<vmem>>
        %parallel_loop3A_751 = arith.index_cast %parallel_loop3A_744 : i32 to index
        %parallel_loop3A_752 = arith.index_cast %parallel_loop3A_746 : i32 to index
        %parallel_loop3A_753 = tpu.vector_load %parallel_loop3A_750[%parallel_loop3A_751, %parallel_loop3A_752] {strides = array<i32>} : memref<128x128xf32, #tpu.memory_space<vmem>>, vector<16xf32>,
        tpu.vector_store %parallel_loop3A_750[%parallel_loop3A_751, %parallel_loop3A_752], %parallel_loop3A_609 {strides = array<i32>} : memref<128x128xf32, #tpu.memory_space<vmem>>, vector<16xf32>,
        %parallel_loop3A_754 = arith.constant 16 : i32
        %parallel_loop3A_755 = arith.muli %parallel_loop3A_295, %parallel_loop3A_754 : i32
        %parallel_loop3A_756 = arith.constant 8 : i32
        %parallel_loop3A_757 = arith.addi %parallel_loop3A_755, %parallel_loop3A_756 : i32
        %parallel_loop3A_758 = arith.constant 16 : i32
        %parallel_loop3A_759 = arith.muli %parallel_loop3A_293, %parallel_loop3A_758 : i32
        %parallel_loop3A_760 = arith.constant 0 : i32
        %parallel_loop3A_761 = arith.constant 0 : i32
        %parallel_loop3A_762 = tpu.memref_slice %arg6[%parallel_loop3A_127, %parallel_loop3A_760, %parallel_loop3A_761] : memref<3x128x128xf32, #tpu.memory_space<vmem>> -> memref<1x128x128xf32, #tpu.memory_space<vmem>>
        %parallel_loop3A_763 = tpu.memref_squeeze %parallel_loop3A_762 : memref<1x128x128xf32, #tpu.memory_space<vmem>> -> memref<128x128xf32, #tpu.memory_space<vmem>>
        %parallel_loop3A_764 = arith.index_cast %parallel_loop3A_757 : i32 to index
        %parallel_loop3A_765 = arith.index_cast %parallel_loop3A_759 : i32 to index
        %parallel_loop3A_766 = tpu.vector_load %parallel_loop3A_763[%parallel_loop3A_764, %parallel_loop3A_765] {strides = array<i32>} : memref<128x128xf32, #tpu.memory_space<vmem>>, vector<16xf32>,
        tpu.vector_store %parallel_loop3A_763[%parallel_loop3A_764, %parallel_loop3A_765], %parallel_loop3A_614 {strides = array<i32>} : memref<128x128xf32, #tpu.memory_space<vmem>>, vector<16xf32>,
        %parallel_loop3A_767 = arith.constant 16 : i32
        %parallel_loop3A_768 = arith.muli %parallel_loop3A_295, %parallel_loop3A_767 : i32
        %parallel_loop3A_769 = arith.constant 9 : i32
        %parallel_loop3A_770 = arith.addi %parallel_loop3A_768, %parallel_loop3A_769 : i32
        %parallel_loop3A_771 = arith.constant 16 : i32
        %parallel_loop3A_772 = arith.muli %parallel_loop3A_293, %parallel_loop3A_771 : i32
        %parallel_loop3A_773 = arith.constant 0 : i32
        %parallel_loop3A_774 = arith.constant 0 : i32
        %parallel_loop3A_775 = tpu.memref_slice %arg6[%parallel_loop3A_127, %parallel_loop3A_773, %parallel_loop3A_774] : memref<3x128x128xf32, #tpu.memory_space<vmem>> -> memref<1x128x128xf32, #tpu.memory_space<vmem>>
        %parallel_loop3A_776 = tpu.memref_squeeze %parallel_loop3A_775 : memref<1x128x128xf32, #tpu.memory_space<vmem>> -> memref<128x128xf32, #tpu.memory_space<vmem>>
        %parallel_loop3A_777 = arith.index_cast %parallel_loop3A_770 : i32 to index
        %parallel_loop3A_778 = arith.index_cast %parallel_loop3A_772 : i32 to index
        %parallel_loop3A_779 = tpu.vector_load %parallel_loop3A_776[%parallel_loop3A_777, %parallel_loop3A_778] {strides = array<i32>} : memref<128x128xf32, #tpu.memory_space<vmem>>, vector<16xf32>,
        tpu.vector_store %parallel_loop3A_776[%parallel_loop3A_777, %parallel_loop3A_778], %parallel_loop3A_619 {strides = array<i32>} : memref<128x128xf32, #tpu.memory_space<vmem>>, vector<16xf32>,
        %parallel_loop3A_780 = arith.constant 16 : i32
        %parallel_loop3A_781 = arith.muli %parallel_loop3A_295, %parallel_loop3A_780 : i32
        %parallel_loop3A_782 = arith.constant 10 : i32
        %parallel_loop3A_783 = arith.addi %parallel_loop3A_781, %parallel_loop3A_782 : i32
        %parallel_loop3A_784 = arith.constant 16 : i32
        %parallel_loop3A_785 = arith.muli %parallel_loop3A_293, %parallel_loop3A_784 : i32
        %parallel_loop3A_786 = arith.constant 0 : i32
        %parallel_loop3A_787 = arith.constant 0 : i32
        %parallel_loop3A_788 = tpu.memref_slice %arg6[%parallel_loop3A_127, %parallel_loop3A_786, %parallel_loop3A_787] : memref<3x128x128xf32, #tpu.memory_space<vmem>> -> memref<1x128x128xf32, #tpu.memory_space<vmem>>
        %parallel_loop3A_789 = tpu.memref_squeeze %parallel_loop3A_788 : memref<1x128x128xf32, #tpu.memory_space<vmem>> -> memref<128x128xf32, #tpu.memory_space<vmem>>
        %parallel_loop3A_790 = arith.index_cast %parallel_loop3A_783 : i32 to index
        %parallel_loop3A_791 = arith.index_cast %parallel_loop3A_785 : i32 to index
        %parallel_loop3A_792 = tpu.vector_load %parallel_loop3A_789[%parallel_loop3A_790, %parallel_loop3A_791] {strides = array<i32>} : memref<128x128xf32, #tpu.memory_space<vmem>>, vector<16xf32>,
        tpu.vector_store %parallel_loop3A_789[%parallel_loop3A_790, %parallel_loop3A_791], %parallel_loop3A_624 {strides = array<i32>} : memref<128x128xf32, #tpu.memory_space<vmem>>, vector<16xf32>,
        %parallel_loop3A_793 = arith.constant 16 : i32
        %parallel_loop3A_794 = arith.muli %parallel_loop3A_295, %parallel_loop3A_793 : i32
        %parallel_loop3A_795 = arith.constant 11 : i32
        %parallel_loop3A_796 = arith.addi %parallel_loop3A_794, %parallel_loop3A_795 : i32
        %parallel_loop3A_797 = arith.constant 16 : i32
        %parallel_loop3A_798 = arith.muli %parallel_loop3A_293, %parallel_loop3A_797 : i32
        %parallel_loop3A_799 = arith.constant 0 : i32
        %parallel_loop3A_800 = arith.constant 0 : i32
        %parallel_loop3A_801 = tpu.memref_slice %arg6[%parallel_loop3A_127, %parallel_loop3A_799, %parallel_loop3A_800] : memref<3x128x128xf32, #tpu.memory_space<vmem>> -> memref<1x128x128xf32, #tpu.memory_space<vmem>>
        %parallel_loop3A_802 = tpu.memref_squeeze %parallel_loop3A_801 : memref<1x128x128xf32, #tpu.memory_space<vmem>> -> memref<128x128xf32, #tpu.memory_space<vmem>>
        %parallel_loop3A_803 = arith.index_cast %parallel_loop3A_796 : i32 to index
        %parallel_loop3A_804 = arith.index_cast %parallel_loop3A_798 : i32 to index
        %parallel_loop3A_805 = tpu.vector_load %parallel_loop3A_802[%parallel_loop3A_803, %parallel_loop3A_804] {strides = array<i32>} : memref<128x128xf32, #tpu.memory_space<vmem>>, vector<16xf32>,
        tpu.vector_store %parallel_loop3A_802[%parallel_loop3A_803, %parallel_loop3A_804], %parallel_loop3A_629 {strides = array<i32>} : memref<128x128xf32, #tpu.memory_space<vmem>>, vector<16xf32>,
        %parallel_loop3A_806 = arith.constant 16 : i32
        %parallel_loop3A_807 = arith.muli %parallel_loop3A_295, %parallel_loop3A_806 : i32
        %parallel_loop3A_808 = arith.constant 12 : i32
        %parallel_loop3A_809 = arith.addi %parallel_loop3A_807, %parallel_loop3A_808 : i32
        %parallel_loop3A_810 = arith.constant 16 : i32
        %parallel_loop3A_811 = arith.muli %parallel_loop3A_293, %parallel_loop3A_810 : i32
        %parallel_loop3A_812 = arith.constant 0 : i32
        %parallel_loop3A_813 = arith.constant 0 : i32
        %parallel_loop3A_814 = tpu.memref_slice %arg6[%parallel_loop3A_127, %parallel_loop3A_812, %parallel_loop3A_813] : memref<3x128x128xf32, #tpu.memory_space<vmem>> -> memref<1x128x128xf32, #tpu.memory_space<vmem>>
        %parallel_loop3A_815 = tpu.memref_squeeze %parallel_loop3A_814 : memref<1x128x128xf32, #tpu.memory_space<vmem>> -> memref<128x128xf32, #tpu.memory_space<vmem>>
        %parallel_loop3A_816 = arith.index_cast %parallel_loop3A_809 : i32 to index
        %parallel_loop3A_817 = arith.index_cast %parallel_loop3A_811 : i32 to index
        %parallel_loop3A_818 = tpu.vector_load %parallel_loop3A_815[%parallel_loop3A_816, %parallel_loop3A_817] {strides = array<i32>} : memref<128x128xf32, #tpu.memory_space<vmem>>, vector<16xf32>,
        tpu.vector_store %parallel_loop3A_815[%parallel_loop3A_816, %parallel_loop3A_817], %parallel_loop3A_634 {strides = array<i32>} : memref<128x128xf32, #tpu.memory_space<vmem>>, vector<16xf32>,
        %parallel_loop3A_819 = arith.constant 16 : i32
        %parallel_loop3A_820 = arith.muli %parallel_loop3A_295, %parallel_loop3A_819 : i32
        %parallel_loop3A_821 = arith.constant 13 : i32
        %parallel_loop3A_822 = arith.addi %parallel_loop3A_820, %parallel_loop3A_821 : i32
        %parallel_loop3A_823 = arith.constant 16 : i32
        %parallel_loop3A_824 = arith.muli %parallel_loop3A_293, %parallel_loop3A_823 : i32
        %parallel_loop3A_825 = arith.constant 0 : i32
        %parallel_loop3A_826 = arith.constant 0 : i32
        %parallel_loop3A_827 = tpu.memref_slice %arg6[%parallel_loop3A_127, %parallel_loop3A_825, %parallel_loop3A_826] : memref<3x128x128xf32, #tpu.memory_space<vmem>> -> memref<1x128x128xf32, #tpu.memory_space<vmem>>
        %parallel_loop3A_828 = tpu.memref_squeeze %parallel_loop3A_827 : memref<1x128x128xf32, #tpu.memory_space<vmem>> -> memref<128x128xf32, #tpu.memory_space<vmem>>
        %parallel_loop3A_829 = arith.index_cast %parallel_loop3A_822 : i32 to index
        %parallel_loop3A_830 = arith.index_cast %parallel_loop3A_824 : i32 to index
        %parallel_loop3A_831 = tpu.vector_load %parallel_loop3A_828[%parallel_loop3A_829, %parallel_loop3A_830] {strides = array<i32>} : memref<128x128xf32, #tpu.memory_space<vmem>>, vector<16xf32>,
        tpu.vector_store %parallel_loop3A_828[%parallel_loop3A_829, %parallel_loop3A_830], %parallel_loop3A_639 {strides = array<i32>} : memref<128x128xf32, #tpu.memory_space<vmem>>, vector<16xf32>,
        %parallel_loop3A_832 = arith.constant 16 : i32
        %parallel_loop3A_833 = arith.muli %parallel_loop3A_295, %parallel_loop3A_832 : i32
        %parallel_loop3A_834 = arith.constant 14 : i32
        %parallel_loop3A_835 = arith.addi %parallel_loop3A_833, %parallel_loop3A_834 : i32
        %parallel_loop3A_836 = arith.constant 16 : i32
        %parallel_loop3A_837 = arith.muli %parallel_loop3A_293, %parallel_loop3A_836 : i32
        %parallel_loop3A_838 = arith.constant 0 : i32
        %parallel_loop3A_839 = arith.constant 0 : i32
        %parallel_loop3A_840 = tpu.memref_slice %arg6[%parallel_loop3A_127, %parallel_loop3A_838, %parallel_loop3A_839] : memref<3x128x128xf32, #tpu.memory_space<vmem>> -> memref<1x128x128xf32, #tpu.memory_space<vmem>>
        %parallel_loop3A_841 = tpu.memref_squeeze %parallel_loop3A_840 : memref<1x128x128xf32, #tpu.memory_space<vmem>> -> memref<128x128xf32, #tpu.memory_space<vmem>>
        %parallel_loop3A_842 = arith.index_cast %parallel_loop3A_835 : i32 to index
        %parallel_loop3A_843 = arith.index_cast %parallel_loop3A_837 : i32 to index
        %parallel_loop3A_844 = tpu.vector_load %parallel_loop3A_841[%parallel_loop3A_842, %parallel_loop3A_843] {strides = array<i32>} : memref<128x128xf32, #tpu.memory_space<vmem>>, vector<16xf32>,
        tpu.vector_store %parallel_loop3A_841[%parallel_loop3A_842, %parallel_loop3A_843], %parallel_loop3A_644 {strides = array<i32>} : memref<128x128xf32, #tpu.memory_space<vmem>>, vector<16xf32>,
        %parallel_loop3A_845 = arith.constant 16 : i32
        %parallel_loop3A_846 = arith.muli %parallel_loop3A_295, %parallel_loop3A_845 : i32
        %parallel_loop3A_847 = arith.constant 15 : i32
        %parallel_loop3A_848 = arith.addi %parallel_loop3A_846, %parallel_loop3A_847 : i32
        %parallel_loop3A_849 = arith.constant 16 : i32
        %parallel_loop3A_850 = arith.muli %parallel_loop3A_293, %parallel_loop3A_849 : i32
        %parallel_loop3A_851 = arith.constant 0 : i32
        %parallel_loop3A_852 = arith.constant 0 : i32
        %parallel_loop3A_853 = tpu.memref_slice %arg6[%parallel_loop3A_127, %parallel_loop3A_851, %parallel_loop3A_852] : memref<3x128x128xf32, #tpu.memory_space<vmem>> -> memref<1x128x128xf32, #tpu.memory_space<vmem>>
        %parallel_loop3A_854 = tpu.memref_squeeze %parallel_loop3A_853 : memref<1x128x128xf32, #tpu.memory_space<vmem>> -> memref<128x128xf32, #tpu.memory_space<vmem>>
        %parallel_loop3A_855 = arith.index_cast %parallel_loop3A_848 : i32 to index
        %parallel_loop3A_856 = arith.index_cast %parallel_loop3A_850 : i32 to index
        %parallel_loop3A_857 = tpu.vector_load %parallel_loop3A_854[%parallel_loop3A_855, %parallel_loop3A_856] {strides = array<i32>} : memref<128x128xf32, #tpu.memory_space<vmem>>, vector<16xf32>,
        tpu.vector_store %parallel_loop3A_854[%parallel_loop3A_855, %parallel_loop3A_856], %parallel_loop3A_649 {strides = array<i32>} : memref<128x128xf32, #tpu.memory_space<vmem>>, vector<16xf32>,
      } {sc.loop_unroll_factor = 2 : i64, sc.parallel_access}
      %add3A_128 = arith.addi %mul3A_2, %add3A_95 : i32
      %lt3A_129 = arith.constant 7812 : i32
      %lt3A_130 = arith.cmpi slt, %add3A_128, %lt3A_129 : i32
      %mul3A_131 = arith.constant 128 : i32
      %mul3A_132 = arith.muli %add3A_128, %mul3A_131 : i32
      %jit3A = arith.constant 1000064 : i32
      %select_n3A = arith.select %lt3A_130, %mul3A_132, %jit3A : i32
      %multiple_of3A_133 = tpu.assume_multiple %select_n3A, 128 : i32
      %dma_start3A_134 = arith.constant 0 : i32
      %dma_start3A_135 = arith.constant 0 : i32
      %dma_start3A_136 = arith.constant 0 : i32
      %dma_start3A_137 = tpu.memref_slice %arg6[%dma_start3A_134, %dma_start3A_135, %dma_start3A_136] : memref<3x128x128xf32, #tpu.memory_space<vmem>> -> memref<1x128x128xf32, #tpu.memory_space<vmem>>
      %dma_start3A_138 = tpu.memref_squeeze %dma_start3A_137 : memref<1x128x128xf32, #tpu.memory_space<vmem>> -> memref<128x128xf32, #tpu.memory_space<vmem>>
      %dma_start3A_139 = arith.constant 0 : i32
      %dma_start3A_140 = tpu.memref_slice %arg4[%multiple_of3A_133, %dma_start3A_139] : memref<1000192x128xf32, #tpu.memory_space<hbm>> -> memref<128x128xf32, #tpu.memory_space<hbm>>
      %dma_start3A_141 = arith.constant 0 : i32
      %dma_start3A_142 = tpu.memref_slice %arg4[%multiple_of3A_133, %dma_start3A_141] : memref<1000192x128xf32, #tpu.memory_space<hbm>> -> memref<128x128xf32, #tpu.memory_space<hbm>>
      %dma_start3A_143 = arith.constant 0 : i32
      %dma_start3A_144 = arith.constant 0 : i32
      %dma_start3A_145 = tpu.memref_slice %arg6[%dma_start3A_134, %dma_start3A_143, %dma_start3A_144] : memref<3x128x128xf32, #tpu.memory_space<vmem>> -> memref<1x128x128xf32, #tpu.memory_space<vmem>>
      %dma_start3A_146 = tpu.memref_squeeze %dma_start3A_145 : memref<1x128x128xf32, #tpu.memory_space<vmem>> -> memref<128x128xf32, #tpu.memory_space<vmem>>
      tpu.enqueue_dma source(%dma_start3A_146 : memref<128x128xf32, #tpu.memory_space<vmem>>) target(%dma_start3A_142 : memref<128x128xf32, #tpu.memory_space<hbm>>) target_semaphore(%arg11 : memref<!tpu.dma_semaphore, #tpu.memory_space<semaphore_mem>>)
      %mul3A_147 = arith.constant 3 : i32
      %mul3A_148 = arith.muli %mul3A_147, %scan3A_91 : i32
      %add3A_149 = arith.constant 1 : i32
      %add3A_150 = arith.addi %mul3A_148, %add3A_149 : i32
      %add3A_151 = arith.constant 2 : i32
      %add3A_152 = arith.addi %add3A_150, %add3A_151 : i32
      %lt3A_153 = arith.constant 246 : i32
      %lt3A_154 = arith.cmpi slt, %add3A_152, %lt3A_153 : i32
      %convert_element_type3A_155 = arith.extui %lt3A_154 : i1 to i32
      %cond3A_156 = arith.constant 0 : i32
      %cond3A_157 = arith.cmpi ne, %convert_element_type3A_155, %cond3A_156 : i32
      scf.if %cond3A_157 {
        %add3A_269 = arith.constant 2 : i32
        %add3A_270 = arith.addi %add3A_150, %add3A_269 : i32
        %add3A_271 = arith.addi %mul3A_2, %add3A_270 : i32
        %min3A_272 = arith.constant 7811 : i32
        %min3A_273 = arith.minsi %add3A_271, %min3A_272 : i32
        %mul3A_274 = arith.constant 128 : i32
        %mul3A_275 = arith.muli %min3A_273, %mul3A_274 : i32
        %multiple_of3A_276 = tpu.assume_multiple %mul3A_275, 128 : i32
        %dma_start3A_277 = arith.constant 0 : i32
        %dma_start3A_278 = arith.constant 0 : i32
        %dma_start3A_279 = arith.constant 0 : i32
        %dma_start3A_280 = tpu.memref_slice %arg5[%dma_start3A_277, %dma_start3A_278, %dma_start3A_279] : memref<3x64x128xf32, #tpu.memory_space<vmem>> -> memref<1x64x128xf32, #tpu.memory_space<vmem>>
        %dma_start3A_281 = tpu.memref_squeeze %dma_start3A_280 : memref<1x64x128xf32, #tpu.memory_space<vmem>> -> memref<64x128xf32, #tpu.memory_space<vmem>>
        %dma_start3A_282 = arith.constant 0 : i32
        %dma_start3A_283 = tpu.memref_slice %arg2[%dma_start3A_282, %multiple_of3A_276] : memref<64x1000000xf32, #tpu.memory_space<hbm>> -> memref<64x128xf32, #tpu.memory_space<hbm>>
        %dma_start3A_284 = arith.constant 0 : i32
        %dma_start3A_285 = arith.constant 0 : i32
        %dma_start3A_286 = tpu.memref_slice %arg5[%dma_start3A_277, %dma_start3A_284, %dma_start3A_285] : memref<3x64x128xf32, #tpu.memory_space<vmem>> -> memref<1x64x128xf32, #tpu.memory_space<vmem>>
        %dma_start3A_287 = tpu.memref_squeeze %dma_start3A_286 : memref<1x64x128xf32, #tpu.memory_space<vmem>> -> memref<64x128xf32, #tpu.memory_space<vmem>>
        %dma_start3A_288 = arith.constant 0 : i32
        %dma_start3A_289 = tpu.memref_slice %arg2[%dma_start3A_288, %multiple_of3A_276] : memref<64x1000000xf32, #tpu.memory_space<hbm>> -> memref<64x128xf32, #tpu.memory_space<hbm>>
        tpu.enqueue_dma source(%dma_start3A_289 : memref<64x128xf32, #tpu.memory_space<hbm>>) target(%dma_start3A_287 : memref<64x128xf32, #tpu.memory_space<vmem>>) target_semaphore(%arg8 : memref<!tpu.dma_semaphore, #tpu.memory_space<semaphore_mem>>)
      } else {
      }
      %dma_wait3A_158 = arith.constant 1 : i32
      %dma_wait3A_159 = arith.constant 0 : i32
      %dma_wait3A_160 = arith.constant 0 : i32
      %dma_wait3A_161 = tpu.memref_slice %arg5[%dma_wait3A_158, %dma_wait3A_159, %dma_wait3A_160] : memref<3x64x128xf32, #tpu.memory_space<vmem>> -> memref<1x64x128xf32, #tpu.memory_space<vmem>>
      %dma_wait3A_162 = tpu.memref_squeeze %dma_wait3A_161 : memref<1x64x128xf32, #tpu.memory_space<vmem>> -> memref<64x128xf32, #tpu.memory_space<vmem>>
      %dma_wait3A_163 = arith.constant 0 : i32
      %dma_wait3A_164 = arith.constant 0 : i32
      %dma_wait3A_165 = tpu.memref_slice %arg2[%dma_wait3A_163, %dma_wait3A_164] : memref<64x1000000xf32, #tpu.memory_space<hbm>> -> memref<64x128xf32, #tpu.memory_space<hbm>>
      %dma_wait3A_166 = arith.constant 0 : i32
      %dma_wait3A_167 = arith.constant 0 : i32
      %dma_wait3A_168 = tpu.memref_slice %arg5[%dma_wait3A_158, %dma_wait3A_166, %dma_wait3A_167] : memref<3x64x128xf32, #tpu.memory_space<vmem>> -> memref<1x64x128xf32, #tpu.memory_space<vmem>>
      %dma_wait3A_169 = tpu.memref_squeeze %dma_wait3A_168 : memref<1x64x128xf32, #tpu.memory_space<vmem>> -> memref<64x128xf32, #tpu.memory_space<vmem>>
      %dma_wait3A_170 = arith.constant 0 : i32
      %dma_wait3A_171 = arith.constant 0 : i32
      %dma_wait3A_172 = tpu.memref_slice %arg2[%dma_wait3A_170, %dma_wait3A_171] : memref<64x1000000xf32, #tpu.memory_space<hbm>> -> memref<64x128xf32, #tpu.memory_space<hbm>>
      tpu.wait_dma2 semaphore(%arg9 : memref<!tpu.dma_semaphore, #tpu.memory_space<semaphore_mem>>) src(%dma_wait3A_172 : memref<64x128xf32, #tpu.memory_space<hbm>>) dst(%dma_wait3A_169 : memref<64x128xf32, #tpu.memory_space<vmem>>)
      %ge3A_173 = arith.constant 3 : i32
      %ge3A_174 = arith.cmpi sge, %add3A_150, %ge3A_173 : i32
      %convert_element_type3A_175 = arith.extui %ge3A_174 : i1 to i32
      %cond3A_176 = arith.constant 0 : i32
      %cond3A_177 = arith.cmpi ne, %convert_element_type3A_175, %cond3A_176 : i32
      scf.if %cond3A_177 {
        %dma_wait3A_269 = arith.constant 1 : i32
        %dma_wait3A_270 = arith.constant 0 : i32
        %dma_wait3A_271 = arith.constant 0 : i32
        %dma_wait3A_272 = tpu.memref_slice %arg6[%dma_wait3A_269, %dma_wait3A_270, %dma_wait3A_271] : memref<3x128x128xf32, #tpu.memory_space<vmem>> -> memref<1x128x128xf32, #tpu.memory_space<vmem>>
        %dma_wait3A_273 = tpu.memref_squeeze %dma_wait3A_272 : memref<1x128x128xf32, #tpu.memory_space<vmem>> -> memref<128x128xf32, #tpu.memory_space<vmem>>
        %dma_wait3A_274 = arith.constant 0 : i32
        %dma_wait3A_275 = arith.constant 0 : i32
        %dma_wait3A_276 = tpu.memref_slice %arg4[%dma_wait3A_274, %dma_wait3A_275] : memref<1000192x128xf32, #tpu.memory_space<hbm>> -> memref<128x128xf32, #tpu.memory_space<hbm>>
        %dma_wait3A_277 = arith.constant 0 : i32
        %dma_wait3A_278 = arith.constant 0 : i32
        %dma_wait3A_279 = tpu.memref_slice %arg4[%dma_wait3A_277, %dma_wait3A_278] : memref<1000192x128xf32, #tpu.memory_space<hbm>> -> memref<128x128xf32, #tpu.memory_space<hbm>>
        %dma_wait3A_280 = arith.constant 0 : i32
        %dma_wait3A_281 = arith.constant 0 : i32
        %dma_wait3A_282 = tpu.memref_slice %arg6[%dma_wait3A_269, %dma_wait3A_280, %dma_wait3A_281] : memref<3x128x128xf32, #tpu.memory_space<vmem>> -> memref<1x128x128xf32, #tpu.memory_space<vmem>>
        %dma_wait3A_283 = tpu.memref_squeeze %dma_wait3A_282 : memref<1x128x128xf32, #tpu.memory_space<vmem>> -> memref<128x128xf32, #tpu.memory_space<vmem>>
        tpu.wait_dma2 semaphore(%arg12 : memref<!tpu.dma_semaphore, #tpu.memory_space<semaphore_mem>>) src(%dma_wait3A_283 : memref<128x128xf32, #tpu.memory_space<vmem>>) dst(%dma_wait3A_279 : memref<128x128xf32, #tpu.memory_space<hbm>>)
      } else {
      }
      %iota3A_178 = tpu.iota {dimensions = array<i32: 0>} : vector<16xi32>
      %mul3A_179 = arith.constant 17 : i32
      %mul3A_180 = vector.broadcast %mul3A_179 : i32 to vector<16xi32>
      %mul3A_181 = arith.muli %iota3A_178, %mul3A_180 : vector<16xi32>
      %parallel_loop3A_182 = arith.constant 0 : i32
      %parallel_loop3A_183 = arith.constant 32 : i32
      %parallel_loop3A_184 = arith.constant 1 : i32
      %parallel_loop3A_185 = arith.constant 1 : i32
      %parallel_loop3A_186 = arith.constant 1 : i32
      scf.for %parallel_loop3A_269 = %parallel_loop3A_182 to %parallel_loop3A_183 step %parallel_loop3A_184  : i32 {
        %parallel_loop3A_270 = arith.constant 8 : i32
        %parallel_loop3A_271 = arith.divsi %parallel_loop3A_269, %parallel_loop3A_270 : i32
        %parallel_loop3A_272 = arith.constant 0 : i32
        %parallel_loop3A_273 = arith.cmpi sgt, %parallel_loop3A_269, %parallel_loop3A_272 : i32
        %parallel_loop3A_274 = arith.extui %parallel_loop3A_273 : i1 to i32
        %parallel_loop3A_275 = arith.constant 0 : i32
        %parallel_loop3A_276 = arith.cmpi slt, %parallel_loop3A_269, %parallel_loop3A_275 : i32
        %parallel_loop3A_277 = arith.extui %parallel_loop3A_276 : i1 to i32
        %parallel_loop3A_278 = arith.subi %parallel_loop3A_274, %parallel_loop3A_277 : i32
        %parallel_loop3A_279 = arith.constant 0 : i32
        %parallel_loop3A_280 = arith.cmpi sgt, %parallel_loop3A_270, %parallel_loop3A_279 : i32
        %parallel_loop3A_281 = arith.extui %parallel_loop3A_280 : i1 to i32
        %parallel_loop3A_282 = arith.constant 0 : i32
        %parallel_loop3A_283 = arith.cmpi slt, %parallel_loop3A_270, %parallel_loop3A_282 : i32
        %parallel_loop3A_284 = arith.extui %parallel_loop3A_283 : i1 to i32
        %parallel_loop3A_285 = arith.subi %parallel_loop3A_281, %parallel_loop3A_284 : i32
        %parallel_loop3A_286 = arith.cmpi ne, %parallel_loop3A_278, %parallel_loop3A_285 : i32
        %parallel_loop3A_287 = arith.remsi %parallel_loop3A_269, %parallel_loop3A_270 : i32
        %parallel_loop3A_288 = arith.constant 0 : i32
        %parallel_loop3A_289 = arith.cmpi ne, %parallel_loop3A_287, %parallel_loop3A_288 : i32
        %parallel_loop3A_290 = arith.andi %parallel_loop3A_286, %parallel_loop3A_289 : i1
        %parallel_loop3A_291 = arith.constant 1 : i32
        %parallel_loop3A_292 = arith.subi %parallel_loop3A_271, %parallel_loop3A_291 : i32
        %parallel_loop3A_293 = arith.select %parallel_loop3A_290, %parallel_loop3A_292, %parallel_loop3A_271 : i32
        %parallel_loop3A_294 = arith.constant 8 : i32
        %parallel_loop3A_295 = arith.remsi %parallel_loop3A_269, %parallel_loop3A_294 : i32
        %parallel_loop3A_296 = arith.constant 288 : i32
        %parallel_loop3A_297 = arith.muli %parallel_loop3A_269, %parallel_loop3A_296 : i32
        %parallel_loop3A_298 = arith.constant 16 : i32
        %parallel_loop3A_299 = arith.muli %parallel_loop3A_293, %parallel_loop3A_298 : i32
        %parallel_loop3A_300 = arith.constant 0 : i32
        %parallel_loop3A_301 = arith.addi %parallel_loop3A_299, %parallel_loop3A_300 : i32
        %parallel_loop3A_302 = arith.constant 16 : i32
        %parallel_loop3A_303 = arith.muli %parallel_loop3A_295, %parallel_loop3A_302 : i32
        %parallel_loop3A_304 = arith.constant 0 : i32
        %parallel_loop3A_305 = arith.constant 0 : i32
        %parallel_loop3A_306 = tpu.memref_slice %arg5[%parallel_loop3A_185, %parallel_loop3A_304, %parallel_loop3A_305] : memref<3x64x128xf32, #tpu.memory_space<vmem>> -> memref<1x64x128xf32, #tpu.memory_space<vmem>>
        %parallel_loop3A_307 = tpu.memref_squeeze %parallel_loop3A_306 : memref<1x64x128xf32, #tpu.memory_space<vmem>> -> memref<64x128xf32, #tpu.memory_space<vmem>>
        %parallel_loop3A_308 = arith.index_cast %parallel_loop3A_301 : i32 to index
        %parallel_loop3A_309 = arith.index_cast %parallel_loop3A_303 : i32 to index
        %parallel_loop3A_310 = tpu.vector_load %parallel_loop3A_307[%parallel_loop3A_308, %parallel_loop3A_309] {strides = array<i32>} : memref<64x128xf32, #tpu.memory_space<vmem>>, vector<16xf32>,
        %parallel_loop3A_311 = arith.constant 16 : i32
        %parallel_loop3A_312 = arith.muli %parallel_loop3A_293, %parallel_loop3A_311 : i32
        %parallel_loop3A_313 = arith.constant 1 : i32
        %parallel_loop3A_314 = arith.addi %parallel_loop3A_312, %parallel_loop3A_313 : i32
        %parallel_loop3A_315 = arith.constant 16 : i32
        %parallel_loop3A_316 = arith.muli %parallel_loop3A_295, %parallel_loop3A_315 : i32
        %parallel_loop3A_317 = arith.constant 0 : i32
        %parallel_loop3A_318 = arith.constant 0 : i32
        %parallel_loop3A_319 = tpu.memref_slice %arg5[%parallel_loop3A_185, %parallel_loop3A_317, %parallel_loop3A_318] : memref<3x64x128xf32, #tpu.memory_space<vmem>> -> memref<1x64x128xf32, #tpu.memory_space<vmem>>
        %parallel_loop3A_320 = tpu.memref_squeeze %parallel_loop3A_319 : memref<1x64x128xf32, #tpu.memory_space<vmem>> -> memref<64x128xf32, #tpu.memory_space<vmem>>
        %parallel_loop3A_321 = arith.index_cast %parallel_loop3A_314 : i32 to index
        %parallel_loop3A_322 = arith.index_cast %parallel_loop3A_316 : i32 to index
        %parallel_loop3A_323 = tpu.vector_load %parallel_loop3A_320[%parallel_loop3A_321, %parallel_loop3A_322] {strides = array<i32>} : memref<64x128xf32, #tpu.memory_space<vmem>>, vector<16xf32>,
        %parallel_loop3A_324 = arith.constant 16 : i32
        %parallel_loop3A_325 = arith.muli %parallel_loop3A_293, %parallel_loop3A_324 : i32
        %parallel_loop3A_326 = arith.constant 2 : i32
        %parallel_loop3A_327 = arith.addi %parallel_loop3A_325, %parallel_loop3A_326 : i32
        %parallel_loop3A_328 = arith.constant 16 : i32
        %parallel_loop3A_329 = arith.muli %parallel_loop3A_295, %parallel_loop3A_328 : i32
        %parallel_loop3A_330 = arith.constant 0 : i32
        %parallel_loop3A_331 = arith.constant 0 : i32
        %parallel_loop3A_332 = tpu.memref_slice %arg5[%parallel_loop3A_185, %parallel_loop3A_330, %parallel_loop3A_331] : memref<3x64x128xf32, #tpu.memory_space<vmem>> -> memref<1x64x128xf32, #tpu.memory_space<vmem>>
        %parallel_loop3A_333 = tpu.memref_squeeze %parallel_loop3A_332 : memref<1x64x128xf32, #tpu.memory_space<vmem>> -> memref<64x128xf32, #tpu.memory_space<vmem>>
        %parallel_loop3A_334 = arith.index_cast %parallel_loop3A_327 : i32 to index
        %parallel_loop3A_335 = arith.index_cast %parallel_loop3A_329 : i32 to index
        %parallel_loop3A_336 = tpu.vector_load %parallel_loop3A_333[%parallel_loop3A_334, %parallel_loop3A_335] {strides = array<i32>} : memref<64x128xf32, #tpu.memory_space<vmem>>, vector<16xf32>,
        %parallel_loop3A_337 = arith.constant 16 : i32
        %parallel_loop3A_338 = arith.muli %parallel_loop3A_293, %parallel_loop3A_337 : i32
        %parallel_loop3A_339 = arith.constant 3 : i32
        %parallel_loop3A_340 = arith.addi %parallel_loop3A_338, %parallel_loop3A_339 : i32
        %parallel_loop3A_341 = arith.constant 16 : i32
        %parallel_loop3A_342 = arith.muli %parallel_loop3A_295, %parallel_loop3A_341 : i32
        %parallel_loop3A_343 = arith.constant 0 : i32
        %parallel_loop3A_344 = arith.constant 0 : i32
        %parallel_loop3A_345 = tpu.memref_slice %arg5[%parallel_loop3A_185, %parallel_loop3A_343, %parallel_loop3A_344] : memref<3x64x128xf32, #tpu.memory_space<vmem>> -> memref<1x64x128xf32, #tpu.memory_space<vmem>>
        %parallel_loop3A_346 = tpu.memref_squeeze %parallel_loop3A_345 : memref<1x64x128xf32, #tpu.memory_space<vmem>> -> memref<64x128xf32, #tpu.memory_space<vmem>>
        %parallel_loop3A_347 = arith.index_cast %parallel_loop3A_340 : i32 to index
        %parallel_loop3A_348 = arith.index_cast %parallel_loop3A_342 : i32 to index
        %parallel_loop3A_349 = tpu.vector_load %parallel_loop3A_346[%parallel_loop3A_347, %parallel_loop3A_348] {strides = array<i32>} : memref<64x128xf32, #tpu.memory_space<vmem>>, vector<16xf32>,
        %parallel_loop3A_350 = arith.constant 16 : i32
        %parallel_loop3A_351 = arith.muli %parallel_loop3A_293, %parallel_loop3A_350 : i32
        %parallel_loop3A_352 = arith.constant 4 : i32
        %parallel_loop3A_353 = arith.addi %parallel_loop3A_351, %parallel_loop3A_352 : i32
        %parallel_loop3A_354 = arith.constant 16 : i32
        %parallel_loop3A_355 = arith.muli %parallel_loop3A_295, %parallel_loop3A_354 : i32
        %parallel_loop3A_356 = arith.constant 0 : i32
        %parallel_loop3A_357 = arith.constant 0 : i32
        %parallel_loop3A_358 = tpu.memref_slice %arg5[%parallel_loop3A_185, %parallel_loop3A_356, %parallel_loop3A_357] : memref<3x64x128xf32, #tpu.memory_space<vmem>> -> memref<1x64x128xf32, #tpu.memory_space<vmem>>
        %parallel_loop3A_359 = tpu.memref_squeeze %parallel_loop3A_358 : memref<1x64x128xf32, #tpu.memory_space<vmem>> -> memref<64x128xf32, #tpu.memory_space<vmem>>
        %parallel_loop3A_360 = arith.index_cast %parallel_loop3A_353 : i32 to index
        %parallel_loop3A_361 = arith.index_cast %parallel_loop3A_355 : i32 to index
        %parallel_loop3A_362 = tpu.vector_load %parallel_loop3A_359[%parallel_loop3A_360, %parallel_loop3A_361] {strides = array<i32>} : memref<64x128xf32, #tpu.memory_space<vmem>>, vector<16xf32>,
        %parallel_loop3A_363 = arith.constant 16 : i32
        %parallel_loop3A_364 = arith.muli %parallel_loop3A_293, %parallel_loop3A_363 : i32
        %parallel_loop3A_365 = arith.constant 5 : i32
        %parallel_loop3A_366 = arith.addi %parallel_loop3A_364, %parallel_loop3A_365 : i32
        %parallel_loop3A_367 = arith.constant 16 : i32
        %parallel_loop3A_368 = arith.muli %parallel_loop3A_295, %parallel_loop3A_367 : i32
        %parallel_loop3A_369 = arith.constant 0 : i32
        %parallel_loop3A_370 = arith.constant 0 : i32
        %parallel_loop3A_371 = tpu.memref_slice %arg5[%parallel_loop3A_185, %parallel_loop3A_369, %parallel_loop3A_370] : memref<3x64x128xf32, #tpu.memory_space<vmem>> -> memref<1x64x128xf32, #tpu.memory_space<vmem>>
        %parallel_loop3A_372 = tpu.memref_squeeze %parallel_loop3A_371 : memref<1x64x128xf32, #tpu.memory_space<vmem>> -> memref<64x128xf32, #tpu.memory_space<vmem>>
        %parallel_loop3A_373 = arith.index_cast %parallel_loop3A_366 : i32 to index
        %parallel_loop3A_374 = arith.index_cast %parallel_loop3A_368 : i32 to index
        %parallel_loop3A_375 = tpu.vector_load %parallel_loop3A_372[%parallel_loop3A_373, %parallel_loop3A_374] {strides = array<i32>} : memref<64x128xf32, #tpu.memory_space<vmem>>, vector<16xf32>,
        %parallel_loop3A_376 = arith.constant 16 : i32
        %parallel_loop3A_377 = arith.muli %parallel_loop3A_293, %parallel_loop3A_376 : i32
        %parallel_loop3A_378 = arith.constant 6 : i32
        %parallel_loop3A_379 = arith.addi %parallel_loop3A_377, %parallel_loop3A_378 : i32
        %parallel_loop3A_380 = arith.constant 16 : i32
        %parallel_loop3A_381 = arith.muli %parallel_loop3A_295, %parallel_loop3A_380 : i32
        %parallel_loop3A_382 = arith.constant 0 : i32
        %parallel_loop3A_383 = arith.constant 0 : i32
        %parallel_loop3A_384 = tpu.memref_slice %arg5[%parallel_loop3A_185, %parallel_loop3A_382, %parallel_loop3A_383] : memref<3x64x128xf32, #tpu.memory_space<vmem>> -> memref<1x64x128xf32, #tpu.memory_space<vmem>>
        %parallel_loop3A_385 = tpu.memref_squeeze %parallel_loop3A_384 : memref<1x64x128xf32, #tpu.memory_space<vmem>> -> memref<64x128xf32, #tpu.memory_space<vmem>>
        %parallel_loop3A_386 = arith.index_cast %parallel_loop3A_379 : i32 to index
        %parallel_loop3A_387 = arith.index_cast %parallel_loop3A_381 : i32 to index
        %parallel_loop3A_388 = tpu.vector_load %parallel_loop3A_385[%parallel_loop3A_386, %parallel_loop3A_387] {strides = array<i32>} : memref<64x128xf32, #tpu.memory_space<vmem>>, vector<16xf32>,
        %parallel_loop3A_389 = arith.constant 16 : i32
        %parallel_loop3A_390 = arith.muli %parallel_loop3A_293, %parallel_loop3A_389 : i32
        %parallel_loop3A_391 = arith.constant 7 : i32
        %parallel_loop3A_392 = arith.addi %parallel_loop3A_390, %parallel_loop3A_391 : i32
        %parallel_loop3A_393 = arith.constant 16 : i32
        %parallel_loop3A_394 = arith.muli %parallel_loop3A_295, %parallel_loop3A_393 : i32
        %parallel_loop3A_395 = arith.constant 0 : i32
        %parallel_loop3A_396 = arith.constant 0 : i32
        %parallel_loop3A_397 = tpu.memref_slice %arg5[%parallel_loop3A_185, %parallel_loop3A_395, %parallel_loop3A_396] : memref<3x64x128xf32, #tpu.memory_space<vmem>> -> memref<1x64x128xf32, #tpu.memory_space<vmem>>
        %parallel_loop3A_398 = tpu.memref_squeeze %parallel_loop3A_397 : memref<1x64x128xf32, #tpu.memory_space<vmem>> -> memref<64x128xf32, #tpu.memory_space<vmem>>
        %parallel_loop3A_399 = arith.index_cast %parallel_loop3A_392 : i32 to index
        %parallel_loop3A_400 = arith.index_cast %parallel_loop3A_394 : i32 to index
        %parallel_loop3A_401 = tpu.vector_load %parallel_loop3A_398[%parallel_loop3A_399, %parallel_loop3A_400] {strides = array<i32>} : memref<64x128xf32, #tpu.memory_space<vmem>>, vector<16xf32>,
        %parallel_loop3A_402 = arith.constant 16 : i32
        %parallel_loop3A_403 = arith.muli %parallel_loop3A_293, %parallel_loop3A_402 : i32
        %parallel_loop3A_404 = arith.constant 8 : i32
        %parallel_loop3A_405 = arith.addi %parallel_loop3A_403, %parallel_loop3A_404 : i32
        %parallel_loop3A_406 = arith.constant 16 : i32
        %parallel_loop3A_407 = arith.muli %parallel_loop3A_295, %parallel_loop3A_406 : i32
        %parallel_loop3A_408 = arith.constant 0 : i32
        %parallel_loop3A_409 = arith.constant 0 : i32
        %parallel_loop3A_410 = tpu.memref_slice %arg5[%parallel_loop3A_185, %parallel_loop3A_408, %parallel_loop3A_409] : memref<3x64x128xf32, #tpu.memory_space<vmem>> -> memref<1x64x128xf32, #tpu.memory_space<vmem>>
        %parallel_loop3A_411 = tpu.memref_squeeze %parallel_loop3A_410 : memref<1x64x128xf32, #tpu.memory_space<vmem>> -> memref<64x128xf32, #tpu.memory_space<vmem>>
        %parallel_loop3A_412 = arith.index_cast %parallel_loop3A_405 : i32 to index
        %parallel_loop3A_413 = arith.index_cast %parallel_loop3A_407 : i32 to index
        %parallel_loop3A_414 = tpu.vector_load %parallel_loop3A_411[%parallel_loop3A_412, %parallel_loop3A_413] {strides = array<i32>} : memref<64x128xf32, #tpu.memory_space<vmem>>, vector<16xf32>,
        %parallel_loop3A_415 = arith.constant 16 : i32
        %parallel_loop3A_416 = arith.muli %parallel_loop3A_293, %parallel_loop3A_415 : i32
        %parallel_loop3A_417 = arith.constant 9 : i32
        %parallel_loop3A_418 = arith.addi %parallel_loop3A_416, %parallel_loop3A_417 : i32
        %parallel_loop3A_419 = arith.constant 16 : i32
        %parallel_loop3A_420 = arith.muli %parallel_loop3A_295, %parallel_loop3A_419 : i32
        %parallel_loop3A_421 = arith.constant 0 : i32
        %parallel_loop3A_422 = arith.constant 0 : i32
        %parallel_loop3A_423 = tpu.memref_slice %arg5[%parallel_loop3A_185, %parallel_loop3A_421, %parallel_loop3A_422] : memref<3x64x128xf32, #tpu.memory_space<vmem>> -> memref<1x64x128xf32, #tpu.memory_space<vmem>>
        %parallel_loop3A_424 = tpu.memref_squeeze %parallel_loop3A_423 : memref<1x64x128xf32, #tpu.memory_space<vmem>> -> memref<64x128xf32, #tpu.memory_space<vmem>>
        %parallel_loop3A_425 = arith.index_cast %parallel_loop3A_418 : i32 to index
        %parallel_loop3A_426 = arith.index_cast %parallel_loop3A_420 : i32 to index
        %parallel_loop3A_427 = tpu.vector_load %parallel_loop3A_424[%parallel_loop3A_425, %parallel_loop3A_426] {strides = array<i32>} : memref<64x128xf32, #tpu.memory_space<vmem>>, vector<16xf32>,
        %parallel_loop3A_428 = arith.constant 16 : i32
        %parallel_loop3A_429 = arith.muli %parallel_loop3A_293, %parallel_loop3A_428 : i32
        %parallel_loop3A_430 = arith.constant 10 : i32
        %parallel_loop3A_431 = arith.addi %parallel_loop3A_429, %parallel_loop3A_430 : i32
        %parallel_loop3A_432 = arith.constant 16 : i32
        %parallel_loop3A_433 = arith.muli %parallel_loop3A_295, %parallel_loop3A_432 : i32
        %parallel_loop3A_434 = arith.constant 0 : i32
        %parallel_loop3A_435 = arith.constant 0 : i32
        %parallel_loop3A_436 = tpu.memref_slice %arg5[%parallel_loop3A_185, %parallel_loop3A_434, %parallel_loop3A_435] : memref<3x64x128xf32, #tpu.memory_space<vmem>> -> memref<1x64x128xf32, #tpu.memory_space<vmem>>
        %parallel_loop3A_437 = tpu.memref_squeeze %parallel_loop3A_436 : memref<1x64x128xf32, #tpu.memory_space<vmem>> -> memref<64x128xf32, #tpu.memory_space<vmem>>
        %parallel_loop3A_438 = arith.index_cast %parallel_loop3A_431 : i32 to index
        %parallel_loop3A_439 = arith.index_cast %parallel_loop3A_433 : i32 to index
        %parallel_loop3A_440 = tpu.vector_load %parallel_loop3A_437[%parallel_loop3A_438, %parallel_loop3A_439] {strides = array<i32>} : memref<64x128xf32, #tpu.memory_space<vmem>>, vector<16xf32>,
        %parallel_loop3A_441 = arith.constant 16 : i32
        %parallel_loop3A_442 = arith.muli %parallel_loop3A_293, %parallel_loop3A_441 : i32
        %parallel_loop3A_443 = arith.constant 11 : i32
        %parallel_loop3A_444 = arith.addi %parallel_loop3A_442, %parallel_loop3A_443 : i32
        %parallel_loop3A_445 = arith.constant 16 : i32
        %parallel_loop3A_446 = arith.muli %parallel_loop3A_295, %parallel_loop3A_445 : i32
        %parallel_loop3A_447 = arith.constant 0 : i32
        %parallel_loop3A_448 = arith.constant 0 : i32
        %parallel_loop3A_449 = tpu.memref_slice %arg5[%parallel_loop3A_185, %parallel_loop3A_447, %parallel_loop3A_448] : memref<3x64x128xf32, #tpu.memory_space<vmem>> -> memref<1x64x128xf32, #tpu.memory_space<vmem>>
        %parallel_loop3A_450 = tpu.memref_squeeze %parallel_loop3A_449 : memref<1x64x128xf32, #tpu.memory_space<vmem>> -> memref<64x128xf32, #tpu.memory_space<vmem>>
        %parallel_loop3A_451 = arith.index_cast %parallel_loop3A_444 : i32 to index
        %parallel_loop3A_452 = arith.index_cast %parallel_loop3A_446 : i32 to index
        %parallel_loop3A_453 = tpu.vector_load %parallel_loop3A_450[%parallel_loop3A_451, %parallel_loop3A_452] {strides = array<i32>} : memref<64x128xf32, #tpu.memory_space<vmem>>, vector<16xf32>,
        %parallel_loop3A_454 = arith.constant 16 : i32
        %parallel_loop3A_455 = arith.muli %parallel_loop3A_293, %parallel_loop3A_454 : i32
        %parallel_loop3A_456 = arith.constant 12 : i32
        %parallel_loop3A_457 = arith.addi %parallel_loop3A_455, %parallel_loop3A_456 : i32
        %parallel_loop3A_458 = arith.constant 16 : i32
        %parallel_loop3A_459 = arith.muli %parallel_loop3A_295, %parallel_loop3A_458 : i32
        %parallel_loop3A_460 = arith.constant 0 : i32
        %parallel_loop3A_461 = arith.constant 0 : i32
        %parallel_loop3A_462 = tpu.memref_slice %arg5[%parallel_loop3A_185, %parallel_loop3A_460, %parallel_loop3A_461] : memref<3x64x128xf32, #tpu.memory_space<vmem>> -> memref<1x64x128xf32, #tpu.memory_space<vmem>>
        %parallel_loop3A_463 = tpu.memref_squeeze %parallel_loop3A_462 : memref<1x64x128xf32, #tpu.memory_space<vmem>> -> memref<64x128xf32, #tpu.memory_space<vmem>>
        %parallel_loop3A_464 = arith.index_cast %parallel_loop3A_457 : i32 to index
        %parallel_loop3A_465 = arith.index_cast %parallel_loop3A_459 : i32 to index
        %parallel_loop3A_466 = tpu.vector_load %parallel_loop3A_463[%parallel_loop3A_464, %parallel_loop3A_465] {strides = array<i32>} : memref<64x128xf32, #tpu.memory_space<vmem>>, vector<16xf32>,
        %parallel_loop3A_467 = arith.constant 16 : i32
        %parallel_loop3A_468 = arith.muli %parallel_loop3A_293, %parallel_loop3A_467 : i32
        %parallel_loop3A_469 = arith.constant 13 : i32
        %parallel_loop3A_470 = arith.addi %parallel_loop3A_468, %parallel_loop3A_469 : i32
        %parallel_loop3A_471 = arith.constant 16 : i32
        %parallel_loop3A_472 = arith.muli %parallel_loop3A_295, %parallel_loop3A_471 : i32
        %parallel_loop3A_473 = arith.constant 0 : i32
        %parallel_loop3A_474 = arith.constant 0 : i32
        %parallel_loop3A_475 = tpu.memref_slice %arg5[%parallel_loop3A_185, %parallel_loop3A_473, %parallel_loop3A_474] : memref<3x64x128xf32, #tpu.memory_space<vmem>> -> memref<1x64x128xf32, #tpu.memory_space<vmem>>
        %parallel_loop3A_476 = tpu.memref_squeeze %parallel_loop3A_475 : memref<1x64x128xf32, #tpu.memory_space<vmem>> -> memref<64x128xf32, #tpu.memory_space<vmem>>
        %parallel_loop3A_477 = arith.index_cast %parallel_loop3A_470 : i32 to index
        %parallel_loop3A_478 = arith.index_cast %parallel_loop3A_472 : i32 to index
        %parallel_loop3A_479 = tpu.vector_load %parallel_loop3A_476[%parallel_loop3A_477, %parallel_loop3A_478] {strides = array<i32>} : memref<64x128xf32, #tpu.memory_space<vmem>>, vector<16xf32>,
        %parallel_loop3A_480 = arith.constant 16 : i32
        %parallel_loop3A_481 = arith.muli %parallel_loop3A_293, %parallel_loop3A_480 : i32
        %parallel_loop3A_482 = arith.constant 14 : i32
        %parallel_loop3A_483 = arith.addi %parallel_loop3A_481, %parallel_loop3A_482 : i32
        %parallel_loop3A_484 = arith.constant 16 : i32
        %parallel_loop3A_485 = arith.muli %parallel_loop3A_295, %parallel_loop3A_484 : i32
        %parallel_loop3A_486 = arith.constant 0 : i32
        %parallel_loop3A_487 = arith.constant 0 : i32
        %parallel_loop3A_488 = tpu.memref_slice %arg5[%parallel_loop3A_185, %parallel_loop3A_486, %parallel_loop3A_487] : memref<3x64x128xf32, #tpu.memory_space<vmem>> -> memref<1x64x128xf32, #tpu.memory_space<vmem>>
        %parallel_loop3A_489 = tpu.memref_squeeze %parallel_loop3A_488 : memref<1x64x128xf32, #tpu.memory_space<vmem>> -> memref<64x128xf32, #tpu.memory_space<vmem>>
        %parallel_loop3A_490 = arith.index_cast %parallel_loop3A_483 : i32 to index
        %parallel_loop3A_491 = arith.index_cast %parallel_loop3A_485 : i32 to index
        %parallel_loop3A_492 = tpu.vector_load %parallel_loop3A_489[%parallel_loop3A_490, %parallel_loop3A_491] {strides = array<i32>} : memref<64x128xf32, #tpu.memory_space<vmem>>, vector<16xf32>,
        %parallel_loop3A_493 = arith.constant 16 : i32
        %parallel_loop3A_494 = arith.muli %parallel_loop3A_293, %parallel_loop3A_493 : i32
        %parallel_loop3A_495 = arith.constant 15 : i32
        %parallel_loop3A_496 = arith.addi %parallel_loop3A_494, %parallel_loop3A_495 : i32
        %parallel_loop3A_497 = arith.constant 16 : i32
        %parallel_loop3A_498 = arith.muli %parallel_loop3A_295, %parallel_loop3A_497 : i32
        %parallel_loop3A_499 = arith.constant 0 : i32
        %parallel_loop3A_500 = arith.constant 0 : i32
        %parallel_loop3A_501 = tpu.memref_slice %arg5[%parallel_loop3A_185, %parallel_loop3A_499, %parallel_loop3A_500] : memref<3x64x128xf32, #tpu.memory_space<vmem>> -> memref<1x64x128xf32, #tpu.memory_space<vmem>>
        %parallel_loop3A_502 = tpu.memref_squeeze %parallel_loop3A_501 : memref<1x64x128xf32, #tpu.memory_space<vmem>> -> memref<64x128xf32, #tpu.memory_space<vmem>>
        %parallel_loop3A_503 = arith.index_cast %parallel_loop3A_496 : i32 to index
        %parallel_loop3A_504 = arith.index_cast %parallel_loop3A_498 : i32 to index
        %parallel_loop3A_505 = tpu.vector_load %parallel_loop3A_502[%parallel_loop3A_503, %parallel_loop3A_504] {strides = array<i32>} : memref<64x128xf32, #tpu.memory_space<vmem>>, vector<16xf32>,
        %parallel_loop3A_506 = arith.constant 0 : i32
        %parallel_loop3A_507 = arith.addi %parallel_loop3A_297, %parallel_loop3A_506 : i32
        %parallel_loop3A_508 = vector.broadcast %parallel_loop3A_507 : i32 to vector<16xi32>
        %parallel_loop3A_509 = arith.addi %iota3A_178, %parallel_loop3A_508 : vector<16xi32>
        tpu.vector_store_idx %arg7[%parallel_loop3A_509], %parallel_loop3A_310 : memref<9216xf32, #tpu.memory_space<vmem>>[vector<16xi32>], vector<16xf32>,
        %parallel_loop3A_510 = arith.constant 17 : i32
        %parallel_loop3A_511 = arith.addi %parallel_loop3A_297, %parallel_loop3A_510 : i32
        %parallel_loop3A_512 = vector.broadcast %parallel_loop3A_511 : i32 to vector<16xi32>
        %parallel_loop3A_513 = arith.addi %iota3A_178, %parallel_loop3A_512 : vector<16xi32>
        tpu.vector_store_idx %arg7[%parallel_loop3A_513], %parallel_loop3A_323 : memref<9216xf32, #tpu.memory_space<vmem>>[vector<16xi32>], vector<16xf32>,
        %parallel_loop3A_514 = arith.constant 34 : i32
        %parallel_loop3A_515 = arith.addi %parallel_loop3A_297, %parallel_loop3A_514 : i32
        %parallel_loop3A_516 = vector.broadcast %parallel_loop3A_515 : i32 to vector<16xi32>
        %parallel_loop3A_517 = arith.addi %iota3A_178, %parallel_loop3A_516 : vector<16xi32>
        tpu.vector_store_idx %arg7[%parallel_loop3A_517], %parallel_loop3A_336 : memref<9216xf32, #tpu.memory_space<vmem>>[vector<16xi32>], vector<16xf32>,
        %parallel_loop3A_518 = arith.constant 51 : i32
        %parallel_loop3A_519 = arith.addi %parallel_loop3A_297, %parallel_loop3A_518 : i32
        %parallel_loop3A_520 = vector.broadcast %parallel_loop3A_519 : i32 to vector<16xi32>
        %parallel_loop3A_521 = arith.addi %iota3A_178, %parallel_loop3A_520 : vector<16xi32>
        tpu.vector_store_idx %arg7[%parallel_loop3A_521], %parallel_loop3A_349 : memref<9216xf32, #tpu.memory_space<vmem>>[vector<16xi32>], vector<16xf32>,
        %parallel_loop3A_522 = arith.constant 68 : i32
        %parallel_loop3A_523 = arith.addi %parallel_loop3A_297, %parallel_loop3A_522 : i32
        %parallel_loop3A_524 = vector.broadcast %parallel_loop3A_523 : i32 to vector<16xi32>
        %parallel_loop3A_525 = arith.addi %iota3A_178, %parallel_loop3A_524 : vector<16xi32>
        tpu.vector_store_idx %arg7[%parallel_loop3A_525], %parallel_loop3A_362 : memref<9216xf32, #tpu.memory_space<vmem>>[vector<16xi32>], vector<16xf32>,
        %parallel_loop3A_526 = arith.constant 85 : i32
        %parallel_loop3A_527 = arith.addi %parallel_loop3A_297, %parallel_loop3A_526 : i32
        %parallel_loop3A_528 = vector.broadcast %parallel_loop3A_527 : i32 to vector<16xi32>
        %parallel_loop3A_529 = arith.addi %iota3A_178, %parallel_loop3A_528 : vector<16xi32>
        tpu.vector_store_idx %arg7[%parallel_loop3A_529], %parallel_loop3A_375 : memref<9216xf32, #tpu.memory_space<vmem>>[vector<16xi32>], vector<16xf32>,
        %parallel_loop3A_530 = arith.constant 102 : i32
        %parallel_loop3A_531 = arith.addi %parallel_loop3A_297, %parallel_loop3A_530 : i32
        %parallel_loop3A_532 = vector.broadcast %parallel_loop3A_531 : i32 to vector<16xi32>
        %parallel_loop3A_533 = arith.addi %iota3A_178, %parallel_loop3A_532 : vector<16xi32>
        tpu.vector_store_idx %arg7[%parallel_loop3A_533], %parallel_loop3A_388 : memref<9216xf32, #tpu.memory_space<vmem>>[vector<16xi32>], vector<16xf32>,
        %parallel_loop3A_534 = arith.constant 119 : i32
        %parallel_loop3A_535 = arith.addi %parallel_loop3A_297, %parallel_loop3A_534 : i32
        %parallel_loop3A_536 = vector.broadcast %parallel_loop3A_535 : i32 to vector<16xi32>
        %parallel_loop3A_537 = arith.addi %iota3A_178, %parallel_loop3A_536 : vector<16xi32>
        tpu.vector_store_idx %arg7[%parallel_loop3A_537], %parallel_loop3A_401 : memref<9216xf32, #tpu.memory_space<vmem>>[vector<16xi32>], vector<16xf32>,
        %parallel_loop3A_538 = arith.constant 136 : i32
        %parallel_loop3A_539 = arith.addi %parallel_loop3A_297, %parallel_loop3A_538 : i32
        %parallel_loop3A_540 = vector.broadcast %parallel_loop3A_539 : i32 to vector<16xi32>
        %parallel_loop3A_541 = arith.addi %iota3A_178, %parallel_loop3A_540 : vector<16xi32>
        tpu.vector_store_idx %arg7[%parallel_loop3A_541], %parallel_loop3A_414 : memref<9216xf32, #tpu.memory_space<vmem>>[vector<16xi32>], vector<16xf32>,
        %parallel_loop3A_542 = arith.constant 153 : i32
        %parallel_loop3A_543 = arith.addi %parallel_loop3A_297, %parallel_loop3A_542 : i32
        %parallel_loop3A_544 = vector.broadcast %parallel_loop3A_543 : i32 to vector<16xi32>
        %parallel_loop3A_545 = arith.addi %iota3A_178, %parallel_loop3A_544 : vector<16xi32>
        tpu.vector_store_idx %arg7[%parallel_loop3A_545], %parallel_loop3A_427 : memref<9216xf32, #tpu.memory_space<vmem>>[vector<16xi32>], vector<16xf32>,
        %parallel_loop3A_546 = arith.constant 170 : i32
        %parallel_loop3A_547 = arith.addi %parallel_loop3A_297, %parallel_loop3A_546 : i32
        %parallel_loop3A_548 = vector.broadcast %parallel_loop3A_547 : i32 to vector<16xi32>
        %parallel_loop3A_549 = arith.addi %iota3A_178, %parallel_loop3A_548 : vector<16xi32>
        tpu.vector_store_idx %arg7[%parallel_loop3A_549], %parallel_loop3A_440 : memref<9216xf32, #tpu.memory_space<vmem>>[vector<16xi32>], vector<16xf32>,
        %parallel_loop3A_550 = arith.constant 187 : i32
        %parallel_loop3A_551 = arith.addi %parallel_loop3A_297, %parallel_loop3A_550 : i32
        %parallel_loop3A_552 = vector.broadcast %parallel_loop3A_551 : i32 to vector<16xi32>
        %parallel_loop3A_553 = arith.addi %iota3A_178, %parallel_loop3A_552 : vector<16xi32>
        tpu.vector_store_idx %arg7[%parallel_loop3A_553], %parallel_loop3A_453 : memref<9216xf32, #tpu.memory_space<vmem>>[vector<16xi32>], vector<16xf32>,
        %parallel_loop3A_554 = arith.constant 204 : i32
        %parallel_loop3A_555 = arith.addi %parallel_loop3A_297, %parallel_loop3A_554 : i32
        %parallel_loop3A_556 = vector.broadcast %parallel_loop3A_555 : i32 to vector<16xi32>
        %parallel_loop3A_557 = arith.addi %iota3A_178, %parallel_loop3A_556 : vector<16xi32>
        tpu.vector_store_idx %arg7[%parallel_loop3A_557], %parallel_loop3A_466 : memref<9216xf32, #tpu.memory_space<vmem>>[vector<16xi32>], vector<16xf32>,
        %parallel_loop3A_558 = arith.constant 221 : i32
        %parallel_loop3A_559 = arith.addi %parallel_loop3A_297, %parallel_loop3A_558 : i32
        %parallel_loop3A_560 = vector.broadcast %parallel_loop3A_559 : i32 to vector<16xi32>
        %parallel_loop3A_561 = arith.addi %iota3A_178, %parallel_loop3A_560 : vector<16xi32>
        tpu.vector_store_idx %arg7[%parallel_loop3A_561], %parallel_loop3A_479 : memref<9216xf32, #tpu.memory_space<vmem>>[vector<16xi32>], vector<16xf32>,
        %parallel_loop3A_562 = arith.constant 238 : i32
        %parallel_loop3A_563 = arith.addi %parallel_loop3A_297, %parallel_loop3A_562 : i32
        %parallel_loop3A_564 = vector.broadcast %parallel_loop3A_563 : i32 to vector<16xi32>
        %parallel_loop3A_565 = arith.addi %iota3A_178, %parallel_loop3A_564 : vector<16xi32>
        tpu.vector_store_idx %arg7[%parallel_loop3A_565], %parallel_loop3A_492 : memref<9216xf32, #tpu.memory_space<vmem>>[vector<16xi32>], vector<16xf32>,
        %parallel_loop3A_566 = arith.constant 255 : i32
        %parallel_loop3A_567 = arith.addi %parallel_loop3A_297, %parallel_loop3A_566 : i32
        %parallel_loop3A_568 = vector.broadcast %parallel_loop3A_567 : i32 to vector<16xi32>
        %parallel_loop3A_569 = arith.addi %iota3A_178, %parallel_loop3A_568 : vector<16xi32>
        tpu.vector_store_idx %arg7[%parallel_loop3A_569], %parallel_loop3A_505 : memref<9216xf32, #tpu.memory_space<vmem>>[vector<16xi32>], vector<16xf32>,
        %parallel_loop3A_570 = arith.constant 0 : i32
        %parallel_loop3A_571 = arith.addi %parallel_loop3A_297, %parallel_loop3A_570 : i32
        %parallel_loop3A_572 = vector.broadcast %parallel_loop3A_571 : i32 to vector<16xi32>
        %parallel_loop3A_573 = arith.addi %mul3A_181, %parallel_loop3A_572 : vector<16xi32>
        %parallel_loop3A_574 = tpu.vector_load_idx %arg7[%parallel_loop3A_573] : memref<9216xf32, #tpu.memory_space<vmem>>[vector<16xi32>], vector<16xf32>,
        %parallel_loop3A_575 = arith.constant 1 : i32
        %parallel_loop3A_576 = arith.addi %parallel_loop3A_297, %parallel_loop3A_575 : i32
        %parallel_loop3A_577 = vector.broadcast %parallel_loop3A_576 : i32 to vector<16xi32>
        %parallel_loop3A_578 = arith.addi %mul3A_181, %parallel_loop3A_577 : vector<16xi32>
        %parallel_loop3A_579 = tpu.vector_load_idx %arg7[%parallel_loop3A_578] : memref<9216xf32, #tpu.memory_space<vmem>>[vector<16xi32>], vector<16xf32>,
        %parallel_loop3A_580 = arith.constant 2 : i32
        %parallel_loop3A_581 = arith.addi %parallel_loop3A_297, %parallel_loop3A_580 : i32
        %parallel_loop3A_582 = vector.broadcast %parallel_loop3A_581 : i32 to vector<16xi32>
        %parallel_loop3A_583 = arith.addi %mul3A_181, %parallel_loop3A_582 : vector<16xi32>
        %parallel_loop3A_584 = tpu.vector_load_idx %arg7[%parallel_loop3A_583] : memref<9216xf32, #tpu.memory_space<vmem>>[vector<16xi32>], vector<16xf32>,
        %parallel_loop3A_585 = arith.constant 3 : i32
        %parallel_loop3A_586 = arith.addi %parallel_loop3A_297, %parallel_loop3A_585 : i32
        %parallel_loop3A_587 = vector.broadcast %parallel_loop3A_586 : i32 to vector<16xi32>
        %parallel_loop3A_588 = arith.addi %mul3A_181, %parallel_loop3A_587 : vector<16xi32>
        %parallel_loop3A_589 = tpu.vector_load_idx %arg7[%parallel_loop3A_588] : memref<9216xf32, #tpu.memory_space<vmem>>[vector<16xi32>], vector<16xf32>,
        %parallel_loop3A_590 = arith.constant 4 : i32
        %parallel_loop3A_591 = arith.addi %parallel_loop3A_297, %parallel_loop3A_590 : i32
        %parallel_loop3A_592 = vector.broadcast %parallel_loop3A_591 : i32 to vector<16xi32>
        %parallel_loop3A_593 = arith.addi %mul3A_181, %parallel_loop3A_592 : vector<16xi32>
        %parallel_loop3A_594 = tpu.vector_load_idx %arg7[%parallel_loop3A_593] : memref<9216xf32, #tpu.memory_space<vmem>>[vector<16xi32>], vector<16xf32>,
        %parallel_loop3A_595 = arith.constant 5 : i32
        %parallel_loop3A_596 = arith.addi %parallel_loop3A_297, %parallel_loop3A_595 : i32
        %parallel_loop3A_597 = vector.broadcast %parallel_loop3A_596 : i32 to vector<16xi32>
        %parallel_loop3A_598 = arith.addi %mul3A_181, %parallel_loop3A_597 : vector<16xi32>
        %parallel_loop3A_599 = tpu.vector_load_idx %arg7[%parallel_loop3A_598] : memref<9216xf32, #tpu.memory_space<vmem>>[vector<16xi32>], vector<16xf32>,
        %parallel_loop3A_600 = arith.constant 6 : i32
        %parallel_loop3A_601 = arith.addi %parallel_loop3A_297, %parallel_loop3A_600 : i32
        %parallel_loop3A_602 = vector.broadcast %parallel_loop3A_601 : i32 to vector<16xi32>
        %parallel_loop3A_603 = arith.addi %mul3A_181, %parallel_loop3A_602 : vector<16xi32>
        %parallel_loop3A_604 = tpu.vector_load_idx %arg7[%parallel_loop3A_603] : memref<9216xf32, #tpu.memory_space<vmem>>[vector<16xi32>], vector<16xf32>,
        %parallel_loop3A_605 = arith.constant 7 : i32
        %parallel_loop3A_606 = arith.addi %parallel_loop3A_297, %parallel_loop3A_605 : i32
        %parallel_loop3A_607 = vector.broadcast %parallel_loop3A_606 : i32 to vector<16xi32>
        %parallel_loop3A_608 = arith.addi %mul3A_181, %parallel_loop3A_607 : vector<16xi32>
        %parallel_loop3A_609 = tpu.vector_load_idx %arg7[%parallel_loop3A_608] : memref<9216xf32, #tpu.memory_space<vmem>>[vector<16xi32>], vector<16xf32>,
        %parallel_loop3A_610 = arith.constant 8 : i32
        %parallel_loop3A_611 = arith.addi %parallel_loop3A_297, %parallel_loop3A_610 : i32
        %parallel_loop3A_612 = vector.broadcast %parallel_loop3A_611 : i32 to vector<16xi32>
        %parallel_loop3A_613 = arith.addi %mul3A_181, %parallel_loop3A_612 : vector<16xi32>
        %parallel_loop3A_614 = tpu.vector_load_idx %arg7[%parallel_loop3A_613] : memref<9216xf32, #tpu.memory_space<vmem>>[vector<16xi32>], vector<16xf32>,
        %parallel_loop3A_615 = arith.constant 9 : i32
        %parallel_loop3A_616 = arith.addi %parallel_loop3A_297, %parallel_loop3A_615 : i32
        %parallel_loop3A_617 = vector.broadcast %parallel_loop3A_616 : i32 to vector<16xi32>
        %parallel_loop3A_618 = arith.addi %mul3A_181, %parallel_loop3A_617 : vector<16xi32>
        %parallel_loop3A_619 = tpu.vector_load_idx %arg7[%parallel_loop3A_618] : memref<9216xf32, #tpu.memory_space<vmem>>[vector<16xi32>], vector<16xf32>,
        %parallel_loop3A_620 = arith.constant 10 : i32
        %parallel_loop3A_621 = arith.addi %parallel_loop3A_297, %parallel_loop3A_620 : i32
        %parallel_loop3A_622 = vector.broadcast %parallel_loop3A_621 : i32 to vector<16xi32>
        %parallel_loop3A_623 = arith.addi %mul3A_181, %parallel_loop3A_622 : vector<16xi32>
        %parallel_loop3A_624 = tpu.vector_load_idx %arg7[%parallel_loop3A_623] : memref<9216xf32, #tpu.memory_space<vmem>>[vector<16xi32>], vector<16xf32>,
        %parallel_loop3A_625 = arith.constant 11 : i32
        %parallel_loop3A_626 = arith.addi %parallel_loop3A_297, %parallel_loop3A_625 : i32
        %parallel_loop3A_627 = vector.broadcast %parallel_loop3A_626 : i32 to vector<16xi32>
        %parallel_loop3A_628 = arith.addi %mul3A_181, %parallel_loop3A_627 : vector<16xi32>
        %parallel_loop3A_629 = tpu.vector_load_idx %arg7[%parallel_loop3A_628] : memref<9216xf32, #tpu.memory_space<vmem>>[vector<16xi32>], vector<16xf32>,
        %parallel_loop3A_630 = arith.constant 12 : i32
        %parallel_loop3A_631 = arith.addi %parallel_loop3A_297, %parallel_loop3A_630 : i32
        %parallel_loop3A_632 = vector.broadcast %parallel_loop3A_631 : i32 to vector<16xi32>
        %parallel_loop3A_633 = arith.addi %mul3A_181, %parallel_loop3A_632 : vector<16xi32>
        %parallel_loop3A_634 = tpu.vector_load_idx %arg7[%parallel_loop3A_633] : memref<9216xf32, #tpu.memory_space<vmem>>[vector<16xi32>], vector<16xf32>,
        %parallel_loop3A_635 = arith.constant 13 : i32
        %parallel_loop3A_636 = arith.addi %parallel_loop3A_297, %parallel_loop3A_635 : i32
        %parallel_loop3A_637 = vector.broadcast %parallel_loop3A_636 : i32 to vector<16xi32>
        %parallel_loop3A_638 = arith.addi %mul3A_181, %parallel_loop3A_637 : vector<16xi32>
        %parallel_loop3A_639 = tpu.vector_load_idx %arg7[%parallel_loop3A_638] : memref<9216xf32, #tpu.memory_space<vmem>>[vector<16xi32>], vector<16xf32>,
        %parallel_loop3A_640 = arith.constant 14 : i32
        %parallel_loop3A_641 = arith.addi %parallel_loop3A_297, %parallel_loop3A_640 : i32
        %parallel_loop3A_642 = vector.broadcast %parallel_loop3A_641 : i32 to vector<16xi32>
        %parallel_loop3A_643 = arith.addi %mul3A_181, %parallel_loop3A_642 : vector<16xi32>
        %parallel_loop3A_644 = tpu.vector_load_idx %arg7[%parallel_loop3A_643] : memref<9216xf32, #tpu.memory_space<vmem>>[vector<16xi32>], vector<16xf32>,
        %parallel_loop3A_645 = arith.constant 15 : i32
        %parallel_loop3A_646 = arith.addi %parallel_loop3A_297, %parallel_loop3A_645 : i32
        %parallel_loop3A_647 = vector.broadcast %parallel_loop3A_646 : i32 to vector<16xi32>
        %parallel_loop3A_648 = arith.addi %mul3A_181, %parallel_loop3A_647 : vector<16xi32>
        %parallel_loop3A_649 = tpu.vector_load_idx %arg7[%parallel_loop3A_648] : memref<9216xf32, #tpu.memory_space<vmem>>[vector<16xi32>], vector<16xf32>,
        %parallel_loop3A_650 = arith.constant 16 : i32
        %parallel_loop3A_651 = arith.muli %parallel_loop3A_295, %parallel_loop3A_650 : i32
        %parallel_loop3A_652 = arith.constant 0 : i32
        %parallel_loop3A_653 = arith.addi %parallel_loop3A_651, %parallel_loop3A_652 : i32
        %parallel_loop3A_654 = arith.constant 16 : i32
        %parallel_loop3A_655 = arith.muli %parallel_loop3A_293, %parallel_loop3A_654 : i32
        %parallel_loop3A_656 = arith.constant 0 : i32
        %parallel_loop3A_657 = arith.constant 0 : i32
        %parallel_loop3A_658 = tpu.memref_slice %arg6[%parallel_loop3A_186, %parallel_loop3A_656, %parallel_loop3A_657] : memref<3x128x128xf32, #tpu.memory_space<vmem>> -> memref<1x128x128xf32, #tpu.memory_space<vmem>>
        %parallel_loop3A_659 = tpu.memref_squeeze %parallel_loop3A_658 : memref<1x128x128xf32, #tpu.memory_space<vmem>> -> memref<128x128xf32, #tpu.memory_space<vmem>>
        %parallel_loop3A_660 = arith.index_cast %parallel_loop3A_653 : i32 to index
        %parallel_loop3A_661 = arith.index_cast %parallel_loop3A_655 : i32 to index
        %parallel_loop3A_662 = tpu.vector_load %parallel_loop3A_659[%parallel_loop3A_660, %parallel_loop3A_661] {strides = array<i32>} : memref<128x128xf32, #tpu.memory_space<vmem>>, vector<16xf32>,
        tpu.vector_store %parallel_loop3A_659[%parallel_loop3A_660, %parallel_loop3A_661], %parallel_loop3A_574 {strides = array<i32>} : memref<128x128xf32, #tpu.memory_space<vmem>>, vector<16xf32>,
        %parallel_loop3A_663 = arith.constant 16 : i32
        %parallel_loop3A_664 = arith.muli %parallel_loop3A_295, %parallel_loop3A_663 : i32
        %parallel_loop3A_665 = arith.constant 1 : i32
        %parallel_loop3A_666 = arith.addi %parallel_loop3A_664, %parallel_loop3A_665 : i32
        %parallel_loop3A_667 = arith.constant 16 : i32
        %parallel_loop3A_668 = arith.muli %parallel_loop3A_293, %parallel_loop3A_667 : i32
        %parallel_loop3A_669 = arith.constant 0 : i32
        %parallel_loop3A_670 = arith.constant 0 : i32
        %parallel_loop3A_671 = tpu.memref_slice %arg6[%parallel_loop3A_186, %parallel_loop3A_669, %parallel_loop3A_670] : memref<3x128x128xf32, #tpu.memory_space<vmem>> -> memref<1x128x128xf32, #tpu.memory_space<vmem>>
        %parallel_loop3A_672 = tpu.memref_squeeze %parallel_loop3A_671 : memref<1x128x128xf32, #tpu.memory_space<vmem>> -> memref<128x128xf32, #tpu.memory_space<vmem>>
        %parallel_loop3A_673 = arith.index_cast %parallel_loop3A_666 : i32 to index
        %parallel_loop3A_674 = arith.index_cast %parallel_loop3A_668 : i32 to index
        %parallel_loop3A_675 = tpu.vector_load %parallel_loop3A_672[%parallel_loop3A_673, %parallel_loop3A_674] {strides = array<i32>} : memref<128x128xf32, #tpu.memory_space<vmem>>, vector<16xf32>,
        tpu.vector_store %parallel_loop3A_672[%parallel_loop3A_673, %parallel_loop3A_674], %parallel_loop3A_579 {strides = array<i32>} : memref<128x128xf32, #tpu.memory_space<vmem>>, vector<16xf32>,
        %parallel_loop3A_676 = arith.constant 16 : i32
        %parallel_loop3A_677 = arith.muli %parallel_loop3A_295, %parallel_loop3A_676 : i32
        %parallel_loop3A_678 = arith.constant 2 : i32
        %parallel_loop3A_679 = arith.addi %parallel_loop3A_677, %parallel_loop3A_678 : i32
        %parallel_loop3A_680 = arith.constant 16 : i32
        %parallel_loop3A_681 = arith.muli %parallel_loop3A_293, %parallel_loop3A_680 : i32
        %parallel_loop3A_682 = arith.constant 0 : i32
        %parallel_loop3A_683 = arith.constant 0 : i32
        %parallel_loop3A_684 = tpu.memref_slice %arg6[%parallel_loop3A_186, %parallel_loop3A_682, %parallel_loop3A_683] : memref<3x128x128xf32, #tpu.memory_space<vmem>> -> memref<1x128x128xf32, #tpu.memory_space<vmem>>
        %parallel_loop3A_685 = tpu.memref_squeeze %parallel_loop3A_684 : memref<1x128x128xf32, #tpu.memory_space<vmem>> -> memref<128x128xf32, #tpu.memory_space<vmem>>
        %parallel_loop3A_686 = arith.index_cast %parallel_loop3A_679 : i32 to index
        %parallel_loop3A_687 = arith.index_cast %parallel_loop3A_681 : i32 to index
        %parallel_loop3A_688 = tpu.vector_load %parallel_loop3A_685[%parallel_loop3A_686, %parallel_loop3A_687] {strides = array<i32>} : memref<128x128xf32, #tpu.memory_space<vmem>>, vector<16xf32>,
        tpu.vector_store %parallel_loop3A_685[%parallel_loop3A_686, %parallel_loop3A_687], %parallel_loop3A_584 {strides = array<i32>} : memref<128x128xf32, #tpu.memory_space<vmem>>, vector<16xf32>,
        %parallel_loop3A_689 = arith.constant 16 : i32
        %parallel_loop3A_690 = arith.muli %parallel_loop3A_295, %parallel_loop3A_689 : i32
        %parallel_loop3A_691 = arith.constant 3 : i32
        %parallel_loop3A_692 = arith.addi %parallel_loop3A_690, %parallel_loop3A_691 : i32
        %parallel_loop3A_693 = arith.constant 16 : i32
        %parallel_loop3A_694 = arith.muli %parallel_loop3A_293, %parallel_loop3A_693 : i32
        %parallel_loop3A_695 = arith.constant 0 : i32
        %parallel_loop3A_696 = arith.constant 0 : i32
        %parallel_loop3A_697 = tpu.memref_slice %arg6[%parallel_loop3A_186, %parallel_loop3A_695, %parallel_loop3A_696] : memref<3x128x128xf32, #tpu.memory_space<vmem>> -> memref<1x128x128xf32, #tpu.memory_space<vmem>>
        %parallel_loop3A_698 = tpu.memref_squeeze %parallel_loop3A_697 : memref<1x128x128xf32, #tpu.memory_space<vmem>> -> memref<128x128xf32, #tpu.memory_space<vmem>>
        %parallel_loop3A_699 = arith.index_cast %parallel_loop3A_692 : i32 to index
        %parallel_loop3A_700 = arith.index_cast %parallel_loop3A_694 : i32 to index
        %parallel_loop3A_701 = tpu.vector_load %parallel_loop3A_698[%parallel_loop3A_699, %parallel_loop3A_700] {strides = array<i32>} : memref<128x128xf32, #tpu.memory_space<vmem>>, vector<16xf32>,
        tpu.vector_store %parallel_loop3A_698[%parallel_loop3A_699, %parallel_loop3A_700], %parallel_loop3A_589 {strides = array<i32>} : memref<128x128xf32, #tpu.memory_space<vmem>>, vector<16xf32>,
        %parallel_loop3A_702 = arith.constant 16 : i32
        %parallel_loop3A_703 = arith.muli %parallel_loop3A_295, %parallel_loop3A_702 : i32
        %parallel_loop3A_704 = arith.constant 4 : i32
        %parallel_loop3A_705 = arith.addi %parallel_loop3A_703, %parallel_loop3A_704 : i32
        %parallel_loop3A_706 = arith.constant 16 : i32
        %parallel_loop3A_707 = arith.muli %parallel_loop3A_293, %parallel_loop3A_706 : i32
        %parallel_loop3A_708 = arith.constant 0 : i32
        %parallel_loop3A_709 = arith.constant 0 : i32
        %parallel_loop3A_710 = tpu.memref_slice %arg6[%parallel_loop3A_186, %parallel_loop3A_708, %parallel_loop3A_709] : memref<3x128x128xf32, #tpu.memory_space<vmem>> -> memref<1x128x128xf32, #tpu.memory_space<vmem>>
        %parallel_loop3A_711 = tpu.memref_squeeze %parallel_loop3A_710 : memref<1x128x128xf32, #tpu.memory_space<vmem>> -> memref<128x128xf32, #tpu.memory_space<vmem>>
        %parallel_loop3A_712 = arith.index_cast %parallel_loop3A_705 : i32 to index
        %parallel_loop3A_713 = arith.index_cast %parallel_loop3A_707 : i32 to index
        %parallel_loop3A_714 = tpu.vector_load %parallel_loop3A_711[%parallel_loop3A_712, %parallel_loop3A_713] {strides = array<i32>} : memref<128x128xf32, #tpu.memory_space<vmem>>, vector<16xf32>,
        tpu.vector_store %parallel_loop3A_711[%parallel_loop3A_712, %parallel_loop3A_713], %parallel_loop3A_594 {strides = array<i32>} : memref<128x128xf32, #tpu.memory_space<vmem>>, vector<16xf32>,
        %parallel_loop3A_715 = arith.constant 16 : i32
        %parallel_loop3A_716 = arith.muli %parallel_loop3A_295, %parallel_loop3A_715 : i32
        %parallel_loop3A_717 = arith.constant 5 : i32
        %parallel_loop3A_718 = arith.addi %parallel_loop3A_716, %parallel_loop3A_717 : i32
        %parallel_loop3A_719 = arith.constant 16 : i32
        %parallel_loop3A_720 = arith.muli %parallel_loop3A_293, %parallel_loop3A_719 : i32
        %parallel_loop3A_721 = arith.constant 0 : i32
        %parallel_loop3A_722 = arith.constant 0 : i32
        %parallel_loop3A_723 = tpu.memref_slice %arg6[%parallel_loop3A_186, %parallel_loop3A_721, %parallel_loop3A_722] : memref<3x128x128xf32, #tpu.memory_space<vmem>> -> memref<1x128x128xf32, #tpu.memory_space<vmem>>
        %parallel_loop3A_724 = tpu.memref_squeeze %parallel_loop3A_723 : memref<1x128x128xf32, #tpu.memory_space<vmem>> -> memref<128x128xf32, #tpu.memory_space<vmem>>
        %parallel_loop3A_725 = arith.index_cast %parallel_loop3A_718 : i32 to index
        %parallel_loop3A_726 = arith.index_cast %parallel_loop3A_720 : i32 to index
        %parallel_loop3A_727 = tpu.vector_load %parallel_loop3A_724[%parallel_loop3A_725, %parallel_loop3A_726] {strides = array<i32>} : memref<128x128xf32, #tpu.memory_space<vmem>>, vector<16xf32>,
        tpu.vector_store %parallel_loop3A_724[%parallel_loop3A_725, %parallel_loop3A_726], %parallel_loop3A_599 {strides = array<i32>} : memref<128x128xf32, #tpu.memory_space<vmem>>, vector<16xf32>,
        %parallel_loop3A_728 = arith.constant 16 : i32
        %parallel_loop3A_729 = arith.muli %parallel_loop3A_295, %parallel_loop3A_728 : i32
        %parallel_loop3A_730 = arith.constant 6 : i32
        %parallel_loop3A_731 = arith.addi %parallel_loop3A_729, %parallel_loop3A_730 : i32
        %parallel_loop3A_732 = arith.constant 16 : i32
        %parallel_loop3A_733 = arith.muli %parallel_loop3A_293, %parallel_loop3A_732 : i32
        %parallel_loop3A_734 = arith.constant 0 : i32
        %parallel_loop3A_735 = arith.constant 0 : i32
        %parallel_loop3A_736 = tpu.memref_slice %arg6[%parallel_loop3A_186, %parallel_loop3A_734, %parallel_loop3A_735] : memref<3x128x128xf32, #tpu.memory_space<vmem>> -> memref<1x128x128xf32, #tpu.memory_space<vmem>>
        %parallel_loop3A_737 = tpu.memref_squeeze %parallel_loop3A_736 : memref<1x128x128xf32, #tpu.memory_space<vmem>> -> memref<128x128xf32, #tpu.memory_space<vmem>>
        %parallel_loop3A_738 = arith.index_cast %parallel_loop3A_731 : i32 to index
        %parallel_loop3A_739 = arith.index_cast %parallel_loop3A_733 : i32 to index
        %parallel_loop3A_740 = tpu.vector_load %parallel_loop3A_737[%parallel_loop3A_738, %parallel_loop3A_739] {strides = array<i32>} : memref<128x128xf32, #tpu.memory_space<vmem>>, vector<16xf32>,
        tpu.vector_store %parallel_loop3A_737[%parallel_loop3A_738, %parallel_loop3A_739], %parallel_loop3A_604 {strides = array<i32>} : memref<128x128xf32, #tpu.memory_space<vmem>>, vector<16xf32>,
        %parallel_loop3A_741 = arith.constant 16 : i32
        %parallel_loop3A_742 = arith.muli %parallel_loop3A_295, %parallel_loop3A_741 : i32
        %parallel_loop3A_743 = arith.constant 7 : i32
        %parallel_loop3A_744 = arith.addi %parallel_loop3A_742, %parallel_loop3A_743 : i32
        %parallel_loop3A_745 = arith.constant 16 : i32
        %parallel_loop3A_746 = arith.muli %parallel_loop3A_293, %parallel_loop3A_745 : i32
        %parallel_loop3A_747 = arith.constant 0 : i32
        %parallel_loop3A_748 = arith.constant 0 : i32
        %parallel_loop3A_749 = tpu.memref_slice %arg6[%parallel_loop3A_186, %parallel_loop3A_747, %parallel_loop3A_748] : memref<3x128x128xf32, #tpu.memory_space<vmem>> -> memref<1x128x128xf32, #tpu.memory_space<vmem>>
        %parallel_loop3A_750 = tpu.memref_squeeze %parallel_loop3A_749 : memref<1x128x128xf32, #tpu.memory_space<vmem>> -> memref<128x128xf32, #tpu.memory_space<vmem>>
        %parallel_loop3A_751 = arith.index_cast %parallel_loop3A_744 : i32 to index
        %parallel_loop3A_752 = arith.index_cast %parallel_loop3A_746 : i32 to index
        %parallel_loop3A_753 = tpu.vector_load %parallel_loop3A_750[%parallel_loop3A_751, %parallel_loop3A_752] {strides = array<i32>} : memref<128x128xf32, #tpu.memory_space<vmem>>, vector<16xf32>,
        tpu.vector_store %parallel_loop3A_750[%parallel_loop3A_751, %parallel_loop3A_752], %parallel_loop3A_609 {strides = array<i32>} : memref<128x128xf32, #tpu.memory_space<vmem>>, vector<16xf32>,
        %parallel_loop3A_754 = arith.constant 16 : i32
        %parallel_loop3A_755 = arith.muli %parallel_loop3A_295, %parallel_loop3A_754 : i32
        %parallel_loop3A_756 = arith.constant 8 : i32
        %parallel_loop3A_757 = arith.addi %parallel_loop3A_755, %parallel_loop3A_756 : i32
        %parallel_loop3A_758 = arith.constant 16 : i32
        %parallel_loop3A_759 = arith.muli %parallel_loop3A_293, %parallel_loop3A_758 : i32
        %parallel_loop3A_760 = arith.constant 0 : i32
        %parallel_loop3A_761 = arith.constant 0 : i32
        %parallel_loop3A_762 = tpu.memref_slice %arg6[%parallel_loop3A_186, %parallel_loop3A_760, %parallel_loop3A_761] : memref<3x128x128xf32, #tpu.memory_space<vmem>> -> memref<1x128x128xf32, #tpu.memory_space<vmem>>
        %parallel_loop3A_763 = tpu.memref_squeeze %parallel_loop3A_762 : memref<1x128x128xf32, #tpu.memory_space<vmem>> -> memref<128x128xf32, #tpu.memory_space<vmem>>
        %parallel_loop3A_764 = arith.index_cast %parallel_loop3A_757 : i32 to index
        %parallel_loop3A_765 = arith.index_cast %parallel_loop3A_759 : i32 to index
        %parallel_loop3A_766 = tpu.vector_load %parallel_loop3A_763[%parallel_loop3A_764, %parallel_loop3A_765] {strides = array<i32>} : memref<128x128xf32, #tpu.memory_space<vmem>>, vector<16xf32>,
        tpu.vector_store %parallel_loop3A_763[%parallel_loop3A_764, %parallel_loop3A_765], %parallel_loop3A_614 {strides = array<i32>} : memref<128x128xf32, #tpu.memory_space<vmem>>, vector<16xf32>,
        %parallel_loop3A_767 = arith.constant 16 : i32
        %parallel_loop3A_768 = arith.muli %parallel_loop3A_295, %parallel_loop3A_767 : i32
        %parallel_loop3A_769 = arith.constant 9 : i32
        %parallel_loop3A_770 = arith.addi %parallel_loop3A_768, %parallel_loop3A_769 : i32
        %parallel_loop3A_771 = arith.constant 16 : i32
        %parallel_loop3A_772 = arith.muli %parallel_loop3A_293, %parallel_loop3A_771 : i32
        %parallel_loop3A_773 = arith.constant 0 : i32
        %parallel_loop3A_774 = arith.constant 0 : i32
        %parallel_loop3A_775 = tpu.memref_slice %arg6[%parallel_loop3A_186, %parallel_loop3A_773, %parallel_loop3A_774] : memref<3x128x128xf32, #tpu.memory_space<vmem>> -> memref<1x128x128xf32, #tpu.memory_space<vmem>>
        %parallel_loop3A_776 = tpu.memref_squeeze %parallel_loop3A_775 : memref<1x128x128xf32, #tpu.memory_space<vmem>> -> memref<128x128xf32, #tpu.memory_space<vmem>>
        %parallel_loop3A_777 = arith.index_cast %parallel_loop3A_770 : i32 to index
        %parallel_loop3A_778 = arith.index_cast %parallel_loop3A_772 : i32 to index
        %parallel_loop3A_779 = tpu.vector_load %parallel_loop3A_776[%parallel_loop3A_777, %parallel_loop3A_778] {strides = array<i32>} : memref<128x128xf32, #tpu.memory_space<vmem>>, vector<16xf32>,
        tpu.vector_store %parallel_loop3A_776[%parallel_loop3A_777, %parallel_loop3A_778], %parallel_loop3A_619 {strides = array<i32>} : memref<128x128xf32, #tpu.memory_space<vmem>>, vector<16xf32>,
        %parallel_loop3A_780 = arith.constant 16 : i32
        %parallel_loop3A_781 = arith.muli %parallel_loop3A_295, %parallel_loop3A_780 : i32
        %parallel_loop3A_782 = arith.constant 10 : i32
        %parallel_loop3A_783 = arith.addi %parallel_loop3A_781, %parallel_loop3A_782 : i32
        %parallel_loop3A_784 = arith.constant 16 : i32
        %parallel_loop3A_785 = arith.muli %parallel_loop3A_293, %parallel_loop3A_784 : i32
        %parallel_loop3A_786 = arith.constant 0 : i32
        %parallel_loop3A_787 = arith.constant 0 : i32
        %parallel_loop3A_788 = tpu.memref_slice %arg6[%parallel_loop3A_186, %parallel_loop3A_786, %parallel_loop3A_787] : memref<3x128x128xf32, #tpu.memory_space<vmem>> -> memref<1x128x128xf32, #tpu.memory_space<vmem>>
        %parallel_loop3A_789 = tpu.memref_squeeze %parallel_loop3A_788 : memref<1x128x128xf32, #tpu.memory_space<vmem>> -> memref<128x128xf32, #tpu.memory_space<vmem>>
        %parallel_loop3A_790 = arith.index_cast %parallel_loop3A_783 : i32 to index
        %parallel_loop3A_791 = arith.index_cast %parallel_loop3A_785 : i32 to index
        %parallel_loop3A_792 = tpu.vector_load %parallel_loop3A_789[%parallel_loop3A_790, %parallel_loop3A_791] {strides = array<i32>} : memref<128x128xf32, #tpu.memory_space<vmem>>, vector<16xf32>,
        tpu.vector_store %parallel_loop3A_789[%parallel_loop3A_790, %parallel_loop3A_791], %parallel_loop3A_624 {strides = array<i32>} : memref<128x128xf32, #tpu.memory_space<vmem>>, vector<16xf32>,
        %parallel_loop3A_793 = arith.constant 16 : i32
        %parallel_loop3A_794 = arith.muli %parallel_loop3A_295, %parallel_loop3A_793 : i32
        %parallel_loop3A_795 = arith.constant 11 : i32
        %parallel_loop3A_796 = arith.addi %parallel_loop3A_794, %parallel_loop3A_795 : i32
        %parallel_loop3A_797 = arith.constant 16 : i32
        %parallel_loop3A_798 = arith.muli %parallel_loop3A_293, %parallel_loop3A_797 : i32
        %parallel_loop3A_799 = arith.constant 0 : i32
        %parallel_loop3A_800 = arith.constant 0 : i32
        %parallel_loop3A_801 = tpu.memref_slice %arg6[%parallel_loop3A_186, %parallel_loop3A_799, %parallel_loop3A_800] : memref<3x128x128xf32, #tpu.memory_space<vmem>> -> memref<1x128x128xf32, #tpu.memory_space<vmem>>
        %parallel_loop3A_802 = tpu.memref_squeeze %parallel_loop3A_801 : memref<1x128x128xf32, #tpu.memory_space<vmem>> -> memref<128x128xf32, #tpu.memory_space<vmem>>
        %parallel_loop3A_803 = arith.index_cast %parallel_loop3A_796 : i32 to index
        %parallel_loop3A_804 = arith.index_cast %parallel_loop3A_798 : i32 to index
        %parallel_loop3A_805 = tpu.vector_load %parallel_loop3A_802[%parallel_loop3A_803, %parallel_loop3A_804] {strides = array<i32>} : memref<128x128xf32, #tpu.memory_space<vmem>>, vector<16xf32>,
        tpu.vector_store %parallel_loop3A_802[%parallel_loop3A_803, %parallel_loop3A_804], %parallel_loop3A_629 {strides = array<i32>} : memref<128x128xf32, #tpu.memory_space<vmem>>, vector<16xf32>,
        %parallel_loop3A_806 = arith.constant 16 : i32
        %parallel_loop3A_807 = arith.muli %parallel_loop3A_295, %parallel_loop3A_806 : i32
        %parallel_loop3A_808 = arith.constant 12 : i32
        %parallel_loop3A_809 = arith.addi %parallel_loop3A_807, %parallel_loop3A_808 : i32
        %parallel_loop3A_810 = arith.constant 16 : i32
        %parallel_loop3A_811 = arith.muli %parallel_loop3A_293, %parallel_loop3A_810 : i32
        %parallel_loop3A_812 = arith.constant 0 : i32
        %parallel_loop3A_813 = arith.constant 0 : i32
        %parallel_loop3A_814 = tpu.memref_slice %arg6[%parallel_loop3A_186, %parallel_loop3A_812, %parallel_loop3A_813] : memref<3x128x128xf32, #tpu.memory_space<vmem>> -> memref<1x128x128xf32, #tpu.memory_space<vmem>>
        %parallel_loop3A_815 = tpu.memref_squeeze %parallel_loop3A_814 : memref<1x128x128xf32, #tpu.memory_space<vmem>> -> memref<128x128xf32, #tpu.memory_space<vmem>>
        %parallel_loop3A_816 = arith.index_cast %parallel_loop3A_809 : i32 to index
        %parallel_loop3A_817 = arith.index_cast %parallel_loop3A_811 : i32 to index
        %parallel_loop3A_818 = tpu.vector_load %parallel_loop3A_815[%parallel_loop3A_816, %parallel_loop3A_817] {strides = array<i32>} : memref<128x128xf32, #tpu.memory_space<vmem>>, vector<16xf32>,
        tpu.vector_store %parallel_loop3A_815[%parallel_loop3A_816, %parallel_loop3A_817], %parallel_loop3A_634 {strides = array<i32>} : memref<128x128xf32, #tpu.memory_space<vmem>>, vector<16xf32>,
        %parallel_loop3A_819 = arith.constant 16 : i32
        %parallel_loop3A_820 = arith.muli %parallel_loop3A_295, %parallel_loop3A_819 : i32
        %parallel_loop3A_821 = arith.constant 13 : i32
        %parallel_loop3A_822 = arith.addi %parallel_loop3A_820, %parallel_loop3A_821 : i32
        %parallel_loop3A_823 = arith.constant 16 : i32
        %parallel_loop3A_824 = arith.muli %parallel_loop3A_293, %parallel_loop3A_823 : i32
        %parallel_loop3A_825 = arith.constant 0 : i32
        %parallel_loop3A_826 = arith.constant 0 : i32
        %parallel_loop3A_827 = tpu.memref_slice %arg6[%parallel_loop3A_186, %parallel_loop3A_825, %parallel_loop3A_826] : memref<3x128x128xf32, #tpu.memory_space<vmem>> -> memref<1x128x128xf32, #tpu.memory_space<vmem>>
        %parallel_loop3A_828 = tpu.memref_squeeze %parallel_loop3A_827 : memref<1x128x128xf32, #tpu.memory_space<vmem>> -> memref<128x128xf32, #tpu.memory_space<vmem>>
        %parallel_loop3A_829 = arith.index_cast %parallel_loop3A_822 : i32 to index
        %parallel_loop3A_830 = arith.index_cast %parallel_loop3A_824 : i32 to index
        %parallel_loop3A_831 = tpu.vector_load %parallel_loop3A_828[%parallel_loop3A_829, %parallel_loop3A_830] {strides = array<i32>} : memref<128x128xf32, #tpu.memory_space<vmem>>, vector<16xf32>,
        tpu.vector_store %parallel_loop3A_828[%parallel_loop3A_829, %parallel_loop3A_830], %parallel_loop3A_639 {strides = array<i32>} : memref<128x128xf32, #tpu.memory_space<vmem>>, vector<16xf32>,
        %parallel_loop3A_832 = arith.constant 16 : i32
        %parallel_loop3A_833 = arith.muli %parallel_loop3A_295, %parallel_loop3A_832 : i32
        %parallel_loop3A_834 = arith.constant 14 : i32
        %parallel_loop3A_835 = arith.addi %parallel_loop3A_833, %parallel_loop3A_834 : i32
        %parallel_loop3A_836 = arith.constant 16 : i32
        %parallel_loop3A_837 = arith.muli %parallel_loop3A_293, %parallel_loop3A_836 : i32
        %parallel_loop3A_838 = arith.constant 0 : i32
        %parallel_loop3A_839 = arith.constant 0 : i32
        %parallel_loop3A_840 = tpu.memref_slice %arg6[%parallel_loop3A_186, %parallel_loop3A_838, %parallel_loop3A_839] : memref<3x128x128xf32, #tpu.memory_space<vmem>> -> memref<1x128x128xf32, #tpu.memory_space<vmem>>
        %parallel_loop3A_841 = tpu.memref_squeeze %parallel_loop3A_840 : memref<1x128x128xf32, #tpu.memory_space<vmem>> -> memref<128x128xf32, #tpu.memory_space<vmem>>
        %parallel_loop3A_842 = arith.index_cast %parallel_loop3A_835 : i32 to index
        %parallel_loop3A_843 = arith.index_cast %parallel_loop3A_837 : i32 to index
        %parallel_loop3A_844 = tpu.vector_load %parallel_loop3A_841[%parallel_loop3A_842, %parallel_loop3A_843] {strides = array<i32>} : memref<128x128xf32, #tpu.memory_space<vmem>>, vector<16xf32>,
        tpu.vector_store %parallel_loop3A_841[%parallel_loop3A_842, %parallel_loop3A_843], %parallel_loop3A_644 {strides = array<i32>} : memref<128x128xf32, #tpu.memory_space<vmem>>, vector<16xf32>,
        %parallel_loop3A_845 = arith.constant 16 : i32
        %parallel_loop3A_846 = arith.muli %parallel_loop3A_295, %parallel_loop3A_845 : i32
        %parallel_loop3A_847 = arith.constant 15 : i32
        %parallel_loop3A_848 = arith.addi %parallel_loop3A_846, %parallel_loop3A_847 : i32
        %parallel_loop3A_849 = arith.constant 16 : i32
        %parallel_loop3A_850 = arith.muli %parallel_loop3A_293, %parallel_loop3A_849 : i32
        %parallel_loop3A_851 = arith.constant 0 : i32
        %parallel_loop3A_852 = arith.constant 0 : i32
        %parallel_loop3A_853 = tpu.memref_slice %arg6[%parallel_loop3A_186, %parallel_loop3A_851, %parallel_loop3A_852] : memref<3x128x128xf32, #tpu.memory_space<vmem>> -> memref<1x128x128xf32, #tpu.memory_space<vmem>>
        %parallel_loop3A_854 = tpu.memref_squeeze %parallel_loop3A_853 : memref<1x128x128xf32, #tpu.memory_space<vmem>> -> memref<128x128xf32, #tpu.memory_space<vmem>>
        %parallel_loop3A_855 = arith.index_cast %parallel_loop3A_848 : i32 to index
        %parallel_loop3A_856 = arith.index_cast %parallel_loop3A_850 : i32 to index
        %parallel_loop3A_857 = tpu.vector_load %parallel_loop3A_854[%parallel_loop3A_855, %parallel_loop3A_856] {strides = array<i32>} : memref<128x128xf32, #tpu.memory_space<vmem>>, vector<16xf32>,
        tpu.vector_store %parallel_loop3A_854[%parallel_loop3A_855, %parallel_loop3A_856], %parallel_loop3A_649 {strides = array<i32>} : memref<128x128xf32, #tpu.memory_space<vmem>>, vector<16xf32>,
      } {sc.loop_unroll_factor = 2 : i64, sc.parallel_access}
      %add3A_187 = arith.addi %mul3A_2, %add3A_150 : i32
      %lt3A_188 = arith.constant 7812 : i32
      %lt3A_189 = arith.cmpi slt, %add3A_187, %lt3A_188 : i32
      %mul3A_190 = arith.constant 128 : i32
      %mul3A_191 = arith.muli %add3A_187, %mul3A_190 : i32
      %jit3A_192 = arith.constant 1000064 : i32
      %select_n3A_193 = arith.select %lt3A_189, %mul3A_191, %jit3A_192 : i32
      %multiple_of3A_194 = tpu.assume_multiple %select_n3A_193, 128 : i32
      %dma_start3A_195 = arith.constant 1 : i32
      %dma_start3A_196 = arith.constant 0 : i32
      %dma_start3A_197 = arith.constant 0 : i32
      %dma_start3A_198 = tpu.memref_slice %arg6[%dma_start3A_195, %dma_start3A_196, %dma_start3A_197] : memref<3x128x128xf32, #tpu.memory_space<vmem>> -> memref<1x128x128xf32, #tpu.memory_space<vmem>>
      %dma_start3A_199 = tpu.memref_squeeze %dma_start3A_198 : memref<1x128x128xf32, #tpu.memory_space<vmem>> -> memref<128x128xf32, #tpu.memory_space<vmem>>
      %dma_start3A_200 = arith.constant 0 : i32
      %dma_start3A_201 = tpu.memref_slice %arg4[%multiple_of3A_194, %dma_start3A_200] : memref<1000192x128xf32, #tpu.memory_space<hbm>> -> memref<128x128xf32, #tpu.memory_space<hbm>>
      %dma_start3A_202 = arith.constant 0 : i32
      %dma_start3A_203 = tpu.memref_slice %arg4[%multiple_of3A_194, %dma_start3A_202] : memref<1000192x128xf32, #tpu.memory_space<hbm>> -> memref<128x128xf32, #tpu.memory_space<hbm>>
      %dma_start3A_204 = arith.constant 0 : i32
      %dma_start3A_205 = arith.constant 0 : i32
      %dma_start3A_206 = tpu.memref_slice %arg6[%dma_start3A_195, %dma_start3A_204, %dma_start3A_205] : memref<3x128x128xf32, #tpu.memory_space<vmem>> -> memref<1x128x128xf32, #tpu.memory_space<vmem>>
      %dma_start3A_207 = tpu.memref_squeeze %dma_start3A_206 : memref<1x128x128xf32, #tpu.memory_space<vmem>> -> memref<128x128xf32, #tpu.memory_space<vmem>>
      tpu.enqueue_dma source(%dma_start3A_207 : memref<128x128xf32, #tpu.memory_space<vmem>>) target(%dma_start3A_203 : memref<128x128xf32, #tpu.memory_space<hbm>>) target_semaphore(%arg12 : memref<!tpu.dma_semaphore, #tpu.memory_space<semaphore_mem>>)
      %mul3A_208 = arith.constant 3 : i32
      %mul3A_209 = arith.muli %mul3A_208, %scan3A_91 : i32
      %add3A_210 = arith.constant 2 : i32
      %add3A_211 = arith.addi %mul3A_209, %add3A_210 : i32
      %add3A_212 = arith.constant 2 : i32
      %add3A_213 = arith.addi %add3A_211, %add3A_212 : i32
      %lt3A_214 = arith.constant 246 : i32
      %lt3A_215 = arith.cmpi slt, %add3A_213, %lt3A_214 : i32
      %convert_element_type3A_216 = arith.extui %lt3A_215 : i1 to i32
      %cond3A_217 = arith.constant 0 : i32
      %cond3A_218 = arith.cmpi ne, %convert_element_type3A_216, %cond3A_217 : i32
      scf.if %cond3A_218 {
        %add3A_269 = arith.constant 2 : i32
        %add3A_270 = arith.addi %add3A_211, %add3A_269 : i32
        %add3A_271 = arith.addi %mul3A_2, %add3A_270 : i32
        %min3A_272 = arith.constant 7811 : i32
        %min3A_273 = arith.minsi %add3A_271, %min3A_272 : i32
        %mul3A_274 = arith.constant 128 : i32
        %mul3A_275 = arith.muli %min3A_273, %mul3A_274 : i32
        %multiple_of3A_276 = tpu.assume_multiple %mul3A_275, 128 : i32
        %dma_start3A_277 = arith.constant 1 : i32
        %dma_start3A_278 = arith.constant 0 : i32
        %dma_start3A_279 = arith.constant 0 : i32
        %dma_start3A_280 = tpu.memref_slice %arg5[%dma_start3A_277, %dma_start3A_278, %dma_start3A_279] : memref<3x64x128xf32, #tpu.memory_space<vmem>> -> memref<1x64x128xf32, #tpu.memory_space<vmem>>
        %dma_start3A_281 = tpu.memref_squeeze %dma_start3A_280 : memref<1x64x128xf32, #tpu.memory_space<vmem>> -> memref<64x128xf32, #tpu.memory_space<vmem>>
        %dma_start3A_282 = arith.constant 0 : i32
        %dma_start3A_283 = tpu.memref_slice %arg2[%dma_start3A_282, %multiple_of3A_276] : memref<64x1000000xf32, #tpu.memory_space<hbm>> -> memref<64x128xf32, #tpu.memory_space<hbm>>
        %dma_start3A_284 = arith.constant 0 : i32
        %dma_start3A_285 = arith.constant 0 : i32
        %dma_start3A_286 = tpu.memref_slice %arg5[%dma_start3A_277, %dma_start3A_284, %dma_start3A_285] : memref<3x64x128xf32, #tpu.memory_space<vmem>> -> memref<1x64x128xf32, #tpu.memory_space<vmem>>
        %dma_start3A_287 = tpu.memref_squeeze %dma_start3A_286 : memref<1x64x128xf32, #tpu.memory_space<vmem>> -> memref<64x128xf32, #tpu.memory_space<vmem>>
        %dma_start3A_288 = arith.constant 0 : i32
        %dma_start3A_289 = tpu.memref_slice %arg2[%dma_start3A_288, %multiple_of3A_276] : memref<64x1000000xf32, #tpu.memory_space<hbm>> -> memref<64x128xf32, #tpu.memory_space<hbm>>
        tpu.enqueue_dma source(%dma_start3A_289 : memref<64x128xf32, #tpu.memory_space<hbm>>) target(%dma_start3A_287 : memref<64x128xf32, #tpu.memory_space<vmem>>) target_semaphore(%arg9 : memref<!tpu.dma_semaphore, #tpu.memory_space<semaphore_mem>>)
      } else {
      }
      %dma_wait3A_219 = arith.constant 2 : i32
      %dma_wait3A_220 = arith.constant 0 : i32
      %dma_wait3A_221 = arith.constant 0 : i32
      %dma_wait3A_222 = tpu.memref_slice %arg5[%dma_wait3A_219, %dma_wait3A_220, %dma_wait3A_221] : memref<3x64x128xf32, #tpu.memory_space<vmem>> -> memref<1x64x128xf32, #tpu.memory_space<vmem>>
      %dma_wait3A_223 = tpu.memref_squeeze %dma_wait3A_222 : memref<1x64x128xf32, #tpu.memory_space<vmem>> -> memref<64x128xf32, #tpu.memory_space<vmem>>
      %dma_wait3A_224 = arith.constant 0 : i32
      %dma_wait3A_225 = arith.constant 0 : i32
      %dma_wait3A_226 = tpu.memref_slice %arg2[%dma_wait3A_224, %dma_wait3A_225] : memref<64x1000000xf32, #tpu.memory_space<hbm>> -> memref<64x128xf32, #tpu.memory_space<hbm>>
      %dma_wait3A_227 = arith.constant 0 : i32
      %dma_wait3A_228 = arith.constant 0 : i32
      %dma_wait3A_229 = tpu.memref_slice %arg5[%dma_wait3A_219, %dma_wait3A_227, %dma_wait3A_228] : memref<3x64x128xf32, #tpu.memory_space<vmem>> -> memref<1x64x128xf32, #tpu.memory_space<vmem>>
      %dma_wait3A_230 = tpu.memref_squeeze %dma_wait3A_229 : memref<1x64x128xf32, #tpu.memory_space<vmem>> -> memref<64x128xf32, #tpu.memory_space<vmem>>
      %dma_wait3A_231 = arith.constant 0 : i32
      %dma_wait3A_232 = arith.constant 0 : i32
      %dma_wait3A_233 = tpu.memref_slice %arg2[%dma_wait3A_231, %dma_wait3A_232] : memref<64x1000000xf32, #tpu.memory_space<hbm>> -> memref<64x128xf32, #tpu.memory_space<hbm>>
      tpu.wait_dma2 semaphore(%arg10 : memref<!tpu.dma_semaphore, #tpu.memory_space<semaphore_mem>>) src(%dma_wait3A_233 : memref<64x128xf32, #tpu.memory_space<hbm>>) dst(%dma_wait3A_230 : memref<64x128xf32, #tpu.memory_space<vmem>>)
      %ge3A_234 = arith.constant 3 : i32
      %ge3A_235 = arith.cmpi sge, %add3A_211, %ge3A_234 : i32
      %convert_element_type3A_236 = arith.extui %ge3A_235 : i1 to i32
      %cond3A_237 = arith.constant 0 : i32
      %cond3A_238 = arith.cmpi ne, %convert_element_type3A_236, %cond3A_237 : i32
      scf.if %cond3A_238 {
        %dma_wait3A_269 = arith.constant 2 : i32
        %dma_wait3A_270 = arith.constant 0 : i32
        %dma_wait3A_271 = arith.constant 0 : i32
        %dma_wait3A_272 = tpu.memref_slice %arg6[%dma_wait3A_269, %dma_wait3A_270, %dma_wait3A_271] : memref<3x128x128xf32, #tpu.memory_space<vmem>> -> memref<1x128x128xf32, #tpu.memory_space<vmem>>
        %dma_wait3A_273 = tpu.memref_squeeze %dma_wait3A_272 : memref<1x128x128xf32, #tpu.memory_space<vmem>> -> memref<128x128xf32, #tpu.memory_space<vmem>>
        %dma_wait3A_274 = arith.constant 0 : i32
        %dma_wait3A_275 = arith.constant 0 : i32
        %dma_wait3A_276 = tpu.memref_slice %arg4[%dma_wait3A_274, %dma_wait3A_275] : memref<1000192x128xf32, #tpu.memory_space<hbm>> -> memref<128x128xf32, #tpu.memory_space<hbm>>
        %dma_wait3A_277 = arith.constant 0 : i32
        %dma_wait3A_278 = arith.constant 0 : i32
        %dma_wait3A_279 = tpu.memref_slice %arg4[%dma_wait3A_277, %dma_wait3A_278] : memref<1000192x128xf32, #tpu.memory_space<hbm>> -> memref<128x128xf32, #tpu.memory_space<hbm>>
        %dma_wait3A_280 = arith.constant 0 : i32
        %dma_wait3A_281 = arith.constant 0 : i32
        %dma_wait3A_282 = tpu.memref_slice %arg6[%dma_wait3A_269, %dma_wait3A_280, %dma_wait3A_281] : memref<3x128x128xf32, #tpu.memory_space<vmem>> -> memref<1x128x128xf32, #tpu.memory_space<vmem>>
        %dma_wait3A_283 = tpu.memref_squeeze %dma_wait3A_282 : memref<1x128x128xf32, #tpu.memory_space<vmem>> -> memref<128x128xf32, #tpu.memory_space<vmem>>
        tpu.wait_dma2 semaphore(%arg13 : memref<!tpu.dma_semaphore, #tpu.memory_space<semaphore_mem>>) src(%dma_wait3A_283 : memref<128x128xf32, #tpu.memory_space<vmem>>) dst(%dma_wait3A_279 : memref<128x128xf32, #tpu.memory_space<hbm>>)
      } else {
      }
      %iota3A_239 = tpu.iota {dimensions = array<i32: 0>} : vector<16xi32>
      %mul3A_240 = arith.constant 17 : i32
      %mul3A_241 = vector.broadcast %mul3A_240 : i32 to vector<16xi32>
      %mul3A_242 = arith.muli %iota3A_239, %mul3A_241 : vector<16xi32>
      %parallel_loop3A_243 = arith.constant 0 : i32
      %parallel_loop3A_244 = arith.constant 32 : i32
      %parallel_loop3A_245 = arith.constant 1 : i32
      %parallel_loop3A_246 = arith.constant 2 : i32
      %parallel_loop3A_247 = arith.constant 2 : i32
      scf.for %parallel_loop3A_269 = %parallel_loop3A_243 to %parallel_loop3A_244 step %parallel_loop3A_245  : i32 {
        %parallel_loop3A_270 = arith.constant 8 : i32
        %parallel_loop3A_271 = arith.divsi %parallel_loop3A_269, %parallel_loop3A_270 : i32
        %parallel_loop3A_272 = arith.constant 0 : i32
        %parallel_loop3A_273 = arith.cmpi sgt, %parallel_loop3A_269, %parallel_loop3A_272 : i32
        %parallel_loop3A_274 = arith.extui %parallel_loop3A_273 : i1 to i32
        %parallel_loop3A_275 = arith.constant 0 : i32
        %parallel_loop3A_276 = arith.cmpi slt, %parallel_loop3A_269, %parallel_loop3A_275 : i32
        %parallel_loop3A_277 = arith.extui %parallel_loop3A_276 : i1 to i32
        %parallel_loop3A_278 = arith.subi %parallel_loop3A_274, %parallel_loop3A_277 : i32
        %parallel_loop3A_279 = arith.constant 0 : i32
        %parallel_loop3A_280 = arith.cmpi sgt, %parallel_loop3A_270, %parallel_loop3A_279 : i32
        %parallel_loop3A_281 = arith.extui %parallel_loop3A_280 : i1 to i32
        %parallel_loop3A_282 = arith.constant 0 : i32
        %parallel_loop3A_283 = arith.cmpi slt, %parallel_loop3A_270, %parallel_loop3A_282 : i32
        %parallel_loop3A_284 = arith.extui %parallel_loop3A_283 : i1 to i32
        %parallel_loop3A_285 = arith.subi %parallel_loop3A_281, %parallel_loop3A_284 : i32
        %parallel_loop3A_286 = arith.cmpi ne, %parallel_loop3A_278, %parallel_loop3A_285 : i32
        %parallel_loop3A_287 = arith.remsi %parallel_loop3A_269, %parallel_loop3A_270 : i32
        %parallel_loop3A_288 = arith.constant 0 : i32
        %parallel_loop3A_289 = arith.cmpi ne, %parallel_loop3A_287, %parallel_loop3A_288 : i32
        %parallel_loop3A_290 = arith.andi %parallel_loop3A_286, %parallel_loop3A_289 : i1
        %parallel_loop3A_291 = arith.constant 1 : i32
        %parallel_loop3A_292 = arith.subi %parallel_loop3A_271, %parallel_loop3A_291 : i32
        %parallel_loop3A_293 = arith.select %parallel_loop3A_290, %parallel_loop3A_292, %parallel_loop3A_271 : i32
        %parallel_loop3A_294 = arith.constant 8 : i32
        %parallel_loop3A_295 = arith.remsi %parallel_loop3A_269, %parallel_loop3A_294 : i32
        %parallel_loop3A_296 = arith.constant 288 : i32
        %parallel_loop3A_297 = arith.muli %parallel_loop3A_269, %parallel_loop3A_296 : i32
        %parallel_loop3A_298 = arith.constant 16 : i32
        %parallel_loop3A_299 = arith.muli %parallel_loop3A_293, %parallel_loop3A_298 : i32
        %parallel_loop3A_300 = arith.constant 0 : i32
        %parallel_loop3A_301 = arith.addi %parallel_loop3A_299, %parallel_loop3A_300 : i32
        %parallel_loop3A_302 = arith.constant 16 : i32
        %parallel_loop3A_303 = arith.muli %parallel_loop3A_295, %parallel_loop3A_302 : i32
        %parallel_loop3A_304 = arith.constant 0 : i32
        %parallel_loop3A_305 = arith.constant 0 : i32
        %parallel_loop3A_306 = tpu.memref_slice %arg5[%parallel_loop3A_246, %parallel_loop3A_304, %parallel_loop3A_305] : memref<3x64x128xf32, #tpu.memory_space<vmem>> -> memref<1x64x128xf32, #tpu.memory_space<vmem>>
        %parallel_loop3A_307 = tpu.memref_squeeze %parallel_loop3A_306 : memref<1x64x128xf32, #tpu.memory_space<vmem>> -> memref<64x128xf32, #tpu.memory_space<vmem>>
        %parallel_loop3A_308 = arith.index_cast %parallel_loop3A_301 : i32 to index
        %parallel_loop3A_309 = arith.index_cast %parallel_loop3A_303 : i32 to index
        %parallel_loop3A_310 = tpu.vector_load %parallel_loop3A_307[%parallel_loop3A_308, %parallel_loop3A_309] {strides = array<i32>} : memref<64x128xf32, #tpu.memory_space<vmem>>, vector<16xf32>,
        %parallel_loop3A_311 = arith.constant 16 : i32
        %parallel_loop3A_312 = arith.muli %parallel_loop3A_293, %parallel_loop3A_311 : i32
        %parallel_loop3A_313 = arith.constant 1 : i32
        %parallel_loop3A_314 = arith.addi %parallel_loop3A_312, %parallel_loop3A_313 : i32
        %parallel_loop3A_315 = arith.constant 16 : i32
        %parallel_loop3A_316 = arith.muli %parallel_loop3A_295, %parallel_loop3A_315 : i32
        %parallel_loop3A_317 = arith.constant 0 : i32
        %parallel_loop3A_318 = arith.constant 0 : i32
        %parallel_loop3A_319 = tpu.memref_slice %arg5[%parallel_loop3A_246, %parallel_loop3A_317, %parallel_loop3A_318] : memref<3x64x128xf32, #tpu.memory_space<vmem>> -> memref<1x64x128xf32, #tpu.memory_space<vmem>>
        %parallel_loop3A_320 = tpu.memref_squeeze %parallel_loop3A_319 : memref<1x64x128xf32, #tpu.memory_space<vmem>> -> memref<64x128xf32, #tpu.memory_space<vmem>>
        %parallel_loop3A_321 = arith.index_cast %parallel_loop3A_314 : i32 to index
        %parallel_loop3A_322 = arith.index_cast %parallel_loop3A_316 : i32 to index
        %parallel_loop3A_323 = tpu.vector_load %parallel_loop3A_320[%parallel_loop3A_321, %parallel_loop3A_322] {strides = array<i32>} : memref<64x128xf32, #tpu.memory_space<vmem>>, vector<16xf32>,
        %parallel_loop3A_324 = arith.constant 16 : i32
        %parallel_loop3A_325 = arith.muli %parallel_loop3A_293, %parallel_loop3A_324 : i32
        %parallel_loop3A_326 = arith.constant 2 : i32
        %parallel_loop3A_327 = arith.addi %parallel_loop3A_325, %parallel_loop3A_326 : i32
        %parallel_loop3A_328 = arith.constant 16 : i32
        %parallel_loop3A_329 = arith.muli %parallel_loop3A_295, %parallel_loop3A_328 : i32
        %parallel_loop3A_330 = arith.constant 0 : i32
        %parallel_loop3A_331 = arith.constant 0 : i32
        %parallel_loop3A_332 = tpu.memref_slice %arg5[%parallel_loop3A_246, %parallel_loop3A_330, %parallel_loop3A_331] : memref<3x64x128xf32, #tpu.memory_space<vmem>> -> memref<1x64x128xf32, #tpu.memory_space<vmem>>
        %parallel_loop3A_333 = tpu.memref_squeeze %parallel_loop3A_332 : memref<1x64x128xf32, #tpu.memory_space<vmem>> -> memref<64x128xf32, #tpu.memory_space<vmem>>
        %parallel_loop3A_334 = arith.index_cast %parallel_loop3A_327 : i32 to index
        %parallel_loop3A_335 = arith.index_cast %parallel_loop3A_329 : i32 to index
        %parallel_loop3A_336 = tpu.vector_load %parallel_loop3A_333[%parallel_loop3A_334, %parallel_loop3A_335] {strides = array<i32>} : memref<64x128xf32, #tpu.memory_space<vmem>>, vector<16xf32>,
        %parallel_loop3A_337 = arith.constant 16 : i32
        %parallel_loop3A_338 = arith.muli %parallel_loop3A_293, %parallel_loop3A_337 : i32
        %parallel_loop3A_339 = arith.constant 3 : i32
        %parallel_loop3A_340 = arith.addi %parallel_loop3A_338, %parallel_loop3A_339 : i32
        %parallel_loop3A_341 = arith.constant 16 : i32
        %parallel_loop3A_342 = arith.muli %parallel_loop3A_295, %parallel_loop3A_341 : i32
        %parallel_loop3A_343 = arith.constant 0 : i32
        %parallel_loop3A_344 = arith.constant 0 : i32
        %parallel_loop3A_345 = tpu.memref_slice %arg5[%parallel_loop3A_246, %parallel_loop3A_343, %parallel_loop3A_344] : memref<3x64x128xf32, #tpu.memory_space<vmem>> -> memref<1x64x128xf32, #tpu.memory_space<vmem>>
        %parallel_loop3A_346 = tpu.memref_squeeze %parallel_loop3A_345 : memref<1x64x128xf32, #tpu.memory_space<vmem>> -> memref<64x128xf32, #tpu.memory_space<vmem>>
        %parallel_loop3A_347 = arith.index_cast %parallel_loop3A_340 : i32 to index
        %parallel_loop3A_348 = arith.index_cast %parallel_loop3A_342 : i32 to index
        %parallel_loop3A_349 = tpu.vector_load %parallel_loop3A_346[%parallel_loop3A_347, %parallel_loop3A_348] {strides = array<i32>} : memref<64x128xf32, #tpu.memory_space<vmem>>, vector<16xf32>,
        %parallel_loop3A_350 = arith.constant 16 : i32
        %parallel_loop3A_351 = arith.muli %parallel_loop3A_293, %parallel_loop3A_350 : i32
        %parallel_loop3A_352 = arith.constant 4 : i32
        %parallel_loop3A_353 = arith.addi %parallel_loop3A_351, %parallel_loop3A_352 : i32
        %parallel_loop3A_354 = arith.constant 16 : i32
        %parallel_loop3A_355 = arith.muli %parallel_loop3A_295, %parallel_loop3A_354 : i32
        %parallel_loop3A_356 = arith.constant 0 : i32
        %parallel_loop3A_357 = arith.constant 0 : i32
        %parallel_loop3A_358 = tpu.memref_slice %arg5[%parallel_loop3A_246, %parallel_loop3A_356, %parallel_loop3A_357] : memref<3x64x128xf32, #tpu.memory_space<vmem>> -> memref<1x64x128xf32, #tpu.memory_space<vmem>>
        %parallel_loop3A_359 = tpu.memref_squeeze %parallel_loop3A_358 : memref<1x64x128xf32, #tpu.memory_space<vmem>> -> memref<64x128xf32, #tpu.memory_space<vmem>>
        %parallel_loop3A_360 = arith.index_cast %parallel_loop3A_353 : i32 to index
        %parallel_loop3A_361 = arith.index_cast %parallel_loop3A_355 : i32 to index
        %parallel_loop3A_362 = tpu.vector_load %parallel_loop3A_359[%parallel_loop3A_360, %parallel_loop3A_361] {strides = array<i32>} : memref<64x128xf32, #tpu.memory_space<vmem>>, vector<16xf32>,
        %parallel_loop3A_363 = arith.constant 16 : i32
        %parallel_loop3A_364 = arith.muli %parallel_loop3A_293, %parallel_loop3A_363 : i32
        %parallel_loop3A_365 = arith.constant 5 : i32
        %parallel_loop3A_366 = arith.addi %parallel_loop3A_364, %parallel_loop3A_365 : i32
        %parallel_loop3A_367 = arith.constant 16 : i32
        %parallel_loop3A_368 = arith.muli %parallel_loop3A_295, %parallel_loop3A_367 : i32
        %parallel_loop3A_369 = arith.constant 0 : i32
        %parallel_loop3A_370 = arith.constant 0 : i32
        %parallel_loop3A_371 = tpu.memref_slice %arg5[%parallel_loop3A_246, %parallel_loop3A_369, %parallel_loop3A_370] : memref<3x64x128xf32, #tpu.memory_space<vmem>> -> memref<1x64x128xf32, #tpu.memory_space<vmem>>
        %parallel_loop3A_372 = tpu.memref_squeeze %parallel_loop3A_371 : memref<1x64x128xf32, #tpu.memory_space<vmem>> -> memref<64x128xf32, #tpu.memory_space<vmem>>
        %parallel_loop3A_373 = arith.index_cast %parallel_loop3A_366 : i32 to index
        %parallel_loop3A_374 = arith.index_cast %parallel_loop3A_368 : i32 to index
        %parallel_loop3A_375 = tpu.vector_load %parallel_loop3A_372[%parallel_loop3A_373, %parallel_loop3A_374] {strides = array<i32>} : memref<64x128xf32, #tpu.memory_space<vmem>>, vector<16xf32>,
        %parallel_loop3A_376 = arith.constant 16 : i32
        %parallel_loop3A_377 = arith.muli %parallel_loop3A_293, %parallel_loop3A_376 : i32
        %parallel_loop3A_378 = arith.constant 6 : i32
        %parallel_loop3A_379 = arith.addi %parallel_loop3A_377, %parallel_loop3A_378 : i32
        %parallel_loop3A_380 = arith.constant 16 : i32
        %parallel_loop3A_381 = arith.muli %parallel_loop3A_295, %parallel_loop3A_380 : i32
        %parallel_loop3A_382 = arith.constant 0 : i32
        %parallel_loop3A_383 = arith.constant 0 : i32
        %parallel_loop3A_384 = tpu.memref_slice %arg5[%parallel_loop3A_246, %parallel_loop3A_382, %parallel_loop3A_383] : memref<3x64x128xf32, #tpu.memory_space<vmem>> -> memref<1x64x128xf32, #tpu.memory_space<vmem>>
        %parallel_loop3A_385 = tpu.memref_squeeze %parallel_loop3A_384 : memref<1x64x128xf32, #tpu.memory_space<vmem>> -> memref<64x128xf32, #tpu.memory_space<vmem>>
        %parallel_loop3A_386 = arith.index_cast %parallel_loop3A_379 : i32 to index
        %parallel_loop3A_387 = arith.index_cast %parallel_loop3A_381 : i32 to index
        %parallel_loop3A_388 = tpu.vector_load %parallel_loop3A_385[%parallel_loop3A_386, %parallel_loop3A_387] {strides = array<i32>} : memref<64x128xf32, #tpu.memory_space<vmem>>, vector<16xf32>,
        %parallel_loop3A_389 = arith.constant 16 : i32
        %parallel_loop3A_390 = arith.muli %parallel_loop3A_293, %parallel_loop3A_389 : i32
        %parallel_loop3A_391 = arith.constant 7 : i32
        %parallel_loop3A_392 = arith.addi %parallel_loop3A_390, %parallel_loop3A_391 : i32
        %parallel_loop3A_393 = arith.constant 16 : i32
        %parallel_loop3A_394 = arith.muli %parallel_loop3A_295, %parallel_loop3A_393 : i32
        %parallel_loop3A_395 = arith.constant 0 : i32
        %parallel_loop3A_396 = arith.constant 0 : i32
        %parallel_loop3A_397 = tpu.memref_slice %arg5[%parallel_loop3A_246, %parallel_loop3A_395, %parallel_loop3A_396] : memref<3x64x128xf32, #tpu.memory_space<vmem>> -> memref<1x64x128xf32, #tpu.memory_space<vmem>>
        %parallel_loop3A_398 = tpu.memref_squeeze %parallel_loop3A_397 : memref<1x64x128xf32, #tpu.memory_space<vmem>> -> memref<64x128xf32, #tpu.memory_space<vmem>>
        %parallel_loop3A_399 = arith.index_cast %parallel_loop3A_392 : i32 to index
        %parallel_loop3A_400 = arith.index_cast %parallel_loop3A_394 : i32 to index
        %parallel_loop3A_401 = tpu.vector_load %parallel_loop3A_398[%parallel_loop3A_399, %parallel_loop3A_400] {strides = array<i32>} : memref<64x128xf32, #tpu.memory_space<vmem>>, vector<16xf32>,
        %parallel_loop3A_402 = arith.constant 16 : i32
        %parallel_loop3A_403 = arith.muli %parallel_loop3A_293, %parallel_loop3A_402 : i32
        %parallel_loop3A_404 = arith.constant 8 : i32
        %parallel_loop3A_405 = arith.addi %parallel_loop3A_403, %parallel_loop3A_404 : i32
        %parallel_loop3A_406 = arith.constant 16 : i32
        %parallel_loop3A_407 = arith.muli %parallel_loop3A_295, %parallel_loop3A_406 : i32
        %parallel_loop3A_408 = arith.constant 0 : i32
        %parallel_loop3A_409 = arith.constant 0 : i32
        %parallel_loop3A_410 = tpu.memref_slice %arg5[%parallel_loop3A_246, %parallel_loop3A_408, %parallel_loop3A_409] : memref<3x64x128xf32, #tpu.memory_space<vmem>> -> memref<1x64x128xf32, #tpu.memory_space<vmem>>
        %parallel_loop3A_411 = tpu.memref_squeeze %parallel_loop3A_410 : memref<1x64x128xf32, #tpu.memory_space<vmem>> -> memref<64x128xf32, #tpu.memory_space<vmem>>
        %parallel_loop3A_412 = arith.index_cast %parallel_loop3A_405 : i32 to index
        %parallel_loop3A_413 = arith.index_cast %parallel_loop3A_407 : i32 to index
        %parallel_loop3A_414 = tpu.vector_load %parallel_loop3A_411[%parallel_loop3A_412, %parallel_loop3A_413] {strides = array<i32>} : memref<64x128xf32, #tpu.memory_space<vmem>>, vector<16xf32>,
        %parallel_loop3A_415 = arith.constant 16 : i32
        %parallel_loop3A_416 = arith.muli %parallel_loop3A_293, %parallel_loop3A_415 : i32
        %parallel_loop3A_417 = arith.constant 9 : i32
        %parallel_loop3A_418 = arith.addi %parallel_loop3A_416, %parallel_loop3A_417 : i32
        %parallel_loop3A_419 = arith.constant 16 : i32
        %parallel_loop3A_420 = arith.muli %parallel_loop3A_295, %parallel_loop3A_419 : i32
        %parallel_loop3A_421 = arith.constant 0 : i32
        %parallel_loop3A_422 = arith.constant 0 : i32
        %parallel_loop3A_423 = tpu.memref_slice %arg5[%parallel_loop3A_246, %parallel_loop3A_421, %parallel_loop3A_422] : memref<3x64x128xf32, #tpu.memory_space<vmem>> -> memref<1x64x128xf32, #tpu.memory_space<vmem>>
        %parallel_loop3A_424 = tpu.memref_squeeze %parallel_loop3A_423 : memref<1x64x128xf32, #tpu.memory_space<vmem>> -> memref<64x128xf32, #tpu.memory_space<vmem>>
        %parallel_loop3A_425 = arith.index_cast %parallel_loop3A_418 : i32 to index
        %parallel_loop3A_426 = arith.index_cast %parallel_loop3A_420 : i32 to index
        %parallel_loop3A_427 = tpu.vector_load %parallel_loop3A_424[%parallel_loop3A_425, %parallel_loop3A_426] {strides = array<i32>} : memref<64x128xf32, #tpu.memory_space<vmem>>, vector<16xf32>,
        %parallel_loop3A_428 = arith.constant 16 : i32
        %parallel_loop3A_429 = arith.muli %parallel_loop3A_293, %parallel_loop3A_428 : i32
        %parallel_loop3A_430 = arith.constant 10 : i32
        %parallel_loop3A_431 = arith.addi %parallel_loop3A_429, %parallel_loop3A_430 : i32
        %parallel_loop3A_432 = arith.constant 16 : i32
        %parallel_loop3A_433 = arith.muli %parallel_loop3A_295, %parallel_loop3A_432 : i32
        %parallel_loop3A_434 = arith.constant 0 : i32
        %parallel_loop3A_435 = arith.constant 0 : i32
        %parallel_loop3A_436 = tpu.memref_slice %arg5[%parallel_loop3A_246, %parallel_loop3A_434, %parallel_loop3A_435] : memref<3x64x128xf32, #tpu.memory_space<vmem>> -> memref<1x64x128xf32, #tpu.memory_space<vmem>>
        %parallel_loop3A_437 = tpu.memref_squeeze %parallel_loop3A_436 : memref<1x64x128xf32, #tpu.memory_space<vmem>> -> memref<64x128xf32, #tpu.memory_space<vmem>>
        %parallel_loop3A_438 = arith.index_cast %parallel_loop3A_431 : i32 to index
        %parallel_loop3A_439 = arith.index_cast %parallel_loop3A_433 : i32 to index
        %parallel_loop3A_440 = tpu.vector_load %parallel_loop3A_437[%parallel_loop3A_438, %parallel_loop3A_439] {strides = array<i32>} : memref<64x128xf32, #tpu.memory_space<vmem>>, vector<16xf32>,
        %parallel_loop3A_441 = arith.constant 16 : i32
        %parallel_loop3A_442 = arith.muli %parallel_loop3A_293, %parallel_loop3A_441 : i32
        %parallel_loop3A_443 = arith.constant 11 : i32
        %parallel_loop3A_444 = arith.addi %parallel_loop3A_442, %parallel_loop3A_443 : i32
        %parallel_loop3A_445 = arith.constant 16 : i32
        %parallel_loop3A_446 = arith.muli %parallel_loop3A_295, %parallel_loop3A_445 : i32
        %parallel_loop3A_447 = arith.constant 0 : i32
        %parallel_loop3A_448 = arith.constant 0 : i32
        %parallel_loop3A_449 = tpu.memref_slice %arg5[%parallel_loop3A_246, %parallel_loop3A_447, %parallel_loop3A_448] : memref<3x64x128xf32, #tpu.memory_space<vmem>> -> memref<1x64x128xf32, #tpu.memory_space<vmem>>
        %parallel_loop3A_450 = tpu.memref_squeeze %parallel_loop3A_449 : memref<1x64x128xf32, #tpu.memory_space<vmem>> -> memref<64x128xf32, #tpu.memory_space<vmem>>
        %parallel_loop3A_451 = arith.index_cast %parallel_loop3A_444 : i32 to index
        %parallel_loop3A_452 = arith.index_cast %parallel_loop3A_446 : i32 to index
        %parallel_loop3A_453 = tpu.vector_load %parallel_loop3A_450[%parallel_loop3A_451, %parallel_loop3A_452] {strides = array<i32>} : memref<64x128xf32, #tpu.memory_space<vmem>>, vector<16xf32>,
        %parallel_loop3A_454 = arith.constant 16 : i32
        %parallel_loop3A_455 = arith.muli %parallel_loop3A_293, %parallel_loop3A_454 : i32
        %parallel_loop3A_456 = arith.constant 12 : i32
        %parallel_loop3A_457 = arith.addi %parallel_loop3A_455, %parallel_loop3A_456 : i32
        %parallel_loop3A_458 = arith.constant 16 : i32
        %parallel_loop3A_459 = arith.muli %parallel_loop3A_295, %parallel_loop3A_458 : i32
        %parallel_loop3A_460 = arith.constant 0 : i32
        %parallel_loop3A_461 = arith.constant 0 : i32
        %parallel_loop3A_462 = tpu.memref_slice %arg5[%parallel_loop3A_246, %parallel_loop3A_460, %parallel_loop3A_461] : memref<3x64x128xf32, #tpu.memory_space<vmem>> -> memref<1x64x128xf32, #tpu.memory_space<vmem>>
        %parallel_loop3A_463 = tpu.memref_squeeze %parallel_loop3A_462 : memref<1x64x128xf32, #tpu.memory_space<vmem>> -> memref<64x128xf32, #tpu.memory_space<vmem>>
        %parallel_loop3A_464 = arith.index_cast %parallel_loop3A_457 : i32 to index
        %parallel_loop3A_465 = arith.index_cast %parallel_loop3A_459 : i32 to index
        %parallel_loop3A_466 = tpu.vector_load %parallel_loop3A_463[%parallel_loop3A_464, %parallel_loop3A_465] {strides = array<i32>} : memref<64x128xf32, #tpu.memory_space<vmem>>, vector<16xf32>,
        %parallel_loop3A_467 = arith.constant 16 : i32
        %parallel_loop3A_468 = arith.muli %parallel_loop3A_293, %parallel_loop3A_467 : i32
        %parallel_loop3A_469 = arith.constant 13 : i32
        %parallel_loop3A_470 = arith.addi %parallel_loop3A_468, %parallel_loop3A_469 : i32
        %parallel_loop3A_471 = arith.constant 16 : i32
        %parallel_loop3A_472 = arith.muli %parallel_loop3A_295, %parallel_loop3A_471 : i32
        %parallel_loop3A_473 = arith.constant 0 : i32
        %parallel_loop3A_474 = arith.constant 0 : i32
        %parallel_loop3A_475 = tpu.memref_slice %arg5[%parallel_loop3A_246, %parallel_loop3A_473, %parallel_loop3A_474] : memref<3x64x128xf32, #tpu.memory_space<vmem>> -> memref<1x64x128xf32, #tpu.memory_space<vmem>>
        %parallel_loop3A_476 = tpu.memref_squeeze %parallel_loop3A_475 : memref<1x64x128xf32, #tpu.memory_space<vmem>> -> memref<64x128xf32, #tpu.memory_space<vmem>>
        %parallel_loop3A_477 = arith.index_cast %parallel_loop3A_470 : i32 to index
        %parallel_loop3A_478 = arith.index_cast %parallel_loop3A_472 : i32 to index
        %parallel_loop3A_479 = tpu.vector_load %parallel_loop3A_476[%parallel_loop3A_477, %parallel_loop3A_478] {strides = array<i32>} : memref<64x128xf32, #tpu.memory_space<vmem>>, vector<16xf32>,
        %parallel_loop3A_480 = arith.constant 16 : i32
        %parallel_loop3A_481 = arith.muli %parallel_loop3A_293, %parallel_loop3A_480 : i32
        %parallel_loop3A_482 = arith.constant 14 : i32
        %parallel_loop3A_483 = arith.addi %parallel_loop3A_481, %parallel_loop3A_482 : i32
        %parallel_loop3A_484 = arith.constant 16 : i32
        %parallel_loop3A_485 = arith.muli %parallel_loop3A_295, %parallel_loop3A_484 : i32
        %parallel_loop3A_486 = arith.constant 0 : i32
        %parallel_loop3A_487 = arith.constant 0 : i32
        %parallel_loop3A_488 = tpu.memref_slice %arg5[%parallel_loop3A_246, %parallel_loop3A_486, %parallel_loop3A_487] : memref<3x64x128xf32, #tpu.memory_space<vmem>> -> memref<1x64x128xf32, #tpu.memory_space<vmem>>
        %parallel_loop3A_489 = tpu.memref_squeeze %parallel_loop3A_488 : memref<1x64x128xf32, #tpu.memory_space<vmem>> -> memref<64x128xf32, #tpu.memory_space<vmem>>
        %parallel_loop3A_490 = arith.index_cast %parallel_loop3A_483 : i32 to index
        %parallel_loop3A_491 = arith.index_cast %parallel_loop3A_485 : i32 to index
        %parallel_loop3A_492 = tpu.vector_load %parallel_loop3A_489[%parallel_loop3A_490, %parallel_loop3A_491] {strides = array<i32>} : memref<64x128xf32, #tpu.memory_space<vmem>>, vector<16xf32>,
        %parallel_loop3A_493 = arith.constant 16 : i32
        %parallel_loop3A_494 = arith.muli %parallel_loop3A_293, %parallel_loop3A_493 : i32
        %parallel_loop3A_495 = arith.constant 15 : i32
        %parallel_loop3A_496 = arith.addi %parallel_loop3A_494, %parallel_loop3A_495 : i32
        %parallel_loop3A_497 = arith.constant 16 : i32
        %parallel_loop3A_498 = arith.muli %parallel_loop3A_295, %parallel_loop3A_497 : i32
        %parallel_loop3A_499 = arith.constant 0 : i32
        %parallel_loop3A_500 = arith.constant 0 : i32
        %parallel_loop3A_501 = tpu.memref_slice %arg5[%parallel_loop3A_246, %parallel_loop3A_499, %parallel_loop3A_500] : memref<3x64x128xf32, #tpu.memory_space<vmem>> -> memref<1x64x128xf32, #tpu.memory_space<vmem>>
        %parallel_loop3A_502 = tpu.memref_squeeze %parallel_loop3A_501 : memref<1x64x128xf32, #tpu.memory_space<vmem>> -> memref<64x128xf32, #tpu.memory_space<vmem>>
        %parallel_loop3A_503 = arith.index_cast %parallel_loop3A_496 : i32 to index
        %parallel_loop3A_504 = arith.index_cast %parallel_loop3A_498 : i32 to index
        %parallel_loop3A_505 = tpu.vector_load %parallel_loop3A_502[%parallel_loop3A_503, %parallel_loop3A_504] {strides = array<i32>} : memref<64x128xf32, #tpu.memory_space<vmem>>, vector<16xf32>,
        %parallel_loop3A_506 = arith.constant 0 : i32
        %parallel_loop3A_507 = arith.addi %parallel_loop3A_297, %parallel_loop3A_506 : i32
        %parallel_loop3A_508 = vector.broadcast %parallel_loop3A_507 : i32 to vector<16xi32>
        %parallel_loop3A_509 = arith.addi %iota3A_239, %parallel_loop3A_508 : vector<16xi32>
        tpu.vector_store_idx %arg7[%parallel_loop3A_509], %parallel_loop3A_310 : memref<9216xf32, #tpu.memory_space<vmem>>[vector<16xi32>], vector<16xf32>,
        %parallel_loop3A_510 = arith.constant 17 : i32
        %parallel_loop3A_511 = arith.addi %parallel_loop3A_297, %parallel_loop3A_510 : i32
        %parallel_loop3A_512 = vector.broadcast %parallel_loop3A_511 : i32 to vector<16xi32>
        %parallel_loop3A_513 = arith.addi %iota3A_239, %parallel_loop3A_512 : vector<16xi32>
        tpu.vector_store_idx %arg7[%parallel_loop3A_513], %parallel_loop3A_323 : memref<9216xf32, #tpu.memory_space<vmem>>[vector<16xi32>], vector<16xf32>,
        %parallel_loop3A_514 = arith.constant 34 : i32
        %parallel_loop3A_515 = arith.addi %parallel_loop3A_297, %parallel_loop3A_514 : i32
        %parallel_loop3A_516 = vector.broadcast %parallel_loop3A_515 : i32 to vector<16xi32>
        %parallel_loop3A_517 = arith.addi %iota3A_239, %parallel_loop3A_516 : vector<16xi32>
        tpu.vector_store_idx %arg7[%parallel_loop3A_517], %parallel_loop3A_336 : memref<9216xf32, #tpu.memory_space<vmem>>[vector<16xi32>], vector<16xf32>,
        %parallel_loop3A_518 = arith.constant 51 : i32
        %parallel_loop3A_519 = arith.addi %parallel_loop3A_297, %parallel_loop3A_518 : i32
        %parallel_loop3A_520 = vector.broadcast %parallel_loop3A_519 : i32 to vector<16xi32>
        %parallel_loop3A_521 = arith.addi %iota3A_239, %parallel_loop3A_520 : vector<16xi32>
        tpu.vector_store_idx %arg7[%parallel_loop3A_521], %parallel_loop3A_349 : memref<9216xf32, #tpu.memory_space<vmem>>[vector<16xi32>], vector<16xf32>,
        %parallel_loop3A_522 = arith.constant 68 : i32
        %parallel_loop3A_523 = arith.addi %parallel_loop3A_297, %parallel_loop3A_522 : i32
        %parallel_loop3A_524 = vector.broadcast %parallel_loop3A_523 : i32 to vector<16xi32>
        %parallel_loop3A_525 = arith.addi %iota3A_239, %parallel_loop3A_524 : vector<16xi32>
        tpu.vector_store_idx %arg7[%parallel_loop3A_525], %parallel_loop3A_362 : memref<9216xf32, #tpu.memory_space<vmem>>[vector<16xi32>], vector<16xf32>,
        %parallel_loop3A_526 = arith.constant 85 : i32
        %parallel_loop3A_527 = arith.addi %parallel_loop3A_297, %parallel_loop3A_526 : i32
        %parallel_loop3A_528 = vector.broadcast %parallel_loop3A_527 : i32 to vector<16xi32>
        %parallel_loop3A_529 = arith.addi %iota3A_239, %parallel_loop3A_528 : vector<16xi32>
        tpu.vector_store_idx %arg7[%parallel_loop3A_529], %parallel_loop3A_375 : memref<9216xf32, #tpu.memory_space<vmem>>[vector<16xi32>], vector<16xf32>,
        %parallel_loop3A_530 = arith.constant 102 : i32
        %parallel_loop3A_531 = arith.addi %parallel_loop3A_297, %parallel_loop3A_530 : i32
        %parallel_loop3A_532 = vector.broadcast %parallel_loop3A_531 : i32 to vector<16xi32>
        %parallel_loop3A_533 = arith.addi %iota3A_239, %parallel_loop3A_532 : vector<16xi32>
        tpu.vector_store_idx %arg7[%parallel_loop3A_533], %parallel_loop3A_388 : memref<9216xf32, #tpu.memory_space<vmem>>[vector<16xi32>], vector<16xf32>,
        %parallel_loop3A_534 = arith.constant 119 : i32
        %parallel_loop3A_535 = arith.addi %parallel_loop3A_297, %parallel_loop3A_534 : i32
        %parallel_loop3A_536 = vector.broadcast %parallel_loop3A_535 : i32 to vector<16xi32>
        %parallel_loop3A_537 = arith.addi %iota3A_239, %parallel_loop3A_536 : vector<16xi32>
        tpu.vector_store_idx %arg7[%parallel_loop3A_537], %parallel_loop3A_401 : memref<9216xf32, #tpu.memory_space<vmem>>[vector<16xi32>], vector<16xf32>,
        %parallel_loop3A_538 = arith.constant 136 : i32
        %parallel_loop3A_539 = arith.addi %parallel_loop3A_297, %parallel_loop3A_538 : i32
        %parallel_loop3A_540 = vector.broadcast %parallel_loop3A_539 : i32 to vector<16xi32>
        %parallel_loop3A_541 = arith.addi %iota3A_239, %parallel_loop3A_540 : vector<16xi32>
        tpu.vector_store_idx %arg7[%parallel_loop3A_541], %parallel_loop3A_414 : memref<9216xf32, #tpu.memory_space<vmem>>[vector<16xi32>], vector<16xf32>,
        %parallel_loop3A_542 = arith.constant 153 : i32
        %parallel_loop3A_543 = arith.addi %parallel_loop3A_297, %parallel_loop3A_542 : i32
        %parallel_loop3A_544 = vector.broadcast %parallel_loop3A_543 : i32 to vector<16xi32>
        %parallel_loop3A_545 = arith.addi %iota3A_239, %parallel_loop3A_544 : vector<16xi32>
        tpu.vector_store_idx %arg7[%parallel_loop3A_545], %parallel_loop3A_427 : memref<9216xf32, #tpu.memory_space<vmem>>[vector<16xi32>], vector<16xf32>,
        %parallel_loop3A_546 = arith.constant 170 : i32
        %parallel_loop3A_547 = arith.addi %parallel_loop3A_297, %parallel_loop3A_546 : i32
        %parallel_loop3A_548 = vector.broadcast %parallel_loop3A_547 : i32 to vector<16xi32>
        %parallel_loop3A_549 = arith.addi %iota3A_239, %parallel_loop3A_548 : vector<16xi32>
        tpu.vector_store_idx %arg7[%parallel_loop3A_549], %parallel_loop3A_440 : memref<9216xf32, #tpu.memory_space<vmem>>[vector<16xi32>], vector<16xf32>,
        %parallel_loop3A_550 = arith.constant 187 : i32
        %parallel_loop3A_551 = arith.addi %parallel_loop3A_297, %parallel_loop3A_550 : i32
        %parallel_loop3A_552 = vector.broadcast %parallel_loop3A_551 : i32 to vector<16xi32>
        %parallel_loop3A_553 = arith.addi %iota3A_239, %parallel_loop3A_552 : vector<16xi32>
        tpu.vector_store_idx %arg7[%parallel_loop3A_553], %parallel_loop3A_453 : memref<9216xf32, #tpu.memory_space<vmem>>[vector<16xi32>], vector<16xf32>,
        %parallel_loop3A_554 = arith.constant 204 : i32
        %parallel_loop3A_555 = arith.addi %parallel_loop3A_297, %parallel_loop3A_554 : i32
        %parallel_loop3A_556 = vector.broadcast %parallel_loop3A_555 : i32 to vector<16xi32>
        %parallel_loop3A_557 = arith.addi %iota3A_239, %parallel_loop3A_556 : vector<16xi32>
        tpu.vector_store_idx %arg7[%parallel_loop3A_557], %parallel_loop3A_466 : memref<9216xf32, #tpu.memory_space<vmem>>[vector<16xi32>], vector<16xf32>,
        %parallel_loop3A_558 = arith.constant 221 : i32
        %parallel_loop3A_559 = arith.addi %parallel_loop3A_297, %parallel_loop3A_558 : i32
        %parallel_loop3A_560 = vector.broadcast %parallel_loop3A_559 : i32 to vector<16xi32>
        %parallel_loop3A_561 = arith.addi %iota3A_239, %parallel_loop3A_560 : vector<16xi32>
        tpu.vector_store_idx %arg7[%parallel_loop3A_561], %parallel_loop3A_479 : memref<9216xf32, #tpu.memory_space<vmem>>[vector<16xi32>], vector<16xf32>,
        %parallel_loop3A_562 = arith.constant 238 : i32
        %parallel_loop3A_563 = arith.addi %parallel_loop3A_297, %parallel_loop3A_562 : i32
        %parallel_loop3A_564 = vector.broadcast %parallel_loop3A_563 : i32 to vector<16xi32>
        %parallel_loop3A_565 = arith.addi %iota3A_239, %parallel_loop3A_564 : vector<16xi32>
        tpu.vector_store_idx %arg7[%parallel_loop3A_565], %parallel_loop3A_492 : memref<9216xf32, #tpu.memory_space<vmem>>[vector<16xi32>], vector<16xf32>,
        %parallel_loop3A_566 = arith.constant 255 : i32
        %parallel_loop3A_567 = arith.addi %parallel_loop3A_297, %parallel_loop3A_566 : i32
        %parallel_loop3A_568 = vector.broadcast %parallel_loop3A_567 : i32 to vector<16xi32>
        %parallel_loop3A_569 = arith.addi %iota3A_239, %parallel_loop3A_568 : vector<16xi32>
        tpu.vector_store_idx %arg7[%parallel_loop3A_569], %parallel_loop3A_505 : memref<9216xf32, #tpu.memory_space<vmem>>[vector<16xi32>], vector<16xf32>,
        %parallel_loop3A_570 = arith.constant 0 : i32
        %parallel_loop3A_571 = arith.addi %parallel_loop3A_297, %parallel_loop3A_570 : i32
        %parallel_loop3A_572 = vector.broadcast %parallel_loop3A_571 : i32 to vector<16xi32>
        %parallel_loop3A_573 = arith.addi %mul3A_242, %parallel_loop3A_572 : vector<16xi32>
        %parallel_loop3A_574 = tpu.vector_load_idx %arg7[%parallel_loop3A_573] : memref<9216xf32, #tpu.memory_space<vmem>>[vector<16xi32>], vector<16xf32>,
        %parallel_loop3A_575 = arith.constant 1 : i32
        %parallel_loop3A_576 = arith.addi %parallel_loop3A_297, %parallel_loop3A_575 : i32
        %parallel_loop3A_577 = vector.broadcast %parallel_loop3A_576 : i32 to vector<16xi32>
        %parallel_loop3A_578 = arith.addi %mul3A_242, %parallel_loop3A_577 : vector<16xi32>
        %parallel_loop3A_579 = tpu.vector_load_idx %arg7[%parallel_loop3A_578] : memref<9216xf32, #tpu.memory_space<vmem>>[vector<16xi32>], vector<16xf32>,
        %parallel_loop3A_580 = arith.constant 2 : i32
        %parallel_loop3A_581 = arith.addi %parallel_loop3A_297, %parallel_loop3A_580 : i32
        %parallel_loop3A_582 = vector.broadcast %parallel_loop3A_581 : i32 to vector<16xi32>
        %parallel_loop3A_583 = arith.addi %mul3A_242, %parallel_loop3A_582 : vector<16xi32>
        %parallel_loop3A_584 = tpu.vector_load_idx %arg7[%parallel_loop3A_583] : memref<9216xf32, #tpu.memory_space<vmem>>[vector<16xi32>], vector<16xf32>,
        %parallel_loop3A_585 = arith.constant 3 : i32
        %parallel_loop3A_586 = arith.addi %parallel_loop3A_297, %parallel_loop3A_585 : i32
        %parallel_loop3A_587 = vector.broadcast %parallel_loop3A_586 : i32 to vector<16xi32>
        %parallel_loop3A_588 = arith.addi %mul3A_242, %parallel_loop3A_587 : vector<16xi32>
        %parallel_loop3A_589 = tpu.vector_load_idx %arg7[%parallel_loop3A_588] : memref<9216xf32, #tpu.memory_space<vmem>>[vector<16xi32>], vector<16xf32>,
        %parallel_loop3A_590 = arith.constant 4 : i32
        %parallel_loop3A_591 = arith.addi %parallel_loop3A_297, %parallel_loop3A_590 : i32
        %parallel_loop3A_592 = vector.broadcast %parallel_loop3A_591 : i32 to vector<16xi32>
        %parallel_loop3A_593 = arith.addi %mul3A_242, %parallel_loop3A_592 : vector<16xi32>
        %parallel_loop3A_594 = tpu.vector_load_idx %arg7[%parallel_loop3A_593] : memref<9216xf32, #tpu.memory_space<vmem>>[vector<16xi32>], vector<16xf32>,
        %parallel_loop3A_595 = arith.constant 5 : i32
        %parallel_loop3A_596 = arith.addi %parallel_loop3A_297, %parallel_loop3A_595 : i32
        %parallel_loop3A_597 = vector.broadcast %parallel_loop3A_596 : i32 to vector<16xi32>
        %parallel_loop3A_598 = arith.addi %mul3A_242, %parallel_loop3A_597 : vector<16xi32>
        %parallel_loop3A_599 = tpu.vector_load_idx %arg7[%parallel_loop3A_598] : memref<9216xf32, #tpu.memory_space<vmem>>[vector<16xi32>], vector<16xf32>,
        %parallel_loop3A_600 = arith.constant 6 : i32
        %parallel_loop3A_601 = arith.addi %parallel_loop3A_297, %parallel_loop3A_600 : i32
        %parallel_loop3A_602 = vector.broadcast %parallel_loop3A_601 : i32 to vector<16xi32>
        %parallel_loop3A_603 = arith.addi %mul3A_242, %parallel_loop3A_602 : vector<16xi32>
        %parallel_loop3A_604 = tpu.vector_load_idx %arg7[%parallel_loop3A_603] : memref<9216xf32, #tpu.memory_space<vmem>>[vector<16xi32>], vector<16xf32>,
        %parallel_loop3A_605 = arith.constant 7 : i32
        %parallel_loop3A_606 = arith.addi %parallel_loop3A_297, %parallel_loop3A_605 : i32
        %parallel_loop3A_607 = vector.broadcast %parallel_loop3A_606 : i32 to vector<16xi32>
        %parallel_loop3A_608 = arith.addi %mul3A_242, %parallel_loop3A_607 : vector<16xi32>
        %parallel_loop3A_609 = tpu.vector_load_idx %arg7[%parallel_loop3A_608] : memref<9216xf32, #tpu.memory_space<vmem>>[vector<16xi32>], vector<16xf32>,
        %parallel_loop3A_610 = arith.constant 8 : i32
        %parallel_loop3A_611 = arith.addi %parallel_loop3A_297, %parallel_loop3A_610 : i32
        %parallel_loop3A_612 = vector.broadcast %parallel_loop3A_611 : i32 to vector<16xi32>
        %parallel_loop3A_613 = arith.addi %mul3A_242, %parallel_loop3A_612 : vector<16xi32>
        %parallel_loop3A_614 = tpu.vector_load_idx %arg7[%parallel_loop3A_613] : memref<9216xf32, #tpu.memory_space<vmem>>[vector<16xi32>], vector<16xf32>,
        %parallel_loop3A_615 = arith.constant 9 : i32
        %parallel_loop3A_616 = arith.addi %parallel_loop3A_297, %parallel_loop3A_615 : i32
        %parallel_loop3A_617 = vector.broadcast %parallel_loop3A_616 : i32 to vector<16xi32>
        %parallel_loop3A_618 = arith.addi %mul3A_242, %parallel_loop3A_617 : vector<16xi32>
        %parallel_loop3A_619 = tpu.vector_load_idx %arg7[%parallel_loop3A_618] : memref<9216xf32, #tpu.memory_space<vmem>>[vector<16xi32>], vector<16xf32>,
        %parallel_loop3A_620 = arith.constant 10 : i32
        %parallel_loop3A_621 = arith.addi %parallel_loop3A_297, %parallel_loop3A_620 : i32
        %parallel_loop3A_622 = vector.broadcast %parallel_loop3A_621 : i32 to vector<16xi32>
        %parallel_loop3A_623 = arith.addi %mul3A_242, %parallel_loop3A_622 : vector<16xi32>
        %parallel_loop3A_624 = tpu.vector_load_idx %arg7[%parallel_loop3A_623] : memref<9216xf32, #tpu.memory_space<vmem>>[vector<16xi32>], vector<16xf32>,
        %parallel_loop3A_625 = arith.constant 11 : i32
        %parallel_loop3A_626 = arith.addi %parallel_loop3A_297, %parallel_loop3A_625 : i32
        %parallel_loop3A_627 = vector.broadcast %parallel_loop3A_626 : i32 to vector<16xi32>
        %parallel_loop3A_628 = arith.addi %mul3A_242, %parallel_loop3A_627 : vector<16xi32>
        %parallel_loop3A_629 = tpu.vector_load_idx %arg7[%parallel_loop3A_628] : memref<9216xf32, #tpu.memory_space<vmem>>[vector<16xi32>], vector<16xf32>,
        %parallel_loop3A_630 = arith.constant 12 : i32
        %parallel_loop3A_631 = arith.addi %parallel_loop3A_297, %parallel_loop3A_630 : i32
        %parallel_loop3A_632 = vector.broadcast %parallel_loop3A_631 : i32 to vector<16xi32>
        %parallel_loop3A_633 = arith.addi %mul3A_242, %parallel_loop3A_632 : vector<16xi32>
        %parallel_loop3A_634 = tpu.vector_load_idx %arg7[%parallel_loop3A_633] : memref<9216xf32, #tpu.memory_space<vmem>>[vector<16xi32>], vector<16xf32>,
        %parallel_loop3A_635 = arith.constant 13 : i32
        %parallel_loop3A_636 = arith.addi %parallel_loop3A_297, %parallel_loop3A_635 : i32
        %parallel_loop3A_637 = vector.broadcast %parallel_loop3A_636 : i32 to vector<16xi32>
        %parallel_loop3A_638 = arith.addi %mul3A_242, %parallel_loop3A_637 : vector<16xi32>
        %parallel_loop3A_639 = tpu.vector_load_idx %arg7[%parallel_loop3A_638] : memref<9216xf32, #tpu.memory_space<vmem>>[vector<16xi32>], vector<16xf32>,
        %parallel_loop3A_640 = arith.constant 14 : i32
        %parallel_loop3A_641 = arith.addi %parallel_loop3A_297, %parallel_loop3A_640 : i32
        %parallel_loop3A_642 = vector.broadcast %parallel_loop3A_641 : i32 to vector<16xi32>
        %parallel_loop3A_643 = arith.addi %mul3A_242, %parallel_loop3A_642 : vector<16xi32>
        %parallel_loop3A_644 = tpu.vector_load_idx %arg7[%parallel_loop3A_643] : memref<9216xf32, #tpu.memory_space<vmem>>[vector<16xi32>], vector<16xf32>,
        %parallel_loop3A_645 = arith.constant 15 : i32
        %parallel_loop3A_646 = arith.addi %parallel_loop3A_297, %parallel_loop3A_645 : i32
        %parallel_loop3A_647 = vector.broadcast %parallel_loop3A_646 : i32 to vector<16xi32>
        %parallel_loop3A_648 = arith.addi %mul3A_242, %parallel_loop3A_647 : vector<16xi32>
        %parallel_loop3A_649 = tpu.vector_load_idx %arg7[%parallel_loop3A_648] : memref<9216xf32, #tpu.memory_space<vmem>>[vector<16xi32>], vector<16xf32>,
        %parallel_loop3A_650 = arith.constant 16 : i32
        %parallel_loop3A_651 = arith.muli %parallel_loop3A_295, %parallel_loop3A_650 : i32
        %parallel_loop3A_652 = arith.constant 0 : i32
        %parallel_loop3A_653 = arith.addi %parallel_loop3A_651, %parallel_loop3A_652 : i32
        %parallel_loop3A_654 = arith.constant 16 : i32
        %parallel_loop3A_655 = arith.muli %parallel_loop3A_293, %parallel_loop3A_654 : i32
        %parallel_loop3A_656 = arith.constant 0 : i32
        %parallel_loop3A_657 = arith.constant 0 : i32
        %parallel_loop3A_658 = tpu.memref_slice %arg6[%parallel_loop3A_247, %parallel_loop3A_656, %parallel_loop3A_657] : memref<3x128x128xf32, #tpu.memory_space<vmem>> -> memref<1x128x128xf32, #tpu.memory_space<vmem>>
        %parallel_loop3A_659 = tpu.memref_squeeze %parallel_loop3A_658 : memref<1x128x128xf32, #tpu.memory_space<vmem>> -> memref<128x128xf32, #tpu.memory_space<vmem>>
        %parallel_loop3A_660 = arith.index_cast %parallel_loop3A_653 : i32 to index
        %parallel_loop3A_661 = arith.index_cast %parallel_loop3A_655 : i32 to index
        %parallel_loop3A_662 = tpu.vector_load %parallel_loop3A_659[%parallel_loop3A_660, %parallel_loop3A_661] {strides = array<i32>} : memref<128x128xf32, #tpu.memory_space<vmem>>, vector<16xf32>,
        tpu.vector_store %parallel_loop3A_659[%parallel_loop3A_660, %parallel_loop3A_661], %parallel_loop3A_574 {strides = array<i32>} : memref<128x128xf32, #tpu.memory_space<vmem>>, vector<16xf32>,
        %parallel_loop3A_663 = arith.constant 16 : i32
        %parallel_loop3A_664 = arith.muli %parallel_loop3A_295, %parallel_loop3A_663 : i32
        %parallel_loop3A_665 = arith.constant 1 : i32
        %parallel_loop3A_666 = arith.addi %parallel_loop3A_664, %parallel_loop3A_665 : i32
        %parallel_loop3A_667 = arith.constant 16 : i32
        %parallel_loop3A_668 = arith.muli %parallel_loop3A_293, %parallel_loop3A_667 : i32
        %parallel_loop3A_669 = arith.constant 0 : i32
        %parallel_loop3A_670 = arith.constant 0 : i32
        %parallel_loop3A_671 = tpu.memref_slice %arg6[%parallel_loop3A_247, %parallel_loop3A_669, %parallel_loop3A_670] : memref<3x128x128xf32, #tpu.memory_space<vmem>> -> memref<1x128x128xf32, #tpu.memory_space<vmem>>
        %parallel_loop3A_672 = tpu.memref_squeeze %parallel_loop3A_671 : memref<1x128x128xf32, #tpu.memory_space<vmem>> -> memref<128x128xf32, #tpu.memory_space<vmem>>
        %parallel_loop3A_673 = arith.index_cast %parallel_loop3A_666 : i32 to index
        %parallel_loop3A_674 = arith.index_cast %parallel_loop3A_668 : i32 to index
        %parallel_loop3A_675 = tpu.vector_load %parallel_loop3A_672[%parallel_loop3A_673, %parallel_loop3A_674] {strides = array<i32>} : memref<128x128xf32, #tpu.memory_space<vmem>>, vector<16xf32>,
        tpu.vector_store %parallel_loop3A_672[%parallel_loop3A_673, %parallel_loop3A_674], %parallel_loop3A_579 {strides = array<i32>} : memref<128x128xf32, #tpu.memory_space<vmem>>, vector<16xf32>,
        %parallel_loop3A_676 = arith.constant 16 : i32
        %parallel_loop3A_677 = arith.muli %parallel_loop3A_295, %parallel_loop3A_676 : i32
        %parallel_loop3A_678 = arith.constant 2 : i32
        %parallel_loop3A_679 = arith.addi %parallel_loop3A_677, %parallel_loop3A_678 : i32
        %parallel_loop3A_680 = arith.constant 16 : i32
        %parallel_loop3A_681 = arith.muli %parallel_loop3A_293, %parallel_loop3A_680 : i32
        %parallel_loop3A_682 = arith.constant 0 : i32
        %parallel_loop3A_683 = arith.constant 0 : i32
        %parallel_loop3A_684 = tpu.memref_slice %arg6[%parallel_loop3A_247, %parallel_loop3A_682, %parallel_loop3A_683] : memref<3x128x128xf32, #tpu.memory_space<vmem>> -> memref<1x128x128xf32, #tpu.memory_space<vmem>>
        %parallel_loop3A_685 = tpu.memref_squeeze %parallel_loop3A_684 : memref<1x128x128xf32, #tpu.memory_space<vmem>> -> memref<128x128xf32, #tpu.memory_space<vmem>>
        %parallel_loop3A_686 = arith.index_cast %parallel_loop3A_679 : i32 to index
        %parallel_loop3A_687 = arith.index_cast %parallel_loop3A_681 : i32 to index
        %parallel_loop3A_688 = tpu.vector_load %parallel_loop3A_685[%parallel_loop3A_686, %parallel_loop3A_687] {strides = array<i32>} : memref<128x128xf32, #tpu.memory_space<vmem>>, vector<16xf32>,
        tpu.vector_store %parallel_loop3A_685[%parallel_loop3A_686, %parallel_loop3A_687], %parallel_loop3A_584 {strides = array<i32>} : memref<128x128xf32, #tpu.memory_space<vmem>>, vector<16xf32>,
        %parallel_loop3A_689 = arith.constant 16 : i32
        %parallel_loop3A_690 = arith.muli %parallel_loop3A_295, %parallel_loop3A_689 : i32
        %parallel_loop3A_691 = arith.constant 3 : i32
        %parallel_loop3A_692 = arith.addi %parallel_loop3A_690, %parallel_loop3A_691 : i32
        %parallel_loop3A_693 = arith.constant 16 : i32
        %parallel_loop3A_694 = arith.muli %parallel_loop3A_293, %parallel_loop3A_693 : i32
        %parallel_loop3A_695 = arith.constant 0 : i32
        %parallel_loop3A_696 = arith.constant 0 : i32
        %parallel_loop3A_697 = tpu.memref_slice %arg6[%parallel_loop3A_247, %parallel_loop3A_695, %parallel_loop3A_696] : memref<3x128x128xf32, #tpu.memory_space<vmem>> -> memref<1x128x128xf32, #tpu.memory_space<vmem>>
        %parallel_loop3A_698 = tpu.memref_squeeze %parallel_loop3A_697 : memref<1x128x128xf32, #tpu.memory_space<vmem>> -> memref<128x128xf32, #tpu.memory_space<vmem>>
        %parallel_loop3A_699 = arith.index_cast %parallel_loop3A_692 : i32 to index
        %parallel_loop3A_700 = arith.index_cast %parallel_loop3A_694 : i32 to index
        %parallel_loop3A_701 = tpu.vector_load %parallel_loop3A_698[%parallel_loop3A_699, %parallel_loop3A_700] {strides = array<i32>} : memref<128x128xf32, #tpu.memory_space<vmem>>, vector<16xf32>,
        tpu.vector_store %parallel_loop3A_698[%parallel_loop3A_699, %parallel_loop3A_700], %parallel_loop3A_589 {strides = array<i32>} : memref<128x128xf32, #tpu.memory_space<vmem>>, vector<16xf32>,
        %parallel_loop3A_702 = arith.constant 16 : i32
        %parallel_loop3A_703 = arith.muli %parallel_loop3A_295, %parallel_loop3A_702 : i32
        %parallel_loop3A_704 = arith.constant 4 : i32
        %parallel_loop3A_705 = arith.addi %parallel_loop3A_703, %parallel_loop3A_704 : i32
        %parallel_loop3A_706 = arith.constant 16 : i32
        %parallel_loop3A_707 = arith.muli %parallel_loop3A_293, %parallel_loop3A_706 : i32
        %parallel_loop3A_708 = arith.constant 0 : i32
        %parallel_loop3A_709 = arith.constant 0 : i32
        %parallel_loop3A_710 = tpu.memref_slice %arg6[%parallel_loop3A_247, %parallel_loop3A_708, %parallel_loop3A_709] : memref<3x128x128xf32, #tpu.memory_space<vmem>> -> memref<1x128x128xf32, #tpu.memory_space<vmem>>
        %parallel_loop3A_711 = tpu.memref_squeeze %parallel_loop3A_710 : memref<1x128x128xf32, #tpu.memory_space<vmem>> -> memref<128x128xf32, #tpu.memory_space<vmem>>
        %parallel_loop3A_712 = arith.index_cast %parallel_loop3A_705 : i32 to index
        %parallel_loop3A_713 = arith.index_cast %parallel_loop3A_707 : i32 to index
        %parallel_loop3A_714 = tpu.vector_load %parallel_loop3A_711[%parallel_loop3A_712, %parallel_loop3A_713] {strides = array<i32>} : memref<128x128xf32, #tpu.memory_space<vmem>>, vector<16xf32>,
        tpu.vector_store %parallel_loop3A_711[%parallel_loop3A_712, %parallel_loop3A_713], %parallel_loop3A_594 {strides = array<i32>} : memref<128x128xf32, #tpu.memory_space<vmem>>, vector<16xf32>,
        %parallel_loop3A_715 = arith.constant 16 : i32
        %parallel_loop3A_716 = arith.muli %parallel_loop3A_295, %parallel_loop3A_715 : i32
        %parallel_loop3A_717 = arith.constant 5 : i32
        %parallel_loop3A_718 = arith.addi %parallel_loop3A_716, %parallel_loop3A_717 : i32
        %parallel_loop3A_719 = arith.constant 16 : i32
        %parallel_loop3A_720 = arith.muli %parallel_loop3A_293, %parallel_loop3A_719 : i32
        %parallel_loop3A_721 = arith.constant 0 : i32
        %parallel_loop3A_722 = arith.constant 0 : i32
        %parallel_loop3A_723 = tpu.memref_slice %arg6[%parallel_loop3A_247, %parallel_loop3A_721, %parallel_loop3A_722] : memref<3x128x128xf32, #tpu.memory_space<vmem>> -> memref<1x128x128xf32, #tpu.memory_space<vmem>>
        %parallel_loop3A_724 = tpu.memref_squeeze %parallel_loop3A_723 : memref<1x128x128xf32, #tpu.memory_space<vmem>> -> memref<128x128xf32, #tpu.memory_space<vmem>>
        %parallel_loop3A_725 = arith.index_cast %parallel_loop3A_718 : i32 to index
        %parallel_loop3A_726 = arith.index_cast %parallel_loop3A_720 : i32 to index
        %parallel_loop3A_727 = tpu.vector_load %parallel_loop3A_724[%parallel_loop3A_725, %parallel_loop3A_726] {strides = array<i32>} : memref<128x128xf32, #tpu.memory_space<vmem>>, vector<16xf32>,
        tpu.vector_store %parallel_loop3A_724[%parallel_loop3A_725, %parallel_loop3A_726], %parallel_loop3A_599 {strides = array<i32>} : memref<128x128xf32, #tpu.memory_space<vmem>>, vector<16xf32>,
        %parallel_loop3A_728 = arith.constant 16 : i32
        %parallel_loop3A_729 = arith.muli %parallel_loop3A_295, %parallel_loop3A_728 : i32
        %parallel_loop3A_730 = arith.constant 6 : i32
        %parallel_loop3A_731 = arith.addi %parallel_loop3A_729, %parallel_loop3A_730 : i32
        %parallel_loop3A_732 = arith.constant 16 : i32
        %parallel_loop3A_733 = arith.muli %parallel_loop3A_293, %parallel_loop3A_732 : i32
        %parallel_loop3A_734 = arith.constant 0 : i32
        %parallel_loop3A_735 = arith.constant 0 : i32
        %parallel_loop3A_736 = tpu.memref_slice %arg6[%parallel_loop3A_247, %parallel_loop3A_734, %parallel_loop3A_735] : memref<3x128x128xf32, #tpu.memory_space<vmem>> -> memref<1x128x128xf32, #tpu.memory_space<vmem>>
        %parallel_loop3A_737 = tpu.memref_squeeze %parallel_loop3A_736 : memref<1x128x128xf32, #tpu.memory_space<vmem>> -> memref<128x128xf32, #tpu.memory_space<vmem>>
        %parallel_loop3A_738 = arith.index_cast %parallel_loop3A_731 : i32 to index
        %parallel_loop3A_739 = arith.index_cast %parallel_loop3A_733 : i32 to index
        %parallel_loop3A_740 = tpu.vector_load %parallel_loop3A_737[%parallel_loop3A_738, %parallel_loop3A_739] {strides = array<i32>} : memref<128x128xf32, #tpu.memory_space<vmem>>, vector<16xf32>,
        tpu.vector_store %parallel_loop3A_737[%parallel_loop3A_738, %parallel_loop3A_739], %parallel_loop3A_604 {strides = array<i32>} : memref<128x128xf32, #tpu.memory_space<vmem>>, vector<16xf32>,
        %parallel_loop3A_741 = arith.constant 16 : i32
        %parallel_loop3A_742 = arith.muli %parallel_loop3A_295, %parallel_loop3A_741 : i32
        %parallel_loop3A_743 = arith.constant 7 : i32
        %parallel_loop3A_744 = arith.addi %parallel_loop3A_742, %parallel_loop3A_743 : i32
        %parallel_loop3A_745 = arith.constant 16 : i32
        %parallel_loop3A_746 = arith.muli %parallel_loop3A_293, %parallel_loop3A_745 : i32
        %parallel_loop3A_747 = arith.constant 0 : i32
        %parallel_loop3A_748 = arith.constant 0 : i32
        %parallel_loop3A_749 = tpu.memref_slice %arg6[%parallel_loop3A_247, %parallel_loop3A_747, %parallel_loop3A_748] : memref<3x128x128xf32, #tpu.memory_space<vmem>> -> memref<1x128x128xf32, #tpu.memory_space<vmem>>
        %parallel_loop3A_750 = tpu.memref_squeeze %parallel_loop3A_749 : memref<1x128x128xf32, #tpu.memory_space<vmem>> -> memref<128x128xf32, #tpu.memory_space<vmem>>
        %parallel_loop3A_751 = arith.index_cast %parallel_loop3A_744 : i32 to index
        %parallel_loop3A_752 = arith.index_cast %parallel_loop3A_746 : i32 to index
        %parallel_loop3A_753 = tpu.vector_load %parallel_loop3A_750[%parallel_loop3A_751, %parallel_loop3A_752] {strides = array<i32>} : memref<128x128xf32, #tpu.memory_space<vmem>>, vector<16xf32>,
        tpu.vector_store %parallel_loop3A_750[%parallel_loop3A_751, %parallel_loop3A_752], %parallel_loop3A_609 {strides = array<i32>} : memref<128x128xf32, #tpu.memory_space<vmem>>, vector<16xf32>,
        %parallel_loop3A_754 = arith.constant 16 : i32
        %parallel_loop3A_755 = arith.muli %parallel_loop3A_295, %parallel_loop3A_754 : i32
        %parallel_loop3A_756 = arith.constant 8 : i32
        %parallel_loop3A_757 = arith.addi %parallel_loop3A_755, %parallel_loop3A_756 : i32
        %parallel_loop3A_758 = arith.constant 16 : i32
        %parallel_loop3A_759 = arith.muli %parallel_loop3A_293, %parallel_loop3A_758 : i32
        %parallel_loop3A_760 = arith.constant 0 : i32
        %parallel_loop3A_761 = arith.constant 0 : i32
        %parallel_loop3A_762 = tpu.memref_slice %arg6[%parallel_loop3A_247, %parallel_loop3A_760, %parallel_loop3A_761] : memref<3x128x128xf32, #tpu.memory_space<vmem>> -> memref<1x128x128xf32, #tpu.memory_space<vmem>>
        %parallel_loop3A_763 = tpu.memref_squeeze %parallel_loop3A_762 : memref<1x128x128xf32, #tpu.memory_space<vmem>> -> memref<128x128xf32, #tpu.memory_space<vmem>>
        %parallel_loop3A_764 = arith.index_cast %parallel_loop3A_757 : i32 to index
        %parallel_loop3A_765 = arith.index_cast %parallel_loop3A_759 : i32 to index
        %parallel_loop3A_766 = tpu.vector_load %parallel_loop3A_763[%parallel_loop3A_764, %parallel_loop3A_765] {strides = array<i32>} : memref<128x128xf32, #tpu.memory_space<vmem>>, vector<16xf32>,
        tpu.vector_store %parallel_loop3A_763[%parallel_loop3A_764, %parallel_loop3A_765], %parallel_loop3A_614 {strides = array<i32>} : memref<128x128xf32, #tpu.memory_space<vmem>>, vector<16xf32>,
        %parallel_loop3A_767 = arith.constant 16 : i32
        %parallel_loop3A_768 = arith.muli %parallel_loop3A_295, %parallel_loop3A_767 : i32
        %parallel_loop3A_769 = arith.constant 9 : i32
        %parallel_loop3A_770 = arith.addi %parallel_loop3A_768, %parallel_loop3A_769 : i32
        %parallel_loop3A_771 = arith.constant 16 : i32
        %parallel_loop3A_772 = arith.muli %parallel_loop3A_293, %parallel_loop3A_771 : i32
        %parallel_loop3A_773 = arith.constant 0 : i32
        %parallel_loop3A_774 = arith.constant 0 : i32
        %parallel_loop3A_775 = tpu.memref_slice %arg6[%parallel_loop3A_247, %parallel_loop3A_773, %parallel_loop3A_774] : memref<3x128x128xf32, #tpu.memory_space<vmem>> -> memref<1x128x128xf32, #tpu.memory_space<vmem>>
        %parallel_loop3A_776 = tpu.memref_squeeze %parallel_loop3A_775 : memref<1x128x128xf32, #tpu.memory_space<vmem>> -> memref<128x128xf32, #tpu.memory_space<vmem>>
        %parallel_loop3A_777 = arith.index_cast %parallel_loop3A_770 : i32 to index
        %parallel_loop3A_778 = arith.index_cast %parallel_loop3A_772 : i32 to index
        %parallel_loop3A_779 = tpu.vector_load %parallel_loop3A_776[%parallel_loop3A_777, %parallel_loop3A_778] {strides = array<i32>} : memref<128x128xf32, #tpu.memory_space<vmem>>, vector<16xf32>,
        tpu.vector_store %parallel_loop3A_776[%parallel_loop3A_777, %parallel_loop3A_778], %parallel_loop3A_619 {strides = array<i32>} : memref<128x128xf32, #tpu.memory_space<vmem>>, vector<16xf32>,
        %parallel_loop3A_780 = arith.constant 16 : i32
        %parallel_loop3A_781 = arith.muli %parallel_loop3A_295, %parallel_loop3A_780 : i32
        %parallel_loop3A_782 = arith.constant 10 : i32
        %parallel_loop3A_783 = arith.addi %parallel_loop3A_781, %parallel_loop3A_782 : i32
        %parallel_loop3A_784 = arith.constant 16 : i32
        %parallel_loop3A_785 = arith.muli %parallel_loop3A_293, %parallel_loop3A_784 : i32
        %parallel_loop3A_786 = arith.constant 0 : i32
        %parallel_loop3A_787 = arith.constant 0 : i32
        %parallel_loop3A_788 = tpu.memref_slice %arg6[%parallel_loop3A_247, %parallel_loop3A_786, %parallel_loop3A_787] : memref<3x128x128xf32, #tpu.memory_space<vmem>> -> memref<1x128x128xf32, #tpu.memory_space<vmem>>
        %parallel_loop3A_789 = tpu.memref_squeeze %parallel_loop3A_788 : memref<1x128x128xf32, #tpu.memory_space<vmem>> -> memref<128x128xf32, #tpu.memory_space<vmem>>
        %parallel_loop3A_790 = arith.index_cast %parallel_loop3A_783 : i32 to index
        %parallel_loop3A_791 = arith.index_cast %parallel_loop3A_785 : i32 to index
        %parallel_loop3A_792 = tpu.vector_load %parallel_loop3A_789[%parallel_loop3A_790, %parallel_loop3A_791] {strides = array<i32>} : memref<128x128xf32, #tpu.memory_space<vmem>>, vector<16xf32>,
        tpu.vector_store %parallel_loop3A_789[%parallel_loop3A_790, %parallel_loop3A_791], %parallel_loop3A_624 {strides = array<i32>} : memref<128x128xf32, #tpu.memory_space<vmem>>, vector<16xf32>,
        %parallel_loop3A_793 = arith.constant 16 : i32
        %parallel_loop3A_794 = arith.muli %parallel_loop3A_295, %parallel_loop3A_793 : i32
        %parallel_loop3A_795 = arith.constant 11 : i32
        %parallel_loop3A_796 = arith.addi %parallel_loop3A_794, %parallel_loop3A_795 : i32
        %parallel_loop3A_797 = arith.constant 16 : i32
        %parallel_loop3A_798 = arith.muli %parallel_loop3A_293, %parallel_loop3A_797 : i32
        %parallel_loop3A_799 = arith.constant 0 : i32
        %parallel_loop3A_800 = arith.constant 0 : i32
        %parallel_loop3A_801 = tpu.memref_slice %arg6[%parallel_loop3A_247, %parallel_loop3A_799, %parallel_loop3A_800] : memref<3x128x128xf32, #tpu.memory_space<vmem>> -> memref<1x128x128xf32, #tpu.memory_space<vmem>>
        %parallel_loop3A_802 = tpu.memref_squeeze %parallel_loop3A_801 : memref<1x128x128xf32, #tpu.memory_space<vmem>> -> memref<128x128xf32, #tpu.memory_space<vmem>>
        %parallel_loop3A_803 = arith.index_cast %parallel_loop3A_796 : i32 to index
        %parallel_loop3A_804 = arith.index_cast %parallel_loop3A_798 : i32 to index
        %parallel_loop3A_805 = tpu.vector_load %parallel_loop3A_802[%parallel_loop3A_803, %parallel_loop3A_804] {strides = array<i32>} : memref<128x128xf32, #tpu.memory_space<vmem>>, vector<16xf32>,
        tpu.vector_store %parallel_loop3A_802[%parallel_loop3A_803, %parallel_loop3A_804], %parallel_loop3A_629 {strides = array<i32>} : memref<128x128xf32, #tpu.memory_space<vmem>>, vector<16xf32>,
        %parallel_loop3A_806 = arith.constant 16 : i32
        %parallel_loop3A_807 = arith.muli %parallel_loop3A_295, %parallel_loop3A_806 : i32
        %parallel_loop3A_808 = arith.constant 12 : i32
        %parallel_loop3A_809 = arith.addi %parallel_loop3A_807, %parallel_loop3A_808 : i32
        %parallel_loop3A_810 = arith.constant 16 : i32
        %parallel_loop3A_811 = arith.muli %parallel_loop3A_293, %parallel_loop3A_810 : i32
        %parallel_loop3A_812 = arith.constant 0 : i32
        %parallel_loop3A_813 = arith.constant 0 : i32
        %parallel_loop3A_814 = tpu.memref_slice %arg6[%parallel_loop3A_247, %parallel_loop3A_812, %parallel_loop3A_813] : memref<3x128x128xf32, #tpu.memory_space<vmem>> -> memref<1x128x128xf32, #tpu.memory_space<vmem>>
        %parallel_loop3A_815 = tpu.memref_squeeze %parallel_loop3A_814 : memref<1x128x128xf32, #tpu.memory_space<vmem>> -> memref<128x128xf32, #tpu.memory_space<vmem>>
        %parallel_loop3A_816 = arith.index_cast %parallel_loop3A_809 : i32 to index
        %parallel_loop3A_817 = arith.index_cast %parallel_loop3A_811 : i32 to index
        %parallel_loop3A_818 = tpu.vector_load %parallel_loop3A_815[%parallel_loop3A_816, %parallel_loop3A_817] {strides = array<i32>} : memref<128x128xf32, #tpu.memory_space<vmem>>, vector<16xf32>,
        tpu.vector_store %parallel_loop3A_815[%parallel_loop3A_816, %parallel_loop3A_817], %parallel_loop3A_634 {strides = array<i32>} : memref<128x128xf32, #tpu.memory_space<vmem>>, vector<16xf32>,
        %parallel_loop3A_819 = arith.constant 16 : i32
        %parallel_loop3A_820 = arith.muli %parallel_loop3A_295, %parallel_loop3A_819 : i32
        %parallel_loop3A_821 = arith.constant 13 : i32
        %parallel_loop3A_822 = arith.addi %parallel_loop3A_820, %parallel_loop3A_821 : i32
        %parallel_loop3A_823 = arith.constant 16 : i32
        %parallel_loop3A_824 = arith.muli %parallel_loop3A_293, %parallel_loop3A_823 : i32
        %parallel_loop3A_825 = arith.constant 0 : i32
        %parallel_loop3A_826 = arith.constant 0 : i32
        %parallel_loop3A_827 = tpu.memref_slice %arg6[%parallel_loop3A_247, %parallel_loop3A_825, %parallel_loop3A_826] : memref<3x128x128xf32, #tpu.memory_space<vmem>> -> memref<1x128x128xf32, #tpu.memory_space<vmem>>
        %parallel_loop3A_828 = tpu.memref_squeeze %parallel_loop3A_827 : memref<1x128x128xf32, #tpu.memory_space<vmem>> -> memref<128x128xf32, #tpu.memory_space<vmem>>
        %parallel_loop3A_829 = arith.index_cast %parallel_loop3A_822 : i32 to index
        %parallel_loop3A_830 = arith.index_cast %parallel_loop3A_824 : i32 to index
        %parallel_loop3A_831 = tpu.vector_load %parallel_loop3A_828[%parallel_loop3A_829, %parallel_loop3A_830] {strides = array<i32>} : memref<128x128xf32, #tpu.memory_space<vmem>>, vector<16xf32>,
        tpu.vector_store %parallel_loop3A_828[%parallel_loop3A_829, %parallel_loop3A_830], %parallel_loop3A_639 {strides = array<i32>} : memref<128x128xf32, #tpu.memory_space<vmem>>, vector<16xf32>,
        %parallel_loop3A_832 = arith.constant 16 : i32
        %parallel_loop3A_833 = arith.muli %parallel_loop3A_295, %parallel_loop3A_832 : i32
        %parallel_loop3A_834 = arith.constant 14 : i32
        %parallel_loop3A_835 = arith.addi %parallel_loop3A_833, %parallel_loop3A_834 : i32
        %parallel_loop3A_836 = arith.constant 16 : i32
        %parallel_loop3A_837 = arith.muli %parallel_loop3A_293, %parallel_loop3A_836 : i32
        %parallel_loop3A_838 = arith.constant 0 : i32
        %parallel_loop3A_839 = arith.constant 0 : i32
        %parallel_loop3A_840 = tpu.memref_slice %arg6[%parallel_loop3A_247, %parallel_loop3A_838, %parallel_loop3A_839] : memref<3x128x128xf32, #tpu.memory_space<vmem>> -> memref<1x128x128xf32, #tpu.memory_space<vmem>>
        %parallel_loop3A_841 = tpu.memref_squeeze %parallel_loop3A_840 : memref<1x128x128xf32, #tpu.memory_space<vmem>> -> memref<128x128xf32, #tpu.memory_space<vmem>>
        %parallel_loop3A_842 = arith.index_cast %parallel_loop3A_835 : i32 to index
        %parallel_loop3A_843 = arith.index_cast %parallel_loop3A_837 : i32 to index
        %parallel_loop3A_844 = tpu.vector_load %parallel_loop3A_841[%parallel_loop3A_842, %parallel_loop3A_843] {strides = array<i32>} : memref<128x128xf32, #tpu.memory_space<vmem>>, vector<16xf32>,
        tpu.vector_store %parallel_loop3A_841[%parallel_loop3A_842, %parallel_loop3A_843], %parallel_loop3A_644 {strides = array<i32>} : memref<128x128xf32, #tpu.memory_space<vmem>>, vector<16xf32>,
        %parallel_loop3A_845 = arith.constant 16 : i32
        %parallel_loop3A_846 = arith.muli %parallel_loop3A_295, %parallel_loop3A_845 : i32
        %parallel_loop3A_847 = arith.constant 15 : i32
        %parallel_loop3A_848 = arith.addi %parallel_loop3A_846, %parallel_loop3A_847 : i32
        %parallel_loop3A_849 = arith.constant 16 : i32
        %parallel_loop3A_850 = arith.muli %parallel_loop3A_293, %parallel_loop3A_849 : i32
        %parallel_loop3A_851 = arith.constant 0 : i32
        %parallel_loop3A_852 = arith.constant 0 : i32
        %parallel_loop3A_853 = tpu.memref_slice %arg6[%parallel_loop3A_247, %parallel_loop3A_851, %parallel_loop3A_852] : memref<3x128x128xf32, #tpu.memory_space<vmem>> -> memref<1x128x128xf32, #tpu.memory_space<vmem>>
        %parallel_loop3A_854 = tpu.memref_squeeze %parallel_loop3A_853 : memref<1x128x128xf32, #tpu.memory_space<vmem>> -> memref<128x128xf32, #tpu.memory_space<vmem>>
        %parallel_loop3A_855 = arith.index_cast %parallel_loop3A_848 : i32 to index
        %parallel_loop3A_856 = arith.index_cast %parallel_loop3A_850 : i32 to index
        %parallel_loop3A_857 = tpu.vector_load %parallel_loop3A_854[%parallel_loop3A_855, %parallel_loop3A_856] {strides = array<i32>} : memref<128x128xf32, #tpu.memory_space<vmem>>, vector<16xf32>,
        tpu.vector_store %parallel_loop3A_854[%parallel_loop3A_855, %parallel_loop3A_856], %parallel_loop3A_649 {strides = array<i32>} : memref<128x128xf32, #tpu.memory_space<vmem>>, vector<16xf32>,
      } {sc.loop_unroll_factor = 2 : i64, sc.parallel_access}
      %add3A_248 = arith.addi %mul3A_2, %add3A_211 : i32
      %lt3A_249 = arith.constant 7812 : i32
      %lt3A_250 = arith.cmpi slt, %add3A_248, %lt3A_249 : i32
      %mul3A_251 = arith.constant 128 : i32
      %mul3A_252 = arith.muli %add3A_248, %mul3A_251 : i32
      %jit3A_253 = arith.constant 1000064 : i32
      %select_n3A_254 = arith.select %lt3A_250, %mul3A_252, %jit3A_253 : i32
      %multiple_of3A_255 = tpu.assume_multiple %select_n3A_254, 128 : i32
      %dma_start3A_256 = arith.constant 2 : i32
      %dma_start3A_257 = arith.constant 0 : i32
      %dma_start3A_258 = arith.constant 0 : i32
      %dma_start3A_259 = tpu.memref_slice %arg6[%dma_start3A_256, %dma_start3A_257, %dma_start3A_258] : memref<3x128x128xf32, #tpu.memory_space<vmem>> -> memref<1x128x128xf32, #tpu.memory_space<vmem>>
      %dma_start3A_260 = tpu.memref_squeeze %dma_start3A_259 : memref<1x128x128xf32, #tpu.memory_space<vmem>> -> memref<128x128xf32, #tpu.memory_space<vmem>>
      %dma_start3A_261 = arith.constant 0 : i32
      %dma_start3A_262 = tpu.memref_slice %arg4[%multiple_of3A_255, %dma_start3A_261] : memref<1000192x128xf32, #tpu.memory_space<hbm>> -> memref<128x128xf32, #tpu.memory_space<hbm>>
      %dma_start3A_263 = arith.constant 0 : i32
      %dma_start3A_264 = tpu.memref_slice %arg4[%multiple_of3A_255, %dma_start3A_263] : memref<1000192x128xf32, #tpu.memory_space<hbm>> -> memref<128x128xf32, #tpu.memory_space<hbm>>
      %dma_start3A_265 = arith.constant 0 : i32
      %dma_start3A_266 = arith.constant 0 : i32
      %dma_start3A_267 = tpu.memref_slice %arg6[%dma_start3A_256, %dma_start3A_265, %dma_start3A_266] : memref<3x128x128xf32, #tpu.memory_space<vmem>> -> memref<1x128x128xf32, #tpu.memory_space<vmem>>
      %dma_start3A_268 = tpu.memref_squeeze %dma_start3A_267 : memref<1x128x128xf32, #tpu.memory_space<vmem>> -> memref<128x128xf32, #tpu.memory_space<vmem>>
      tpu.enqueue_dma source(%dma_start3A_268 : memref<128x128xf32, #tpu.memory_space<vmem>>) target(%dma_start3A_264 : memref<128x128xf32, #tpu.memory_space<hbm>>) target_semaphore(%arg13 : memref<!tpu.dma_semaphore, #tpu.memory_space<semaphore_mem>>)
    }
    %scan3A_44 = arith.constant 82 : i32
    %dma_wait3A = arith.constant 0 : i32
    %dma_wait3A_45 = arith.constant 0 : i32
    %dma_wait3A_46 = arith.constant 0 : i32
    %dma_wait3A_47 = tpu.memref_slice %arg6[%dma_wait3A, %dma_wait3A_45, %dma_wait3A_46] : memref<3x128x128xf32, #tpu.memory_space<vmem>> -> memref<1x128x128xf32, #tpu.memory_space<vmem>>
    %dma_wait3A_48 = tpu.memref_squeeze %dma_wait3A_47 : memref<1x128x128xf32, #tpu.memory_space<vmem>> -> memref<128x128xf32, #tpu.memory_space<vmem>>
    %dma_wait3A_49 = arith.constant 0 : i32
    %dma_wait3A_50 = arith.constant 0 : i32
    %dma_wait3A_51 = tpu.memref_slice %arg4[%dma_wait3A_49, %dma_wait3A_50] : memref<1000192x128xf32, #tpu.memory_space<hbm>> -> memref<128x128xf32, #tpu.memory_space<hbm>>
    %dma_wait3A_52 = arith.constant 0 : i32
    %dma_wait3A_53 = arith.constant 0 : i32
    %dma_wait3A_54 = tpu.memref_slice %arg4[%dma_wait3A_52, %dma_wait3A_53] : memref<1000192x128xf32, #tpu.memory_space<hbm>> -> memref<128x128xf32, #tpu.memory_space<hbm>>
    %dma_wait3A_55 = arith.constant 0 : i32
    %dma_wait3A_56 = arith.constant 0 : i32
    %dma_wait3A_57 = tpu.memref_slice %arg6[%dma_wait3A, %dma_wait3A_55, %dma_wait3A_56] : memref<3x128x128xf32, #tpu.memory_space<vmem>> -> memref<1x128x128xf32, #tpu.memory_space<vmem>>
    %dma_wait3A_58 = tpu.memref_squeeze %dma_wait3A_57 : memref<1x128x128xf32, #tpu.memory_space<vmem>> -> memref<128x128xf32, #tpu.memory_space<vmem>>
    tpu.wait_dma2 semaphore(%arg11 : memref<!tpu.dma_semaphore, #tpu.memory_space<semaphore_mem>>) src(%dma_wait3A_58 : memref<128x128xf32, #tpu.memory_space<vmem>>) dst(%dma_wait3A_54 : memref<128x128xf32, #tpu.memory_space<hbm>>)
    %dma_wait3A_59 = arith.constant 1 : i32
    %dma_wait3A_60 = arith.constant 0 : i32
    %dma_wait3A_61 = arith.constant 0 : i32
    %dma_wait3A_62 = tpu.memref_slice %arg6[%dma_wait3A_59, %dma_wait3A_60, %dma_wait3A_61] : memref<3x128x128xf32, #tpu.memory_space<vmem>> -> memref<1x128x128xf32, #tpu.memory_space<vmem>>
    %dma_wait3A_63 = tpu.memref_squeeze %dma_wait3A_62 : memref<1x128x128xf32, #tpu.memory_space<vmem>> -> memref<128x128xf32, #tpu.memory_space<vmem>>
    %dma_wait3A_64 = arith.constant 0 : i32
    %dma_wait3A_65 = arith.constant 0 : i32
    %dma_wait3A_66 = tpu.memref_slice %arg4[%dma_wait3A_64, %dma_wait3A_65] : memref<1000192x128xf32, #tpu.memory_space<hbm>> -> memref<128x128xf32, #tpu.memory_space<hbm>>
    %dma_wait3A_67 = arith.constant 0 : i32
    %dma_wait3A_68 = arith.constant 0 : i32
    %dma_wait3A_69 = tpu.memref_slice %arg4[%dma_wait3A_67, %dma_wait3A_68] : memref<1000192x128xf32, #tpu.memory_space<hbm>> -> memref<128x128xf32, #tpu.memory_space<hbm>>
    %dma_wait3A_70 = arith.constant 0 : i32
    %dma_wait3A_71 = arith.constant 0 : i32
    %dma_wait3A_72 = tpu.memref_slice %arg6[%dma_wait3A_59, %dma_wait3A_70, %dma_wait3A_71] : memref<3x128x128xf32, #tpu.memory_space<vmem>> -> memref<1x128x128xf32, #tpu.memory_space<vmem>>
    %dma_wait3A_73 = tpu.memref_squeeze %dma_wait3A_72 : memref<1x128x128xf32, #tpu.memory_space<vmem>> -> memref<128x128xf32, #tpu.memory_space<vmem>>
    tpu.wait_dma2 semaphore(%arg12 : memref<!tpu.dma_semaphore, #tpu.memory_space<semaphore_mem>>) src(%dma_wait3A_73 : memref<128x128xf32, #tpu.memory_space<vmem>>) dst(%dma_wait3A_69 : memref<128x128xf32, #tpu.memory_space<hbm>>)
    %dma_wait3A_74 = arith.constant 2 : i32
    %dma_wait3A_75 = arith.constant 0 : i32
    %dma_wait3A_76 = arith.constant 0 : i32
    %dma_wait3A_77 = tpu.memref_slice %arg6[%dma_wait3A_74, %dma_wait3A_75, %dma_wait3A_76] : memref<3x128x128xf32, #tpu.memory_space<vmem>> -> memref<1x128x128xf32, #tpu.memory_space<vmem>>
    %dma_wait3A_78 = tpu.memref_squeeze %dma_wait3A_77 : memref<1x128x128xf32, #tpu.memory_space<vmem>> -> memref<128x128xf32, #tpu.memory_space<vmem>>
    %dma_wait3A_79 = arith.constant 0 : i32
    %dma_wait3A_80 = arith.constant 0 : i32
    %dma_wait3A_81 = tpu.memref_slice %arg4[%dma_wait3A_79, %dma_wait3A_80] : memref<1000192x128xf32, #tpu.memory_space<hbm>> -> memref<128x128xf32, #tpu.memory_space<hbm>>
    %dma_wait3A_82 = arith.constant 0 : i32
    %dma_wait3A_83 = arith.constant 0 : i32
    %dma_wait3A_84 = tpu.memref_slice %arg4[%dma_wait3A_82, %dma_wait3A_83] : memref<1000192x128xf32, #tpu.memory_space<hbm>> -> memref<128x128xf32, #tpu.memory_space<hbm>>
    %dma_wait3A_85 = arith.constant 0 : i32
    %dma_wait3A_86 = arith.constant 0 : i32
    %dma_wait3A_87 = tpu.memref_slice %arg6[%dma_wait3A_74, %dma_wait3A_85, %dma_wait3A_86] : memref<3x128x128xf32, #tpu.memory_space<vmem>> -> memref<1x128x128xf32, #tpu.memory_space<vmem>>
    %dma_wait3A_88 = tpu.memref_squeeze %dma_wait3A_87 : memref<1x128x128xf32, #tpu.memory_space<vmem>> -> memref<128x128xf32, #tpu.memory_space<vmem>>
    tpu.wait_dma2 semaphore(%arg13 : memref<!tpu.dma_semaphore, #tpu.memory_space<semaphore_mem>>) src(%dma_wait3A_88 : memref<128x128xf32, #tpu.memory_space<vmem>>) dst(%dma_wait3A_84 : memref<128x128xf32, #tpu.memory_space<hbm>>)
    %eq3A = arith.constant 31 : i32
    %eq3A_89 = arith.cmpi eq, %add3A, %eq3A : i32
    %convert_element_type3A = arith.extui %eq3A_89 : i1 to i32
    %cond3A = arith.constant 0 : i32
    %cond3A_90 = arith.cmpi ne, %convert_element_type3A, %cond3A : i32
    scf.if %cond3A_90 {
      "tpu.region"() ({
        %run_scoped3A = tpu.sem_alloc : memref<!tpu.dma_semaphore, #tpu.memory_space<semaphore_mem>>
        %dma_start3A_91 = arith.constant 999936 : i32
        %dma_start3A_92 = arith.constant 0 : i32
        %dma_start3A_93 = tpu.memref_slice %arg4[%dma_start3A_91, %dma_start3A_92] : memref<1000192x128xf32, #tpu.memory_space<hbm>> -> memref<64x128xf32, #tpu.memory_space<hbm>>
        tpu.enqueue_dma source(%arg3 : memref<64x128xf32, #tpu.memory_space<hbm>>) target(%dma_start3A_93 : memref<64x128xf32, #tpu.memory_space<hbm>>) target_semaphore(%run_scoped3A : memref<!tpu.dma_semaphore, #tpu.memory_space<semaphore_mem>>)
        %dma_wait3A_94 = arith.constant 999936 : i32
        %dma_wait3A_95 = arith.constant 0 : i32
        %dma_wait3A_96 = tpu.memref_slice %arg4[%dma_wait3A_94, %dma_wait3A_95] : memref<1000192x128xf32, #tpu.memory_space<hbm>> -> memref<64x128xf32, #tpu.memory_space<hbm>>
        tpu.wait_dma2 semaphore(%run_scoped3A : memref<!tpu.dma_semaphore, #tpu.memory_space<semaphore_mem>>) src(%arg3 : memref<64x128xf32, #tpu.memory_space<hbm>>) dst(%dma_wait3A_96 : memref<64x128xf32, #tpu.memory_space<hbm>>)
        tpu.yield
      }) : () -> ()
    } else {
    }
    return
  }
}

</mosaic_0001>

<sc_bundles>
// kernel: _rowize.3.cloned.1.call-start
scs
__scs_entry_jumppad:
0x0: {  	(pc) =	sbr.rel $0x88, $3  }
0x1: {  	(tag) =	ssettag $0x0;
	lr =	simm.s32 $0x1  }
0x2: {  	[smem:$0x3F9F] =	sst lr;
	_ =	strace $0xD0000000  }
0x3: {  	_ = 	snop  }
0x4: {  	_ = 	snop  }
0x5: {  	_ = 	snop  }
0x6: {  	_ = 	snop  }
0x7: {  	_ = 	snop  }
__scs_overlays_trampoline_lowered:
0x8: {  	[smem:$0x3FAE] =	sst s0  }
0x9: {  	[smem:$0x3FAF] =	sst s1  }
0xa: {  	[smem:$0x3FB0] =	sst s2  }
0xb: {  	[smem:$0x3FB1] =	sst s3  }
0xc: {  	[smem:$0x3FB2] =	sst s4  }
0xd: {  	[smem:$0x3FB3] =	sst s5  }
0xe: {  	[smem:$0x3FB4] =	sst s6  }
0xf: {  	[smem:$0x3FB5] =	sst s7  }
0x10: {  	[smem:$0x3FB6] =	sst s8  }
0x11: {  	[smem:$0x3FB7] =	sst s9;
	s0 =	simm.s32 @!p0 $0x0  }
0x12: {  	s1 =	sld [smem:$0x3F9D];
	s0 =	simm.s32 @p0 $0x1  }
0x13: {  	[smem:$0x3FB8] =	sst s0;
	s0 =	simm.s32 @!p1 $0x0  }
0x14: {  	s2 =	sld [smem:$0x3F9C];
	s0 =	simm.s32 @p1 $0x1  }
0x15: {  	[smem:$0x3FB9] =	sst s0;
	s0 =	simm.s32 @!p2 $0x0  }
0x16: {  	s3 =	sld [smem:$0x3FDB];
	s0 =	simm.s32 @p2 $0x1  }
0x17: {  	s4 =	simm.s32 $0x1BF5;
	[smem:$0x3FBB] =	sst s0  }
0x18: {  	s0 =	sld [smem:$0x3F9E];
	_ =	swait.ge [sflag:s4], $0x0  }
0x19: {  	s7 =	sld [smem:$0x3F9F]  }
0x1a: {  	s8 =	sadd.s32 $0xFFFFE003, lr  }
0x1b: {  	s9 =	sadd.s32 $0xFFFFFEF7, lr;
	s5 =	simm.s32 $0xFFFFFFFF;
	p2 =	slt.u32 s8, $0xFFFFF086  }
0x1c: {  	p1 =	slt.u32 s9, $0xF7A;
	s5 =	simm.s32 @!p2 $0x0  }
0x1d: {  	s5 =	simm.s32 @p1 $0x1;
	p0 =	seq.s32 s7, s2  }
0x1e: {  	s7 =	smul.u32 @!p0 $0xF7A, s2;
	p2 =	seq.s32 @!p0 s5, $0x0  }
0x1f: {  	s9 =	smul.u32 $0xF7A, s1;
	s8 =	simm.s32 @!p0 $0x1BF5;
	p2 =	por !p2, p0  }
0x20: {  	[sflag:s8] =	ssyncset.s32 @!p0 $0xFFFFF086;
	s6 =	sadd.s32 @!p0 s3, s7;
	s7 =	simm.s32 @!p0 $0x108  }
0x21: {  	s3 =	sadd.s32 s3, s9;
	s6 =	sadd.s32 @!p0 $0x88, s6;
	s7 =	simm.s32 @p2 $0x1082  }
0x22: {  	[simem:s7], [sflag:s8] =	dma.local @!p0 [hbm:s6], $0xF7A  }
0x23: {  	s9 =	sor.u32 $0xD0000000, s2;
	s6 =	simm.s32 $0x108;
	_ =	swait.ge @!p0 [sflag:s8], $0x0  }
0x24: {  	s3 =	sadd.s32 $0x88, s3;
	s6 =	simm.s32 @!p1 $0x1082;
	[sflag:s4] =	ssyncset.s32 $0xFFFFF086  }
0x25: {  	[simem:s6], [sflag:s4] =	dma.local [hbm:s3], $0xF7A  }
0x26: {  	[smem:$0x3F9F] =	sst s1;
	(tag) =	ssettag s2;
	_ =	strace s9  }
0x27: {  	s1 =	sld [smem:$0x3FAF]  }
0x28: {  	s2 =	sld [smem:$0x3FB0]  }
0x29: {  	s4 =	sld [smem:$0x3FB2]  }
0x2a: {  	p0 =	seq.s32 s5, $0x0;
	s5 =	sld [smem:$0x3FB3]  }
0x2b: {  	s6 =	sld [smem:$0x3FB4]  }
0x2c: {  	s7 =	sld [smem:$0x3FB5]  }
0x2d: {  	s3 =	simm.s32 $0x108;
	s8 =	sld [smem:$0x3FB6]  }
0x2e: {  	s3 =	simm.s32 @!p0 $0x1082;
	s9 =	sld [smem:$0x3FB7]  }
0x2f: {  	lr =	sadd.s32 s0, s3;
	s0 =	sld [smem:$0x3FAE]  }
0x30: {  	s3 =	sld [smem:$0x3FB1]  }
0x31: {  	[smem:$0x3FBA] =	sst s10  }
0x32: {  	s10 =	sld [smem:$0x3FB8];
	_ =	sdelay $0x3  }
0x33: {  	p0 =	seq.s32 s10, $0x1;
	s10 =	sld [smem:$0x3FBA];
	_ =	sdelay $0x3  }
0x34: {  	[smem:$0x3FBA] =	sst s10  }
0x35: {  	s10 =	sld [smem:$0x3FB9];
	_ =	sdelay $0x3  }
0x36: {  	p1 =	seq.s32 s10, $0x1;
	s10 =	sld [smem:$0x3FBA];
	_ =	sdelay $0x3  }
0x37: {  	[smem:$0x3FBA] =	sst s10  }
0x38: {  	s10 =	sld [smem:$0x3FBB]  }
0x39: {  	_ = 	snop;
	(pc) =	sbr.ind lr, $3  }
0x3a: {  	_ = 	snop  }
0x3b: {  	_ = 	snop  }
0x3c: {  	p2 =	seq.s32 s10, $0x1;
	s10 =	sld [smem:$0x3FBA]  }
0x3d: {  	_ =	shalt  }
0x3e: {  	_ =	shalt  }
0x3f: {  	_ =	shalt  }
0x40: {  	_ =	shalt  }
0x41: {  	_ =	shalt  }
0x42: {  	_ =	shalt  }
0x43: {  	_ =	shalt  }
0x44: {  	_ =	shalt  }
0x45: {  	_ =	shalt  }
0x46: {  	_ =	shalt  }
0x47: {  	_ =	shalt  }
0x48: {  	_ =	shalt  }
0x49: {  	_ =	shalt  }
0x4a: {  	_ =	shalt  }
0x4b: {  	_ =	shalt  }
0x4c: {  	_ =	shalt  }
0x4d: {  	_ =	shalt  }
0x4e: {  	_ =	shalt  }
0x4f: {  	_ =	shalt  }
0x50: {  	_ =	shalt  }
0x51: {  	_ =	shalt  }
0x52: {  	_ =	shalt  }
0x53: {  	_ =	shalt  }
0x54: {  	_ =	shalt  }
0x55: {  	_ =	shalt  }
0x56: {  	_ =	shalt  }
0x57: {  	_ =	shalt  }
0x58: {  	_ =	shalt  }
0x59: {  	_ =	shalt  }
0x5a: {  	_ =	shalt  }
0x5b: {  	_ =	shalt  }
0x5c: {  	_ =	shalt  }
0x5d: {  	_ =	shalt  }
0x5e: {  	_ =	shalt  }
0x5f: {  	_ =	shalt  }
0x60: {  	_ =	shalt  }
0x61: {  	_ =	shalt  }
0x62: {  	_ =	shalt  }
0x63: {  	_ =	shalt  }
0x64: {  	_ =	shalt  }
0x65: {  	_ =	shalt  }
0x66: {  	_ =	shalt  }
0x67: {  	_ =	shalt  }
0x68: {  	_ =	shalt  }
0x69: {  	_ =	shalt  }
0x6a: {  	_ =	shalt  }
0x6b: {  	_ =	shalt  }
0x6c: {  	_ =	shalt  }
0x6d: {  	_ =	shalt  }
0x6e: {  	_ =	shalt  }
0x6f: {  	_ =	shalt  }
0x70: {  	_ =	shalt  }
0x71: {  	_ =	shalt  }
0x72: {  	_ =	shalt  }
0x73: {  	_ =	shalt  }
0x74: {  	_ =	shalt  }
0x75: {  	_ =	shalt  }
0x76: {  	_ =	shalt  }
0x77: {  	_ =	shalt  }
0x78: {  	_ =	shalt  }
0x79: {  	_ =	shalt  }
0x7a: {  	_ =	shalt  }
0x7b: {  	_ =	shalt  }
0x7c: {  	_ =	shalt  }
0x7d: {  	_ =	shalt  }
0x7e: {  	_ =	shalt  }
0x7f: {  	_ =	shalt  }
0x80: {  	_ =	shalt  }
0x81: {  	_ =	shalt  }
0x82: {  	_ =	shalt  }
0x83: {  	_ =	shalt  }
0x84: {  	_ =	shalt  }
0x85: {  	_ =	shalt  }
0x86: {  	_ =	shalt  }
0x87: {  	_ =	shalt  }
.Lfunc_end0:
.L_simem_size_0:
called_computation_lowered:
.L_overlay_start_0:
0x88: {  	s2 =	sld [smem:$0x3FD9]  }
0x89: {  	s3 =	sld [smem:$0x3FFE];
	_ =	sdelay $0x1  }
0x8a: {  	s1 =	srdreg.scid  }
0x8b: {  	s0 =	sand.u32 $0x1, s1  }
0x8c: {  	s18 =	sshll.u32 s0, $0xA;
	s2 =	sadd.s32 s3, s2  }
0x8d: {  	s2 =	sadd.s32 s2, s18  }
0x8e: {  	[smem:$0x3FC6] =	sst s2  }
0x8f: {  	_ = 	snop  }
0x90: {  	s2 =	sld [smem:$0x3FC9]  }
0x91: {  	s19 =	sld [smem:$0x3FC8]  }
0x92: {  	s4 =	sld [smem:$0x3FD0];
	(tm) =	ssettm $0x1  }
0x93: {  	s5 =	sld [smem:$0x3FFB];
	_ =	sdelay $0x3  }
0x94: {  	_ =	strace s5  }
0x95: {  	s5 =	sld [smem:$0x3FFC];
	_ =	sdelay $0x3  }
0x96: {  	_ =	strace s5  }
0x97: {  	s5 =	sld [smem:$0x3FFD];
	_ =	sdelay $0x3  }
0x98: {  	_ =	strace s5  }
0x99: {  	_ =	strace $0x8FFFFFFF  }
0x9a: {  	s20 =	sld [smem:$0x3FDB];
	_ =	sdelay $0x1  }
0x9b: {  	s6 =	simm.s32 $_scs_section_size  }
0x9c: {  	s7 =	simm.s32 $_size__tile_overlayer_lowered;
	s8 =	simm.s32 $_tile_overlayer_lowered  }
0x9d: {  	s23 =	simm.s32 $0x1BFF;
	s22 =	sshll.u32 s8, $0x1;
	s5 =	sadd.s32 s6, s20  }
0x9e: {  	s9 =	simm.s32 $0x0;
	s21 =	sshll.u32 s7, $0x1;
	s7 =	sadd.s32 s22, s5  }
0x9f: {  	[timem:s9], [sflag:s23] =	dma.local [hbm:s7], s21  }
0xa0: {  	_ =	swait.ge [sflag:s23], s21  }
0xa1: {  	s6 =	ssub.s32 $0x0, s21;
	[sflag:s23] =	ssyncset.done $0x0  }
0xa2: {  	[sflag:s23] =	ssyncadd.s32 s6;
	_ =	sdelay $0x1  }
0xa3: {  	s24 =	simm.s32 $0x1B8B  }
0xa4: {  	_ =	swait.ge [sflag:s24], $0x1  }
0xa5: {  	[sflag:s24] =	ssyncset.done $0x0  }
0xa6: {  	s25 =	simm.s32 $0x1B8E;
	[sflag:s24] =	ssyncadd.s32 $0xFFFFFFFF  }
0xa7: {  	s26 =	simm.s32 $execute0_lowered;
	[smem:$0x3FD2] =	sst s25  }
0xa8: {  	s6 =	sshll.u32 s26, $0x1;
	_ =	strace $0x80000046;
	[dreg:$0x1] =	wrdreg $0xFFFFFFFF  }
0xa9: {  	s28 =	simm.s32 $_size_execute0_lowered;
	s5 =	sadd.s32 s5, s6;
	[dreg:$0x0] =	wrdreg $0x0  }
0xaa: {  	s6 =	sshll.u32 s28, $0x1;
	[dreg:$0x2] =	wrdreg s5  }
0xab: {  	[dreg:$0x3] =	wrdreg s6  }
0xac: {  	[dreg:$0x4] =	wrdreg $0xC0  }
0xad: {  	_ =	task [dreg:s9], $0x5FFFF  }
0xae: {  	[dreg:$0x1] =	wrdreg $0xFFFFFFFF  }
0xaf: {  	[dreg:$0x0] =	wrdreg $0x60  }
0xb0: {  	[dreg:$0x2] =	wrdreg s2  }
0xb1: {  	[dreg:$0x3] =	wrdreg s19  }
0xb2: {  	[dreg:$0x4] =	wrdreg s4  }
0xb3: {  	[dreg:$0x5] =	wrdreg $0x9  }
0xb4: {  	_ =	task.clear_ibuf [dreg:s9], $0x6FFFF;
	_ =	strace $0x90000046  }
0xb5: {  	s29 =	simm.s32 $0x9;
	_ =	strace $0x80000048  }
0xb6: {  	_ =	swait.ge [sflag:s29], $0x1  }
0xb7: {  	[sflag:s29] =	ssyncadd.s32 $0xFFFFFFFF  }
0xb8: {  	_ =	strace $0x90000048  }
0xb9: {  	_ =	sfence  }
0xba: {  	s30 =	sld [smem:$0x0];
	_ =	sdelay $0x2  }
0xbb: {  	s31 =	sshll.u32 s1, $0xD;
	s1 =	sshrl.u32 s1, $0x2  }
0xbc: {  	s3 =	sand.u32 $0x4000, s31;
	s1 =	sadd.s32 s1, s30  }
0xbd: {  	s0 =	sor.u32 s3, s0;
	s1 =	sshll.u32 s1, $0x11  }
0xbe: {  	s0 =	sor.u32 s1, s0  }
0xbf: {  	s0 =	sadd.s32 $0x8F2B, s0  }
0xc0: {  	[sflag:s0] =	ssyncadd.remote.s32 $0x1  }
0xc1: {  	_ =	sfence.sel $0xFFFF  }
0xc2: {  	[dreg:$0x0] =	wrdreg $0xFFFFFFFF;
	(pc) =	sbr.abs _section_cstart, $3  }
0xc3: {  	[dreg:$0x1] =	wrdreg $0xFFFFFFFF  }
0xc4: {  	_ =	task.clear_ibuf [dreg:s9], $0x2FFFF;
	_ =	strace $0x9FFFFFFF  }
0xc5: {  	(tm) =	ssettm $0x7FFFFFFF  }
tec
execute0_lowered:
.L_overlay_start_1:
0x0: {  	(tag) =	ssettag $0x1  }
0x1: {  	s0 =	srdreg.scid;
	s1 =	stileid.u32  }
0x2: {  	s4 =	rddreg [dreg:$0x0];
	s0 =	sand.u32 $0x1, s0;
	s1 =	sshll.u32 s1, $0x1  }
0x3: {  	s5 =	rddreg [dreg:$0x2];
	s31 =	simm.s32 $0x0;
	s1 =	sor.u32 s0, s1  }
0x4: {  	[smem:$0x7FF] =	sst s31;
	s30 =	sadd.s32 $0xF42000, s5;
	s7 =	smul.u32 $0xF6, s1  }
0x5: {  	_ =	strace $0x80000047;
	[dreg:$0xb] =	wrdreg s30;
	s2 =	smul.u32 $0x7B00, s1  }
0x6: {  	s6 =	sor.u32 $0x1, s7;
	[dreg:$0x4] =	wrdreg s7  }
0x7: {  	s2 =	sadd.s32 s4, s2;
	[dreg:$0x5] =	wrdreg s6  }
0x8: {  	s0 =	ssub.s32 $0x2, s0;
	s26 =	sadd.s32 $0x2, s7;
	[dreg:$0x6] =	wrdreg s2  }
0x9: {  	s3 =	sshrl.u32 s0, $0x1;
	s28 =	sadd.s32 $0x3, s7;
	[dreg:$0x8] =	wrdreg s26  }
0xa: {  	s0 =	ssub.s32 s0, s3;
	s29 =	sadd.s32 $0x4, s7;
	[dreg:$0x9] =	wrdreg s28  }
0xb: {  	s0 =	smax.u32 s0, $0x1;
	s6 =	sshll.u32 s6, $0x7;
	[dreg:$0xa] =	wrdreg s29  }
0xc: {  	s20 =	simm.s32 $0x12000;
	v62 =	vlaneseq.u32;
	[dreg:$0xc] =	wrdreg s0;
	s25 =	sadd.s32 s4, s6  }
0xd: {  	v1 =	vmul.u32 $0x11, v62;
	p0 =	sne.s32 s1, $0x1F;
	s2 =	simm.s32 $0x0;
	[dreg:$0x7] =	wrdreg s25  }
.LBB2_1:
0xe: {  	[dreg:$0xd] =	wrdreg s2  }
0xf: {  	s0 =	rddreg [dreg:$0x6];
	s1 =	simm.s32 $0x400;
	s29 =	simm.s32 $0x7A1400  }
0x10: {  	[tilespmem:s31], [sflag:$0x1] =	stream.strided.gather [hbm4b:s0+s1], $0x2000, s29, s1, $0x38;
	[tilespmem:$0x14400] =	vst v63  }
0x11: {  	s30 =	rddreg [dreg:$0x7];
	s3 =	simm.s32 $0x2000;
	s0 =	simm.s32 $0x0  }
0x12: {  	[tilespmem:s3], [sflag:$0x2] =	stream.strided.gather [hbm4b:s30+s1], $0x2000, s29, s1, $0x38;
	[tilespmem:$0x14400] =	vst v63  }
.LBB2_2:
0x13: {  	s1 =	smul.u32 $0x3, s0  }
0x14: {  	s22 =	rddreg [dreg:$0x8]  }
0x15: {  	[dreg:$0xe] =	wrdreg s0;
	s0 =	sadd.s32 s1, s22  }
0x16: {  	s23 =	rddreg [dreg:$0x0];
	p1 =	slt.s32 s0, $0x1E83  }
0x17: {  	s24 =	simm.s32 $0x400;
	[dreg:$0xf] =	wrdreg s0;
	s0 =	simm.s32 @!p1 $0x1E83  }
0x18: {  	s2 =	simm.s32 $0x7A1400;
	s3 =	simm.s32 $0x4000;
	s0 =	sshll.u32 s0, $0x7  }
0x19: {  	s25 =	simm.s32 $0x1;
	[dreg:$0x10] =	wrdreg s1;
	s0 =	sadd.s32 s23, s0  }
0x1a: {  	[tilespmem:s3], [sflag:$0x3] =	stream.strided.gather [hbm4b:s0+s24], $0x2000, s2, s24, $0x38;
	[tilespmem:$0x14400] =	vst v63  }
0x1b: {  	s3 =	rddreg [dreg:$0xe];
	_ =	swait.ge [sflag:s25], $0x2000  }
0x1c: {  	p1 =	seq.s32 s3, $0x0;
	[sflag:s25] =	ssyncset.done $0x0  }
0x1d: {  	s1 =	simm.s32 @!p1 $0x4;
	[sflag:s25] =	ssyncadd.s32 $0xFFFFE000  }
0x1e: {  	s6 =	simm.s32 $0x10;
	s26 =	simm.s32 $0x0;
	_ =	swait.ge @!p1 [sflag:s1], $0x4000  }
0x1f: {  	s8 =	sand.u32 $0x70, s6;
	s0 =	sand.u32 $0x3FFFF800, s26;
	[sflag:s1] =	ssyncset.done @!p1 $0x0  }
0x20: {  	s23 =	sor.u32 $0x80, s0;
	s28 =	sor.u32 s8, s0;
	[sflag:s1] =	ssyncadd.s32 @!p1 $0xFFFFC000  }
0x21: {  	s24 =	sor.u32 $0x100, s0;
	s2 =	sor.u32 s8, s23;
	v2 =	vld [tilespmem:s28+$0x0]  }
0x22: {  	s21 =	sor.u32 $0x180, s0;
	s4 =	sor.u32 s8, s24;
	v3 =	vld [tilespmem:s2+$0x0]  }
0x23: {  	s18 =	sor.u32 $0x200, s0;
	s5 =	sor.u32 s8, s21;
	v4 =	vld [tilespmem:s4+$0x0]  }
0x24: {  	s17 =	sor.u32 $0x280, s0;
	s6 =	sor.u32 s8, s18;
	v5 =	vld [tilespmem:s5+$0x0]  }
0x25: {  	s16 =	sor.u32 $0x300, s0;
	s7 =	sor.u32 s8, s17;
	v6 =	vld [tilespmem:s6+$0x0]  }
0x26: {  	s15 =	sor.u32 $0x380, s0;
	s9 =	sor.u32 s8, s16;
	v7 =	vld [tilespmem:s7+$0x0]  }
0x27: {  	s14 =	sor.u32 $0x400, s0;
	s10 =	sor.u32 s8, s15;
	v8 =	vld [tilespmem:s9+$0x0]  }
0x28: {  	s13 =	sor.u32 $0x480, s0;
	s11 =	sor.u32 s8, s14;
	v9 =	vld [tilespmem:s10+$0x0]  }
0x29: {  	s12 =	sor.u32 $0x500, s0;
	s19 =	sor.u32 s8, s13;
	v10 =	vld [tilespmem:s11+$0x0]  }
0x2a: {  	s29 =	simm.s32 $0x0;
	s6 =	sor.u32 $0x580, s0;
	v11 =	vld [tilespmem:s19+$0x0];
	s9 =	sor.u32 s8, s12  }
0x2b: {  	s1 =	simm.s32 $0x120;
	s7 =	sor.u32 $0x600, s0;
	v12 =	vld [tilespmem:s9+$0x0];
	s10 =	sor.u32 s8, s6  }
0x2c: {  	v13 =	vor.u32 s1, v62;
	s11 =	simm.s32 $0x131;
	s9 =	sor.u32 $0x680, s0;
	s26 =	sor.u32 s8, s7;
	v14 =	vld [tilespmem:s10+$0x0]  }
0x2d: {  	s22 =	simm.s32 $0x142;
	v15 =	vadd.s32 s11, v62;
	s11 =	sor.u32 $0x780, s0;
	v16 =	vld [tilespmem:s26+$0x0];
	s25 =	sor.u32 s8, s9  }
0x2e: {  	v17 =	vadd.s32 s22, v62;
	s28 =	simm.s32 $0x153;
	s10 =	sor.u32 $0x700, s0;
	s5 =	sor.u32 s8, s11;
	v27 =	vld [tilespmem:s25+$0x0]  }
0x2f: {  	s4 =	simm.s32 $0x164;
	v18 =	vadd.s32 s28, v62;
	s2 =	sor.u32 s8, s10;
	s8 =	sand.u32 $0x60, s29;
	v29 =	vld [tilespmem:s5+$0x0]  }
0x30: {  	s19 =	simm.s32 $0x175;
	v19 =	vadd.s32 s4, v62;
	v28 =	vld [tilespmem:s2+$0x0];
	s23 =	sor.u32 s8, s23  }
0x31: {  	s22 =	simm.s32 $0x186;
	s24 =	sor.u32 s8, s24;
	[tilespmem:v13+s20+$0x0] =	vst.idx.msk $0xffff, v2;
	v2 =	vadd.s32 s19, v62;
	v26 =	vld [tilespmem:s23+$0x0]  }
0x32: {  	s25 =	simm.s32 $0x197;
	s21 =	sor.u32 s8, s21;
	v25 =	vld [tilespmem:s24+$0x0];
	[tilespmem:v15+s20+$0x0] =	vst.idx.msk $0xffff, v3;
	v3 =	vadd.s32 s22, v62  }
0x33: {  	s26 =	simm.s32 $0x1A8;
	s18 =	sor.u32 s8, s18;
	v22 =	vld [tilespmem:s21+$0x0];
	[tilespmem:v17+s20+$0x0] =	vst.idx.msk $0xffff, v4;
	v4 =	vadd.s32 s25, v62  }
0x34: {  	s28 =	simm.s32 $0x1B9;
	s17 =	sor.u32 s8, s17;
	v23 =	vld [tilespmem:s18+$0x0];
	[tilespmem:v18+s20+$0x0] =	vst.idx.msk $0xffff, v5;
	v5 =	vadd.s32 s26, v62  }
0x35: {  	s2 =	simm.s32 $0x1CA;
	s16 =	sor.u32 s8, s16;
	v24 =	vld [tilespmem:s17+$0x0];
	[tilespmem:v19+s20+$0x0] =	vst.idx.msk $0xffff, v6;
	v6 =	vadd.s32 s28, v62  }
0x36: {  	s4 =	simm.s32 $0x1DB;
	s13 =	sor.u32 s8, s13;
	v21 =	vld [tilespmem:s16+$0x0];
	[tilespmem:v2+s20+$0x0] =	vst.idx.msk $0xffff, v7;
	v7 =	vadd.s32 s2, v62  }
0x37: {  	s5 =	simm.s32 $0x1EC;
	s14 =	sor.u32 s8, s14;
	v20 =	vld [tilespmem:s13+$0x0];
	[tilespmem:v3+s20+$0x0] =	vst.idx.msk $0xffff, v8;
	v8 =	vadd.s32 s4, v62  }
0x38: {  	s15 =	sor.u32 s8, s15;
	s17 =	simm.s32 $0x1FD;
	v18 =	vld [tilespmem:s14+$0x0];
	[tilespmem:v4+s20+$0x0] =	vst.idx.msk $0xffff, v9;
	v9 =	vadd.s32 s5, v62  }
0x39: {  	s12 =	sor.u32 s8, s12;
	s18 =	simm.s32 $0x20E;
	v19 =	vld [tilespmem:s15+$0x0];
	[tilespmem:v5+s20+$0x0] =	vst.idx.msk $0xffff, v10;
	v10 =	vadd.s32 s17, v62  }
0x3a: {  	s19 =	simm.s32 $0x21F;
	s15 =	sor.u32 s8, s0;
	v2 =	vld [tilespmem:s12+$0x0];
	[tilespmem:v6+s20+$0x0] =	vst.idx.msk $0xffff, v11;
	v11 =	vadd.s32 s18, v62  }
0x3b: {  	s6 =	sor.u32 s8, s6;
	v60 =	vld [tilespmem:s15+$0x0];
	[tilespmem:v7+s20+$0x0] =	vst.idx.msk $0xffff, v12;
	v12 =	vadd.s32 s19, v62  }
0x3c: {  	s7 =	sor.u32 s8, s7;
	s24 =	sor.u32 s8, s10;
	s10 =	simm.s32 $0x12A;
	v3 =	vld [tilespmem:s6+$0x0];
	[tilespmem:v8+s20+$0x0] =	vst.idx.msk $0xffff, v14;
	v8 =	vadd.s32 s1, v1  }
0x3d: {  	s21 =	simm.s32 $0x121;
	s22 =	sor.u32 s8, s9;
	v4 =	vld [tilespmem:s7+$0x0];
	v14 =	vadd.s32 s10, v1;
	[tilespmem:v9+s20+$0x0] =	vst.idx.msk $0xffff, v16  }
0x3e: {  	s23 =	simm.s32 $0x122;
	v5 =	vld [tilespmem:s22+$0x0];
	v9 =	vadd.s32 s21, v1;
	[tilespmem:v10+s20+$0x0] =	vst.idx.msk $0xffff, v27  }
0x3f: {  	s25 =	simm.s32 $0x123;
	s26 =	sor.u32 s8, s11;
	v6 =	vld [tilespmem:s24+$0x0];
	v10 =	vadd.s32 s23, v1;
	[tilespmem:v11+s20+$0x0] =	vst.idx.msk $0xffff, v28  }
0x40: {  	s28 =	simm.s32 $0x124;
	v7 =	vld [tilespmem:s26+$0x0];
	v11 =	vadd.s32 s25, v1;
	[tilespmem:v12+s20+$0x0] =	vst.idx.msk $0xffff, v29  }
0x41: {  	s2 =	simm.s32 $0x125;
	v12 =	vadd.s32 s28, v1;
	v27 =	vld.idx.msk [tilespmem:v8+s20+$0x0], $0xffff  }
0x42: {  	s4 =	simm.s32 $0x126;
	v8 =	vadd.s32 s2, v1;
	v14 =	vld.idx.msk [tilespmem:v14+s20+$0x0], $0xffff  }
0x43: {  	s5 =	simm.s32 $0x127;
	v28 =	vld.idx.msk [tilespmem:v9+s20+$0x0], $0xffff;
	v9 =	vadd.s32 s4, v1  }
0x44: {  	v29 =	vld.idx.msk [tilespmem:v10+s20+$0x0], $0xffff;
	v10 =	vadd.s32 s5, v1  }
0x45: {  	s6 =	simm.s32 $0x128;
	v30 =	vld.idx.msk [tilespmem:v11+s20+$0x0], $0xffff  }
0x46: {  	s7 =	simm.s32 $0x12F;
	v11 =	vadd.s32 s6, v1;
	v31 =	vld.idx.msk [tilespmem:v12+s20+$0x0], $0xffff  }
0x47: {  	s9 =	simm.s32 $0x129;
	s0 =	simm.s32 $0x30;
	s18 =	simm.s32 $0x200;
	v12 =	vadd.s32 s7, v1;
	v17 =	vld.idx.msk [tilespmem:v8+s20+$0x0], $0xffff  }
0x48: {  	s13 =	simm.s32 $0x12D;
	s21 =	sand.u32 $0x70, s0;
	v8 =	vadd.s32 s9, v1;
	s9 =	sand.u32 $0x3FFFF800, s18;
	v15 =	vld.idx.msk [tilespmem:v9+s20+$0x0], $0xffff  }
0x49: {  	v32 =	vadd.s32 s13, v1;
	s11 =	simm.s32 $0x12B;
	s19 =	sor.u32 s21, s9;
	v13 =	vld.idx.msk [tilespmem:v10+s20+$0x0], $0xffff  }
0x4a: {  	s12 =	simm.s32 $0x12C;
	v10 =	vadd.s32 s11, v1;
	v61 =	vld [tilespmem:s19+$0x0]  }
0x4b: {  	s14 =	simm.s32 $0x12E;
	v9 =	vld.idx.msk [tilespmem:v11+s20+$0x0], $0xffff;
	v11 =	vadd.s32 s12, v1  }
0x4c: {  	v33 =	vld.idx.msk [tilespmem:v12+s20+$0x0], $0xffff;
	v12 =	vadd.s32 s14, v1  }
0x4d: {  	s16 =	simm.s32 $0x0;
	v16 =	vld.idx.msk [tilespmem:v8+s20+$0x0], $0xffff  }
0x4e: {  	s13 =	sand.u32 $0xFFFFFFF0, s16;
	s17 =	simm.s32 $0x800;
	s26 =	simm.s32 $0x22;
	v8 =	vld.idx.msk [tilespmem:v32+s20+$0x0], $0xffff  }
0x4f: {  	s23 =	simm.s32 $0x11;
	s6 =	sand.u32 $0x3800, s17;
	s17 =	simm.s32 $0x55;
	v10 =	vld.idx.msk [tilespmem:v10+s20+$0x0], $0xffff  }
0x50: {  	s29 =	sadd.s32 s13, s6;
	s7 =	sor.u32 $0x500, s9;
	s14 =	simm.s32 $0x0;
	v11 =	vld.idx.msk [tilespmem:v11+s20+$0x0], $0xffff  }
0x51: {  	s5 =	simm.s32 $0x44;
	v39 =	vadd.s32 s17, v62;
	s15 =	sor.u32 $0x300, s9;
	s17 =	sor.u32 s21, s7;
	v34 =	vor.u32 s14, v62;
	v12 =	vld.idx.msk [tilespmem:v12+s20+$0x0], $0xffff;
	[tilespmem:s29+$0x6000] =	vst v27  }
0x52: {  	v35 =	vadd.s32 s23, v62;
	v38 =	vadd.s32 s5, v62;
	s5 =	simm.s32 $0x99;
	s19 =	sor.u32 s21, s15;
	v46 =	vld [tilespmem:s17+$0x0];
	s17 =	sor.u32 $0x700, s9;
	[tilespmem:s29+$0x6080] =	vst v28  }
0x53: {  	v36 =	vadd.s32 s26, v62;
	s2 =	simm.s32 $0x33;
	v45 =	vadd.s32 s5, v62;
	s18 =	sor.u32 $0x80, s9;
	v63 =	vld [tilespmem:s19+$0x0];
	s5 =	sor.u32 s21, s17;
	[tilespmem:s29+$0x6100] =	vst v29  }
0x54: {  	v37 =	vadd.s32 s2, v62;
	s8 =	sor.u32 $0x100, s9;
	s22 =	sor.u32 s21, s18;
	v52 =	vld [tilespmem:s5+$0x0];
	[tilespmem:s29+$0x6180] =	vst v30  }
0x55: {  	s26 =	simm.s32 $0x77;
	s24 =	sor.u32 $0x180, s9;
	s25 =	sor.u32 s21, s8;
	v27 =	vld [tilespmem:s22+$0x0];
	[tilespmem:s29+$0x6200] =	vst v31  }
0x56: {  	s1 =	sor.u32 $0x200, s9;
	s28 =	sor.u32 s21, s24;
	v28 =	vld [tilespmem:s25+$0x0];
	s22 =	simm.s32 $0x66;
	[tilespmem:v34+s20+$0x0] =	vst.idx.msk $0xffff, v60  }
0x57: {  	v42 =	vadd.s32 s26, v62;
	s26 =	simm.s32 $0x360;
	s10 =	sor.u32 $0x280, s9;
	s4 =	sor.u32 s21, s1;
	v29 =	vld [tilespmem:s28+$0x0];
	v41 =	vadd.s32 s22, v62;
	[tilespmem:v35+s20+$0x0] =	vst.idx.msk $0xffff, v26  }
0x58: {  	s2 =	simm.s32 $0x88;
	s6 =	sor.u32 $0x480, s9;
	s12 =	sor.u32 s21, s10;
	v30 =	vld [tilespmem:s4+$0x0];
	[tilespmem:v36+s20+$0x0] =	vst.idx.msk $0xffff, v25  }
0x59: {  	v43 =	vadd.s32 s2, v62;
	s2 =	simm.s32 $0x393;
	s16 =	sor.u32 $0x380, s9;
	v31 =	vld [tilespmem:s12+$0x0];
	s4 =	sor.u32 s21, s6;
	[tilespmem:v37+s20+$0x0] =	vst.idx.msk $0xffff, v22  }
0x5a: {  	s23 =	sor.u32 $0x400, s9;
	s11 =	sor.u32 $0x780, s9;
	s25 =	sor.u32 s21, s16;
	v44 =	vld [tilespmem:s4+$0x0];
	[tilespmem:v38+s20+$0x0] =	vst.idx.msk $0xffff, v23  }
0x5b: {  	s28 =	sor.u32 s21, s23;
	s12 =	sor.u32 $0x600, s9;
	s22 =	simm.s32 $0x371;
	v26 =	vld [tilespmem:s25+$0x0];
	[tilespmem:v39+s20+$0x0] =	vst.idx.msk $0xffff, v24;
	v24 =	vor.u32 s26, v62  }
0x5c: {  	s4 =	simm.s32 $0x382;
	s25 =	sor.u32 s21, s12;
	v48 =	vadd.s32 s22, v62;
	v25 =	vld [tilespmem:s28+$0x0];
	s28 =	sor.u32 $0x580, s9;
	[tilespmem:v41+s20+$0x0] =	vst.idx.msk $0xffff, v21  }
0x5d: {  	s30 =	sor.u32 $0x680, s9;
	v49 =	vld [tilespmem:s25+$0x0];
	s25 =	sor.u32 s21, s11;
	s19 =	sor.u32 s21, s28;
	[tilespmem:v42+s20+$0x0] =	vst.idx.msk $0xffff, v19;
	v19 =	vadd.s32 s4, v62  }
0x5e: {  	v51 =	vadd.s32 s2, v62;
	v47 =	vld [tilespmem:s19+$0x0];
	s19 =	sor.u32 s21, s30;
	s21 =	simm.s32 $0x20;
	s4 =	simm.s32 $0xAA;
	[tilespmem:v43+s20+$0x0] =	vst.idx.msk $0xffff, v18  }
0x5f: {  	s22 =	simm.s32 $0x3A4;
	v53 =	vld [tilespmem:s25+$0x0];
	s21 =	sand.u32 $0x60, s21;
	v59 =	vadd.s32 s4, v62;
	[tilespmem:v45+s20+$0x0] =	vst.idx.msk $0xffff, v20  }
0x60: {  	s2 =	simm.s32 $0x3B5;
	v50 =	vld [tilespmem:s19+$0x0];
	s18 =	sor.u32 s21, s18;
	v18 =	vadd.s32 s22, v62;
	[tilespmem:v24+s20+$0x0] =	vst.idx.msk $0xffff, v61  }
0x61: {  	v55 =	vld [tilespmem:s18+$0x0];
	s18 =	sor.u32 s21, s24;
	s24 =	sor.u32 s21, s10;
	s10 =	simm.s32 $0xBB;
	v20 =	vadd.s32 s2, v62;
	[tilespmem:v48+s20+$0x0] =	vst.idx.msk $0xffff, v27  }
0x62: {  	s5 =	simm.s32 $0x3C6;
	v61 =	vadd.s32 s10, v62;
	[tilespmem:v19+s20+$0x0] =	vst.idx.msk $0xffff, v28  }
0x63: {  	v54 =	vadd.s32 s5, v62;
	s19 =	simm.s32 $0x3D7;
	[tilespmem:v51+s20+$0x0] =	vst.idx.msk $0xffff, v29  }
0x64: {  	s22 =	simm.s32 $0x3E8;
	v19 =	vadd.s32 s19, v62;
	[tilespmem:v59+s20+$0x0] =	vst.idx.msk $0xffff, v2  }
0x65: {  	s25 =	simm.s32 $0x3F9;
	v24 =	vadd.s32 s22, v62;
	[tilespmem:v18+s20+$0x0] =	vst.idx.msk $0xffff, v30  }
0x66: {  	s2 =	simm.s32 $0x40A;
	v18 =	vadd.s32 s25, v62;
	[tilespmem:v20+s20+$0x0] =	vst.idx.msk $0xffff, v31  }
0x67: {  	s5 =	simm.s32 $0x41B;
	v20 =	vadd.s32 s2, v62;
	[tilespmem:v61+s20+$0x0] =	vst.idx.msk $0xffff, v3  }
0x68: {  	v57 =	vadd.s32 s5, v62;
	v31 =	vld [tilespmem:s18+$0x0];
	s18 =	simm.s32 $0xCC;
	[tilespmem:v54+s20+$0x0] =	vst.idx.msk $0xffff, v63  }
0x69: {  	s19 =	simm.s32 $0x42C;
	v63 =	vadd.s32 s18, v62;
	[tilespmem:v19+s20+$0x0] =	vst.idx.msk $0xffff, v26  }
0x6a: {  	s2 =	sor.u32 s21, s15;
	s15 =	sor.u32 s21, s23;
	s23 =	simm.s32 $0xDD;
	v26 =	vadd.s32 s19, v62;
	[tilespmem:v24+s20+$0x0] =	vst.idx.msk $0xffff, v25  }
0x6b: {  	s8 =	sor.u32 s21, s8;
	s22 =	simm.s32 $0x43D;
	v40 =	vadd.s32 s23, v62;
	[tilespmem:v18+s20+$0x0] =	vst.idx.msk $0xffff, v44  }
0x6c: {  	v60 =	vadd.s32 s26, v1;
	s26 =	simm.s32 $0xEE;
	v56 =	vld [tilespmem:s8+$0x0];
	v24 =	vadd.s32 s22, v62;
	[tilespmem:v20+s20+$0x0] =	vst.idx.msk $0xffff, v46  }
0x6d: {  	v41 =	vadd.s32 s26, v62;
	v28 =	vld [tilespmem:s24+$0x0];
	s24 =	sor.u32 s21, s7;
	s25 =	simm.s32 $0x44E;
	[tilespmem:v57+s20+$0x0] =	vst.idx.msk $0xffff, v47  }
0x6e: {  	s28 =	sor.u32 s21, s28;
	s8 =	simm.s32 $0x45F;
	v23 =	vld [tilespmem:s24+$0x0];
	v25 =	vadd.s32 s25, v62;
	[tilespmem:v63+s20+$0x0] =	vst.idx.msk $0xffff, v4  }
0x6f: {  	s1 =	sor.u32 s21, s1;
	s4 =	simm.s32 $0xFF;
	v27 =	vadd.s32 s8, v62;
	v29 =	vld [tilespmem:s28+$0x0];
	[tilespmem:v26+s20+$0x0] =	vst.idx.msk $0xffff, v49  }
0x70: {  	v42 =	vadd.s32 s4, v62;
	s7 =	simm.s32 $0x367;
	v30 =	vld [tilespmem:s1+$0x0];
	[tilespmem:v40+s20+$0x0] =	vst.idx.msk $0xffff, v5  }
0x71: {  	s5 =	sor.u32 s21, s16;
	s16 =	simm.s32 $0x361;
	v58 =	vld [tilespmem:s2+$0x0];
	v44 =	vadd.s32 s7, v1;
	[tilespmem:v24+s20+$0x0] =	vst.idx.msk $0xffff, v50  }
0x72: {  	v19 =	vld [tilespmem:s15+$0x0];
	s22 =	simm.s32 $0x362;
	v26 =	vadd.s32 s16, v1;
	[tilespmem:v41+s20+$0x0] =	vst.idx.msk $0xffff, v6  }
0x73: {  	s19 =	sor.u32 s21, s6;
	s15 =	simm.s32 $0x36F;
	v18 =	vld [tilespmem:s5+$0x0];
	v24 =	vadd.s32 s22, v1;
	[tilespmem:v25+s20+$0x0] =	vst.idx.msk $0xffff, v52  }
0x74: {  	v20 =	vld [tilespmem:s19+$0x0];
	s16 =	simm.s32 $0x369;
	v6 =	vadd.s32 s15, v1;
	[tilespmem:v27+s20+$0x0] =	vst.idx.msk $0xffff, v53  }
0x75: {  	s25 =	simm.s32 $0x363;
	[tilespmem:v42+s20+$0x0] =	vst.idx.msk $0xffff, v7;
	v7 =	vadd.s32 s16, v1;
	v2 =	vld.idx.msk [tilespmem:v60+s20+$0x0], $0xffff  }
0x76: {  	s2 =	simm.s32 $0x364;
	v25 =	vadd.s32 s25, v1;
	v40 =	vld.idx.msk [tilespmem:v44+s20+$0x0], $0xffff  }
0x77: {  	s5 =	simm.s32 $0x365;
	v27 =	vadd.s32 s2, v1;
	v3 =	vld.idx.msk [tilespmem:v26+s20+$0x0], $0xffff  }
0x78: {  	s10 =	simm.s32 $0x368;
	v43 =	vadd.s32 s5, v1;
	v4 =	vld.idx.msk [tilespmem:v24+s20+$0x0], $0xffff  }
0x79: {  	[tilespmem:s29+$0x6780] =	vst v33;
	v45 =	vadd.s32 s10, v1;
	s6 =	simm.s32 $0x366;
	v46 =	vld.idx.msk [tilespmem:v6+s20+$0x0], $0xffff  }
0x7a: {  	[tilespmem:s29+$0x6280] =	vst v17;
	s18 =	simm.s32 $0x36A;
	v26 =	vadd.s32 s6, v1;
	v6 =	vld.idx.msk [tilespmem:v7+s20+$0x0], $0xffff  }
0x7b: {  	[tilespmem:s29+$0x6300] =	vst v15;
	v17 =	vadd.s32 s18, v1;
	v5 =	vld.idx.msk [tilespmem:v25+s20+$0x0], $0xffff  }
0x7c: {  	[tilespmem:s29+$0x6380] =	vst v13;
	v21 =	vld.idx.msk [tilespmem:v27+s20+$0x0], $0xffff  }
0x7d: {  	[tilespmem:s29+$0x6400] =	vst v9;
	v27 =	vld.idx.msk [tilespmem:v43+s20+$0x0], $0xffff  }
0x7e: {  	[tilespmem:s29+$0x6480] =	vst v16;
	v43 =	vld.idx.msk [tilespmem:v45+s20+$0x0], $0xffff  }
0x7f: {  	v26 =	vld.idx.msk [tilespmem:v26+s20+$0x0], $0xffff;
	[tilespmem:$0x1FFA0] =	vst v6  }
0x80: {  	s19 =	simm.s32 $0x36B;
	v6 =	vld.idx.msk [tilespmem:v17+s20+$0x0], $0xffff  }
0x81: {  	v15 =	vadd.s32 s19, v1;
	_ =	sdelay $0x2  }
0x82: {  	[tilespmem:s29+$0x6500] =	vst v14  }
0x83: {  	[tilespmem:$0x1FFB0] =	vst v6  }
0x84: {  	s22 =	simm.s32 $0x36C;
	v6 =	vld.idx.msk [tilespmem:v15+s20+$0x0], $0xffff  }
0x85: {  	v13 =	vadd.s32 s22, v1;
	_ =	sdelay $0x2  }
0x86: {  	[tilespmem:s29+$0x6580] =	vst v10  }
0x87: {  	[tilespmem:$0x1FFC0] =	vst v6  }
0x88: {  	s23 =	simm.s32 $0x36D;
	v6 =	vld.idx.msk [tilespmem:v13+s20+$0x0], $0xffff  }
0x89: {  	v9 =	vadd.s32 s23, v1;
	_ =	sdelay $0x2  }
0x8a: {  	[tilespmem:s29+$0x6600] =	vst v11  }
0x8b: {  	[tilespmem:$0x1FFD0] =	vst v6  }
0x8c: {  	s24 =	simm.s32 $0x36E;
	v6 =	vld.idx.msk [tilespmem:v9+s20+$0x0], $0xffff  }
0x8d: {  	v7 =	vadd.s32 s24, v1;
	_ =	sdelay $0x2  }
0x8e: {  	[tilespmem:s29+$0x6680] =	vst v8  }
0x8f: {  	[tilespmem:$0x1FFE0] =	vst v6  }
0x90: {  	v6 =	vld.idx.msk [tilespmem:v7+s20+$0x0], $0xffff;
	_ =	sdelay $0x2  }
0x91: {  	s26 =	simm.s32 $0x1800;
	s25 =	simm.s32 $0x4  }
0x92: {  	s28 =	sand.u32 $0x3800, s26;
	s18 =	sand.u32 $0xFFFFFFF0, s25;
	[tilespmem:s29+$0x6700] =	vst v12  }
0x93: {  	s2 =	sor.u32 s21, s9;
	s9 =	sadd.s32 s18, s28;
	[tilespmem:$0x1FFF0] =	vst v6  }
0x94: {  	s24 =	simm.s32 $0x240;
	[tilespmem:s9+$0x6780] =	vst v46  }
0x95: {  	s5 =	sor.u32 s21, s12;
	s25 =	simm.s32 $0x5;
	s6 =	simm.s32 $0x251;
	v10 =	vadd.s32 s14, v1;
	v8 =	vor.u32 s24, v62;
	v9 =	vld [tilespmem:s2+$0x0];
	[tilespmem:s9+$0x6000] =	vst v2  }
0x96: {  	s10 =	sor.u32 s21, s30;
	s7 =	simm.s32 $0x1;
	s12 =	simm.s32 $0x262;
	v48 =	vadd.s32 s25, v1;
	v11 =	vadd.s32 s6, v62;
	v12 =	vld [tilespmem:s5+$0x0];
	[tilespmem:s9+$0x6080] =	vst v3  }
0x97: {  	s15 =	sor.u32 s21, s17;
	s16 =	simm.s32 $0x273;
	s14 =	simm.s32 $0x2;
	v13 =	vadd.s32 s12, v62;
	v2 =	vadd.s32 s7, v1;
	v14 =	vld [tilespmem:s10+$0x0];
	[tilespmem:s9+$0x6100] =	vst v4  }
0x98: {  	s19 =	simm.s32 $0x3;
	s17 =	sor.u32 s21, s11;
	s21 =	simm.s32 $0x284;
	v15 =	vadd.s32 s16, v62;
	v3 =	vadd.s32 s14, v1;
	v16 =	vld [tilespmem:s15+$0x0];
	[tilespmem:s9+$0x6180] =	vst v5  }
0x99: {  	s23 =	simm.s32 $0x295;
	s22 =	simm.s32 $0x4;
	v17 =	vadd.s32 s21, v62;
	v4 =	vadd.s32 s19, v1;
	v34 =	vld [tilespmem:s17+$0x0];
	[tilespmem:s9+$0x6200] =	vst v21  }
0x9a: {  	s26 =	simm.s32 $0x2A6;
	v47 =	vadd.s32 s23, v62;
	s28 =	simm.s32 $0x6;
	v5 =	vadd.s32 s22, v1;
	v10 =	vld.idx.msk [tilespmem:v10+s20+$0x0], $0xffff;
	[tilespmem:v8+s20+$0x0] =	vst.idx.msk $0xffff, v9  }
0x9b: {  	v49 =	vadd.s32 s26, v62;
	v50 =	vadd.s32 s28, v1;
	s2 =	simm.s32 $0x2B7;
	s5 =	simm.s32 $0x7;
	v53 =	vld.idx.msk [tilespmem:v48+s20+$0x0], $0xffff;
	[tilespmem:v11+s20+$0x0] =	vst.idx.msk $0xffff, v55  }
0x9c: {  	s7 =	simm.s32 $0x2C8;
	s10 =	simm.s32 $0x8;
	v6 =	vld.idx.msk [tilespmem:v2+s20+$0x0], $0xffff;
	v2 =	vadd.s32 s2, v62;
	[tilespmem:v13+s20+$0x0] =	vst.idx.msk $0xffff, v56;
	v13 =	vadd.s32 s5, v1  }
0x9d: {  	s11 =	simm.s32 $0x2D9;
	s12 =	simm.s32 $0x9;
	v7 =	vld.idx.msk [tilespmem:v3+s20+$0x0], $0xffff;
	v3 =	vadd.s32 s7, v62;
	[tilespmem:v15+s20+$0x0] =	vst.idx.msk $0xffff, v31;
	v15 =	vadd.s32 s10, v1  }
0x9e: {  	s14 =	simm.s32 $0x2EA;
	s15 =	simm.s32 $0xA;
	v8 =	vld.idx.msk [tilespmem:v4+s20+$0x0], $0xffff;
	v4 =	vadd.s32 s11, v62;
	[tilespmem:v17+s20+$0x0] =	vst.idx.msk $0xffff, v30;
	v17 =	vadd.s32 s12, v1  }
0x9f: {  	s16 =	simm.s32 $0x2FB;
	s17 =	simm.s32 $0xB;
	v9 =	vld.idx.msk [tilespmem:v5+s20+$0x0], $0xffff;
	v5 =	vadd.s32 s14, v62;
	[tilespmem:v47+s20+$0x0] =	vst.idx.msk $0xffff, v28;
	v28 =	vadd.s32 s15, v1  }
0xa0: {  	s23 =	simm.s32 $0x31D;
	s21 =	simm.s32 $0xC;
	s19 =	simm.s32 $0x30C;
	v51 =	vadd.s32 s17, v1;
	v55 =	vld.idx.msk [tilespmem:v50+s20+$0x0], $0xffff;
	v30 =	vadd.s32 s16, v62;
	[tilespmem:v49+s20+$0x0] =	vst.idx.msk $0xffff, v58  }
0xa1: {  	s26 =	simm.s32 $0x32E;
	s25 =	simm.s32 $0xD;
	s22 =	simm.s32 $0x0;
	v31 =	vadd.s32 s19, v62;
	[tilespmem:v2+s20+$0x0] =	vst.idx.msk $0xffff, v18;
	v2 =	vadd.s32 s21, v1;
	v58 =	vld.idx.msk [tilespmem:v13+s20+$0x0], $0xffff  }
0xa2: {  	s28 =	simm.s32 $0xE;
	v63 =	vadd.s32 s24, v1;
	s24 =	simm.s32 $0x24D;
	s1 =	sand.u32 $0xC000, s22;
	v18 =	vadd.s32 s23, v62;
	[tilespmem:v3+s20+$0x0] =	vst.idx.msk $0xffff, v19;
	v3 =	vadd.s32 s25, v1;
	v60 =	vld.idx.msk [tilespmem:v15+s20+$0x0], $0xffff  }
0xa3: {  	s1 =	sshrl.u32 s1, $0x2;
	s2 =	simm.s32 $0x33F;
	s5 =	simm.s32 $0xF;
	v19 =	vadd.s32 s26, v62;
	[tilespmem:v4+s20+$0x0] =	vst.idx.msk $0xffff, v20;
	v4 =	vadd.s32 s28, v1;
	v38 =	vld.idx.msk [tilespmem:v17+s20+$0x0], $0xffff  }
0xa4: {  	s17 =	simm.s32 $0x249;
	s22 =	simm.s32 $0x4000;
	s30 =	sadd.s32 s13, s1;
	v20 =	vadd.s32 s2, v62;
	[tilespmem:v5+s20+$0x0] =	vst.idx.msk $0xffff, v23;
	v5 =	vadd.s32 s5, v1;
	v42 =	vld.idx.msk [tilespmem:v28+s20+$0x0], $0xffff  }
0xa5: {  	v0 =	vadd.s32 s24, v1;
	s13 =	simm.s32 $0x245;
	s7 =	simm.s32 $0x241;
	s11 =	simm.s32 $0x243;
	[tilespmem:v30+s20+$0x0] =	vst.idx.msk $0xffff, v29;
	v29 =	vld.idx.msk [tilespmem:v51+s20+$0x0], $0xffff  }
0xa6: {  	v25 =	vadd.s32 s17, v1;
	s14 =	simm.s32 $0x246;
	v41 =	vadd.s32 s7, v1;
	v39 =	vadd.s32 s11, v1;
	s10 =	simm.s32 $0x242;
	s19 =	simm.s32 $0x24A;
	[tilespmem:v31+s20+$0x0] =	vst.idx.msk $0xffff, v12;
	v30 =	vld.idx.msk [tilespmem:v2+s20+$0x0], $0xffff  }
0xa7: {  	v24 =	vadd.s32 s14, v1;
	s12 =	simm.s32 $0x244;
	v37 =	vadd.s32 s10, v1;
	v44 =	vadd.s32 s19, v1;
	s15 =	simm.s32 $0x247;
	s21 =	simm.s32 $0x24B;
	[tilespmem:v18+s20+$0x0] =	vst.idx.msk $0xffff, v14;
	v31 =	vld.idx.msk [tilespmem:v3+s20+$0x0], $0xffff  }
0xa8: {  	v35 =	vadd.s32 s12, v1;
	v54 =	vadd.s32 s15, v1;
	v13 =	vadd.s32 s13, v1;
	s25 =	sand.u32 $0xC000, s22;
	s26 =	simm.s32 $0x24E;
	s28 =	simm.s32 $0x24F;
	[tilespmem:v19+s20+$0x0] =	vst.idx.msk $0xffff, v16;
	v32 =	vld.idx.msk [tilespmem:v4+s20+$0x0], $0xffff  }
0xa9: {  	s16 =	simm.s32 $0x248;
	s23 =	simm.s32 $0x24C;
	v49 =	vadd.s32 s21, v1;
	s6 =	sshrl.u32 s25, $0x2;
	v17 =	vadd.s32 s26, v1;
	v47 =	vadd.s32 s28, v1;
	[tilespmem:v20+s20+$0x0] =	vst.idx.msk $0xffff, v34;
	v33 =	vld.idx.msk [tilespmem:v5+s20+$0x0], $0xffff  }
0xaa: {  	s14 =	simm.s32 $0x6000;
	s13 =	simm.s32 $0x2;
	s29 =	sadd.s32 s18, s6;
	v12 =	vadd.s32 s16, v1;
	v16 =	vadd.s32 s23, v1;
	[tilespmem:s30+$0x6000] =	vst v10;
	v19 =	vld.idx.msk [tilespmem:v63+s20+$0x0], $0xffff  }
.LBB2_3:
0xab: {  	_ = 	snop  }
0xac: {  	[tilespmem:s30+$0x6080] =	vst v6  }
0xad: {  	v2 =	vld.idx.msk [tilespmem:v41+s20+$0x0], $0xffff;
	_ =	sdelay $0x3  }
0xae: {  	[tilespmem:s30+$0x6100] =	vst v7  }
0xaf: {  	[tilespmem:$0x1FEA0] =	vst v2;
	v2 =	vld.idx.msk [tilespmem:v37+s20+$0x0], $0xffff;
	_ =	sdelay $0x3  }
0xb0: {  	[tilespmem:s30+$0x6180] =	vst v8  }
0xb1: {  	[tilespmem:$0x1FED0] =	vst v2;
	v2 =	vld.idx.msk [tilespmem:v39+s20+$0x0], $0xffff;
	_ =	sdelay $0x3  }
0xb2: {  	[tilespmem:s30+$0x6200] =	vst v9  }
0xb3: {  	[tilespmem:$0x1FEC0] =	vst v2  }
0xb4: {  	v2 =	vld.idx.msk [tilespmem:v35+s20+$0x0], $0xffff;
	[tilespmem:s30+$0x6280] =	vst v53  }
0xb5: {  	[tilespmem:s30+$0x6300] =	vst v55  }
0xb6: {  	[tilespmem:s30+$0x6380] =	vst v58  }
0xb7: {  	[tilespmem:s30+$0x6400] =	vst v60  }
0xb8: {  	[tilespmem:s30+$0x6480] =	vst v38  }
0xb9: {  	[tilespmem:s30+$0x6500] =	vst v42  }
0xba: {  	s13 =	sadd.s32 $0x2, s13;
	[tilespmem:s30+$0x6580] =	vst v29  }
0xbb: {  	s0 =	sadd.s32 $0x20, s0;
	s1 =	sshll.u32 s13, $0x8;
	[tilespmem:s30+$0x6600] =	vst v30  }
0xbc: {  	s4 =	sadd.s32 $0xFFFFFFF0, s0;
	s12 =	sand.u32 $0x3FFFF800, s1;
	[tilespmem:s30+$0x6680] =	vst v31  }
0xbd: {  	s17 =	sand.u32 $0x60, s4;
	s1 =	sor.u32 $0x80, s12;
	[tilespmem:s30+$0x6700] =	vst v32  }
0xbe: {  	s10 =	sor.u32 s17, s1;
	[tilespmem:s30+$0x6780] =	vst v33  }
0xbf: {  	v6 =	vld [tilespmem:s10+$0x0]  }
0xc0: {  	s15 =	sand.u32 $0x70, s0  }
0xc1: {  	s6 =	sor.u32 $0x100, s12;
	s1 =	sor.u32 s15, s1  }
0xc2: {  	s7 =	sor.u32 s17, s6;
	s6 =	sor.u32 s15, s6;
	v3 =	vld [tilespmem:s1+$0x0]  }
0xc3: {  	s28 =	sor.u32 $0x180, s12;
	v4 =	vld [tilespmem:s6+$0x0]  }
0xc4: {  	s11 =	sor.u32 $0x200, s12;
	s4 =	sor.u32 s15, s28;
	[tilespmem:$0x1FEF0] =	vst v6;
	v6 =	vld [tilespmem:s7+$0x0]  }
0xc5: {  	s5 =	sor.u32 $0x300, s12;
	s2 =	sor.u32 s15, s11;
	v5 =	vld [tilespmem:s4+$0x0]  }
0xc6: {  	s18 =	sor.u32 $0x380, s12;
	s19 =	sor.u32 s15, s5;
	v34 =	vld [tilespmem:s2+$0x0]  }
0xc7: {  	s23 =	sor.u32 s15, s18;
	v36 =	vld [tilespmem:s19+$0x0]  }
0xc8: {  	s22 =	sor.u32 $0x400, s12;
	s1 =	sor.u32 s17, s28;
	v21 =	vld [tilespmem:s23+$0x0]  }
0xc9: {  	s16 =	sor.u32 $0x280, s12;
	s25 =	sor.u32 s15, s22;
	[tilespmem:$0x1FF00] =	vst v6;
	v6 =	vld [tilespmem:s1+$0x0]  }
0xca: {  	s28 =	sor.u32 s17, s16;
	s16 =	sor.u32 s15, s16;
	s19 =	sor.u32 $0x500, s12;
	v22 =	vld [tilespmem:s25+$0x0]  }
0xcb: {  	s23 =	sor.u32 $0x580, s12;
	v63 =	vld [tilespmem:s16+$0x0];
	s2 =	sor.u32 s15, s19  }
0xcc: {  	[tilespmem:$0x1FEB0] =	vst v24;
	s24 =	sor.u32 s17, s5;
	s5 =	sor.u32 s15, s23;
	v48 =	vld [tilespmem:s2+$0x0]  }
0xcd: {  	[tilespmem:$0x1FEE0] =	vst v25;
	s8 =	sadd.s32 $0x240, s8;
	s26 =	sor.u32 s15, s12;
	s6 =	sor.u32 s17, s11;
	v51 =	vld [tilespmem:s5+$0x0]  }
0xce: {  	s21 =	sor.u32 s17, s18;
	s18 =	sor.u32 s17, s22;
	s16 =	sor.u32 $0x480, s12;
	[tilespmem:$0x1FF10] =	vst v6;
	v6 =	vld [tilespmem:s6+$0x0]  }
0xcf: {  	s22 =	sor.u32 $0x600, s12;
	s11 =	sadd.s32 $0xFFFFFF01, s8;
	[tilespmem:$0x1FE90] =	vst v2;
	v2 =	vld [tilespmem:s26+$0x0];
	s26 =	sor.u32 s15, s16  }
0xd0: {  	s25 =	sor.u32 $0x680, s12;
	s4 =	sor.u32 s15, s22;
	s2 =	sadd.s32 $0xFFFFFF23, s8;
	v23 =	vld [tilespmem:s26+$0x0];
	[tilespmem:s9+$0x6280] =	vst v27  }
0xd1: {  	v28 =	vor.u32 s11, v62;
	s5 =	sor.u32 $0x700, s12;
	s26 =	sadd.s32 $0xFFFFFF12, s8;
	v24 =	vld [tilespmem:s4+$0x0];
	s4 =	sor.u32 s15, s25;
	[tilespmem:s9+$0x6300] =	vst v26  }
0xd2: {  	s10 =	sor.u32 s17, s5;
	v30 =	vadd.s32 s26, v62;
	v25 =	vld [tilespmem:s4+$0x0];
	s4 =	sor.u32 s15, s5;
	[tilespmem:s9+$0x6380] =	vst v40;
	s5 =	sadd.s32 $0xFFFFFDE1, s8  }
0xd3: {  	v31 =	vadd.s32 s2, v62;
	[tilespmem:$0x1FF20] =	vst v6;
	v6 =	vadd.s32 s5, v1  }
0xd4: {  	s2 =	sor.u32 $0x780, s12;
	s26 =	sadd.s32 $0xFFFFFF34, s8;
	[tilespmem:$0x1FF90] =	vst v6;
	v6 =	vld [tilespmem:s28+$0x0]  }
0xd5: {  	v38 =	vadd.s32 s26, v62;
	s26 =	sadd.s32 $0xFFFFFF45, s8;
	s15 =	sor.u32 s15, s2;
	v26 =	vld [tilespmem:s4+$0x0];
	[tilespmem:s9+$0x6400] =	vst v43  }
0xd6: {  	s30 =	sor.u32 s17, s16;
	s16 =	sadd.s32 $0xFFFFFF56, s8;
	v42 =	vadd.s32 s26, v62;
	v27 =	vld [tilespmem:s15+$0x0];
	[tilespmem:v28+s20+$0x0] =	vst.idx.msk $0xffff, v2  }
0xd7: {  	s26 =	sor.u32 s17, s19;
	s19 =	sadd.s32 $0xFFFFFF67, s8;
	v2 =	vadd.s32 s16, v62;
	[tilespmem:v30+s20+$0x0] =	vst.idx.msk $0xffff, v3  }
0xd8: {  	v3 =	vadd.s32 s19, v62;
	[tilespmem:v31+s20+$0x0] =	vst.idx.msk $0xffff, v4  }
0xd9: {  	s15 =	sor.u32 s17, s25;
	s25 =	sadd.s32 $0xFFFFFF78, s8;
	[tilespmem:$0x1FF30] =	vst v6;
	v6 =	vld [tilespmem:s21+$0x0]  }
0xda: {  	s23 =	sor.u32 s17, s23;
	s7 =	sor.u32 s17, s2;
	s4 =	sadd.s32 $0xFFFFFF89, s8;
	v4 =	vadd.s32 s25, v62;
	[tilespmem:v38+s20+$0x0] =	vst.idx.msk $0xffff, v5  }
0xdb: {  	s16 =	sor.u32 s17, s22;
	s17 =	sor.u32 s17, s12;
	s12 =	sadd.s32 $0xFFFFFF9A, s8;
	v5 =	vadd.s32 s4, v62;
	[tilespmem:v42+s20+$0x0] =	vst.idx.msk $0xffff, v34  }
0xdc: {  	v46 =	vadd.s32 s12, v62;
	s25 =	sadd.s32 $0xFFFFFFAB, s8;
	[tilespmem:v2+s20+$0x0] =	vst.idx.msk $0xffff, v63  }
0xdd: {  	v2 =	vadd.s32 s25, v62;
	[tilespmem:v3+s20+$0x0] =	vst.idx.msk $0xffff, v36  }
0xde: {  	s12 =	sadd.s32 $0xFFFFFFBC, s8;
	[tilespmem:$0x1FF40] =	vst v6;
	v6 =	vld [tilespmem:s18+$0x0]  }
0xdf: {  	s22 =	sadd.s32 $0xFFFFFE03, s8;
	s25 =	sadd.s32 $0xFFFFFFCD, s8;
	v3 =	vadd.s32 s12, v62;
	[tilespmem:v4+s20+$0x0] =	vst.idx.msk $0xffff, v21  }
0xe0: {  	v29 =	vadd.s32 s22, v62;
	s22 =	sadd.s32 $0xFFFFFFDE, s8;
	v4 =	vadd.s32 s25, v62;
	[tilespmem:v5+s20+$0x0] =	vst.idx.msk $0xffff, v22  }
0xe1: {  	s25 =	sadd.s32 $0xFFFFFFEF, s8;
	v5 =	vadd.s32 s22, v62;
	[tilespmem:v46+s20+$0x0] =	vst.idx.msk $0xffff, v23  }
0xe2: {  	v43 =	vadd.s32 s25, v62;
	[tilespmem:v2+s20+$0x0] =	vst.idx.msk $0xffff, v48  }
0xe3: {  	[tilespmem:$0x1FF50] =	vst v6;
	v6 =	vld [tilespmem:s30+$0x0]  }
0xe4: {  	[tilespmem:v3+s20+$0x0] =	vst.idx.msk $0xffff, v51  }
0xe5: {  	v33 =	vld [tilespmem:s24+$0x0];
	s24 =	sadd.s32 $0xFFFFFE7A, s8;
	v2 =	vadd.s32 s8, v62;
	s28 =	sadd.s32 $0xFFFFFE14, s8;
	[tilespmem:v4+s20+$0x0] =	vst.idx.msk $0xffff, v24  }
0xe6: {  	v57 =	vadd.s32 s24, v62;
	s24 =	sadd.s32 $0xFFFFFF04, s8;
	v21 =	vadd.s32 s11, v1;
	v30 =	vadd.s32 s28, v62;
	s28 =	sadd.s32 $0xFFFFFE69, s8;
	[tilespmem:v5+s20+$0x0] =	vst.idx.msk $0xffff, v25  }
0xe7: {  	v46 =	vadd.s32 s28, v62;
	s28 =	sadd.s32 $0xFFFFFF03, s8;
	[tilespmem:v43+s20+$0x0] =	vst.idx.msk $0xffff, v26;
	v26 =	vadd.s32 s24, v1  }
0xe8: {  	v25 =	vadd.s32 s28, v1;
	s28 =	sadd.s32 $0xFFFFFF07, s8;
	[tilespmem:$0x1FF60] =	vst v6;
	v6 =	vld [tilespmem:s26+$0x0]  }
0xe9: {  	v28 =	vld [tilespmem:$0x1FFA0];
	v23 =	vadd.s32 s28, v1;
	s28 =	sadd.s32 $0xFFFFFF09, s8;
	s26 =	sadd.s32 $0xFFFFFF02, s8  }
0xea: {  	v51 =	vld [tilespmem:s16+$0x0];
	[tilespmem:v2+s20+$0x0] =	vst.idx.msk $0xffff, v27;
	v9 =	vadd.s32 s28, v1;
	v24 =	vadd.s32 s26, v1;
	s26 =	sadd.s32 $0xFFFFFF06, s8  }
0xeb: {  	v53 =	vld.idx.msk [tilespmem:v21+s20+$0x0], $0xffff;
	v22 =	vadd.s32 s26, v1;
	s26 =	sadd.s32 $0xFFFFFF08, s8  }
0xec: {  	v8 =	vld.idx.msk [tilespmem:v26+s20+$0x0], $0xffff;
	v7 =	vadd.s32 s26, v1  }
0xed: {  	s25 =	sadd.s32 $0xFFFFFF05, s8;
	[tilespmem:$0x1FF70] =	vst v6;
	v6 =	vld [tilespmem:s23+$0x0]  }
0xee: {  	v27 =	vadd.s32 s25, v1;
	v26 =	vld.idx.msk [tilespmem:v23+s20+$0x0], $0xffff  }
0xef: {  	s11 =	sadd.s32 $0xFFFFFF10, s8;
	v43 =	vld.idx.msk [tilespmem:v9+s20+$0x0], $0xffff  }
0xf0: {  	v58 =	vld.idx.msk [tilespmem:v24+s20+$0x0], $0xffff;
	v24 =	vmov v13;
	v13 =	vadd.s32 s11, v1  }
0xf1: {  	v40 =	vld.idx.msk [tilespmem:v7+s20+$0x0], $0xffff  }
0xf2: {  	[tilespmem:$0x1FF80] =	vst v6;
	v6 =	vld.idx.msk [tilespmem:v25+s20+$0x0], $0xffff  }
0xf3: {  	s12 =	sadd.s32 $0xFFFFFE58, s8;
	v25 =	vmov v12;
	v12 =	vld.idx.msk [tilespmem:v27+s20+$0x0], $0xffff  }
0xf4: {  	v52 =	vadd.s32 s12, v62;
	s12 =	sadd.s32 $0xFFFFFDE5, s8;
	v27 =	vld.idx.msk [tilespmem:v22+s20+$0x0], $0xffff  }
0xf5: {  	v35 =	vadd.s32 s12, v1;
	s12 =	sadd.s32 $0xFFFFFF0A, s8;
	s16 =	sadd.s32 $0xFFFFFDE6, s8;
	v13 =	vld.idx.msk [tilespmem:v13+s20+$0x0], $0xffff  }
0xf6: {  	v55 =	vadd.s32 s12, v1;
	v10 =	vadd.s32 s16, v1;
	s16 =	sadd.s32 $0xFFFFFF0B, s8;
	[tilespmem:s9+$0x6480] =	vst v28;
	v28 =	vld [tilespmem:$0x1FFB0]  }
0xf7: {  	v60 =	vadd.s32 s16, v1;
	_ =	sdelay $0x3  }
0xf8: {  	v55 =	vld.idx.msk [tilespmem:v55+s20+$0x0], $0xffff;
	[tilespmem:s9+$0x6500] =	vst v28  }
0xf9: {  	v28 =	vld.idx.msk [tilespmem:v60+s20+$0x0], $0xffff;
	_ =	sdelay $0x2  }
0xfa: {  	s18 =	sadd.s32 $0xFFFFFE8B, s8  }
0xfb: {  	v61 =	vadd.s32 s18, v62;
	s18 =	sadd.s32 $0xFFFFFDEA, s8  }
0xfc: {  	v2 =	vmov v0;
	v0 =	vmov v16;
	v16 =	vadd.s32 s18, v1;
	s18 =	sadd.s32 $0xFFFFFF0C, s8;
	[tilespmem:$0x1FFB0] =	vst v28;
	v28 =	vld [tilespmem:$0x1FFC0]  }
0xfd: {  	v7 =	vadd.s32 s18, v1;
	_ =	sdelay $0x3  }
0xfe: {  	[tilespmem:s9+$0x6580] =	vst v28  }
0xff: {  	v7 =	vld.idx.msk [tilespmem:v7+s20+$0x0], $0xffff;
	_ =	sdelay $0x3  }
0x100: {  	s22 =	sadd.s32 $0xFFFFFDE2, s8  }
0x101: {  	v41 =	vadd.s32 s22, v1;
	s22 =	sadd.s32 $0xFFFFFF0D, s8;
	[tilespmem:$0x1FFC0] =	vst v7;
	v7 =	vld [tilespmem:$0x1FFD0]  }
0x102: {  	v9 =	vadd.s32 s22, v1;
	_ =	sdelay $0x3  }
0x103: {  	[tilespmem:s9+$0x6600] =	vst v7  }
0x104: {  	v7 =	vld.idx.msk [tilespmem:v9+s20+$0x0], $0xffff;
	_ =	sdelay $0x3  }
0x105: {  	s23 =	sadd.s32 $0xFFFFFDE4, s8  }
0x106: {  	v39 =	vadd.s32 s23, v1;
	s23 =	sadd.s32 $0xFFFFFF0E, s8;
	[tilespmem:$0x1FFD0] =	vst v7;
	v7 =	vld [tilespmem:$0x1FFE0]  }
0x107: {  	v23 =	vadd.s32 s23, v1;
	_ =	sdelay $0x3  }
0x108: {  	[tilespmem:s9+$0x6680] =	vst v7  }
0x109: {  	v7 =	vld.idx.msk [tilespmem:v23+s20+$0x0], $0xffff;
	_ =	sdelay $0x3  }
0x10a: {  	s24 =	sadd.s32 $0xFFFFFDEF, s8  }
0x10b: {  	v21 =	vadd.s32 s24, v1;
	s24 =	sadd.s32 $0xFFFFFF0F, s8;
	[tilespmem:$0x1FFE0] =	vst v7;
	v7 =	vld [tilespmem:$0x1FFF0]  }
0x10c: {  	[tilespmem:$0x1FFA0] =	vst v55;
	v55 =	vadd.s32 s24, v1  }
0x10d: {  	s14 =	sadd.s32 $0x4000, s14  }
0x10e: {  	s1 =	sadd.s32 $0xFFFFFECF, s8;
	s4 =	sadd.s32 $0xFFFFFE25, s8;
	s25 =	sadd.s32 $0xFFFFFDF0, s8  }
0x10f: {  	v31 =	vadd.s32 s4, v62;
	s4 =	sadd.s32 $0xFFFFFDE7, s8;
	s28 =	sshrl.u32 s14, $0x2;
	v22 =	vadd.s32 s25, v1;
	s25 =	sshll.u32 s13, $0x1  }
0x110: {  	v11 =	vadd.s32 s4, v1;
	v5 =	vadd.s32 s1, v62;
	s4 =	sand.u32 $0x3800, s28;
	s1 =	sand.u32 $0xFFFFFFF0, s25;
	[tilespmem:s9+$0x6700] =	vst v7  }
0x111: {  	s9 =	sadd.s32 s1, s4;
	v7 =	vld.idx.msk [tilespmem:v55+s20+$0x0], $0xffff  }
0x112: {  	[tilespmem:s9+$0x6780] =	vst v13;
	v13 =	vmov v10;
	v10 =	vld [tilespmem:$0x1FEB0];
	_ =	sdelay $0x7  }
0x113: {  	v55 =	vld.idx.msk [tilespmem:v10+s20+$0x0], $0xffff  }
0x114: {  	v10 =	vld [tilespmem:$0x1FEE0]  }
0x115: {  	v56 =	vld [tilespmem:s10+$0x0]  }
0x116: {  	v38 =	vor.u32 s5, v62;
	[tilespmem:$0x1FFF0] =	vst v7;
	v7 =	vld [tilespmem:s17+$0x0]  }
0x117: {  	v59 =	vld [tilespmem:s7+$0x0]  }
0x118: {  	v48 =	vld [tilespmem:s15+$0x0]  }
0x119: {  	v60 =	vld.idx.msk [tilespmem:v25+s20+$0x0], $0xffff;
	[tilespmem:s9+$0x6000] =	vst v53  }
0x11a: {  	[tilespmem:s9+$0x6080] =	vst v58;
	v53 =	vld.idx.msk [tilespmem:v24+s20+$0x0], $0xffff  }
0x11b: {  	v58 =	vld.idx.msk [tilespmem:v54+s20+$0x0], $0xffff;
	[tilespmem:v38+s20+$0x0] =	vst.idx.msk $0xffff, v7  }
0x11c: {  	s19 =	sadd.s32 $0xFFFFFDF2, s8;
	v38 =	vld.idx.msk [tilespmem:v10+s20+$0x0], $0xffff  }
0x11d: {  	v42 =	vadd.s32 s19, v62;
	v10 =	vld [tilespmem:$0x1FEF0];
	_ =	sdelay $0x4  }
0x11e: {  	[tilespmem:v42+s20+$0x0] =	vst.idx.msk $0xffff, v10;
	v10 =	vld [tilespmem:$0x1FF00];
	_ =	sdelay $0x3  }
0x11f: {  	v42 =	vld.idx.msk [tilespmem:v44+s20+$0x0], $0xffff  }
0x120: {  	[tilespmem:v29+s20+$0x0] =	vst.idx.msk $0xffff, v10;
	v10 =	vld [tilespmem:$0x1FF10];
	_ =	sdelay $0x4  }
0x121: {  	v29 =	vld.idx.msk [tilespmem:v49+s20+$0x0], $0xffff;
	[tilespmem:v30+s20+$0x0] =	vst.idx.msk $0xffff, v10  }
0x122: {  	v30 =	vld.idx.msk [tilespmem:v0+s20+$0x0], $0xffff  }
0x123: {  	v0 =	vld [tilespmem:$0x1FF20];
	_ =	sdelay $0x4  }
0x124: {  	[tilespmem:v31+s20+$0x0] =	vst.idx.msk $0xffff, v0  }
0x125: {  	s19 =	sadd.s32 $0xFFFFFE36, s8;
	v31 =	vld.idx.msk [tilespmem:v2+s20+$0x0], $0xffff  }
0x126: {  	v32 =	vadd.s32 s19, v62;
	v2 =	vld [tilespmem:$0x1FF30];
	_ =	sdelay $0x1  }
0x127: {  	s6 =	sadd.s32 $0xFFFFFE47, s8  }
0x128: {  	v50 =	vadd.s32 s6, v62;
	v3 =	vmov v17;
	_ =	sdelay $0x1  }
0x129: {  	[tilespmem:v32+s20+$0x0] =	vst.idx.msk $0xffff, v2;
	v2 =	vld [tilespmem:$0x1FF40];
	_ =	sdelay $0x2  }
0x12a: {  	v32 =	vld.idx.msk [tilespmem:v3+s20+$0x0], $0xffff;
	[tilespmem:v50+s20+$0x0] =	vst.idx.msk $0xffff, v33  }
0x12b: {  	v33 =	vld.idx.msk [tilespmem:v47+s20+$0x0], $0xffff  }
0x12c: {  	[tilespmem:v52+s20+$0x0] =	vst.idx.msk $0xffff, v2;
	v2 =	vld [tilespmem:$0x1FF50];
	_ =	sdelay $0x4  }
0x12d: {  	[tilespmem:v46+s20+$0x0] =	vst.idx.msk $0xffff, v2;
	v2 =	vld [tilespmem:$0x1FF60];
	_ =	sdelay $0x4  }
0x12e: {  	[tilespmem:v57+s20+$0x0] =	vst.idx.msk $0xffff, v2;
	v2 =	vld [tilespmem:$0x1FF70];
	_ =	sdelay $0x3  }
0x12f: {  	s5 =	sadd.s32 $0xFFFFFE9C, s8  }
0x130: {  	v63 =	vadd.s32 s5, v62;
	[tilespmem:v61+s20+$0x0] =	vst.idx.msk $0xffff, v2;
	v2 =	vld [tilespmem:$0x1FF80];
	_ =	sdelay $0x1  }
0x131: {  	s19 =	sadd.s32 $0xFFFFFEAD, s8  }
0x132: {  	v36 =	vadd.s32 s19, v62;
	s21 =	sadd.s32 $0xFFFFFEBE, s8  }
0x133: {  	v45 =	vadd.s32 s21, v62;
	[tilespmem:s9+$0x6100] =	vst v6  }
0x134: {  	s6 =	sadd.s32 $0xFFFFFEE0, s8;
	[tilespmem:v63+s20+$0x0] =	vst.idx.msk $0xffff, v2;
	v2 =	vld [tilespmem:$0x1FF90]  }
0x135: {  	v34 =	vadd.s32 s6, v62;
	[tilespmem:s9+$0x6180] =	vst v8  }
0x136: {  	p2 =	slt.u32 s13, $0x1E;
	[tilespmem:s9+$0x6200] =	vst v12  }
0x137: {  	s10 =	sadd.s32 $0xFFFFFDE9, s8;
	s7 =	sadd.s32 $0xFFFFFDEC, s8;
	s2 =	sadd.s32 $0xFFFFFDE3, s8;
	[tilespmem:v36+s20+$0x0] =	vst.idx.msk $0xffff, v51  }
.Ltmp0:
0x138: {  	v15 =	vadd.s32 s10, v1;
	s19 =	sadd.s32 $0xFFFFFDED, s8;
	s5 =	sadd.s32 $0xFFFFFDEB, s8;
	v9 =	vld [tilespmem:$0x1FE90];
	[tilespmem:v45+s20+$0x0] =	vst.idx.msk $0xffff, v48;
	(pc) =	sbr.rel @p2 .LBB2_3-.Ltmp0, $4  }
0x139: {  	v18 =	vadd.s32 s7, v1;
	v37 =	vadd.s32 s2, v1;
	s15 =	sadd.s32 $0xFFFFFDE8, s8;
	v17 =	vadd.s32 s5, v1;
	s21 =	sadd.s32 $0xFFFFFDEE, s8;
	s26 =	sadd.s32 $0xFFFFE000, s14;
	v6 =	vld [tilespmem:$0x1FEA0];
	[tilespmem:v5+s20+$0x0] =	vst.idx.msk $0xffff, v56  }
0x13a: {  	v14 =	vadd.s32 s15, v1;
	v4 =	vmovc v19;
	v19 =	vadd.s32 s19, v1;
	v20 =	vadd.s32 s21, v1;
	s30 =	smov.u32 s29;
	s2 =	sand.u32 $0xC000, s26;
	v8 =	vld [tilespmem:$0x1FEC0];
	[tilespmem:v34+s20+$0x0] =	vst.idx.msk $0xffff, v59  }
0x13b: {  	s2 =	sshrl.u32 s2, $0x2;
	v25 =	vmovc v16;
	v16 =	vmovc v19;
	v24 =	vmov v11;
	v54 =	vmov v14;
	v12 =	vmov v15;
	v7 =	vld [tilespmem:$0x1FED0];
	[tilespmem:s30+$0x6000] =	vst v4  }
0x13c: {  	s29 =	sadd.s32 s1, s2;
	v44 =	vmovc v17;
	v17 =	vmovc v21;
	v49 =	vmov v18;
	v0 =	vmov v20;
	v47 =	vmov v22;
	v19 =	vld.idx.msk [tilespmem:v2+s20+$0x0], $0xffff  }
0x13d: {  	[tilespmem:s30+$0x6200] =	vst v9  }
0x13e: {  	[tilespmem:s30+$0x6280] =	vst v53  }
0x13f: {  	[tilespmem:s30+$0x6300] =	vst v55  }
0x140: {  	[tilespmem:s30+$0x6380] =	vst v58  }
0x141: {  	[tilespmem:s30+$0x6400] =	vst v60  }
0x142: {  	[tilespmem:s30+$0x6480] =	vst v38  }
0x143: {  	[tilespmem:s30+$0x6500] =	vst v42  }
0x144: {  	[tilespmem:s30+$0x6580] =	vst v29  }
0x145: {  	[tilespmem:s30+$0x6600] =	vst v30  }
0x146: {  	[tilespmem:s30+$0x6680] =	vst v31  }
0x147: {  	[tilespmem:s30+$0x6700] =	vst v32  }
0x148: {  	[tilespmem:s30+$0x6780] =	vst v33  }
0x149: {  	[tilespmem:s9+$0x6280] =	vst v27  }
0x14a: {  	[tilespmem:s9+$0x6300] =	vst v26  }
0x14b: {  	[tilespmem:s9+$0x6380] =	vst v40  }
0x14c: {  	[tilespmem:s9+$0x6400] =	vst v43  }
0x14d: {  	[tilespmem:s30+$0x6080] =	vst v6  }
0x14e: {  	[tilespmem:s30+$0x6180] =	vst v8  }
0x14f: {  	[tilespmem:s30+$0x6100] =	vst v7  }
0x150: {  	v11 =	vld [tilespmem:$0x1FFA0];
	_ =	sdelay $0x4  }
0x151: {  	[tilespmem:s9+$0x6480] =	vst v11  }
0x152: {  	v55 =	vld [tilespmem:$0x1FFB0];
	_ =	sdelay $0x4  }
0x153: {  	[tilespmem:s9+$0x6500] =	vst v55  }
0x154: {  	v57 =	vld [tilespmem:$0x1FFC0]  }
0x155: {  	v2 =	vld.idx.msk [tilespmem:v41+s20+$0x0], $0xffff  }
0x156: {  	v3 =	vld.idx.msk [tilespmem:v37+s20+$0x0], $0xffff  }
0x157: {  	v4 =	vld.idx.msk [tilespmem:v39+s20+$0x0], $0xffff  }
0x158: {  	v5 =	vld.idx.msk [tilespmem:v35+s20+$0x0], $0xffff  }
0x159: {  	v50 =	vld.idx.msk [tilespmem:v13+s20+$0x0], $0xffff;
	[tilespmem:s9+$0x6580] =	vst v57  }
0x15a: {  	v14 =	vld [tilespmem:$0x1FFD0]  }
0x15b: {  	v51 =	vld.idx.msk [tilespmem:v24+s20+$0x0], $0xffff  }
0x15c: {  	v52 =	vld.idx.msk [tilespmem:v54+s20+$0x0], $0xffff  }
0x15d: {  	v53 =	vld.idx.msk [tilespmem:v12+s20+$0x0], $0xffff  }
0x15e: {  	v10 =	vld.idx.msk [tilespmem:v25+s20+$0x0], $0xffff  }
0x15f: {  	v54 =	vld.idx.msk [tilespmem:v44+s20+$0x0], $0xffff;
	[tilespmem:s9+$0x6600] =	vst v14  }
0x160: {  	v15 =	vld [tilespmem:$0x1FFE0]  }
0x161: {  	v56 =	vld.idx.msk [tilespmem:v49+s20+$0x0], $0xffff  }
0x162: {  	v58 =	vld.idx.msk [tilespmem:v16+s20+$0x0], $0xffff  }
0x163: {  	v59 =	vld.idx.msk [tilespmem:v0+s20+$0x0], $0xffff  }
0x164: {  	v60 =	vld.idx.msk [tilespmem:v17+s20+$0x0], $0xffff  }
0x165: {  	v63 =	vld.idx.msk [tilespmem:v47+s20+$0x0], $0xffff;
	[tilespmem:s9+$0x6680] =	vst v15  }
0x166: {  	v61 =	vld [tilespmem:$0x1FFF0];
	[tilespmem:s29+$0x6000] =	vst v19  }
0x167: {  	[tilespmem:s29+$0x6080] =	vst v2  }
0x168: {  	[tilespmem:s29+$0x6100] =	vst v3  }
0x169: {  	[tilespmem:s29+$0x6180] =	vst v4  }
0x16a: {  	[tilespmem:s29+$0x6200] =	vst v5  }
0x16b: {  	[tilespmem:s29+$0x6280] =	vst v50  }
0x16c: {  	[tilespmem:s29+$0x6300] =	vst v51  }
0x16d: {  	[tilespmem:s29+$0x6380] =	vst v52  }
0x16e: {  	[tilespmem:s29+$0x6400] =	vst v53  }
0x16f: {  	[tilespmem:s29+$0x6480] =	vst v10  }
0x170: {  	[tilespmem:s29+$0x6500] =	vst v54  }
0x171: {  	[tilespmem:s29+$0x6580] =	vst v56  }
0x172: {  	[tilespmem:s29+$0x6600] =	vst v58  }
0x173: {  	[tilespmem:s9+$0x6700] =	vst v61  }
0x174: {  	s0 =	rddreg [dreg:$0x4]  }
0x175: {  	s2 =	rddreg [dreg:$0x10]  }
0x176: {  	s0 =	sadd.s32 s0, s2  }
0x177: {  	p2 =	slt.u32 s0, $0x1E84;
	s0 =	sshll.u32 s0, $0xB  }
0x178: {  	s0 =	simm.s32 @!p2 $0xF42800;
	p2 =	sne.s32 s3, $0x51  }
.Ltmp1:
0x179: {  	_ = 	snop;
	(pc) =	sbr.rel @p2 .LBB2_6-.Ltmp1, $4  }
0x17a: {  	[tilespmem:s29+$0x6680] =	vst v59  }
0x17b: {  	s1 =	rddreg [dreg:$0x2];
	[tilespmem:s29+$0x6700] =	vst v60  }
0x17c: {  	s30 =	simm.s32 $0x6000;
	[tilespmem:s29+$0x6780] =	vst v63;
	s0 =	sadd.s32 s1, s0  }
0x17d: {  	[hbm4b:s0+s31] =	stream.linear.scatter [tilespmem:s30], [sflag:$0x4], $0x4000, $0x38;
	[tilespmem:$0x14400] =	vst v63  }
.Ltmp2:
0x17e: {  	(pc) =	sbr.rel .LBB2_7-.Ltmp2, $4  }
0x17f: {  	s0 =	simm.s32 $0x2  }
0x180: {  	_ =	swait.ge [sflag:s0], $0x2000  }
0x181: {  	[sflag:s0] =	ssyncset.done $0x0  }
0x182: {  	[sflag:s0] =	ssyncadd.s32 $0xFFFFE000  }
.LBB2_6:
0x183: {  	s0 =	rddreg [dreg:$0x9]  }
0x184: {  	s0 =	sadd.s32 s2, s0  }
0x185: {  	p3 =	slt.s32 s0, $0x1E83  }
0x186: {  	s0 =	simm.s32 @!p3 $0x1E83  }
0x187: {  	s1 =	rddreg [dreg:$0x0];
	s0 =	sshll.u32 s0, $0x7  }
0x188: {  	s29 =	simm.s32 $0x400;
	s30 =	simm.s32 $0x7A1400;
	s0 =	sadd.s32 s1, s0  }
0x189: {  	[tilespmem:s31], [sflag:$0x1] =	stream.strided.gather [hbm4b:s0+s29], $0x2000, s30, s29, $0x38;
	[tilespmem:$0x14400] =	vst v63  }
.Ltmp3:
0x18a: {  	_ = 	snop;
	(pc) =	sbr.rel @p1 .LBB2_8-.Ltmp3, $4  }
0x18b: {  	s31 =	simm.s32 $0x2  }
0x18c: {  	_ =	swait.ge [sflag:s31], $0x2000  }
0x18d: {  	[sflag:s31] =	ssyncset.done $0x0  }
0x18e: {  	[sflag:s31] =	ssyncadd.s32 $0xFFFFE000  }
.LBB2_7:
0x18f: {  	s0 =	simm.s32 $0x5  }
0x190: {  	_ =	swait.ge [sflag:s0], $0x4000  }
0x191: {  	[sflag:s0] =	ssyncset.done $0x0  }
0x192: {  	[sflag:s0] =	ssyncadd.s32 $0xFFFFC000  }
.LBB2_8:
0x193: {  	s0 =	simm.s32 $0x0  }
0x194: {  	s1 =	simm.s32 $0x10;
	s2 =	sand.u32 $0x3FFFF800, s0  }
0x195: {  	s5 =	sand.u32 $0x70, s1;
	s4 =	sadd.s32 $0x2000, s2  }
0x196: {  	s19 =	sadd.s32 $0x2080, s2;
	s8 =	sor.u32 s5, s4  }
0x197: {  	s21 =	sadd.s32 $0x2100, s2;
	s9 =	sor.u32 s5, s19;
	v2 =	vld [tilespmem:s8+$0x0]  }
0x198: {  	s18 =	sadd.s32 $0x2180, s2;
	s10 =	sor.u32 s5, s21;
	v3 =	vld [tilespmem:s9+$0x0]  }
0x199: {  	s17 =	sadd.s32 $0x2200, s2;
	s11 =	sor.u32 s5, s18;
	v4 =	vld [tilespmem:s10+$0x0]  }
0x19a: {  	s16 =	sadd.s32 $0x2280, s2;
	s12 =	sor.u32 s5, s17;
	v5 =	vld [tilespmem:s11+$0x0]  }
0x19b: {  	s15 =	sadd.s32 $0x2300, s2;
	s13 =	sor.u32 s5, s16;
	v6 =	vld [tilespmem:s12+$0x0]  }
0x19c: {  	s14 =	sadd.s32 $0x2380, s2;
	s22 =	sor.u32 s5, s15;
	v7 =	vld [tilespmem:s13+$0x0]  }
0x19d: {  	s7 =	simm.s32 $0x131;
	s0 =	sadd.s32 $0x2500, s2;
	s23 =	sor.u32 s5, s14;
	v8 =	vld [tilespmem:s22+$0x0]  }
0x19e: {  	v15 =	vadd.s32 s7, v62;
	s7 =	sadd.s32 $0x2700, s2;
	s25 =	sor.u32 s5, s0;
	v9 =	vld [tilespmem:s23+$0x0]  }
0x19f: {  	s3 =	sor.u32 s5, s7;
	s13 =	sadd.s32 $0x2400, s2;
	v12 =	vld [tilespmem:s25+$0x0]  }
0x1a0: {  	s12 =	sadd.s32 $0x2480, s2;
	v20 =	vld [tilespmem:s3+$0x0];
	s1 =	sor.u32 s5, s13  }
0x1a1: {  	s6 =	simm.s32 $0x120;
	s11 =	sadd.s32 $0x2580, s2;
	s24 =	sor.u32 s5, s12;
	v10 =	vld [tilespmem:s1+$0x0]  }
0x1a2: {  	v13 =	vor.u32 s6, v62;
	s8 =	simm.s32 $0x0;
	s10 =	sadd.s32 $0x2600, s2;
	s26 =	sor.u32 s5, s11;
	v11 =	vld [tilespmem:s24+$0x0]  }
0x1a3: {  	s9 =	sadd.s32 $0x2680, s2;
	s22 =	simm.s32 $0x142;
	s28 =	sor.u32 s5, s10;
	v14 =	vld [tilespmem:s26+$0x0]  }
0x1a4: {  	s31 =	simm.s32 $0x153;
	s23 =	sor.u32 s5, s9;
	v17 =	vadd.s32 s22, v62;
	s8 =	sand.u32 $0x60, s8;
	v16 =	vld [tilespmem:s28+$0x0]  }
0x1a5: {  	v19 =	vadd.s32 s31, v62;
	s1 =	sadd.s32 $0x2780, s2;
	v18 =	vld [tilespmem:s23+$0x0];
	s23 =	simm.s32 $0x164;
	s13 =	sor.u32 s8, s13  }
0x1a6: {  	s25 =	simm.s32 $0x175;
	s26 =	sor.u32 s8, s19;
	s24 =	sor.u32 s5, s1;
	v21 =	vadd.s32 s23, v62;
	v50 =	vld [tilespmem:s13+$0x0]  }
0x1a7: {  	s28 =	simm.s32 $0x186;
	s19 =	sor.u32 s8, s18;
	s18 =	sor.u32 s8, s0;
	v22 =	vld [tilespmem:s24+$0x0];
	[tilespmem:v13+s20+$0x0] =	vst.idx.msk $0xffff, v2;
	v2 =	vadd.s32 s25, v62  }
0x1a8: {  	s3 =	simm.s32 $0x197;
	v23 =	vld [tilespmem:s18+$0x0];
	s1 =	sor.u32 s8, s1;
	[tilespmem:v15+s20+$0x0] =	vst.idx.msk $0xffff, v3;
	v3 =	vadd.s32 s28, v62  }
0x1a9: {  	v42 =	vadd.s32 s3, v62;
	s4 =	sor.u32 s8, s4;
	s31 =	sor.u32 s8, s21;
	s21 =	simm.s32 $0x1A8;
	v29 =	vld [tilespmem:s1+$0x0];
	[tilespmem:v17+s20+$0x0] =	vst.idx.msk $0xffff, v4  }
0x1aa: {  	v43 =	vadd.s32 s21, v62;
	s23 =	simm.s32 $0x1B9;
	s24 =	sor.u32 s8, s16;
	v13 =	vld [tilespmem:s4+$0x0];
	[tilespmem:v19+s20+$0x0] =	vst.idx.msk $0xffff, v5  }
0x1ab: {  	v44 =	vadd.s32 s23, v62;
	s25 =	simm.s32 $0x1CA;
	v45 =	vld [tilespmem:s24+$0x0];
	[tilespmem:v21+s20+$0x0] =	vst.idx.msk $0xffff, v6  }
0x1ac: {  	v15 =	vld [tilespmem:s26+$0x0];
	s28 =	simm.s32 $0x1DB;
	[tilespmem:v2+s20+$0x0] =	vst.idx.msk $0xffff, v7;
	v2 =	vadd.s32 s25, v62  }
0x1ad: {  	s3 =	simm.s32 $0x1EC;
	s26 =	sor.u32 s8, s15;
	v17 =	vld [tilespmem:s31+$0x0];
	[tilespmem:v3+s20+$0x0] =	vst.idx.msk $0xffff, v8;
	v3 =	vadd.s32 s28, v62  }
0x1ae: {  	v47 =	vadd.s32 s3, v62;
	s15 =	sor.u32 s8, s12;
	s31 =	sor.u32 s8, s14;
	v46 =	vld [tilespmem:s26+$0x0];
	s14 =	simm.s32 $0x1FD;
	[tilespmem:v42+s20+$0x0] =	vst.idx.msk $0xffff, v9  }
0x1af: {  	s16 =	simm.s32 $0x20E;
	v52 =	vld [tilespmem:s15+$0x0];
	v49 =	vadd.s32 s14, v62;
	[tilespmem:v43+s20+$0x0] =	vst.idx.msk $0xffff, v10  }
0x1b0: {  	s22 =	sor.u32 s8, s17;
	s17 =	simm.s32 $0x21F;
	v51 =	vadd.s32 s16, v62;
	v19 =	vld [tilespmem:s19+$0x0];
	[tilespmem:v44+s20+$0x0] =	vst.idx.msk $0xffff, v11  }
0x1b1: {  	v48 =	vld [tilespmem:s31+$0x0];
	[tilespmem:v2+s20+$0x0] =	vst.idx.msk $0xffff, v12;
	v2 =	vadd.s32 s17, v62  }
0x1b2: {  	s0 =	simm.s32 $0x0;
	s23 =	simm.s32 $0x121;
	v21 =	vld [tilespmem:s22+$0x0];
	s28 =	sor.u32 s8, s7;
	[tilespmem:v3+s20+$0x0] =	vst.idx.msk $0xffff, v14;
	v3 =	vadd.s32 s6, v1  }
0x1b3: {  	v53 =	vadd.s32 s23, v1;
	s26 =	simm.s32 $0x122;
	s19 =	sor.u32 s8, s11;
	s22 =	simm.s32 $0x11;
	v27 =	vld [tilespmem:s28+$0x0];
	v12 =	vor.u32 s0, v62;
	[tilespmem:v47+s20+$0x0] =	vst.idx.msk $0xffff, v16  }
0x1b4: {  	s21 =	sor.u32 s8, s10;
	s12 =	simm.s32 $0x126;
	v54 =	vadd.s32 s26, v1;
	s25 =	simm.s32 $0x22;
	v24 =	vadd.s32 s22, v62;
	v14 =	vld [tilespmem:s19+$0x0];
	[tilespmem:v49+s20+$0x0] =	vst.idx.msk $0xffff, v18  }
0x1b5: {  	s3 =	simm.s32 $0x123;
	s24 =	sor.u32 s8, s9;
	v55 =	vadd.s32 s12, v1;
	s31 =	simm.s32 $0x33;
	v25 =	vadd.s32 s25, v62;
	v16 =	vld [tilespmem:s21+$0x0];
	[tilespmem:v51+s20+$0x0] =	vst.idx.msk $0xffff, v20  }
0x1b6: {  	s14 =	simm.s32 $0x127;
	v26 =	vadd.s32 s31, v62;
	s7 =	simm.s32 $0x44;
	v18 =	vld [tilespmem:s24+$0x0];
	v20 =	vadd.s32 s3, v1;
	[tilespmem:v2+s20+$0x0] =	vst.idx.msk $0xffff, v22  }
0x1b7: {  	s9 =	simm.s32 $0x55;
	v56 =	vadd.s32 s14, v1;
	s8 =	simm.s32 $0x124;
	v28 =	vadd.s32 s7, v62;
	v2 =	vld.idx.msk [tilespmem:v3+s20+$0x0], $0xffff  }
0x1b8: {  	v30 =	vadd.s32 s9, v62;
	s11 =	simm.s32 $0x66;
	s28 =	simm.s32 $0x12C;
	v22 =	vadd.s32 s8, v1;
	[tilespmem:v12+s20+$0x0] =	vst.idx.msk $0xffff, v13;
	v3 =	vld.idx.msk [tilespmem:v53+s20+$0x0], $0xffff  }
0x1b9: {  	s10 =	simm.s32 $0x125;
	s13 =	simm.s32 $0x77;
	v59 =	vadd.s32 s28, v1;
	v12 =	vadd.s32 s11, v62;
	[tilespmem:v24+s20+$0x0] =	vst.idx.msk $0xffff, v15;
	v6 =	vld.idx.msk [tilespmem:v54+s20+$0x0], $0xffff  }
0x1ba: {  	v31 =	vadd.s32 s10, v1;
	s16 =	simm.s32 $0x128;
	s15 =	simm.s32 $0x88;
	v13 =	vadd.s32 s13, v62;
	v4 =	vld.idx.msk [tilespmem:v55+s20+$0x0], $0xffff;
	[tilespmem:v25+s20+$0x0] =	vst.idx.msk $0xffff, v17  }
0x1bb: {  	s17 =	simm.s32 $0x99;
	s21 =	simm.s32 $0x129;
	v15 =	vadd.s32 s15, v62;
	[tilespmem:v26+s20+$0x0] =	vst.idx.msk $0xffff, v19;
	v17 =	vld.idx.msk [tilespmem:v20+s20+$0x0], $0xffff;
	v20 =	vadd.s32 s16, v1  }
0x1bc: {  	s18 =	simm.s32 $0x12F;
	s19 =	simm.s32 $0xAA;
	v5 =	vld.idx.msk [tilespmem:v56+s20+$0x0], $0xffff;
	v19 =	vadd.s32 s17, v62;
	v26 =	vadd.s32 s21, v1;
	[tilespmem:v28+s20+$0x0] =	vst.idx.msk $0xffff, v21  }
0x1bd: {  	s23 =	simm.s32 $0x12A;
	s22 =	simm.s32 $0xBB;
	v21 =	vadd.s32 s19, v62;
	v24 =	vld.idx.msk [tilespmem:v22+s20+$0x0], $0xffff;
	v22 =	vadd.s32 s18, v1;
	[tilespmem:v30+s20+$0x0] =	vst.idx.msk $0xffff, v45  }
0x1be: {  	v57 =	vadd.s32 s22, v62;
	s25 =	simm.s32 $0x12B;
	s24 =	simm.s32 $0xCC;
	v9 =	vld.idx.msk [tilespmem:v59+s20+$0x0], $0xffff;
	v28 =	vadd.s32 s23, v1;
	[tilespmem:v12+s20+$0x0] =	vst.idx.msk $0xffff, v46  }
0x1bf: {  	s2 =	simm.s32 $0x12D;
	s26 =	simm.s32 $0xDD;
	v58 =	vadd.s32 s24, v62;
	v25 =	vld.idx.msk [tilespmem:v31+s20+$0x0], $0xffff;
	v30 =	vadd.s32 s25, v1;
	[tilespmem:v13+s20+$0x0] =	vst.idx.msk $0xffff, v48  }
0x1c0: {  	s31 =	simm.s32 $0xEE;
	v31 =	vadd.s32 s26, v62;
	[tilespmem:v15+s20+$0x0] =	vst.idx.msk $0xffff, v50;
	v13 =	vld.idx.msk [tilespmem:v20+s20+$0x0], $0xffff;
	v20 =	vadd.s32 s2, v1  }
0x1c1: {  	s5 =	simm.s32 $0x12E;
	v15 =	vadd.s32 s31, v62;
	v12 =	vld.idx.msk [tilespmem:v26+s20+$0x0], $0xffff;
	[tilespmem:v19+s20+$0x0] =	vst.idx.msk $0xffff, v52  }
0x1c2: {  	s9 =	simm.s32 $0x4;
	s3 =	simm.s32 $0xFF;
	s13 =	simm.s32 $0x200;
	v32 =	vld.idx.msk [tilespmem:v22+s20+$0x0], $0xffff;
	v22 =	vadd.s32 s5, v1;
	[tilespmem:v21+s20+$0x0] =	vst.idx.msk $0xffff, v23  }
0x1c3: {  	s7 =	simm.s32 $0x2;
	s1 =	sand.u32 $0x3FFFF800, s13;
	v19 =	vadd.s32 s3, v62;
	v60 =	vld.idx.msk [tilespmem:v28+s20+$0x0], $0xffff;
	v21 =	vadd.s32 s0, v1;
	s0 =	simm.s32 $0x30;
	[tilespmem:v57+s20+$0x0] =	vst.idx.msk $0xffff, v14  }
0x1c4: {  	s6 =	simm.s32 $0x1;
	s21 =	sadd.s32 $0x2280, s1;
	v61 =	vld.idx.msk [tilespmem:v30+s20+$0x0], $0xffff;
	s30 =	sand.u32 $0x70, s0;
	[tilespmem:v58+s20+$0x0] =	vst.idx.msk $0xffff, v16  }
0x1c5: {  	s11 =	simm.s32 $0x6;
	s17 =	simm.s32 $0x0;
	s25 =	sor.u32 s30, s21;
	[tilespmem:v31+s20+$0x0] =	vst.idx.msk $0xffff, v18;
	v7 =	vld.idx.msk [tilespmem:v20+s20+$0x0], $0xffff  }
0x1c6: {  	s19 =	simm.s32 $0x800;
	s13 =	sand.u32 $0xFFFFFFF0, s17;
	s17 =	sadd.s32 $0x2380, s1;
	v23 =	vadd.s32 s6, v1;
	[tilespmem:v15+s20+$0x0] =	vst.idx.msk $0xffff, v27;
	v27 =	vld [tilespmem:s25+$0x0]  }
0x1c7: {  	v26 =	vadd.s32 s11, v1;
	s31 =	sand.u32 $0x3800, s19;
	s11 =	sadd.s32 $0x2600, s1;
	s4 =	sor.u32 s30, s17;
	v8 =	vld.idx.msk [tilespmem:v22+s20+$0x0], $0xffff  }
0x1c8: {  	v16 =	vadd.s32 s7, v1;
	s19 =	sor.u32 s30, s11;
	v20 =	vadd.s32 s9, v1;
	s9 =	sadd.s32 s13, s31;
	[tilespmem:v19+s20+$0x0] =	vst.idx.msk $0xffff, v29;
	v29 =	vld [tilespmem:s4+$0x0]  }
0x1c9: {  	s8 =	simm.s32 $0x3;
	[tilespmem:s9+$0xA200] =	vst v24;
	v24 =	vld [tilespmem:s19+$0x0]  }
0x1ca: {  	s10 =	simm.s32 $0x5;
	v18 =	vadd.s32 s8, v1;
	s8 =	sadd.s32 $0x2500, s1;
	v14 =	vld.idx.msk [tilespmem:v21+s20+$0x0], $0xffff  }
0x1cb: {  	v19 =	vadd.s32 s10, v1;
	s10 =	sor.u32 s30, s8;
	v15 =	vld.idx.msk [tilespmem:v23+s20+$0x0], $0xffff  }
0x1cc: {  	v63 =	vld [tilespmem:s10+$0x0]  }
0x1cd: {  	s23 =	sadd.s32 $0x2200, s1;
	v40 =	vld.idx.msk [tilespmem:v16+s20+$0x0], $0xffff  }
0x1ce: {  	s12 =	simm.s32 $0x7;
	s22 =	sor.u32 s30, s23;
	s7 =	sadd.s32 $0x2580, s1;
	v16 =	vld.idx.msk [tilespmem:v26+s20+$0x0], $0xffff  }
0x1cf: {  	v23 =	vadd.s32 s12, v1;
	s12 =	sor.u32 s30, s7;
	v26 =	vld [tilespmem:s22+$0x0]  }
0x1d0: {  	s29 =	sadd.s32 $0x2000, s1;
	[tilespmem:s9+$0xA180] =	vst v17;
	v17 =	vld [tilespmem:s12+$0x0]  }
0x1d1: {  	s14 =	sor.u32 s30, s29;
	v22 =	vld.idx.msk [tilespmem:v18+s20+$0x0], $0xffff  }
0x1d2: {  	s26 =	sadd.s32 $0x2100, s1;
	v18 =	vld [tilespmem:s14+$0x0]  }
0x1d3: {  	s16 =	sor.u32 s30, s26;
	s12 =	sadd.s32 $0x2780, s1;
	v21 =	vld.idx.msk [tilespmem:v20+s20+$0x0], $0xffff  }
0x1d4: {  	s19 =	sor.u32 s30, s12;
	v20 =	vld [tilespmem:s16+$0x0]  }
0x1d5: {  	s28 =	sadd.s32 $0x2080, s1;
	v34 =	vld [tilespmem:s19+$0x0]  }
0x1d6: {  	s15 =	sor.u32 s30, s28;
	v47 =	vld.idx.msk [tilespmem:v19+s20+$0x0], $0xffff  }
0x1d7: {  	s24 =	sadd.s32 $0x2180, s1;
	v19 =	vld [tilespmem:s15+$0x0]  }
0x1d8: {  	s18 =	sor.u32 s30, s24;
	[tilespmem:s9+$0xA780] =	vst v32;
	s16 =	sadd.s32 $0x2400, s1;
	v33 =	vld.idx.msk [tilespmem:v23+s20+$0x0], $0xffff  }
0x1d9: {  	[tilespmem:s9+$0xA000] =	vst v2;
	s15 =	sadd.s32 $0x2480, s1;
	s5 =	sor.u32 s30, s16;
	v23 =	vld [tilespmem:s18+$0x0]  }
0x1da: {  	[tilespmem:s9+$0xA080] =	vst v3;
	s14 =	simm.s32 $0x360;
	s18 =	sadd.s32 $0x2300, s1;
	v2 =	vld [tilespmem:s5+$0x0];
	s6 =	sor.u32 s30, s15  }
0x1db: {  	s4 =	simm.s32 $0x20;
	[tilespmem:s9+$0xA100] =	vst v6;
	v30 =	vor.u32 s14, v62;
	s3 =	sor.u32 s30, s18;
	v3 =	vld [tilespmem:s6+$0x0];
	s6 =	sadd.s32 $0x2680, s1  }
0x1dc: {  	[tilespmem:s9+$0xA280] =	vst v25;
	s10 =	sadd.s32 $0x2700, s1;
	s22 =	simm.s32 $0x371;
	v28 =	vld [tilespmem:s3+$0x0];
	s25 =	sor.u32 s30, s6  }
0x1dd: {  	s31 =	simm.s32 $0x382;
	[tilespmem:s9+$0xA300] =	vst v4;
	v31 =	vadd.s32 s22, v62;
	s1 =	sand.u32 $0x60, s4;
	s3 =	sor.u32 s30, s10;
	v25 =	vld [tilespmem:s25+$0x0]  }
0x1de: {  	v41 =	vadd.s32 s31, v62;
	[tilespmem:s9+$0xA380] =	vst v5;
	s5 =	simm.s32 $0x393;
	s22 =	sor.u32 s1, s29;
	v0 =	vld [tilespmem:s3+$0x0]  }
0x1df: {  	[tilespmem:s9+$0xA400] =	vst v13;
	v42 =	vadd.s32 s5, v62;
	s28 =	sor.u32 s1, s28;
	s25 =	simm.s32 $0x3A4;
	v35 =	vld [tilespmem:s22+$0x0]  }
0x1e0: {  	s31 =	simm.s32 $0x3B5;
	s17 =	sor.u32 s1, s17;
	[tilespmem:v30+s20+$0x0] =	vst.idx.msk $0xffff, v18;
	v18 =	vld [tilespmem:s28+$0x0];
	v43 =	vadd.s32 s25, v62  }
0x1e1: {  	[tilespmem:s9+$0xA480] =	vst v12;
	v13 =	vadd.s32 s31, v62;
	s5 =	simm.s32 $0x3C6;
	s3 =	sor.u32 s1, s26;
	v37 =	vld [tilespmem:s17+$0x0]  }
0x1e2: {  	s19 =	sor.u32 s1, s24;
	v30 =	vadd.s32 s5, v62;
	s22 =	simm.s32 $0x3D7;
	[tilespmem:v31+s20+$0x0] =	vst.idx.msk $0xffff, v19;
	v19 =	vld [tilespmem:s3+$0x0]  }
0x1e3: {  	s24 =	simm.s32 $0x3E8;
	v31 =	vadd.s32 s22, v62;
	s25 =	sor.u32 s1, s21;
	[tilespmem:v41+s20+$0x0] =	vst.idx.msk $0xffff, v20;
	v20 =	vld [tilespmem:s19+$0x0]  }
0x1e4: {  	s23 =	sor.u32 s1, s23;
	v44 =	vadd.s32 s24, v62;
	s26 =	simm.s32 $0x3F9;
	v5 =	vld [tilespmem:s25+$0x0];
	[tilespmem:v42+s20+$0x0] =	vst.idx.msk $0xffff, v23  }
0x1e5: {  	s28 =	simm.s32 $0x8;
	v45 =	vadd.s32 s26, v62;
	s3 =	simm.s32 $0x40A;
	s19 =	sor.u32 s1, s16;
	v23 =	vld [tilespmem:s23+$0x0];
	[tilespmem:v43+s20+$0x0] =	vst.idx.msk $0xffff, v26  }
0x1e6: {  	s31 =	sor.u32 s1, s18;
	s18 =	simm.s32 $0x41B;
	v36 =	vadd.s32 s3, v62;
	s23 =	sor.u32 s1, s15;
	v38 =	vld [tilespmem:s19+$0x0];
	v26 =	vadd.s32 s28, v1;
	[tilespmem:v13+s20+$0x0] =	vst.idx.msk $0xffff, v27  }
0x1e7: {  	s21 =	simm.s32 $0x42C;
	v39 =	vld [tilespmem:s23+$0x0];
	v27 =	vadd.s32 s18, v62;
	[tilespmem:v30+s20+$0x0] =	vst.idx.msk $0xffff, v28  }
0x1e8: {  	s24 =	simm.s32 $0x43D;
	s22 =	simm.s32 $0x9;
	s28 =	sor.u32 s1, s7;
	v13 =	vld [tilespmem:s31+$0x0];
	v28 =	vadd.s32 s21, v62;
	[tilespmem:v31+s20+$0x0] =	vst.idx.msk $0xffff, v29  }
0x1e9: {  	s26 =	simm.s32 $0x44E;
	s25 =	sor.u32 s1, s8;
	v4 =	vld [tilespmem:s28+$0x0];
	v30 =	vadd.s32 s24, v62;
	v29 =	vadd.s32 s22, v1;
	[tilespmem:v44+s20+$0x0] =	vst.idx.msk $0xffff, v2  }
0x1ea: {  	s8 =	simm.s32 $0x45F;
	v31 =	vadd.s32 s26, v62;
	v2 =	vld [tilespmem:s25+$0x0];
	[tilespmem:v45+s20+$0x0] =	vst.idx.msk $0xffff, v3  }
0x1eb: {  	s3 =	simm.s32 $0x361;
	v46 =	vadd.s32 s8, v62;
	s31 =	sor.u32 s1, s11;
	v50 =	vld.idx.msk [tilespmem:v26+s20+$0x0], $0xffff;
	[tilespmem:v36+s20+$0x0] =	vst.idx.msk $0xffff, v63  }
0x1ec: {  	s7 =	sor.u32 s1, s6;
	v26 =	vadd.s32 s14, v1;
	v3 =	vld [tilespmem:s31+$0x0];
	s14 =	sor.u32 s1, s10;
	s1 =	sor.u32 s1, s12;
	[tilespmem:v27+s20+$0x0] =	vst.idx.msk $0xffff, v17  }
0x1ed: {  	s5 =	simm.s32 $0x362;
	v41 =	vld [tilespmem:s1+$0x0];
	v17 =	vadd.s32 s3, v1;
	[tilespmem:v28+s20+$0x0] =	vst.idx.msk $0xffff, v24  }
0x1ee: {  	s31 =	simm.s32 $0x369;
	v27 =	vadd.s32 s5, v1;
	v51 =	vld.idx.msk [tilespmem:v29+s20+$0x0], $0xffff;
	[tilespmem:v30+s20+$0x0] =	vst.idx.msk $0xffff, v25  }
0x1ef: {  	s16 =	simm.s32 $0x364;
	s11 =	simm.s32 $0x240;
	v43 =	vadd.s32 s31, v1;
	v24 =	vld [tilespmem:s7+$0x0];
	[tilespmem:v31+s20+$0x0] =	vst.idx.msk $0xffff, v0  }
0x1f0: {  	s17 =	simm.s32 $0x251;
	v49 =	vadd.s32 s16, v1;
	s18 =	simm.s32 $0x365;
	v28 =	vor.u32 s11, v62;
	v0 =	vld [tilespmem:s14+$0x0];
	[tilespmem:v46+s20+$0x0] =	vst.idx.msk $0xffff, v34  }
0x1f1: {  	[tilespmem:s9+$0xA500] =	vst v60;
	v12 =	vadd.s32 s17, v62;
	s19 =	simm.s32 $0x262;
	s21 =	simm.s32 $0x366;
	v30 =	vadd.s32 s18, v1;
	v53 =	vld.idx.msk [tilespmem:v26+s20+$0x0], $0xffff  }
0x1f2: {  	[tilespmem:s9+$0xA580] =	vst v61;
	v52 =	vadd.s32 s19, v62;
	s22 =	simm.s32 $0x273;
	s25 =	simm.s32 $0x368;
	v44 =	vld.idx.msk [tilespmem:v17+s20+$0x0], $0xffff;
	v17 =	vadd.s32 s21, v1  }
0x1f3: {  	[tilespmem:s9+$0xA600] =	vst v9;
	s28 =	simm.s32 $0x36F;
	s24 =	simm.s32 $0x284;
	v60 =	vadd.s32 s22, v62;
	v63 =	vadd.s32 s25, v1;
	v59 =	vld.idx.msk [tilespmem:v27+s20+$0x0], $0xffff  }
0x1f4: {  	[tilespmem:s9+$0xA680] =	vst v7;
	s15 =	simm.s32 $0x363;
	v42 =	vadd.s32 s28, v1;
	s26 =	simm.s32 $0x295;
	v61 =	vadd.s32 s24, v62;
	v7 =	vld.idx.msk [tilespmem:v43+s20+$0x0], $0xffff  }
0x1f5: {  	s23 =	simm.s32 $0x367;
	v36 =	vadd.s32 s26, v62;
	v29 =	vadd.s32 s15, v1;
	[tilespmem:v28+s20+$0x0] =	vst.idx.msk $0xffff, v35;
	v28 =	vld.idx.msk [tilespmem:v49+s20+$0x0], $0xffff  }
0x1f6: {  	s4 =	simm.s32 $0x36A;
	v31 =	vadd.s32 s23, v1;
	v49 =	vld.idx.msk [tilespmem:v30+s20+$0x0], $0xffff;
	[tilespmem:v12+s20+$0x0] =	vst.idx.msk $0xffff, v18  }
0x1f7: {  	[tilespmem:v52+s20+$0x0] =	vst.idx.msk $0xffff, v19;
	v30 =	vld.idx.msk [tilespmem:v17+s20+$0x0], $0xffff;
	v17 =	vadd.s32 s4, v1  }
0x1f8: {  	v32 =	vld.idx.msk [tilespmem:v63+s20+$0x0], $0xffff;
	[tilespmem:v60+s20+$0x0] =	vst.idx.msk $0xffff, v20  }
0x1f9: {  	v6 =	vld.idx.msk [tilespmem:v42+s20+$0x0], $0xffff;
	[tilespmem:v61+s20+$0x0] =	vst.idx.msk $0xffff, v23  }
0x1fa: {  	v56 =	vld.idx.msk [tilespmem:v29+s20+$0x0], $0xffff;
	[tilespmem:v36+s20+$0x0] =	vst.idx.msk $0xffff, v5  }
0x1fb: {  	v31 =	vld.idx.msk [tilespmem:v31+s20+$0x0], $0xffff;
	[tilespmem:$0x1FE30] =	vst v7  }
0x1fc: {  	s6 =	simm.s32 $0x36B;
	v7 =	vld.idx.msk [tilespmem:v17+s20+$0x0], $0xffff  }
0x1fd: {  	v18 =	vadd.s32 s6, v1;
	_ =	sdelay $0x2  }
0x1fe: {  	s3 =	simm.s32 $0x2A6;
	[tilespmem:s9+$0xA700] =	vst v8  }
0x1ff: {  	v12 =	vadd.s32 s3, v62;
	[tilespmem:$0x1FE40] =	vst v7  }
0x200: {  	s10 =	simm.s32 $0x36C;
	v7 =	vld.idx.msk [tilespmem:v18+s20+$0x0], $0xffff  }
0x201: {  	v46 =	vadd.s32 s10, v1;
	_ =	sdelay $0x2  }
0x202: {  	s5 =	simm.s32 $0x2B7;
	[tilespmem:v12+s20+$0x0] =	vst.idx.msk $0xffff, v13  }
0x203: {  	v45 =	vadd.s32 s5, v62;
	[tilespmem:$0x1FE50] =	vst v7  }
0x204: {  	s14 =	simm.s32 $0x36D;
	v7 =	vld.idx.msk [tilespmem:v46+s20+$0x0], $0xffff  }
0x205: {  	v23 =	vadd.s32 s14, v1;
	_ =	sdelay $0x2  }
0x206: {  	s7 =	simm.s32 $0x2C8;
	[tilespmem:v45+s20+$0x0] =	vst.idx.msk $0xffff, v37  }
0x207: {  	v19 =	vadd.s32 s7, v62;
	[tilespmem:$0x1FE60] =	vst v7  }
0x208: {  	s16 =	simm.s32 $0x36E;
	v7 =	vld.idx.msk [tilespmem:v23+s20+$0x0], $0xffff  }
0x209: {  	v52 =	vadd.s32 s16, v1;
	_ =	sdelay $0x2  }
0x20a: {  	s12 =	simm.s32 $0x2D9;
	[tilespmem:v19+s20+$0x0] =	vst.idx.msk $0xffff, v38  }
0x20b: {  	v20 =	vadd.s32 s12, v62;
	[tilespmem:$0x1FE70] =	vst v7  }
0x20c: {  	s15 =	simm.s32 $0x2EA;
	v7 =	vld.idx.msk [tilespmem:v52+s20+$0x0], $0xffff  }
0x20d: {  	s17 =	simm.s32 $0xA;
	v48 =	vadd.s32 s15, v62  }
0x20e: {  	v54 =	vadd.s32 s17, v1;
	s19 =	simm.s32 $0xC;
	s18 =	simm.s32 $0xB;
	s21 =	simm.s32 $0x2FB  }
0x20f: {  	s28 =	simm.s32 $0x1800;
	s24 =	simm.s32 $0x30C;
	s22 =	simm.s32 $0xD;
	v17 =	vadd.s32 s21, v62;
	v13 =	vadd.s32 s18, v1  }
0x210: {  	v55 =	vadd.s32 s24, v62;
	s25 =	simm.s32 $0x31D;
	s26 =	simm.s32 $0x4;
	s31 =	simm.s32 $0x32E;
	v18 =	vadd.s32 s19, v1;
	[tilespmem:v20+s20+$0x0] =	vst.idx.msk $0xffff, v39  }
0x211: {  	v57 =	vadd.s32 s25, v62;
	s1 =	sand.u32 $0xFFFFFFF0, s26;
	s23 =	simm.s32 $0xE;
	s4 =	sand.u32 $0x3800, s28;
	v19 =	vadd.s32 s22, v1;
	[tilespmem:$0x1FE80] =	vst v7  }
0x212: {  	s3 =	simm.s32 $0xF;
	s6 =	simm.s32 $0x33F;
	s9 =	sadd.s32 s1, s4;
	v23 =	vadd.s32 s31, v62;
	v20 =	vadd.s32 s23, v1;
	[tilespmem:v48+s20+$0x0] =	vst.idx.msk $0xffff, v2  }
0x213: {  	v58 =	vadd.s32 s6, v62;
	v2 =	vadd.s32 s3, v1;
	[tilespmem:s9+$0xA780] =	vst v6;
	v34 =	vld.idx.msk [tilespmem:v54+s20+$0x0], $0xffff  }
0x214: {  	s7 =	simm.s32 $0x241;
	v60 =	vadd.s32 s11, v1;
	v35 =	vld.idx.msk [tilespmem:v13+s20+$0x0], $0xffff;
	[tilespmem:v17+s20+$0x0] =	vst.idx.msk $0xffff, v4  }
0x215: {  	s10 =	simm.s32 $0x0;
	v61 =	vadd.s32 s7, v1;
	s14 =	simm.s32 $0x243;
	v36 =	vld.idx.msk [tilespmem:v18+s20+$0x0], $0xffff;
	[tilespmem:v55+s20+$0x0] =	vst.idx.msk $0xffff, v3  }
0x216: {  	s11 =	simm.s32 $0x242;
	s12 =	sand.u32 $0xC000, s10;
	v63 =	vadd.s32 s14, v1;
	v37 =	vld.idx.msk [tilespmem:v19+s20+$0x0], $0xffff;
	[tilespmem:v57+s20+$0x0] =	vst.idx.msk $0xffff, v24  }
0x217: {  	s25 =	simm.s32 $0x24C;
	s15 =	simm.s32 $0x244;
	s2 =	sshrl.u32 s12, $0x2;
	v38 =	vld.idx.msk [tilespmem:v20+s20+$0x0], $0xffff;
	v3 =	vadd.s32 s11, v1;
	[tilespmem:v23+s20+$0x0] =	vst.idx.msk $0xffff, v0  }
0x218: {  	v26 =	vadd.s32 s25, v1;
	s30 =	sadd.s32 s13, s2;
	s21 =	simm.s32 $0x249;
	s19 =	simm.s32 $0x248;
	v0 =	vadd.s32 s15, v1;
	v39 =	vld.idx.msk [tilespmem:v2+s20+$0x0], $0xffff;
	[tilespmem:v58+s20+$0x0] =	vst.idx.msk $0xffff, v41  }
0x219: {  	s17 =	simm.s32 $0x246;
	s16 =	simm.s32 $0x245;
	v42 =	vadd.s32 s21, v1;
	v43 =	vadd.s32 s19, v1;
	[tilespmem:s30+$0xA000] =	vst v14;
	v13 =	vld.idx.msk [tilespmem:v60+s20+$0x0], $0xffff  }
0x21a: {  	s24 =	simm.s32 $0x4000;
	s28 =	simm.s32 $0x24E;
	s18 =	simm.s32 $0x247;
	v45 =	vadd.s32 s17, v1;
	v48 =	vadd.s32 s16, v1;
	[tilespmem:s30+$0xA080] =	vst v15;
	v14 =	vld.idx.msk [tilespmem:v61+s20+$0x0], $0xffff  }
0x21b: {  	s26 =	simm.s32 $0x24D;
	s2 =	sand.u32 $0xC000, s24;
	v46 =	vadd.s32 s18, v1;
	s22 =	simm.s32 $0x24A;
	v52 =	vadd.s32 s28, v1;
	[tilespmem:s30+$0xA100] =	vst v40;
	v17 =	vld.idx.msk [tilespmem:v63+s20+$0x0], $0xffff  }
0x21c: {  	s2 =	sshrl.u32 s2, $0x2;
	s31 =	simm.s32 $0x24F;
	s23 =	simm.s32 $0x24B;
	v19 =	vadd.s32 s22, v1;
	v18 =	vadd.s32 s26, v1;
	[tilespmem:s30+$0xA180] =	vst v22;
	v15 =	vld.idx.msk [tilespmem:v3+s20+$0x0], $0xffff  }
0x21d: {  	s13 =	simm.s32 $0x2;
	s14 =	simm.s32 $0x6000;
	s29 =	sadd.s32 s1, s2;
	v23 =	vadd.s32 s23, v1;
	[tilespmem:s30+$0xA200] =	vst v21;
	v21 =	vadd.s32 s31, v1;
	v0 =	vld.idx.msk [tilespmem:v0+s20+$0x0], $0xffff  }
.LBB2_9:
0x21e: {  	[tilespmem:s30+$0xA280] =	vst v47  }
0x21f: {  	v2 =	vld.idx.msk [tilespmem:v48+s20+$0x0], $0xffff;
	_ =	sdelay $0x3  }
0x220: {  	[tilespmem:s30+$0xA300] =	vst v16  }
0x221: {  	[tilespmem:$0x1FDE0] =	vst v2;
	v2 =	vld.idx.msk [tilespmem:v45+s20+$0x0], $0xffff;
	_ =	sdelay $0x3  }
0x222: {  	[tilespmem:s30+$0xA380] =	vst v33  }
0x223: {  	[tilespmem:$0x1FD40] =	vst v2;
	v2 =	vld.idx.msk [tilespmem:v46+s20+$0x0], $0xffff;
	_ =	sdelay $0x3  }
0x224: {  	[tilespmem:s30+$0xA400] =	vst v50  }
0x225: {  	[tilespmem:$0x1FD60] =	vst v2;
	v2 =	vld.idx.msk [tilespmem:v43+s20+$0x0], $0xffff;
	_ =	sdelay $0x1  }
0x226: {  	s13 =	sadd.s32 $0x2, s13  }
0x227: {  	[tilespmem:$0x1FD90] =	vst v26;
	s1 =	sshll.u32 s13, $0x8  }
0x228: {  	s0 =	sadd.s32 $0x20, s0;
	s16 =	sand.u32 $0x3FFFF800, s1;
	[tilespmem:s30+$0xA480] =	vst v51  }
0x229: {  	s15 =	sand.u32 $0x70, s0;
	s23 =	sadd.s32 $0x2080, s16;
	[tilespmem:$0x1FDF0] =	vst v2  }
0x22a: {  	s8 =	sadd.s32 $0x240, s8;
	s24 =	sadd.s32 $0x2100, s16;
	s25 =	sor.u32 s15, s23;
	v2 =	vld.idx.msk [tilespmem:v42+s20+$0x0], $0xffff;
	[tilespmem:s30+$0xA500] =	vst v34  }
0x22b: {  	s22 =	sadd.s32 $0xFFFFFFF0, s0;
	s5 =	sadd.s32 $0x2180, s16;
	s26 =	sor.u32 s15, s24;
	v3 =	vld [tilespmem:s25+$0x0];
	[tilespmem:s30+$0xA580] =	vst v35  }
0x22c: {  	s12 =	sand.u32 $0x60, s22;
	s28 =	sadd.s32 $0x2200, s16;
	s31 =	sor.u32 s15, s5;
	v4 =	vld [tilespmem:s26+$0x0];
	[tilespmem:s30+$0xA600] =	vst v36  }
0x22d: {  	s2 =	sadd.s32 $0x2000, s16;
	s3 =	sadd.s32 $0x2280, s16;
	s11 =	sor.u32 s15, s28;
	v5 =	vld [tilespmem:s31+$0x0];
	[tilespmem:s30+$0xA680] =	vst v37  }
0x22e: {  	s17 =	sadd.s32 $0x2300, s16;
	s19 =	sadd.s32 $0x2380, s16;
	s18 =	sor.u32 s15, s3;
	v6 =	vld [tilespmem:s11+$0x0];
	[tilespmem:s30+$0xA700] =	vst v38  }
0x22f: {  	s4 =	sor.u32 s15, s2;
	s10 =	sor.u32 s12, s2;
	s22 =	sor.u32 s15, s17;
	v41 =	vld [tilespmem:s18+$0x0];
	[tilespmem:s30+$0xA780] =	vst v39  }
0x230: {  	s7 =	sor.u32 s12, s23;
	s1 =	sor.u32 s12, s24;
	s6 =	sor.u32 s12, s5;
	v51 =	vld [tilespmem:s22+$0x0];
	[tilespmem:$0x1FD80] =	vst v2  }
0x231: {  	s24 =	sor.u32 s12, s3;
	s2 =	sadd.s32 $0x2400, s16;
	s23 =	sor.u32 s15, s19;
	v2 =	vld [tilespmem:s4+$0x0];
	[tilespmem:s9+$0xA000] =	vst v53  }
0x232: {  	s21 =	sor.u32 s12, s17;
	s5 =	sadd.s32 $0x2480, s16;
	s25 =	sor.u32 s15, s2;
	v24 =	vld [tilespmem:s23+$0x0];
	[tilespmem:s9+$0xA080] =	vst v44  }
0x233: {  	s17 =	sadd.s32 $0x2500, s16;
	s18 =	sor.u32 s12, s19;
	s26 =	sor.u32 s15, s5;
	v25 =	vld [tilespmem:s25+$0x0];
	[tilespmem:s9+$0xA100] =	vst v59  }
0x234: {  	s19 =	sadd.s32 $0x2580, s16;
	s11 =	sadd.s32 $0xFFFFFF01, s8;
	s31 =	sor.u32 s15, s17;
	v26 =	vld [tilespmem:s26+$0x0];
	[tilespmem:s9+$0xA180] =	vst v56  }
0x235: {  	s3 =	sor.u32 s15, s19;
	v54 =	vor.u32 s11, v62;
	s22 =	sadd.s32 $0x2600, s16;
	s23 =	sadd.s32 $0xFFFFFF12, s8;
	v27 =	vld [tilespmem:s31+$0x0];
	[tilespmem:s9+$0xA200] =	vst v28  }
0x236: {  	s25 =	sadd.s32 $0x2680, s16;
	v55 =	vadd.s32 s23, v62;
	s26 =	sor.u32 s15, s22;
	s31 =	sadd.s32 $0xFFFFFF23, s8;
	v28 =	vld [tilespmem:s3+$0x0];
	[tilespmem:s9+$0xA280] =	vst v49  }
0x237: {  	s4 =	sor.u32 s15, s25;
	s3 =	sadd.s32 $0x2700, s16;
	v56 =	vadd.s32 s31, v62;
	v29 =	vld [tilespmem:s26+$0x0];
	s26 =	sadd.s32 $0xFFFFFF34, s8;
	[tilespmem:s9+$0xA300] =	vst v30  }
0x238: {  	s31 =	sadd.s32 $0x2780, s16;
	s16 =	sor.u32 s15, s3;
	v30 =	vld [tilespmem:s4+$0x0];
	v57 =	vadd.s32 s26, v62;
	s26 =	sadd.s32 $0xFFFFFF45, s8;
	[tilespmem:s9+$0xA380] =	vst v31  }
0x239: {  	s28 =	sor.u32 s12, s28;
	s15 =	sor.u32 s15, s31;
	v31 =	vld [tilespmem:s16+$0x0];
	v58 =	vadd.s32 s26, v62;
	s16 =	sadd.s32 $0xFFFFFF56, s8;
	[tilespmem:s9+$0xA400] =	vst v32  }
0x23a: {  	s30 =	sor.u32 s12, s2;
	s23 =	sor.u32 s12, s17;
	s17 =	sadd.s32 $0xFFFFFF67, s8;
	v32 =	vld [tilespmem:s15+$0x0];
	[tilespmem:v54+s20+$0x0] =	vst.idx.msk $0xffff, v2;
	v2 =	vadd.s32 s16, v62  }
0x23b: {  	v7 =	vld [tilespmem:s10+$0x0];
	s10 =	sor.u32 s12, s25;
	s15 =	sor.u32 s12, s22;
	s22 =	sadd.s32 $0xFFFFFF78, s8;
	[tilespmem:v55+s20+$0x0] =	vst.idx.msk $0xffff, v3;
	v3 =	vadd.s32 s17, v62  }
0x23c: {  	v59 =	vld [tilespmem:s7+$0x0];
	s7 =	sor.u32 s12, s3;
	s4 =	sadd.s32 $0xFFFFFF89, s8;
	s26 =	sor.u32 s12, s5;
	v60 =	vadd.s32 s22, v62;
	[tilespmem:v56+s20+$0x0] =	vst.idx.msk $0xffff, v4  }
0x23d: {  	v63 =	vadd.s32 s4, v62;
	s16 =	sor.u32 s12, s19;
	s17 =	sor.u32 s12, s31;
	s12 =	sadd.s32 $0xFFFFFF9A, s8;
	[tilespmem:v57+s20+$0x0] =	vst.idx.msk $0xffff, v5  }
0x23e: {  	s25 =	sadd.s32 $0xFFFFFFAB, s8;
	v11 =	vadd.s32 s12, v62;
	[tilespmem:v58+s20+$0x0] =	vst.idx.msk $0xffff, v6  }
0x23f: {  	s22 =	sadd.s32 $0xFFFFFE03, s8;
	s12 =	sadd.s32 $0xFFFFFFBC, s8;
	[tilespmem:v2+s20+$0x0] =	vst.idx.msk $0xffff, v41;
	v2 =	vadd.s32 s25, v62  }
0x240: {  	v35 =	vadd.s32 s22, v62;
	s22 =	sadd.s32 $0xFFFFFFCD, s8;
	[tilespmem:v3+s20+$0x0] =	vst.idx.msk $0xffff, v51;
	v3 =	vadd.s32 s12, v62  }
0x241: {  	v40 =	vld [tilespmem:s28+$0x0];
	s28 =	sadd.s32 $0xFFFFFE14, s8;
	v45 =	vadd.s32 s22, v62;
	s25 =	sadd.s32 $0xFFFFFFDE, s8;
	[tilespmem:v60+s20+$0x0] =	vst.idx.msk $0xffff, v24  }
0x242: {  	v51 =	vadd.s32 s28, v62;
	v47 =	vadd.s32 s25, v62;
	s28 =	sadd.s32 $0xFFFFFFEF, s8;
	[tilespmem:v63+s20+$0x0] =	vst.idx.msk $0xffff, v25  }
0x243: {  	v33 =	vld [tilespmem:$0x1FE30];
	v49 =	vadd.s32 s28, v62;
	[tilespmem:v11+s20+$0x0] =	vst.idx.msk $0xffff, v26  }
0x244: {  	v43 =	vld [tilespmem:s24+$0x0];
	s24 =	sadd.s32 $0xFFFFFE58, s8;
	v24 =	vadd.s32 s8, v62;
	[tilespmem:v2+s20+$0x0] =	vst.idx.msk $0xffff, v27  }
0x245: {  	v9 =	vld [tilespmem:s6+$0x0];
	v58 =	vadd.s32 s24, v62;
	s24 =	sadd.s32 $0xFFFFFF02, s8;
	v25 =	vadd.s32 s11, v1;
	[tilespmem:v3+s20+$0x0] =	vst.idx.msk $0xffff, v28  }
0x246: {  	v44 =	vld [tilespmem:s21+$0x0];
	s25 =	sadd.s32 $0xFFFFFF03, s8;
	v26 =	vadd.s32 s24, v1;
	[tilespmem:v45+s20+$0x0] =	vst.idx.msk $0xffff, v29  }
0x247: {  	s31 =	sadd.s32 $0xFFFFFE25, s8;
	v63 =	vld [tilespmem:s26+$0x0];
	s26 =	sadd.s32 $0xFFFFFF04, s8;
	v27 =	vadd.s32 s25, v1;
	[tilespmem:v47+s20+$0x0] =	vst.idx.msk $0xffff, v30  }
0x248: {  	v55 =	vld [tilespmem:s16+$0x0];
	v37 =	vadd.s32 s31, v62;
	s31 =	sadd.s32 $0xFFFFFE9C, s8;
	s28 =	sadd.s32 $0xFFFFFF05, s8;
	v28 =	vadd.s32 s26, v1;
	[tilespmem:v49+s20+$0x0] =	vst.idx.msk $0xffff, v31  }
0x249: {  	v2 =	vld [tilespmem:s23+$0x0];
	v3 =	vadd.s32 s31, v62;
	s31 =	sadd.s32 $0xFFFFFF06, s8;
	v29 =	vadd.s32 s28, v1;
	[tilespmem:v24+s20+$0x0] =	vst.idx.msk $0xffff, v32  }
0x24a: {  	s24 =	sadd.s32 $0xFFFFFF07, s8;
	v30 =	vadd.s32 s31, v1;
	v53 =	vld.idx.msk [tilespmem:v25+s20+$0x0], $0xffff  }
0x24b: {  	[tilespmem:$0x1FDC0] =	vst v44;
	s28 =	sadd.s32 $0xFFFFFF08, s8;
	v31 =	vadd.s32 s24, v1;
	v44 =	vld.idx.msk [tilespmem:v26+s20+$0x0], $0xffff  }
0x24c: {  	[tilespmem:$0x1FD30] =	vst v59;
	s31 =	sadd.s32 $0xFFFFFF09, s8;
	v32 =	vadd.s32 s28, v1;
	v59 =	vld.idx.msk [tilespmem:v27+s20+$0x0], $0xffff  }
0x24d: {  	s11 =	sadd.s32 $0xFFFFFF10, s8;
	v12 =	vadd.s32 s31, v1;
	v56 =	vld.idx.msk [tilespmem:v28+s20+$0x0], $0xffff  }
0x24e: {  	[tilespmem:$0x1FE10] =	vst v2;
	v24 =	vmov v13;
	v13 =	vadd.s32 s11, v1;
	v2 =	vld.idx.msk [tilespmem:v29+s20+$0x0], $0xffff  }
0x24f: {  	v49 =	vld.idx.msk [tilespmem:v30+s20+$0x0], $0xffff  }
0x250: {  	v30 =	vld.idx.msk [tilespmem:v31+s20+$0x0], $0xffff  }
0x251: {  	v31 =	vld.idx.msk [tilespmem:v32+s20+$0x0], $0xffff  }
0x252: {  	[tilespmem:$0x1FD70] =	vst v9;
	s16 =	sadd.s32 $0xFFFFFDE6, s8;
	v32 =	vld.idx.msk [tilespmem:v12+s20+$0x0], $0xffff  }
0x253: {  	[tilespmem:$0x1FDA0] =	vst v40;
	s21 =	sadd.s32 $0xFFFFFDE2, s8;
	v48 =	vadd.s32 s16, v1;
	s16 =	sadd.s32 $0xFFFFFF0A, s8;
	v13 =	vld.idx.msk [tilespmem:v13+s20+$0x0], $0xffff  }
0x254: {  	v40 =	vmov v14;
	v9 =	vadd.s32 s21, v1;
	s21 =	sadd.s32 $0xFFFFFF0B, s8;
	v14 =	vadd.s32 s16, v1;
	[tilespmem:s9+$0xA480] =	vst v33;
	v33 =	vld [tilespmem:$0x1FE40]  }
0x255: {  	v16 =	vadd.s32 s21, v1;
	_ =	sdelay $0x3  }
0x256: {  	v14 =	vld.idx.msk [tilespmem:v14+s20+$0x0], $0xffff;
	[tilespmem:s9+$0xA500] =	vst v33  }
0x257: {  	v16 =	vld.idx.msk [tilespmem:v16+s20+$0x0], $0xffff;
	_ =	sdelay $0x1  }
0x258: {  	s5 =	sadd.s32 $0xFFFFFDE1, s8  }
0x259: {  	v10 =	vadd.s32 s5, v1  }
0x25a: {  	[tilespmem:$0x1FE20] =	vst v10;
	s22 =	sadd.s32 $0xFFFFFDE4, s8  }
0x25b: {  	v10 =	vadd.s32 s22, v1;
	s22 =	sadd.s32 $0xFFFFFF0C, s8;
	[tilespmem:$0x1FE40] =	vst v16;
	v16 =	vld [tilespmem:$0x1FE50]  }
0x25c: {  	v26 =	vmov v19;
	v19 =	vadd.s32 s22, v1;
	_ =	sdelay $0x3  }
0x25d: {  	[tilespmem:s9+$0xA580] =	vst v16  }
0x25e: {  	v16 =	vld.idx.msk [tilespmem:v19+s20+$0x0], $0xffff;
	_ =	sdelay $0x3  }
0x25f: {  	s23 =	sadd.s32 $0xFFFFFDED, s8  }
0x260: {  	v27 =	vmov v18;
	v18 =	vadd.s32 s23, v1;
	s23 =	sadd.s32 $0xFFFFFF0D, s8;
	[tilespmem:$0x1FE50] =	vst v16;
	v16 =	vld [tilespmem:$0x1FE60]  }
0x261: {  	v12 =	vadd.s32 s23, v1;
	_ =	sdelay $0x3  }
0x262: {  	[tilespmem:s9+$0xA600] =	vst v16  }
0x263: {  	v12 =	vld.idx.msk [tilespmem:v12+s20+$0x0], $0xffff;
	_ =	sdelay $0x4  }
0x264: {  	s24 =	sadd.s32 $0xFFFFFF0E, s8;
	[tilespmem:$0x1FE60] =	vst v12;
	v12 =	vld [tilespmem:$0x1FE70]  }
0x265: {  	v47 =	vmov v23;
	v23 =	vadd.s32 s24, v1;
	_ =	sdelay $0x3  }
0x266: {  	[tilespmem:s9+$0xA680] =	vst v12  }
0x267: {  	v12 =	vld.idx.msk [tilespmem:v23+s20+$0x0], $0xffff;
	_ =	sdelay $0x3  }
0x268: {  	v61 =	vld [tilespmem:s1+$0x0];
	s25 =	sadd.s32 $0xFFFFFDEF, s8  }
0x269: {  	v29 =	vmov v21;
	v21 =	vadd.s32 s25, v1;
	s25 =	sadd.s32 $0xFFFFFF0F, s8;
	[tilespmem:$0x1FE70] =	vst v12;
	v12 =	vld [tilespmem:$0x1FE80]  }
0x26a: {  	[tilespmem:$0x1FE30] =	vst v14;
	v14 =	vadd.s32 s25, v1  }
0x26b: {  	s14 =	sadd.s32 $0x4000, s14  }
0x26c: {  	s1 =	sadd.s32 $0xFFFFFECF, s8;
	[tilespmem:$0x1FD20] =	vst v7;
	s3 =	sadd.s32 $0xFFFFFE7A, s8;
	s26 =	sadd.s32 $0xFFFFFDF0, s8  }
0x26d: {  	v46 =	vld [tilespmem:s18+$0x0];
	[tilespmem:$0x1FD50] =	vst v61;
	v61 =	vadd.s32 s3, v62;
	s3 =	sadd.s32 $0xFFFFFDE7, s8;
	v22 =	vadd.s32 s26, v1;
	s26 =	sshll.u32 s13, $0x1;
	s31 =	sshrl.u32 s14, $0x2  }
0x26e: {  	v50 =	vld [tilespmem:s30+$0x0];
	v7 =	vadd.s32 s1, v62;
	v45 =	vadd.s32 s3, v1;
	s1 =	sand.u32 $0xFFFFFFF0, s26;
	s3 =	sand.u32 $0x3800, s31;
	[tilespmem:s9+$0xA700] =	vst v12  }
0x26f: {  	s9 =	sadd.s32 s1, s3;
	v12 =	vld.idx.msk [tilespmem:v14+s20+$0x0], $0xffff  }
0x270: {  	v36 =	vor.u32 s5, v62;
	[tilespmem:s9+$0xA780] =	vst v13;
	v13 =	vld [tilespmem:$0x1FD20]  }
0x271: {  	v54 =	vld [tilespmem:s10+$0x0]  }
0x272: {  	v57 =	vld [tilespmem:s15+$0x0]  }
0x273: {  	[tilespmem:$0x1FE00] =	vst v63;
	v63 =	vld [tilespmem:s7+$0x0]  }
0x274: {  	s19 =	sadd.s32 $0xFFFFFDF2, s8;
	[tilespmem:$0x1FE80] =	vst v12;
	v12 =	vld [tilespmem:s17+$0x0]  }
0x275: {  	v34 =	vadd.s32 s19, v62;
	[tilespmem:v36+s20+$0x0] =	vst.idx.msk $0xffff, v13;
	v13 =	vld [tilespmem:$0x1FD30];
	_ =	sdelay $0x4  }
0x276: {  	[tilespmem:v34+s20+$0x0] =	vst.idx.msk $0xffff, v13;
	v13 =	vld [tilespmem:$0x1FD50];
	_ =	sdelay $0x3  }
0x277: {  	v34 =	vld.idx.msk [tilespmem:v26+s20+$0x0], $0xffff  }
0x278: {  	[tilespmem:v35+s20+$0x0] =	vst.idx.msk $0xffff, v13;
	v13 =	vld [tilespmem:$0x1FD70];
	_ =	sdelay $0x3  }
0x279: {  	v35 =	vld.idx.msk [tilespmem:v47+s20+$0x0], $0xffff  }
0x27a: {  	[tilespmem:v51+s20+$0x0] =	vst.idx.msk $0xffff, v13;
	v13 =	vld [tilespmem:$0x1FD90];
	_ =	sdelay $0x7  }
0x27b: {  	v36 =	vld.idx.msk [tilespmem:v13+s20+$0x0], $0xffff  }
0x27c: {  	v13 =	vld [tilespmem:$0x1FDA0];
	_ =	sdelay $0x3  }
0x27d: {  	[tilespmem:$0x1FDB0] =	vst v43;
	s19 =	sadd.s32 $0xFFFFFE36, s8  }
0x27e: {  	v38 =	vadd.s32 s19, v62;
	[tilespmem:v37+s20+$0x0] =	vst.idx.msk $0xffff, v13;
	v13 =	vld [tilespmem:$0x1FDB0];
	_ =	sdelay $0x3  }
0x27f: {  	s5 =	sadd.s32 $0xFFFFFE47, s8;
	v37 =	vld.idx.msk [tilespmem:v27+s20+$0x0], $0xffff  }
0x280: {  	v39 =	vadd.s32 s5, v62;
	[tilespmem:v38+s20+$0x0] =	vst.idx.msk $0xffff, v13;
	v13 =	vld [tilespmem:$0x1FDC0];
	_ =	sdelay $0x3  }
0x281: {  	[tilespmem:$0x1FDD0] =	vst v46;
	v38 =	vld.idx.msk [tilespmem:v52+s20+$0x0], $0xffff  }
0x282: {  	[tilespmem:v39+s20+$0x0] =	vst.idx.msk $0xffff, v13;
	v13 =	vld [tilespmem:$0x1FDD0];
	_ =	sdelay $0x2  }
0x283: {  	s6 =	sadd.s32 $0xFFFFFE69, s8  }
0x284: {  	v60 =	vadd.s32 s6, v62;
	v39 =	vld.idx.msk [tilespmem:v29+s20+$0x0], $0xffff  }
0x285: {  	[tilespmem:v58+s20+$0x0] =	vst.idx.msk $0xffff, v13;
	v13 =	vld [tilespmem:$0x1FE00];
	_ =	sdelay $0x3  }
0x286: {  	s12 =	sadd.s32 $0xFFFFFE8B, s8;
	[tilespmem:v60+s20+$0x0] =	vst.idx.msk $0xffff, v50  }
0x287: {  	v41 =	vadd.s32 s12, v62;
	[tilespmem:v61+s20+$0x0] =	vst.idx.msk $0xffff, v13;
	v13 =	vld [tilespmem:$0x1FE10];
	_ =	sdelay $0x2  }
0x288: {  	s18 =	sadd.s32 $0xFFFFFEAD, s8  }
0x289: {  	s19 =	sadd.s32 $0xFFFFFEBE, s8;
	v5 =	vadd.s32 s18, v62  }
0x28a: {  	v4 =	vadd.s32 s19, v62;
	[tilespmem:v41+s20+$0x0] =	vst.idx.msk $0xffff, v13  }
0x28b: {  	s5 =	sadd.s32 $0xFFFFFEE0, s8;
	[tilespmem:v3+s20+$0x0] =	vst.idx.msk $0xffff, v55;
	v3 =	vld [tilespmem:$0x1FE20]  }
0x28c: {  	v8 =	vadd.s32 s5, v62;
	_ =	sdelay $0x1  }
0x28d: {  	v33 =	vld [tilespmem:$0x1FD60];
	[tilespmem:v5+s20+$0x0] =	vst.idx.msk $0xffff, v57  }
0x28e: {  	s2 =	sadd.s32 $0xFFFFFDE3, s8;
	v16 =	vld [tilespmem:$0x1FD40];
	[tilespmem:v4+s20+$0x0] =	vst.idx.msk $0xffff, v54  }
0x28f: {  	v6 =	vadd.s32 s2, v1;
	v47 =	vld [tilespmem:$0x1FDE0];
	[tilespmem:v7+s20+$0x0] =	vst.idx.msk $0xffff, v63  }
0x290: {  	s30 =	smov.u32 s29;
	s6 =	sadd.s32 $0xFFFFFDE5, s8;
	v51 =	vld [tilespmem:$0x1FD80];
	[tilespmem:v8+s20+$0x0] =	vst.idx.msk $0xffff, v12  }
0x291: {  	p3 =	slt.u32 s13, $0x1E;
	v11 =	vadd.s32 s6, v1;
	v50 =	vld [tilespmem:$0x1FDF0];
	[tilespmem:s30+$0xA000] =	vst v24  }
.Ltmp4:
0x292: {  	s4 =	sadd.s32 $0xFFFFFDEB, s8;
	s10 =	sadd.s32 $0xFFFFFDE9, s8;
	v25 =	vmov v15;
	v13 =	vld.idx.msk [tilespmem:v3+s20+$0x0], $0xffff;
	[tilespmem:s30+$0xA080] =	vst v40;
	(pc) =	sbr.rel @p3 .LBB2_9-.Ltmp4, $4  }
0x293: {  	v43 =	vadd.s32 s10, v1;
	s15 =	sadd.s32 $0xFFFFFDE8, s8;
	s7 =	sadd.s32 $0xFFFFFDEC, s8;
	s28 =	sadd.s32 $0xFFFFE000, s14;
	v15 =	vadd.s32 s4, v1;
	v28 =	vmovc v0;
	v0 =	vmov v17;
	v14 =	vld.idx.msk [tilespmem:v9+s20+$0x0], $0xffff;
	[tilespmem:s30+$0xA100] =	vst v25  }
0x294: {  	s19 =	sadd.s32 $0xFFFFFDEE, s8;
	v46 =	vadd.s32 s15, v1;
	s12 =	sadd.s32 $0xFFFFFDEA, s8;
	v17 =	vadd.s32 s7, v1;
	s2 =	sand.u32 $0xC000, s28;
	v19 =	vmov v15;
	v15 =	vld.idx.msk [tilespmem:v6+s20+$0x0], $0xffff;
	[tilespmem:s30+$0xA180] =	vst v0  }
0x295: {  	v20 =	vadd.s32 s19, v1;
	v42 =	vadd.s32 s12, v1;
	s2 =	sshrl.u32 s2, $0x2;
	v23 =	vmov v17;
	v17 =	vld.idx.msk [tilespmem:v10+s20+$0x0], $0xffff;
	[tilespmem:s30+$0xA200] =	vst v28  }
0x296: {  	s29 =	sadd.s32 s1, s2;
	v26 =	vmovc v18;
	v18 =	vmovc v20;
	v52 =	vmov v21;
	v21 =	vmov v22;
	v28 =	vmov v2;
	v0 =	vld.idx.msk [tilespmem:v11+s20+$0x0], $0xffff  }
0x297: {  	[tilespmem:s30+$0xA280] =	vst v47  }
0x298: {  	[tilespmem:s30+$0xA300] =	vst v16  }
0x299: {  	[tilespmem:s30+$0xA380] =	vst v33  }
0x29a: {  	[tilespmem:s30+$0xA400] =	vst v50  }
0x29b: {  	[tilespmem:s30+$0xA480] =	vst v51  }
0x29c: {  	[tilespmem:s30+$0xA500] =	vst v34  }
0x29d: {  	[tilespmem:s30+$0xA580] =	vst v35  }
0x29e: {  	[tilespmem:s30+$0xA600] =	vst v36  }
0x29f: {  	[tilespmem:s30+$0xA680] =	vst v37  }
0x2a0: {  	[tilespmem:s30+$0xA700] =	vst v38  }
0x2a1: {  	[tilespmem:s30+$0xA780] =	vst v39  }
0x2a2: {  	[tilespmem:s9+$0xA000] =	vst v53  }
0x2a3: {  	[tilespmem:s9+$0xA080] =	vst v44  }
0x2a4: {  	[tilespmem:s9+$0xA100] =	vst v59  }
0x2a5: {  	[tilespmem:s9+$0xA180] =	vst v56  }
0x2a6: {  	[tilespmem:s9+$0xA200] =	vst v28  }
0x2a7: {  	[tilespmem:s9+$0xA280] =	vst v49  }
0x2a8: {  	[tilespmem:s9+$0xA300] =	vst v30  }
0x2a9: {  	[tilespmem:s9+$0xA380] =	vst v31  }
0x2aa: {  	[tilespmem:s9+$0xA400] =	vst v32  }
0x2ab: {  	v7 =	vld [tilespmem:$0x1FE30];
	_ =	sdelay $0x4  }
0x2ac: {  	[tilespmem:s9+$0xA480] =	vst v7  }
0x2ad: {  	v8 =	vld [tilespmem:$0x1FE40];
	_ =	sdelay $0x4  }
0x2ae: {  	[tilespmem:s9+$0xA500] =	vst v8  }
0x2af: {  	v9 =	vld [tilespmem:$0x1FE50];
	_ =	sdelay $0x4  }
0x2b0: {  	v2 =	vld.idx.msk [tilespmem:v48+s20+$0x0], $0xffff;
	[tilespmem:s9+$0xA580] =	vst v9  }
0x2b1: {  	v10 =	vld [tilespmem:$0x1FE60]  }
0x2b2: {  	v3 =	vld.idx.msk [tilespmem:v45+s20+$0x0], $0xffff  }
0x2b3: {  	v4 =	vld.idx.msk [tilespmem:v46+s20+$0x0], $0xffff  }
0x2b4: {  	v5 =	vld.idx.msk [tilespmem:v43+s20+$0x0], $0xffff  }
0x2b5: {  	v6 =	vld.idx.msk [tilespmem:v42+s20+$0x0], $0xffff  }
0x2b6: {  	v57 =	vld.idx.msk [tilespmem:v19+s20+$0x0], $0xffff;
	[tilespmem:s9+$0xA600] =	vst v10  }
0x2b7: {  	v11 =	vld [tilespmem:$0x1FE70]  }
0x2b8: {  	v58 =	vld.idx.msk [tilespmem:v23+s20+$0x0], $0xffff  }
0x2b9: {  	v59 =	vld.idx.msk [tilespmem:v26+s20+$0x0], $0xffff  }
0x2ba: {  	v60 =	vld.idx.msk [tilespmem:v18+s20+$0x0], $0xffff  }
0x2bb: {  	v61 =	vld.idx.msk [tilespmem:v52+s20+$0x0], $0xffff  }
0x2bc: {  	v63 =	vld.idx.msk [tilespmem:v21+s20+$0x0], $0xffff;
	[tilespmem:s9+$0xA680] =	vst v11  }
0x2bd: {  	v12 =	vld [tilespmem:$0x1FE80];
	[tilespmem:s29+$0xA000] =	vst v13  }
0x2be: {  	[tilespmem:s29+$0xA080] =	vst v14  }
0x2bf: {  	[tilespmem:s29+$0xA100] =	vst v15  }
0x2c0: {  	[tilespmem:s29+$0xA180] =	vst v17  }
0x2c1: {  	[tilespmem:s29+$0xA200] =	vst v0  }
0x2c2: {  	[tilespmem:s29+$0xA280] =	vst v2  }
0x2c3: {  	[tilespmem:s29+$0xA300] =	vst v3  }
0x2c4: {  	[tilespmem:s29+$0xA380] =	vst v4  }
0x2c5: {  	[tilespmem:s29+$0xA400] =	vst v5  }
0x2c6: {  	[tilespmem:s29+$0xA480] =	vst v6  }
0x2c7: {  	[tilespmem:s29+$0xA500] =	vst v57  }
0x2c8: {  	[tilespmem:s29+$0xA580] =	vst v58  }
0x2c9: {  	[tilespmem:s9+$0xA700] =	vst v12  }
0x2ca: {  	s0 =	rddreg [dreg:$0x5]  }
0x2cb: {  	s3 =	rddreg [dreg:$0x10]  }
0x2cc: {  	s0 =	sadd.s32 s3, s0  }
.Ltmp5:
0x2cd: {  	[tilespmem:s29+$0xA600] =	vst v59;
	s1 =	sshll.u32 s0, $0xB;
	(pc) =	sbr.rel @p2 .LBB2_12-.Ltmp5, $4  }
0x2ce: {  	[tilespmem:s29+$0xA680] =	vst v60;
	p3 =	slt.u32 s0, $0x1E84;
	s0 =	sand.u32 $0x1FFFF800, s1  }
0x2cf: {  	s30 =	rddreg [dreg:$0x2];
	[tilespmem:s29+$0xA700] =	vst v61;
	s0 =	simm.s32 @!p3 $0xF42800  }
0x2d0: {  	s31 =	simm.s32 $0x0;
	s2 =	simm.s32 $0xA000;
	[tilespmem:s29+$0xA780] =	vst v63;
	s0 =	sadd.s32 s30, s0  }
0x2d1: {  	[hbm4b:s0+s31] =	stream.linear.scatter [tilespmem:s2], [sflag:$0x5], $0x4000, $0x38;
	[tilespmem:$0x14400] =	vst v63  }
.Ltmp6:
0x2d2: {  	(pc) =	sbr.rel .LBB2_13-.Ltmp6, $4  }
0x2d3: {  	s0 =	simm.s32 $0x3  }
0x2d4: {  	_ =	swait.ge [sflag:s0], $0x2000  }
0x2d5: {  	[sflag:s0] =	ssyncset.done $0x0  }
0x2d6: {  	[sflag:s0] =	ssyncadd.s32 $0xFFFFE000  }
.LBB2_12:
0x2d7: {  	s0 =	rddreg [dreg:$0xa]  }
0x2d8: {  	s0 =	sadd.s32 s3, s0  }
0x2d9: {  	p2 =	slt.s32 s0, $0x1E83  }
0x2da: {  	s1 =	rddreg [dreg:$0x0];
	s29 =	simm.s32 $0x400;
	s0 =	simm.s32 @!p2 $0x1E83  }
0x2db: {  	s2 =	simm.s32 $0x7A1400;
	s30 =	simm.s32 $0x2000;
	s0 =	sshll.u32 s0, $0x7  }
.Ltmp7:
0x2dc: {  	s31 =	simm.s32 $0x3;
	s0 =	sadd.s32 s1, s0;
	(pc) =	sbr.rel @p1 .LBB2_14-.Ltmp7, $4  }
0x2dd: {  	[tilespmem:s30], [sflag:$0x2] =	stream.strided.gather [hbm4b:s0+s29], $0x2000, s2, s29, $0x38;
	[tilespmem:$0x14400] =	vst v63  }
0x2de: {  	_ =	swait.ge [sflag:s31], $0x2000  }
0x2df: {  	[sflag:s31] =	ssyncset.done $0x0  }
0x2e0: {  	[sflag:s31] =	ssyncadd.s32 $0xFFFFE000  }
.LBB2_13:
0x2e1: {  	s0 =	simm.s32 $0x6  }
0x2e2: {  	_ =	swait.ge [sflag:s0], $0x4000  }
0x2e3: {  	[sflag:s0] =	ssyncset.done $0x0  }
0x2e4: {  	[sflag:s0] =	ssyncadd.s32 $0xFFFFC000  }
.LBB2_14:
0x2e5: {  	s0 =	simm.s32 $0x0  }
0x2e6: {  	s1 =	simm.s32 $0x10;
	s2 =	sand.u32 $0x3FFFF800, s0  }
0x2e7: {  	s5 =	sand.u32 $0x70, s1;
	s4 =	sadd.s32 $0x4000, s2  }
0x2e8: {  	s19 =	sadd.s32 $0x4080, s2;
	s31 =	sor.u32 s5, s4  }
0x2e9: {  	s18 =	sadd.s32 $0x4100, s2;
	s1 =	sor.u32 s5, s19;
	v2 =	vld [tilespmem:s31+$0x0]  }
0x2ea: {  	s17 =	sadd.s32 $0x4180, s2;
	s3 =	sor.u32 s5, s18;
	v3 =	vld [tilespmem:s1+$0x0]  }
0x2eb: {  	s16 =	sadd.s32 $0x4200, s2;
	s6 =	sor.u32 s5, s17;
	v4 =	vld [tilespmem:s3+$0x0]  }
0x2ec: {  	s15 =	sadd.s32 $0x4280, s2;
	s7 =	sor.u32 s5, s16;
	v5 =	vld [tilespmem:s6+$0x0]  }
0x2ed: {  	s14 =	sadd.s32 $0x4300, s2;
	s8 =	sor.u32 s5, s15;
	v6 =	vld [tilespmem:s7+$0x0]  }
0x2ee: {  	s13 =	sadd.s32 $0x4380, s2;
	s9 =	sor.u32 s5, s14;
	v7 =	vld [tilespmem:s8+$0x0]  }
0x2ef: {  	s11 =	sadd.s32 $0x4480, s2;
	s10 =	sor.u32 s5, s13;
	v8 =	vld [tilespmem:s9+$0x0]  }
0x2f0: {  	s0 =	sadd.s32 $0x4500, s2;
	s21 =	sor.u32 s5, s11;
	v9 =	vld [tilespmem:s10+$0x0]  }
0x2f1: {  	s25 =	simm.s32 $0x153;
	s12 =	sadd.s32 $0x4400, s2;
	s22 =	sor.u32 s5, s0;
	v11 =	vld [tilespmem:s21+$0x0]  }
0x2f2: {  	s28 =	simm.s32 $0x164;
	s1 =	sor.u32 s5, s12;
	s10 =	sadd.s32 $0x4580, s2;
	v12 =	vld [tilespmem:s22+$0x0]  }
0x2f3: {  	s3 =	simm.s32 $0x120;
	s9 =	sadd.s32 $0x4600, s2;
	v10 =	vld [tilespmem:s1+$0x0];
	s23 =	sor.u32 s5, s10  }
0x2f4: {  	s6 =	simm.s32 $0x131;
	s8 =	sadd.s32 $0x4680, s2;
	v13 =	vor.u32 s3, v62;
	s24 =	sor.u32 s5, s9;
	v14 =	vld [tilespmem:s23+$0x0]  }
0x2f5: {  	s21 =	simm.s32 $0x142;
	v15 =	vadd.s32 s6, v62;
	s6 =	sadd.s32 $0x4700, s2;
	s22 =	sor.u32 s5, s8;
	v16 =	vld [tilespmem:s24+$0x0]  }
0x2f6: {  	s7 =	simm.s32 $0x0;
	v17 =	vadd.s32 s21, v62;
	s1 =	sadd.s32 $0x4780, s2;
	v18 =	vld [tilespmem:s22+$0x0];
	s26 =	sor.u32 s5, s6  }
0x2f7: {  	v19 =	vadd.s32 s25, v62;
	s25 =	simm.s32 $0x1A8;
	s7 =	sand.u32 $0x60, s7;
	s30 =	sor.u32 s5, s1;
	v20 =	vld [tilespmem:s26+$0x0]  }
0x2f8: {  	v21 =	vadd.s32 s28, v62;
	s31 =	simm.s32 $0x175;
	s24 =	sor.u32 s7, s17;
	s17 =	sor.u32 s7, s13;
	v22 =	vld [tilespmem:s30+$0x0]  }
0x2f9: {  	v41 =	vadd.s32 s25, v62;
	s21 =	simm.s32 $0x186;
	s25 =	sor.u32 s7, s0;
	v46 =	vld [tilespmem:s17+$0x0];
	[tilespmem:v13+s20+$0x0] =	vst.idx.msk $0xffff, v2;
	v2 =	vadd.s32 s31, v62  }
0x2fa: {  	s23 =	simm.s32 $0x197;
	s1 =	sor.u32 s7, s1;
	v23 =	vld [tilespmem:s25+$0x0];
	[tilespmem:v15+s20+$0x0] =	vst.idx.msk $0xffff, v3;
	v3 =	vadd.s32 s21, v62  }
0x2fb: {  	v40 =	vadd.s32 s23, v62;
	s30 =	sor.u32 s7, s15;
	v29 =	vld [tilespmem:s1+$0x0];
	[tilespmem:v17+s20+$0x0] =	vst.idx.msk $0xffff, v4  }
0x2fc: {  	s28 =	simm.s32 $0x1B9;
	s15 =	sor.u32 s7, s14;
	v43 =	vld [tilespmem:s30+$0x0];
	[tilespmem:v19+s20+$0x0] =	vst.idx.msk $0xffff, v5  }
0x2fd: {  	v42 =	vadd.s32 s28, v62;
	s4 =	sor.u32 s7, s4;
	v44 =	vld [tilespmem:s15+$0x0];
	s31 =	simm.s32 $0x1CA;
	[tilespmem:v21+s20+$0x0] =	vst.idx.msk $0xffff, v6  }
0x2fe: {  	s19 =	sor.u32 s7, s19;
	s26 =	sor.u32 s7, s16;
	s16 =	simm.s32 $0x1DB;
	v13 =	vld [tilespmem:s4+$0x0];
	[tilespmem:v2+s20+$0x0] =	vst.idx.msk $0xffff, v7;
	v2 =	vadd.s32 s31, v62  }
0x2ff: {  	s22 =	sor.u32 s7, s18;
	s18 =	simm.s32 $0x1EC;
	v15 =	vld [tilespmem:s19+$0x0];
	[tilespmem:v3+s20+$0x0] =	vst.idx.msk $0xffff, v8;
	v3 =	vadd.s32 s16, v62  }
0x300: {  	v45 =	vadd.s32 s18, v62;
	s19 =	sor.u32 s7, s12;
	s21 =	simm.s32 $0x1FD;
	v17 =	vld [tilespmem:s22+$0x0];
	[tilespmem:v40+s20+$0x0] =	vst.idx.msk $0xffff, v9  }
0x301: {  	s23 =	simm.s32 $0x20E;
	v47 =	vadd.s32 s21, v62;
	v48 =	vld [tilespmem:s19+$0x0];
	[tilespmem:v41+s20+$0x0] =	vst.idx.msk $0xffff, v10  }
0x302: {  	v49 =	vadd.s32 s23, v62;
	s12 =	sor.u32 s7, s6;
	v19 =	vld [tilespmem:s24+$0x0];
	s24 =	simm.s32 $0x21F;
	[tilespmem:v42+s20+$0x0] =	vst.idx.msk $0xffff, v11  }
0x303: {  	s22 =	sor.u32 s7, s11;
	v27 =	vld [tilespmem:s12+$0x0];
	[tilespmem:v2+s20+$0x0] =	vst.idx.msk $0xffff, v12;
	v2 =	vadd.s32 s24, v62  }
0x304: {  	s0 =	simm.s32 $0x0;
	v50 =	vld [tilespmem:s22+$0x0];
	s31 =	simm.s32 $0x121;
	[tilespmem:v3+s20+$0x0] =	vst.idx.msk $0xffff, v14;
	v3 =	vadd.s32 s3, v1  }
0x305: {  	s30 =	simm.s32 $0x11;
	s11 =	simm.s32 $0x122;
	v21 =	vld [tilespmem:s26+$0x0];
	s26 =	sor.u32 s7, s10;
	v51 =	vadd.s32 s31, v1;
	v12 =	vor.u32 s0, v62;
	[tilespmem:v45+s20+$0x0] =	vst.idx.msk $0xffff, v16  }
0x306: {  	s28 =	sor.u32 s7, s9;
	v24 =	vadd.s32 s30, v62;
	s21 =	simm.s32 $0x126;
	v52 =	vadd.s32 s11, v1;
	s10 =	simm.s32 $0x22;
	v14 =	vld [tilespmem:s26+$0x0];
	[tilespmem:v47+s20+$0x0] =	vst.idx.msk $0xffff, v18  }
0x307: {  	s9 =	sor.u32 s7, s8;
	s13 =	simm.s32 $0x33;
	s23 =	simm.s32 $0x127;
	v53 =	vadd.s32 s21, v1;
	v25 =	vadd.s32 s10, v62;
	v16 =	vld [tilespmem:s28+$0x0];
	[tilespmem:v49+s20+$0x0] =	vst.idx.msk $0xffff, v20  }
0x308: {  	s14 =	simm.s32 $0x123;
	v26 =	vadd.s32 s13, v62;
	s15 =	simm.s32 $0x44;
	v54 =	vadd.s32 s23, v1;
	v18 =	vld [tilespmem:s9+$0x0];
	[tilespmem:v2+s20+$0x0] =	vst.idx.msk $0xffff, v22  }
0x309: {  	s17 =	simm.s32 $0x55;
	v28 =	vadd.s32 s15, v62;
	s16 =	simm.s32 $0x124;
	v20 =	vadd.s32 s14, v1;
	v2 =	vld.idx.msk [tilespmem:v3+s20+$0x0], $0xffff  }
0x30a: {  	s18 =	simm.s32 $0x125;
	v30 =	vadd.s32 s17, v62;
	s19 =	simm.s32 $0x66;
	v22 =	vadd.s32 s16, v1;
	[tilespmem:v12+s20+$0x0] =	vst.idx.msk $0xffff, v13;
	v3 =	vld.idx.msk [tilespmem:v51+s20+$0x0], $0xffff  }
0x30b: {  	v31 =	vadd.s32 s18, v1;
	s22 =	simm.s32 $0x77;
	s9 =	simm.s32 $0x12C;
	v12 =	vadd.s32 s19, v62;
	[tilespmem:v24+s20+$0x0] =	vst.idx.msk $0xffff, v15;
	v6 =	vld.idx.msk [tilespmem:v52+s20+$0x0], $0xffff  }
0x30c: {  	s31 =	simm.s32 $0x129;
	s24 =	simm.s32 $0x88;
	v57 =	vadd.s32 s9, v1;
	v13 =	vadd.s32 s22, v62;
	v4 =	vld.idx.msk [tilespmem:v53+s20+$0x0], $0xffff;
	[tilespmem:v25+s20+$0x0] =	vst.idx.msk $0xffff, v17  }
0x30d: {  	s25 =	simm.s32 $0x128;
	s26 =	simm.s32 $0x99;
	v15 =	vadd.s32 s24, v62;
	v5 =	vld.idx.msk [tilespmem:v54+s20+$0x0], $0xffff;
	[tilespmem:v26+s20+$0x0] =	vst.idx.msk $0xffff, v19;
	v26 =	vadd.s32 s31, v1  }
0x30e: {  	s30 =	simm.s32 $0xAA;
	s28 =	simm.s32 $0x12F;
	v19 =	vadd.s32 s26, v62;
	v17 =	vld.idx.msk [tilespmem:v20+s20+$0x0], $0xffff;
	v20 =	vadd.s32 s25, v1;
	[tilespmem:v28+s20+$0x0] =	vst.idx.msk $0xffff, v21  }
0x30f: {  	s5 =	simm.s32 $0x12A;
	v21 =	vadd.s32 s30, v62;
	v24 =	vld.idx.msk [tilespmem:v22+s20+$0x0], $0xffff;
	v22 =	vadd.s32 s28, v1;
	[tilespmem:v30+s20+$0x0] =	vst.idx.msk $0xffff, v43  }
0x310: {  	s4 =	simm.s32 $0xBB;
	s7 =	simm.s32 $0x12B;
	v25 =	vld.idx.msk [tilespmem:v31+s20+$0x0], $0xffff;
	v28 =	vadd.s32 s5, v1;
	[tilespmem:v12+s20+$0x0] =	vst.idx.msk $0xffff, v44  }
0x311: {  	s6 =	simm.s32 $0xCC;
	v55 =	vadd.s32 s4, v62;
	v9 =	vld.idx.msk [tilespmem:v57+s20+$0x0], $0xffff;
	v30 =	vadd.s32 s7, v1;
	[tilespmem:v13+s20+$0x0] =	vst.idx.msk $0xffff, v46  }
0x312: {  	s8 =	simm.s32 $0xDD;
	v56 =	vadd.s32 s6, v62;
	s11 =	simm.s32 $0x12D;
	[tilespmem:v15+s20+$0x0] =	vst.idx.msk $0xffff, v48;
	v12 =	vld.idx.msk [tilespmem:v26+s20+$0x0], $0xffff  }
0x313: {  	s13 =	simm.s32 $0x12E;
	s10 =	simm.s32 $0xEE;
	s22 =	simm.s32 $0x200;
	v31 =	vadd.s32 s8, v62;
	v13 =	vld.idx.msk [tilespmem:v20+s20+$0x0], $0xffff;
	v20 =	vadd.s32 s11, v1;
	[tilespmem:v19+s20+$0x0] =	vst.idx.msk $0xffff, v50  }
0x314: {  	s12 =	simm.s32 $0xFF;
	s1 =	sand.u32 $0x3FFFF800, s22;
	v15 =	vadd.s32 s10, v62;
	v32 =	vld.idx.msk [tilespmem:v22+s20+$0x0], $0xffff;
	v22 =	vadd.s32 s13, v1;
	[tilespmem:v21+s20+$0x0] =	vst.idx.msk $0xffff, v23;
	v21 =	vadd.s32 s0, v1;
	s0 =	simm.s32 $0x30  }
0x315: {  	s19 =	simm.s32 $0x6;
	s3 =	sadd.s32 $0x4500, s1;
	v19 =	vadd.s32 s12, v62;
	v58 =	vld.idx.msk [tilespmem:v28+s20+$0x0], $0xffff;
	s29 =	sand.u32 $0x70, s0  }
0x316: {  	s15 =	simm.s32 $0x2;
	v26 =	vadd.s32 s19, v1;
	v59 =	vld.idx.msk [tilespmem:v30+s20+$0x0], $0xffff;
	[tilespmem:v55+s20+$0x0] =	vst.idx.msk $0xffff, v14;
	s19 =	sor.u32 s29, s3  }
0x317: {  	s14 =	simm.s32 $0x1;
	s16 =	simm.s32 $0x3;
	s31 =	simm.s32 $0x0;
	[tilespmem:v56+s20+$0x0] =	vst.idx.msk $0xffff, v16;
	v63 =	vld [tilespmem:s19+$0x0]  }
0x318: {  	s5 =	simm.s32 $0x800;
	s9 =	sand.u32 $0xFFFFFFF0, s31;
	[tilespmem:v31+s20+$0x0] =	vst.idx.msk $0xffff, v18;
	v18 =	vadd.s32 s16, v1;
	s16 =	sadd.s32 $0x4380, s1;
	v7 =	vld.idx.msk [tilespmem:v20+s20+$0x0], $0xffff  }
0x319: {  	s8 =	sand.u32 $0x3800, s5;
	v23 =	vadd.s32 s14, v1;
	v16 =	vadd.s32 s15, v1;
	s15 =	sadd.s32 $0x4400, s1;
	[tilespmem:v15+s20+$0x0] =	vst.idx.msk $0xffff, v27;
	s11 =	sor.u32 s29, s16;
	v8 =	vld.idx.msk [tilespmem:v22+s20+$0x0], $0xffff  }
0x31a: {  	s8 =	sadd.s32 s9, s8;
	s14 =	sadd.s32 $0x4480, s1;
	s12 =	sor.u32 s29, s15;
	[tilespmem:v19+s20+$0x0] =	vst.idx.msk $0xffff, v29;
	v29 =	vld [tilespmem:s11+$0x0]  }
0x31b: {  	s13 =	sor.u32 s29, s14;
	[tilespmem:s8+$0xE000] =	vst v2;
	v2 =	vld [tilespmem:s12+$0x0]  }
0x31c: {  	s17 =	simm.s32 $0x4;
	[tilespmem:s8+$0xE080] =	vst v3;
	v3 =	vld [tilespmem:s13+$0x0]  }
0x31d: {  	v20 =	vadd.s32 s17, v1;
	s17 =	sadd.s32 $0x4300, s1;
	v14 =	vld.idx.msk [tilespmem:v21+s20+$0x0], $0xffff  }
0x31e: {  	s10 =	sor.u32 s29, s17;
	v15 =	vld.idx.msk [tilespmem:v23+s20+$0x0], $0xffff  }
0x31f: {  	s18 =	simm.s32 $0x5;
	v28 =	vld [tilespmem:s10+$0x0]  }
0x320: {  	v19 =	vadd.s32 s18, v1;
	s18 =	sadd.s32 $0x4280, s1;
	v40 =	vld.idx.msk [tilespmem:v16+s20+$0x0], $0xffff  }
0x321: {  	s7 =	sor.u32 s29, s18;
	v16 =	vld.idx.msk [tilespmem:v26+s20+$0x0], $0xffff  }
0x322: {  	s21 =	simm.s32 $0x7;
	s28 =	sadd.s32 $0x4000, s1;
	v27 =	vld [tilespmem:s7+$0x0]  }
0x323: {  	s23 =	sor.u32 s29, s28;
	v23 =	vadd.s32 s21, v1;
	s21 =	sadd.s32 $0x4200, s1;
	v22 =	vld.idx.msk [tilespmem:v18+s20+$0x0], $0xffff  }
0x324: {  	s6 =	sor.u32 s29, s21;
	v18 =	vld [tilespmem:s23+$0x0]  }
0x325: {  	s24 =	sadd.s32 $0x4100, s1;
	v26 =	vld [tilespmem:s6+$0x0]  }
0x326: {  	s30 =	sor.u32 s29, s24;
	s7 =	sadd.s32 $0x4580, s1;
	v21 =	vld.idx.msk [tilespmem:v20+s20+$0x0], $0xffff  }
0x327: {  	s22 =	sor.u32 s29, s7;
	v20 =	vld [tilespmem:s30+$0x0]  }
0x328: {  	s26 =	sadd.s32 $0x4080, s1;
	[tilespmem:s8+$0xE180] =	vst v17;
	v17 =	vld [tilespmem:s22+$0x0]  }
0x329: {  	s25 =	sor.u32 s29, s26;
	s6 =	sadd.s32 $0x4680, s1;
	v47 =	vld.idx.msk [tilespmem:v19+s20+$0x0], $0xffff  }
0x32a: {  	s10 =	sadd.s32 $0x4700, s1;
	s31 =	sor.u32 s29, s6;
	v19 =	vld [tilespmem:s25+$0x0]  }
0x32b: {  	[tilespmem:s8+$0xE280] =	vst v25;
	s22 =	sor.u32 s29, s10;
	v25 =	vld [tilespmem:s31+$0x0]  }
0x32c: {  	[tilespmem:s8+$0xE780] =	vst v32;
	s13 =	simm.s32 $0x360;
	s23 =	sadd.s32 $0x4180, s1;
	v0 =	vld [tilespmem:s22+$0x0]  }
0x32d: {  	[tilespmem:s8+$0xE100] =	vst v6;
	s11 =	sadd.s32 $0x4600, s1;
	s12 =	sadd.s32 $0x4780, s1;
	v30 =	vor.u32 s13, v62;
	s4 =	sor.u32 s29, s23;
	v33 =	vld.idx.msk [tilespmem:v23+s20+$0x0], $0xffff  }
0x32e: {  	[tilespmem:s8+$0xE200] =	vst v24;
	s30 =	simm.s32 $0x371;
	s25 =	sor.u32 s29, s11;
	v23 =	vld [tilespmem:s4+$0x0];
	s4 =	simm.s32 $0x20  }
0x32f: {  	s19 =	simm.s32 $0x382;
	[tilespmem:s8+$0xE300] =	vst v4;
	v31 =	vadd.s32 s30, v62;
	s30 =	sor.u32 s29, s12;
	v24 =	vld [tilespmem:s25+$0x0];
	s1 =	sand.u32 $0x60, s4  }
0x330: {  	v41 =	vadd.s32 s19, v62;
	[tilespmem:s8+$0xE380] =	vst v5;
	s25 =	simm.s32 $0x393;
	v34 =	vld [tilespmem:s30+$0x0];
	s31 =	sor.u32 s1, s28  }
0x331: {  	s5 =	simm.s32 $0x3A4;
	[tilespmem:s8+$0xE400] =	vst v13;
	v42 =	vadd.s32 s25, v62;
	s19 =	sor.u32 s1, s26;
	v35 =	vld [tilespmem:s31+$0x0]  }
0x332: {  	v43 =	vadd.s32 s5, v62;
	s22 =	simm.s32 $0x3B5;
	[tilespmem:v30+s20+$0x0] =	vst.idx.msk $0xffff, v18;
	s5 =	sor.u32 s1, s18;
	v18 =	vld [tilespmem:s19+$0x0]  }
0x333: {  	[tilespmem:s8+$0xE480] =	vst v12;
	v13 =	vadd.s32 s22, v62;
	s25 =	simm.s32 $0x3C6;
	s26 =	sor.u32 s1, s23;
	s23 =	sor.u32 s1, s16;
	v5 =	vld [tilespmem:s5+$0x0]  }
0x334: {  	v30 =	vadd.s32 s25, v62;
	s28 =	simm.s32 $0x3D7;
	s25 =	sor.u32 s1, s15;
	v37 =	vld [tilespmem:s23+$0x0];
	[tilespmem:v31+s20+$0x0] =	vst.idx.msk $0xffff, v19  }
0x335: {  	s7 =	sor.u32 s1, s7;
	s31 =	simm.s32 $0x3E8;
	v38 =	vld [tilespmem:s25+$0x0];
	v31 =	vadd.s32 s28, v62;
	[tilespmem:v41+s20+$0x0] =	vst.idx.msk $0xffff, v20  }
0x336: {  	s24 =	sor.u32 s1, s24;
	s18 =	simm.s32 $0x3F9;
	v4 =	vld [tilespmem:s7+$0x0];
	v44 =	vadd.s32 s31, v62;
	[tilespmem:v42+s20+$0x0] =	vst.idx.msk $0xffff, v23  }
0x337: {  	s22 =	simm.s32 $0x40A;
	v45 =	vadd.s32 s18, v62;
	s19 =	simm.s32 $0x8;
	v19 =	vld [tilespmem:s24+$0x0];
	[tilespmem:v43+s20+$0x0] =	vst.idx.msk $0xffff, v26  }
0x338: {  	v36 =	vadd.s32 s22, v62;
	s30 =	sor.u32 s1, s21;
	s24 =	simm.s32 $0x41B;
	v20 =	vld [tilespmem:s26+$0x0];
	v26 =	vadd.s32 s19, v1;
	[tilespmem:v13+s20+$0x0] =	vst.idx.msk $0xffff, v27  }
0x339: {  	s26 =	simm.s32 $0x42C;
	v23 =	vld [tilespmem:s30+$0x0];
	s30 =	sor.u32 s1, s14;
	v27 =	vadd.s32 s24, v62;
	[tilespmem:v30+s20+$0x0] =	vst.idx.msk $0xffff, v28  }
0x33a: {  	s21 =	sor.u32 s1, s17;
	s28 =	simm.s32 $0x9;
	s31 =	simm.s32 $0x43D;
	v39 =	vld [tilespmem:s30+$0x0];
	v28 =	vadd.s32 s26, v62;
	[tilespmem:v31+s20+$0x0] =	vst.idx.msk $0xffff, v29  }
0x33b: {  	s4 =	sor.u32 s1, s3;
	s5 =	simm.s32 $0x44E;
	v13 =	vld [tilespmem:s21+$0x0];
	v30 =	vadd.s32 s31, v62;
	v29 =	vadd.s32 s28, v1;
	[tilespmem:v44+s20+$0x0] =	vst.idx.msk $0xffff, v2  }
0x33c: {  	s3 =	simm.s32 $0x45F;
	v31 =	vadd.s32 s5, v62;
	v2 =	vld [tilespmem:s4+$0x0];
	[tilespmem:v45+s20+$0x0] =	vst.idx.msk $0xffff, v3  }
0x33d: {  	s16 =	sor.u32 s1, s6;
	v46 =	vadd.s32 s3, v62;
	v50 =	vld.idx.msk [tilespmem:v26+s20+$0x0], $0xffff;
	v26 =	vadd.s32 s13, v1;
	s13 =	sor.u32 s1, s11;
	[tilespmem:v36+s20+$0x0] =	vst.idx.msk $0xffff, v63  }
0x33e: {  	s17 =	sor.u32 s1, s10;
	s14 =	simm.s32 $0x361;
	s1 =	sor.u32 s1, s12;
	v3 =	vld [tilespmem:s13+$0x0];
	[tilespmem:v27+s20+$0x0] =	vst.idx.msk $0xffff, v17  }
0x33f: {  	s15 =	simm.s32 $0x362;
	v41 =	vld [tilespmem:s1+$0x0];
	v17 =	vadd.s32 s14, v1;
	[tilespmem:v28+s20+$0x0] =	vst.idx.msk $0xffff, v24  }
0x340: {  	s5 =	simm.s32 $0x369;
	v27 =	vadd.s32 s15, v1;
	v51 =	vld.idx.msk [tilespmem:v29+s20+$0x0], $0xffff;
	[tilespmem:v30+s20+$0x0] =	vst.idx.msk $0xffff, v25  }
0x341: {  	s19 =	simm.s32 $0x364;
	v43 =	vadd.s32 s5, v1;
	s11 =	simm.s32 $0x240;
	v24 =	vld [tilespmem:s16+$0x0];
	[tilespmem:v31+s20+$0x0] =	vst.idx.msk $0xffff, v0  }
0x342: {  	s22 =	simm.s32 $0x365;
	s21 =	simm.s32 $0x251;
	v49 =	vadd.s32 s19, v1;
	v28 =	vor.u32 s11, v62;
	v0 =	vld [tilespmem:s17+$0x0];
	[tilespmem:v46+s20+$0x0] =	vst.idx.msk $0xffff, v34  }
0x343: {  	[tilespmem:s8+$0xE500] =	vst v58;
	s23 =	simm.s32 $0x262;
	s24 =	simm.s32 $0x366;
	v12 =	vadd.s32 s21, v62;
	v30 =	vadd.s32 s22, v1;
	v53 =	vld.idx.msk [tilespmem:v26+s20+$0x0], $0xffff  }
0x344: {  	[tilespmem:s8+$0xE580] =	vst v59;
	s25 =	simm.s32 $0x273;
	v54 =	vadd.s32 s23, v62;
	s30 =	simm.s32 $0x368;
	v44 =	vld.idx.msk [tilespmem:v17+s20+$0x0], $0xffff;
	v17 =	vadd.s32 s24, v1  }
0x345: {  	[tilespmem:s8+$0xE600] =	vst v9;
	v55 =	vadd.s32 s25, v62;
	s28 =	simm.s32 $0x284;
	s4 =	simm.s32 $0x36F;
	v63 =	vadd.s32 s30, v1;
	v61 =	vld.idx.msk [tilespmem:v27+s20+$0x0], $0xffff  }
0x346: {  	[tilespmem:s8+$0xE680] =	vst v7;
	s18 =	simm.s32 $0x363;
	s31 =	simm.s32 $0x295;
	v60 =	vadd.s32 s28, v62;
	v42 =	vadd.s32 s4, v1;
	v7 =	vld.idx.msk [tilespmem:v43+s20+$0x0], $0xffff  }
0x347: {  	s26 =	simm.s32 $0x367;
	v36 =	vadd.s32 s31, v62;
	v29 =	vadd.s32 s18, v1;
	[tilespmem:v28+s20+$0x0] =	vst.idx.msk $0xffff, v35;
	v28 =	vld.idx.msk [tilespmem:v49+s20+$0x0], $0xffff  }
0x348: {  	s7 =	simm.s32 $0x36A;
	v31 =	vadd.s32 s26, v1;
	v49 =	vld.idx.msk [tilespmem:v30+s20+$0x0], $0xffff;
	[tilespmem:v12+s20+$0x0] =	vst.idx.msk $0xffff, v18  }
0x349: {  	[tilespmem:v54+s20+$0x0] =	vst.idx.msk $0xffff, v19;
	v30 =	vld.idx.msk [tilespmem:v17+s20+$0x0], $0xffff;
	v17 =	vadd.s32 s7, v1  }
0x34a: {  	v32 =	vld.idx.msk [tilespmem:v63+s20+$0x0], $0xffff;
	[tilespmem:v55+s20+$0x0] =	vst.idx.msk $0xffff, v20  }
0x34b: {  	v6 =	vld.idx.msk [tilespmem:v42+s20+$0x0], $0xffff;
	[tilespmem:v60+s20+$0x0] =	vst.idx.msk $0xffff, v23  }
0x34c: {  	v57 =	vld.idx.msk [tilespmem:v29+s20+$0x0], $0xffff;
	[tilespmem:v36+s20+$0x0] =	vst.idx.msk $0xffff, v5  }
0x34d: {  	v31 =	vld.idx.msk [tilespmem:v31+s20+$0x0], $0xffff;
	[tilespmem:$0x1FCC0] =	vst v7  }
0x34e: {  	s12 =	simm.s32 $0x36B;
	v7 =	vld.idx.msk [tilespmem:v17+s20+$0x0], $0xffff  }
0x34f: {  	v18 =	vadd.s32 s12, v1;
	_ =	sdelay $0x2  }
0x350: {  	s6 =	simm.s32 $0x2A6;
	[tilespmem:s8+$0xE700] =	vst v8  }
0x351: {  	v12 =	vadd.s32 s6, v62;
	[tilespmem:$0x1FCD0] =	vst v7  }
0x352: {  	s14 =	simm.s32 $0x36C;
	v7 =	vld.idx.msk [tilespmem:v18+s20+$0x0], $0xffff  }
0x353: {  	v46 =	vadd.s32 s14, v1;
	_ =	sdelay $0x2  }
0x354: {  	s10 =	simm.s32 $0x2B7;
	[tilespmem:v12+s20+$0x0] =	vst.idx.msk $0xffff, v13  }
0x355: {  	v45 =	vadd.s32 s10, v62;
	[tilespmem:$0x1FCE0] =	vst v7  }
0x356: {  	s16 =	simm.s32 $0x36D;
	v7 =	vld.idx.msk [tilespmem:v46+s20+$0x0], $0xffff  }
0x357: {  	v23 =	vadd.s32 s16, v1;
	_ =	sdelay $0x2  }
0x358: {  	s13 =	simm.s32 $0x2C8;
	[tilespmem:v45+s20+$0x0] =	vst.idx.msk $0xffff, v37  }
0x359: {  	v19 =	vadd.s32 s13, v62;
	[tilespmem:$0x1FCF0] =	vst v7  }
0x35a: {  	s18 =	simm.s32 $0x36E;
	v7 =	vld.idx.msk [tilespmem:v23+s20+$0x0], $0xffff  }
0x35b: {  	v52 =	vadd.s32 s18, v1;
	_ =	sdelay $0x2  }
0x35c: {  	s15 =	simm.s32 $0x2D9;
	[tilespmem:v19+s20+$0x0] =	vst.idx.msk $0xffff, v38  }
0x35d: {  	v20 =	vadd.s32 s15, v62;
	[tilespmem:$0x1FD00] =	vst v7  }
0x35e: {  	s17 =	simm.s32 $0x2EA;
	v7 =	vld.idx.msk [tilespmem:v52+s20+$0x0], $0xffff  }
0x35f: {  	s19 =	simm.s32 $0xA;
	v48 =	vadd.s32 s17, v62  }
0x360: {  	s23 =	simm.s32 $0x2FB;
	s25 =	simm.s32 $0xE;
	s21 =	simm.s32 $0xB;
	v54 =	vadd.s32 s19, v1  }
0x361: {  	s28 =	simm.s32 $0x31D;
	s22 =	simm.s32 $0xC;
	s26 =	simm.s32 $0x30C;
	v17 =	vadd.s32 s23, v62;
	v13 =	vadd.s32 s21, v1  }
0x362: {  	s30 =	simm.s32 $0x4;
	s31 =	simm.s32 $0x1800;
	s24 =	simm.s32 $0xD;
	v55 =	vadd.s32 s26, v62;
	v18 =	vadd.s32 s22, v1;
	[tilespmem:v20+s20+$0x0] =	vst.idx.msk $0xffff, v39  }
0x363: {  	s5 =	simm.s32 $0x32E;
	v56 =	vadd.s32 s28, v62;
	s1 =	sand.u32 $0xFFFFFFF0, s30;
	s4 =	sand.u32 $0x3800, s31;
	v19 =	vadd.s32 s24, v1;
	[tilespmem:$0x1FD10] =	vst v7  }
0x364: {  	s10 =	simm.s32 $0x33F;
	s7 =	simm.s32 $0xF;
	s8 =	sadd.s32 s1, s4;
	v23 =	vadd.s32 s5, v62;
	v20 =	vadd.s32 s25, v1;
	[tilespmem:v48+s20+$0x0] =	vst.idx.msk $0xffff, v2  }
0x365: {  	v58 =	vadd.s32 s10, v62;
	v2 =	vadd.s32 s7, v1;
	[tilespmem:s8+$0xE780] =	vst v6;
	v34 =	vld.idx.msk [tilespmem:v54+s20+$0x0], $0xffff  }
0x366: {  	v59 =	vadd.s32 s11, v1;
	s11 =	simm.s32 $0x241;
	v35 =	vld.idx.msk [tilespmem:v13+s20+$0x0], $0xffff;
	[tilespmem:v17+s20+$0x0] =	vst.idx.msk $0xffff, v4  }
0x367: {  	s12 =	simm.s32 $0x0;
	s15 =	simm.s32 $0x243;
	v60 =	vadd.s32 s11, v1;
	v36 =	vld.idx.msk [tilespmem:v18+s20+$0x0], $0xffff;
	[tilespmem:v55+s20+$0x0] =	vst.idx.msk $0xffff, v3  }
0x368: {  	s13 =	simm.s32 $0x242;
	s14 =	sand.u32 $0xC000, s12;
	v63 =	vadd.s32 s15, v1;
	v37 =	vld.idx.msk [tilespmem:v19+s20+$0x0], $0xffff;
	[tilespmem:v56+s20+$0x0] =	vst.idx.msk $0xffff, v24  }
0x369: {  	s2 =	sshrl.u32 s14, $0x2;
	s26 =	simm.s32 $0x24C;
	s16 =	simm.s32 $0x244;
	v38 =	vld.idx.msk [tilespmem:v20+s20+$0x0], $0xffff;
	v3 =	vadd.s32 s13, v1;
	[tilespmem:v23+s20+$0x0] =	vst.idx.msk $0xffff, v0  }
0x36a: {  	s29 =	sadd.s32 s9, s2;
	v26 =	vadd.s32 s26, v1;
	s21 =	simm.s32 $0x248;
	s22 =	simm.s32 $0x249;
	v0 =	vadd.s32 s16, v1;
	v39 =	vld.idx.msk [tilespmem:v2+s20+$0x0], $0xffff;
	[tilespmem:v58+s20+$0x0] =	vst.idx.msk $0xffff, v41  }
0x36b: {  	s18 =	simm.s32 $0x246;
	s17 =	simm.s32 $0x245;
	v43 =	vadd.s32 s21, v1;
	v42 =	vadd.s32 s22, v1;
	[tilespmem:s29+$0xE000] =	vst v14;
	v13 =	vld.idx.msk [tilespmem:v59+s20+$0x0], $0xffff  }
0x36c: {  	s30 =	simm.s32 $0x24E;
	s19 =	simm.s32 $0x247;
	v45 =	vadd.s32 s18, v1;
	s25 =	simm.s32 $0x4000;
	v48 =	vadd.s32 s17, v1;
	[tilespmem:s29+$0xE080] =	vst v15;
	v14 =	vld.idx.msk [tilespmem:v60+s20+$0x0], $0xffff  }
0x36d: {  	s28 =	simm.s32 $0x24D;
	s23 =	simm.s32 $0x24A;
	v46 =	vadd.s32 s19, v1;
	v52 =	vadd.s32 s30, v1;
	s2 =	sand.u32 $0xC000, s25;
	[tilespmem:s29+$0xE100] =	vst v40;
	v17 =	vld.idx.msk [tilespmem:v63+s20+$0x0], $0xffff  }
0x36e: {  	s31 =	simm.s32 $0x24F;
	s24 =	simm.s32 $0x24B;
	s2 =	sshrl.u32 s2, $0x2;
	v19 =	vadd.s32 s23, v1;
	v18 =	vadd.s32 s28, v1;
	[tilespmem:s29+$0xE180] =	vst v22;
	v15 =	vld.idx.msk [tilespmem:v3+s20+$0x0], $0xffff  }
0x36f: {  	s9 =	simm.s32 $0x2;
	s14 =	sadd.s32 s1, s2;
	s13 =	simm.s32 $0x6000;
	v23 =	vadd.s32 s24, v1;
	[tilespmem:s29+$0xE200] =	vst v21;
	v21 =	vadd.s32 s31, v1;
	v0 =	vld.idx.msk [tilespmem:v0+s20+$0x0], $0xffff  }
.LBB2_15:
0x370: {  	[tilespmem:s29+$0xE280] =	vst v47  }
0x371: {  	v2 =	vld.idx.msk [tilespmem:v48+s20+$0x0], $0xffff;
	_ =	sdelay $0x3  }
0x372: {  	[tilespmem:s29+$0xE300] =	vst v16  }
0x373: {  	[tilespmem:$0x1FC70] =	vst v2;
	v2 =	vld.idx.msk [tilespmem:v45+s20+$0x0], $0xffff;
	_ =	sdelay $0x3  }
0x374: {  	[tilespmem:s29+$0xE380] =	vst v33  }
0x375: {  	[tilespmem:$0x1FBD0] =	vst v2;
	v2 =	vld.idx.msk [tilespmem:v46+s20+$0x0], $0xffff;
	_ =	sdelay $0x3  }
0x376: {  	[tilespmem:s29+$0xE400] =	vst v50  }
0x377: {  	[tilespmem:$0x1FBF0] =	vst v2;
	v2 =	vld.idx.msk [tilespmem:v43+s20+$0x0], $0xffff;
	_ =	sdelay $0x1  }
0x378: {  	s9 =	sadd.s32 $0x2, s9  }
0x379: {  	[tilespmem:$0x1FC20] =	vst v26;
	s1 =	sshll.u32 s9, $0x8  }
0x37a: {  	s0 =	sadd.s32 $0x20, s0;
	s16 =	sand.u32 $0x3FFFF800, s1;
	[tilespmem:s29+$0xE480] =	vst v51  }
0x37b: {  	s15 =	sand.u32 $0x70, s0;
	s23 =	sadd.s32 $0x4080, s16;
	[tilespmem:$0x1FC80] =	vst v2  }
0x37c: {  	s3 =	sadd.s32 $0x240, s3;
	s24 =	sadd.s32 $0x4100, s16;
	s25 =	sor.u32 s15, s23;
	v2 =	vld.idx.msk [tilespmem:v42+s20+$0x0], $0xffff;
	[tilespmem:s29+$0xE500] =	vst v34  }
0x37d: {  	s22 =	sadd.s32 $0xFFFFFFF0, s0;
	s5 =	sadd.s32 $0x4180, s16;
	s26 =	sor.u32 s15, s24;
	v3 =	vld [tilespmem:s25+$0x0];
	[tilespmem:s29+$0xE580] =	vst v35  }
0x37e: {  	s12 =	sand.u32 $0x60, s22;
	s28 =	sadd.s32 $0x4200, s16;
	s30 =	sor.u32 s15, s5;
	v4 =	vld [tilespmem:s26+$0x0];
	[tilespmem:s29+$0xE600] =	vst v36  }
0x37f: {  	s2 =	sadd.s32 $0x4000, s16;
	s31 =	sadd.s32 $0x4280, s16;
	s11 =	sor.u32 s15, s28;
	v5 =	vld [tilespmem:s30+$0x0];
	[tilespmem:s29+$0xE680] =	vst v37  }
0x380: {  	s17 =	sadd.s32 $0x4300, s16;
	s19 =	sadd.s32 $0x4380, s16;
	s18 =	sor.u32 s15, s31;
	v6 =	vld [tilespmem:s11+$0x0];
	[tilespmem:s29+$0xE700] =	vst v38  }
0x381: {  	s4 =	sor.u32 s15, s2;
	s10 =	sor.u32 s12, s2;
	s22 =	sor.u32 s15, s17;
	v41 =	vld [tilespmem:s18+$0x0];
	[tilespmem:s29+$0xE780] =	vst v39  }
0x382: {  	s7 =	sor.u32 s12, s23;
	s1 =	sor.u32 s12, s24;
	s6 =	sor.u32 s12, s5;
	v51 =	vld [tilespmem:s22+$0x0];
	[tilespmem:$0x1FC10] =	vst v2  }
0x383: {  	s24 =	sor.u32 s12, s31;
	s2 =	sadd.s32 $0x4400, s16;
	s23 =	sor.u32 s15, s19;
	v2 =	vld [tilespmem:s4+$0x0];
	[tilespmem:s8+$0xE000] =	vst v53  }
0x384: {  	s21 =	sor.u32 s12, s17;
	s5 =	sadd.s32 $0x4480, s16;
	s25 =	sor.u32 s15, s2;
	v24 =	vld [tilespmem:s23+$0x0];
	[tilespmem:s8+$0xE080] =	vst v44  }
0x385: {  	s17 =	sadd.s32 $0x4500, s16;
	s18 =	sor.u32 s12, s19;
	s26 =	sor.u32 s15, s5;
	v25 =	vld [tilespmem:s25+$0x0];
	[tilespmem:s8+$0xE100] =	vst v61  }
0x386: {  	s19 =	sadd.s32 $0x4580, s16;
	s11 =	sadd.s32 $0xFFFFFF01, s3;
	s30 =	sor.u32 s15, s17;
	v26 =	vld [tilespmem:s26+$0x0];
	[tilespmem:s8+$0xE180] =	vst v57  }
0x387: {  	s31 =	sor.u32 s15, s19;
	v54 =	vor.u32 s11, v62;
	s22 =	sadd.s32 $0x4600, s16;
	s23 =	sadd.s32 $0xFFFFFF12, s3;
	v27 =	vld [tilespmem:s30+$0x0];
	[tilespmem:s8+$0xE200] =	vst v28  }
0x388: {  	s25 =	sadd.s32 $0x4680, s16;
	v55 =	vadd.s32 s23, v62;
	s26 =	sor.u32 s15, s22;
	v28 =	vld [tilespmem:s31+$0x0];
	s31 =	sadd.s32 $0xFFFFFF23, s3;
	[tilespmem:s8+$0xE280] =	vst v49  }
0x389: {  	s4 =	sor.u32 s15, s25;
	s30 =	sadd.s32 $0x4700, s16;
	v29 =	vld [tilespmem:s26+$0x0];
	v56 =	vadd.s32 s31, v62;
	s26 =	sadd.s32 $0xFFFFFF34, s3;
	[tilespmem:s8+$0xE300] =	vst v30  }
0x38a: {  	s31 =	sadd.s32 $0x4780, s16;
	s16 =	sor.u32 s15, s30;
	v30 =	vld [tilespmem:s4+$0x0];
	v57 =	vadd.s32 s26, v62;
	s26 =	sadd.s32 $0xFFFFFF45, s3;
	[tilespmem:s8+$0xE380] =	vst v31  }
0x38b: {  	s15 =	sor.u32 s15, s31;
	v31 =	vld [tilespmem:s16+$0x0];
	v58 =	vadd.s32 s26, v62;
	s16 =	sadd.s32 $0xFFFFFF56, s3;
	[tilespmem:s8+$0xE400] =	vst v32  }
0x38c: {  	s23 =	sor.u32 s12, s17;
	s17 =	sadd.s32 $0xFFFFFF67, s3;
	v32 =	vld [tilespmem:s15+$0x0];
	[tilespmem:v54+s20+$0x0] =	vst.idx.msk $0xffff, v2;
	v2 =	vadd.s32 s16, v62  }
0x38d: {  	s4 =	sadd.s32 $0xFFFFFF78, s3;
	[tilespmem:v55+s20+$0x0] =	vst.idx.msk $0xffff, v3;
	v3 =	vadd.s32 s17, v62  }
0x38e: {  	s28 =	sor.u32 s12, s28;
	s26 =	sor.u32 s12, s5;
	v60 =	vadd.s32 s4, v62;
	s5 =	sadd.s32 $0xFFFFFF89, s3;
	[tilespmem:v56+s20+$0x0] =	vst.idx.msk $0xffff, v4  }
0x38f: {  	s29 =	sor.u32 s12, s2;
	s15 =	sor.u32 s12, s22;
	v63 =	vadd.s32 s5, v62;
	s22 =	sadd.s32 $0xFFFFFF9A, s3;
	[tilespmem:v57+s20+$0x0] =	vst.idx.msk $0xffff, v5  }
0x390: {  	v7 =	vld [tilespmem:s10+$0x0];
	s10 =	sor.u32 s12, s25;
	s17 =	sor.u32 s12, s31;
	v11 =	vadd.s32 s22, v62;
	s31 =	sadd.s32 $0xFFFFFFAB, s3;
	[tilespmem:v58+s20+$0x0] =	vst.idx.msk $0xffff, v6  }
0x391: {  	v59 =	vld [tilespmem:s7+$0x0];
	s7 =	sor.u32 s12, s30;
	s16 =	sor.u32 s12, s19;
	s12 =	sadd.s32 $0xFFFFFFBC, s3;
	[tilespmem:v2+s20+$0x0] =	vst.idx.msk $0xffff, v41;
	v2 =	vadd.s32 s31, v62  }
0x392: {  	v43 =	vld [tilespmem:s24+$0x0];
	s24 =	sadd.s32 $0xFFFFFFCD, s3;
	s25 =	sadd.s32 $0xFFFFFDF2, s3;
	[tilespmem:v3+s20+$0x0] =	vst.idx.msk $0xffff, v51;
	v3 =	vadd.s32 s12, v62  }
0x393: {  	v9 =	vld [tilespmem:s6+$0x0];
	v45 =	vadd.s32 s24, v62;
	v34 =	vadd.s32 s25, v62;
	s25 =	sadd.s32 $0xFFFFFFDE, s3;
	[tilespmem:v60+s20+$0x0] =	vst.idx.msk $0xffff, v24  }
0x394: {  	v40 =	vld [tilespmem:s28+$0x0];
	v47 =	vadd.s32 s25, v62;
	s31 =	sadd.s32 $0xFFFFFFEF, s3;
	[tilespmem:v63+s20+$0x0] =	vst.idx.msk $0xffff, v25  }
0x395: {  	v50 =	vld [tilespmem:s29+$0x0];
	v49 =	vadd.s32 s31, v62;
	[tilespmem:v11+s20+$0x0] =	vst.idx.msk $0xffff, v26  }
0x396: {  	v44 =	vld [tilespmem:s21+$0x0];
	v24 =	vadd.s32 s3, v62;
	[tilespmem:v2+s20+$0x0] =	vst.idx.msk $0xffff, v27  }
0x397: {  	v61 =	vld [tilespmem:s1+$0x0];
	s25 =	sadd.s32 $0xFFFFFF02, s3;
	v25 =	vadd.s32 s11, v1;
	[tilespmem:v3+s20+$0x0] =	vst.idx.msk $0xffff, v28  }
0x398: {  	s28 =	sadd.s32 $0xFFFFFE7A, s3;
	s30 =	sadd.s32 $0xFFFFFE03, s3;
	v63 =	vld [tilespmem:s26+$0x0];
	s26 =	sadd.s32 $0xFFFFFF03, s3;
	v26 =	vadd.s32 s25, v1;
	[tilespmem:v45+s20+$0x0] =	vst.idx.msk $0xffff, v29  }
0x399: {  	v33 =	vld [tilespmem:$0x1FCC0];
	v35 =	vadd.s32 s30, v62;
	s30 =	sadd.s32 $0xFFFFFE8B, s3;
	v54 =	vadd.s32 s28, v62;
	s28 =	sadd.s32 $0xFFFFFF04, s3;
	v27 =	vadd.s32 s26, v1;
	[tilespmem:v47+s20+$0x0] =	vst.idx.msk $0xffff, v30  }
0x39a: {  	v56 =	vld [tilespmem:s16+$0x0];
	v41 =	vadd.s32 s30, v62;
	s30 =	sadd.s32 $0xFFFFFF05, s3;
	v28 =	vadd.s32 s28, v1;
	[tilespmem:v49+s20+$0x0] =	vst.idx.msk $0xffff, v31  }
0x39b: {  	s31 =	sadd.s32 $0xFFFFFF06, s3;
	v2 =	vld [tilespmem:s23+$0x0];
	v29 =	vadd.s32 s30, v1;
	[tilespmem:v24+s20+$0x0] =	vst.idx.msk $0xffff, v32  }
0x39c: {  	s26 =	sadd.s32 $0xFFFFFF07, s3;
	v30 =	vadd.s32 s31, v1;
	v53 =	vld.idx.msk [tilespmem:v25+s20+$0x0], $0xffff  }
0x39d: {  	[tilespmem:$0x1FC50] =	vst v44;
	s31 =	sadd.s32 $0xFFFFFF08, s3;
	v31 =	vadd.s32 s26, v1;
	v44 =	vld.idx.msk [tilespmem:v26+s20+$0x0], $0xffff  }
0x39e: {  	[tilespmem:$0x1FBE0] =	vst v61;
	s11 =	sadd.s32 $0xFFFFFF09, s3;
	v32 =	vadd.s32 s31, v1;
	v61 =	vld.idx.msk [tilespmem:v27+s20+$0x0], $0xffff  }
0x39f: {  	s29 =	smov.u32 s14;
	s14 =	sadd.s32 $0xFFFFFF10, s3;
	v12 =	vadd.s32 s11, v1;
	v57 =	vld.idx.msk [tilespmem:v28+s20+$0x0], $0xffff  }
0x3a0: {  	[tilespmem:$0x1FCA0] =	vst v2;
	v24 =	vmov v13;
	v13 =	vadd.s32 s14, v1;
	v2 =	vld.idx.msk [tilespmem:v29+s20+$0x0], $0xffff  }
0x3a1: {  	v49 =	vld.idx.msk [tilespmem:v30+s20+$0x0], $0xffff  }
0x3a2: {  	v30 =	vld.idx.msk [tilespmem:v31+s20+$0x0], $0xffff  }
0x3a3: {  	v31 =	vld.idx.msk [tilespmem:v32+s20+$0x0], $0xffff  }
0x3a4: {  	[tilespmem:$0x1FC00] =	vst v9;
	s22 =	sadd.s32 $0xFFFFFE47, s3;
	s16 =	sadd.s32 $0xFFFFFDE6, s3;
	v32 =	vld.idx.msk [tilespmem:v12+s20+$0x0], $0xffff  }
0x3a5: {  	[tilespmem:$0x1FC30] =	vst v40;
	v39 =	vadd.s32 s22, v62;
	s22 =	sadd.s32 $0xFFFFFDE2, s3;
	v48 =	vadd.s32 s16, v1;
	s16 =	sadd.s32 $0xFFFFFF0A, s3;
	v13 =	vld.idx.msk [tilespmem:v13+s20+$0x0], $0xffff  }
0x3a6: {  	v40 =	vmov v14;
	v9 =	vadd.s32 s22, v1;
	s22 =	sadd.s32 $0xFFFFFF0B, s3;
	v14 =	vadd.s32 s16, v1;
	[tilespmem:s8+$0xE480] =	vst v33;
	v33 =	vld [tilespmem:$0x1FCD0]  }
0x3a7: {  	v16 =	vadd.s32 s22, v1;
	_ =	sdelay $0x3  }
0x3a8: {  	v14 =	vld.idx.msk [tilespmem:v14+s20+$0x0], $0xffff;
	[tilespmem:s8+$0xE500] =	vst v33  }
0x3a9: {  	v16 =	vld.idx.msk [tilespmem:v16+s20+$0x0], $0xffff;
	_ =	sdelay $0x1  }
0x3aa: {  	s19 =	sadd.s32 $0xFFFFFDE1, s3  }
0x3ab: {  	v10 =	vadd.s32 s19, v1  }
0x3ac: {  	[tilespmem:$0x1FCB0] =	vst v10;
	s23 =	sadd.s32 $0xFFFFFDE4, s3  }
0x3ad: {  	v10 =	vadd.s32 s23, v1;
	s23 =	sadd.s32 $0xFFFFFF0C, s3;
	[tilespmem:$0x1FCD0] =	vst v16;
	v16 =	vld [tilespmem:$0x1FCE0]  }
0x3ae: {  	v26 =	vmov v19;
	v19 =	vadd.s32 s23, v1;
	_ =	sdelay $0x3  }
0x3af: {  	[tilespmem:s8+$0xE580] =	vst v16  }
0x3b0: {  	v16 =	vld.idx.msk [tilespmem:v19+s20+$0x0], $0xffff;
	_ =	sdelay $0x2  }
0x3b1: {  	s24 =	sadd.s32 $0xFFFFFEBE, s3  }
0x3b2: {  	v4 =	vadd.s32 s24, v62;
	s24 =	sadd.s32 $0xFFFFFDED, s3  }
0x3b3: {  	v27 =	vmov v18;
	v18 =	vadd.s32 s24, v1;
	s24 =	sadd.s32 $0xFFFFFF0D, s3;
	[tilespmem:$0x1FCE0] =	vst v16;
	v16 =	vld [tilespmem:$0x1FCF0]  }
0x3b4: {  	v12 =	vadd.s32 s24, v1;
	_ =	sdelay $0x3  }
0x3b5: {  	[tilespmem:s8+$0xE600] =	vst v16  }
0x3b6: {  	v12 =	vld.idx.msk [tilespmem:v12+s20+$0x0], $0xffff;
	_ =	sdelay $0x3  }
0x3b7: {  	s25 =	sadd.s32 $0xFFFFFDEE, s3  }
0x3b8: {  	v20 =	vadd.s32 s25, v1;
	s25 =	sadd.s32 $0xFFFFFF0E, s3;
	[tilespmem:$0x1FCF0] =	vst v12;
	v12 =	vld [tilespmem:$0x1FD00]  }
0x3b9: {  	v47 =	vmov v23;
	v23 =	vadd.s32 s25, v1;
	_ =	sdelay $0x3  }
0x3ba: {  	[tilespmem:s8+$0xE680] =	vst v12  }
0x3bb: {  	v12 =	vld.idx.msk [tilespmem:v23+s20+$0x0], $0xffff;
	_ =	sdelay $0x4  }
0x3bc: {  	s26 =	sadd.s32 $0xFFFFFF0F, s3;
	[tilespmem:$0x1FD00] =	vst v12;
	v12 =	vld [tilespmem:$0x1FD10]  }
0x3bd: {  	[tilespmem:$0x1FCC0] =	vst v14;
	v14 =	vadd.s32 s26, v1  }
0x3be: {  	s13 =	sadd.s32 $0x4000, s13  }
0x3bf: {  	s1 =	sadd.s32 $0xFFFFFECF, s3;
	s4 =	sadd.s32 $0xFFFFFE14, s3;
	s28 =	sadd.s32 $0xFFFFFDEF, s3  }
0x3c0: {  	[tilespmem:$0x1FBB0] =	vst v7;
	v51 =	vadd.s32 s4, v62;
	s4 =	sadd.s32 $0xFFFFFDE7, s3;
	s31 =	sshrl.u32 s13, $0x2;
	v29 =	vmov v21;
	v21 =	vadd.s32 s28, v1;
	s28 =	sshll.u32 s9, $0x1  }
0x3c1: {  	v46 =	vld [tilespmem:s18+$0x0];
	v7 =	vadd.s32 s1, v62;
	v45 =	vadd.s32 s4, v1;
	s4 =	sand.u32 $0x3800, s31;
	s1 =	sand.u32 $0xFFFFFFF0, s28;
	[tilespmem:s8+$0xE700] =	vst v12  }
0x3c2: {  	s8 =	sadd.s32 s1, s4;
	v12 =	vld.idx.msk [tilespmem:v14+s20+$0x0], $0xffff  }
0x3c3: {  	v36 =	vor.u32 s19, v62;
	[tilespmem:s8+$0xE780] =	vst v13;
	v13 =	vld [tilespmem:$0x1FBB0]  }
0x3c4: {  	[tilespmem:$0x1FBC0] =	vst v59;
	v59 =	vld [tilespmem:s10+$0x0]  }
0x3c5: {  	v55 =	vld [tilespmem:s15+$0x0]  }
0x3c6: {  	[tilespmem:$0x1FC90] =	vst v63;
	v63 =	vld [tilespmem:s7+$0x0]  }
0x3c7: {  	[tilespmem:$0x1FD10] =	vst v12;
	v12 =	vld [tilespmem:s17+$0x0]  }
0x3c8: {  	[tilespmem:v36+s20+$0x0] =	vst.idx.msk $0xffff, v13;
	v13 =	vld [tilespmem:$0x1FBC0];
	_ =	sdelay $0x4  }
0x3c9: {  	[tilespmem:v34+s20+$0x0] =	vst.idx.msk $0xffff, v13;
	v13 =	vld [tilespmem:$0x1FBE0];
	_ =	sdelay $0x3  }
0x3ca: {  	v34 =	vld.idx.msk [tilespmem:v26+s20+$0x0], $0xffff  }
0x3cb: {  	[tilespmem:v35+s20+$0x0] =	vst.idx.msk $0xffff, v13;
	v13 =	vld [tilespmem:$0x1FC00];
	_ =	sdelay $0x3  }
0x3cc: {  	v35 =	vld.idx.msk [tilespmem:v47+s20+$0x0], $0xffff  }
0x3cd: {  	[tilespmem:v51+s20+$0x0] =	vst.idx.msk $0xffff, v13;
	v13 =	vld [tilespmem:$0x1FC20];
	_ =	sdelay $0x7  }
0x3ce: {  	s6 =	sadd.s32 $0xFFFFFE25, s3;
	v36 =	vld.idx.msk [tilespmem:v13+s20+$0x0], $0xffff  }
0x3cf: {  	v37 =	vadd.s32 s6, v62;
	v13 =	vld [tilespmem:$0x1FC30];
	_ =	sdelay $0x3  }
0x3d0: {  	[tilespmem:$0x1FC40] =	vst v43;
	s19 =	sadd.s32 $0xFFFFFE36, s3  }
0x3d1: {  	v38 =	vadd.s32 s19, v62;
	[tilespmem:v37+s20+$0x0] =	vst.idx.msk $0xffff, v13;
	v13 =	vld [tilespmem:$0x1FC40];
	_ =	sdelay $0x3  }
0x3d2: {  	v37 =	vld.idx.msk [tilespmem:v27+s20+$0x0], $0xffff  }
0x3d3: {  	[tilespmem:v38+s20+$0x0] =	vst.idx.msk $0xffff, v13;
	v13 =	vld [tilespmem:$0x1FC50];
	_ =	sdelay $0x3  }
0x3d4: {  	s2 =	sadd.s32 $0xFFFFFE58, s3;
	[tilespmem:$0x1FC60] =	vst v46;
	v38 =	vld.idx.msk [tilespmem:v52+s20+$0x0], $0xffff  }
0x3d5: {  	v58 =	vadd.s32 s2, v62;
	[tilespmem:v39+s20+$0x0] =	vst.idx.msk $0xffff, v13;
	v13 =	vld [tilespmem:$0x1FC60];
	_ =	sdelay $0x2  }
0x3d6: {  	s12 =	sadd.s32 $0xFFFFFE69, s3  }
0x3d7: {  	v60 =	vadd.s32 s12, v62;
	v39 =	vld.idx.msk [tilespmem:v29+s20+$0x0], $0xffff  }
0x3d8: {  	[tilespmem:v58+s20+$0x0] =	vst.idx.msk $0xffff, v13;
	v13 =	vld [tilespmem:$0x1FC90];
	_ =	sdelay $0x3  }
0x3d9: {  	[tilespmem:v60+s20+$0x0] =	vst.idx.msk $0xffff, v50  }
0x3da: {  	s19 =	sadd.s32 $0xFFFFFE9C, s3;
	[tilespmem:v54+s20+$0x0] =	vst.idx.msk $0xffff, v13;
	v13 =	vld [tilespmem:$0x1FCA0]  }
0x3db: {  	v3 =	vadd.s32 s19, v62;
	_ =	sdelay $0x1  }
0x3dc: {  	s21 =	sadd.s32 $0xFFFFFEAD, s3  }
0x3dd: {  	v5 =	vadd.s32 s21, v62  }
0x3de: {  	[tilespmem:v41+s20+$0x0] =	vst.idx.msk $0xffff, v13  }
0x3df: {  	s6 =	sadd.s32 $0xFFFFFEE0, s3;
	[tilespmem:v3+s20+$0x0] =	vst.idx.msk $0xffff, v56;
	v3 =	vld [tilespmem:$0x1FCB0]  }
0x3e0: {  	v8 =	vadd.s32 s6, v62;
	_ =	sdelay $0x1  }
0x3e1: {  	v33 =	vld [tilespmem:$0x1FBF0];
	[tilespmem:v5+s20+$0x0] =	vst.idx.msk $0xffff, v55  }
0x3e2: {  	s2 =	sadd.s32 $0xFFFFFDE3, s3;
	v16 =	vld [tilespmem:$0x1FBD0];
	[tilespmem:v4+s20+$0x0] =	vst.idx.msk $0xffff, v59  }
0x3e3: {  	v6 =	vadd.s32 s2, v1;
	v47 =	vld [tilespmem:$0x1FC70];
	[tilespmem:v7+s20+$0x0] =	vst.idx.msk $0xffff, v63  }
0x3e4: {  	s12 =	sadd.s32 $0xFFFFFDE5, s3;
	v51 =	vld [tilespmem:$0x1FC10];
	[tilespmem:v8+s20+$0x0] =	vst.idx.msk $0xffff, v12  }
0x3e5: {  	p1 =	slt.u32 s9, $0x1E;
	v11 =	vadd.s32 s12, v1;
	v50 =	vld [tilespmem:$0x1FC80];
	[tilespmem:s29+$0xE000] =	vst v24  }
.Ltmp8:
0x3e6: {  	s5 =	sadd.s32 $0xFFFFFDEB, s3;
	s30 =	sadd.s32 $0xFFFFFDF0, s3;
	v25 =	vmov v15;
	v13 =	vld.idx.msk [tilespmem:v3+s20+$0x0], $0xffff;
	[tilespmem:s29+$0xE080] =	vst v40;
	(pc) =	sbr.rel @p1 .LBB2_15-.Ltmp8, $4  }
0x3e7: {  	s18 =	sadd.s32 $0xFFFFFDEA, s3;
	s7 =	sadd.s32 $0xFFFFFDEC, s3;
	v22 =	vadd.s32 s30, v1;
	s30 =	sadd.s32 $0xFFFFE000, s13;
	v15 =	vadd.s32 s5, v1;
	v28 =	vmovc v0;
	v0 =	vmov v17;
	v14 =	vld.idx.msk [tilespmem:v9+s20+$0x0], $0xffff;
	[tilespmem:s29+$0xE100] =	vst v25  }
0x3e8: {  	v42 =	vadd.s32 s18, v1;
	s10 =	sadd.s32 $0xFFFFFDE9, s3;
	s15 =	sadd.s32 $0xFFFFFDE8, s3;
	s2 =	sand.u32 $0xC000, s30;
	v17 =	vadd.s32 s7, v1;
	v19 =	vmov v15;
	v15 =	vld.idx.msk [tilespmem:v6+s20+$0x0], $0xffff;
	[tilespmem:s29+$0xE180] =	vst v0  }
0x3e9: {  	v43 =	vadd.s32 s10, v1;
	v46 =	vadd.s32 s15, v1;
	s2 =	sshrl.u32 s2, $0x2;
	v23 =	vmov v17;
	v17 =	vld.idx.msk [tilespmem:v10+s20+$0x0], $0xffff;
	[tilespmem:s29+$0xE200] =	vst v28  }
0x3ea: {  	s14 =	sadd.s32 s1, s2;
	v26 =	vmovc v18;
	v18 =	vmovc v20;
	v52 =	vmov v21;
	v21 =	vmov v22;
	v28 =	vmov v2;
	v0 =	vld.idx.msk [tilespmem:v11+s20+$0x0], $0xffff  }
0x3eb: {  	[tilespmem:s29+$0xE280] =	vst v47  }
0x3ec: {  	[tilespmem:s29+$0xE300] =	vst v16  }
0x3ed: {  	[tilespmem:s29+$0xE380] =	vst v33  }
0x3ee: {  	[tilespmem:s29+$0xE400] =	vst v50  }
0x3ef: {  	[tilespmem:s29+$0xE480] =	vst v51  }
0x3f0: {  	[tilespmem:s29+$0xE500] =	vst v34  }
0x3f1: {  	[tilespmem:s29+$0xE580] =	vst v35  }
0x3f2: {  	[tilespmem:s29+$0xE600] =	vst v36  }
0x3f3: {  	[tilespmem:s29+$0xE680] =	vst v37  }
0x3f4: {  	[tilespmem:s29+$0xE700] =	vst v38  }
0x3f5: {  	[tilespmem:s29+$0xE780] =	vst v39  }
0x3f6: {  	[tilespmem:s8+$0xE000] =	vst v53  }
0x3f7: {  	[tilespmem:s8+$0xE080] =	vst v44  }
0x3f8: {  	[tilespmem:s8+$0xE100] =	vst v61  }
0x3f9: {  	[tilespmem:s8+$0xE180] =	vst v57  }
0x3fa: {  	[tilespmem:s8+$0xE200] =	vst v28  }
0x3fb: {  	[tilespmem:s8+$0xE280] =	vst v49  }
0x3fc: {  	[tilespmem:s8+$0xE300] =	vst v30  }
0x3fd: {  	[tilespmem:s8+$0xE380] =	vst v31  }
0x3fe: {  	[tilespmem:s8+$0xE400] =	vst v32  }
0x3ff: {  	v7 =	vld [tilespmem:$0x1FCC0];
	_ =	sdelay $0x4  }
0x400: {  	[tilespmem:s8+$0xE480] =	vst v7  }
0x401: {  	v8 =	vld [tilespmem:$0x1FCD0];
	_ =	sdelay $0x4  }
0x402: {  	[tilespmem:s8+$0xE500] =	vst v8  }
0x403: {  	v9 =	vld [tilespmem:$0x1FCE0];
	_ =	sdelay $0x4  }
0x404: {  	v2 =	vld.idx.msk [tilespmem:v48+s20+$0x0], $0xffff;
	[tilespmem:s8+$0xE580] =	vst v9  }
0x405: {  	v10 =	vld [tilespmem:$0x1FCF0]  }
0x406: {  	v3 =	vld.idx.msk [tilespmem:v45+s20+$0x0], $0xffff  }
0x407: {  	v4 =	vld.idx.msk [tilespmem:v46+s20+$0x0], $0xffff  }
0x408: {  	v5 =	vld.idx.msk [tilespmem:v43+s20+$0x0], $0xffff  }
0x409: {  	v6 =	vld.idx.msk [tilespmem:v42+s20+$0x0], $0xffff  }
0x40a: {  	v57 =	vld.idx.msk [tilespmem:v19+s20+$0x0], $0xffff;
	[tilespmem:s8+$0xE600] =	vst v10  }
0x40b: {  	v11 =	vld [tilespmem:$0x1FD00]  }
0x40c: {  	v58 =	vld.idx.msk [tilespmem:v23+s20+$0x0], $0xffff  }
0x40d: {  	v59 =	vld.idx.msk [tilespmem:v26+s20+$0x0], $0xffff  }
0x40e: {  	v60 =	vld.idx.msk [tilespmem:v18+s20+$0x0], $0xffff  }
0x40f: {  	v61 =	vld.idx.msk [tilespmem:v52+s20+$0x0], $0xffff  }
0x410: {  	v63 =	vld.idx.msk [tilespmem:v21+s20+$0x0], $0xffff;
	[tilespmem:s8+$0xE680] =	vst v11  }
0x411: {  	v12 =	vld [tilespmem:$0x1FD10];
	[tilespmem:s14+$0xE000] =	vst v13  }
0x412: {  	[tilespmem:s14+$0xE080] =	vst v14  }
0x413: {  	[tilespmem:s14+$0xE100] =	vst v15  }
0x414: {  	[tilespmem:s14+$0xE180] =	vst v17  }
0x415: {  	[tilespmem:s14+$0xE200] =	vst v0  }
0x416: {  	[tilespmem:s14+$0xE280] =	vst v2  }
0x417: {  	[tilespmem:s14+$0xE300] =	vst v3  }
0x418: {  	[tilespmem:s14+$0xE380] =	vst v4  }
0x419: {  	[tilespmem:s14+$0xE400] =	vst v5  }
0x41a: {  	[tilespmem:s14+$0xE480] =	vst v6  }
0x41b: {  	[tilespmem:s14+$0xE500] =	vst v57  }
0x41c: {  	[tilespmem:s14+$0xE580] =	vst v58  }
0x41d: {  	[tilespmem:s14+$0xE600] =	vst v59  }
0x41e: {  	[tilespmem:s8+$0xE700] =	vst v12  }
0x41f: {  	s1 =	rddreg [dreg:$0xf]  }
0x420: {  	[tilespmem:s14+$0xE680] =	vst v60;
	s0 =	sshll.u32 s1, $0xB  }
0x421: {  	[tilespmem:s14+$0xE700] =	vst v61;
	p1 =	slt.u32 s1, $0x1E84;
	s0 =	sand.u32 $0x1FFFF800, s0  }
0x422: {  	s28 =	rddreg [dreg:$0x2];
	s31 =	simm.s32 $0x0;
	[tilespmem:s14+$0xE780] =	vst v63;
	s0 =	simm.s32 @!p1 $0xF42800  }
0x423: {  	s29 =	simm.s32 $0xE000;
	s30 =	rddreg [dreg:$0xe];
	s0 =	sadd.s32 s28, s0  }
0x424: {  	[hbm4b:s0+s31] =	stream.linear.scatter [tilespmem:s29], [sflag:$0x6], $0x4000, $0x38;
	[tilespmem:$0x14400] =	vst v63  }
0x425: {  	s0 =	sadd.s32 $0x1, s30  }
0x426: {  	p1 =	sne.s32 s0, $0x52  }
.Ltmp9:
0x427: {  	_ = 	snop;
	(pc) =	sbr.rel @p1 .LBB2_2-.Ltmp9, $1  }
0x428: {  	_ =	sdelay $0x3  }
0x429: {  	s0 =	simm.s32 $0x4  }
0x42a: {  	_ =	swait.ge [sflag:s0], $0x4000  }
0x42b: {  	[sflag:s0] =	ssyncset.done $0x0  }
0x42c: {  	s28 =	simm.s32 $0x5;
	[sflag:s0] =	ssyncadd.s32 $0xFFFFC000  }
0x42d: {  	_ =	swait.ge [sflag:s28], $0x4000  }
0x42e: {  	[sflag:s28] =	ssyncset.done $0x0  }
0x42f: {  	s1 =	simm.s32 $0x6;
	[sflag:s28] =	ssyncadd.s32 $0xFFFFC000  }
0x430: {  	_ =	swait.ge [sflag:s1], $0x4000  }
0x431: {  	s0 =	stileid.u32;
	[sflag:s1] =	ssyncset.done $0x0  }
0x432: {  	s0 =	sshll.u32 @!p0 s0, $0x6;
	s2 =	rddreg [dreg:$0xb];
	[sflag:s1] =	ssyncadd.s32 $0xFFFFC000  }
0x433: {  	s0 =	sor.u32 @!p0 $0x1C07, s0;
	s1 =	rddreg [dreg:$0x1]  }
0x434: {  	[hbm:s2], [sflag:s0] =	dma.local @!p0 [hbm:s1], $0x400  }
0x435: {  	s0 =	simm.s32 @!p0 $0x7  }
0x436: {  	_ =	swait.ge @!p0 [sflag:s0], $0x400  }
0x437: {  	s29 =	rddreg [dreg:$0xd]  }
0x438: {  	s30 =	rddreg [dreg:$0xc];
	s2 =	sadd.s32 $0x1, s29  }
0x439: {  	p1 =	sne.s32 s2, s30  }
.Ltmp10:
0x43a: {  	_ = 	snop;
	(pc) =	sbr.rel @p1 .LBB2_1-.Ltmp10, $3  }
0x43b: {  	_ =	sdelay $0x1  }
0x43c: {  	[sflag:s0] =	ssyncset.done @!p0 $0x0  }
0x43d: {  	[sflag:s0] =	ssyncadd.s32 @!p0 $0xFFFFFC00  }
0x43e: {  	_ =	sfence.sel $0x180000  }
0x43f: {  	[bflag:$0x0] =	sbarrier.arrive $0xFFFF  }
0x440: {  	_ =	strace $0x90000047  }
0x441: {  	s0 =	stileid.u32;
	[bflag:$0x2] =	sbarrier.arrive $0xFFFF  }
0x442: {  	p0 =	sne.s32 s0, $0x0;
	s0 =	rddreg [dreg:$0x3]  }
0x443: {  	s0 =	sadd.s32 @!p0 $0x100000, s0  }
0x444: {  	[sflag:s0] =	ssyncadd.tile.s32 @!p0 $0x1;
	_ =	shalt  }
.Lfunc_end2:
_tile_overlayer_lowered:
.L_overlay_start_2:
0x445: {  	(tag) =	ssettag $0x2  }
0x446: {  	s0 =	rddreg [dreg:$0x0];
	s2 =	stileid.u32  }
0x447: {  	s1 =	rddreg [dreg:$0x1];
	p0 =	sne.s32 s2, $0x0  }
0x448: {  	s3 =	rddreg [dreg:$0x2];
	[bflag:$0x3] =	sbarrier.arrive $0xFFFF;
	s2 =	simm.s32 @!p0 $0x1C07  }
0x449: {  	[timem:s3], [sflag:s2] =	dma.local @!p0 [hbm:s0], s1  }
0x44a: {  	s0 =	simm.s32 @!p0 $0x7  }
0x44b: {  	_ =	swait.ge @!p0 [sflag:s0], s1  }
0x44c: {  	s1 =	ssub.s32 @!p0 $0x0, s1;
	[sflag:s0] =	ssyncset.done @!p0 $0x0  }
0x44d: {  	[sflag:s0] =	ssyncadd.s32 @!p0 s1  }
0x44e: {  	[bflag:$0x3] =	sbarrier.arrive $0xFFFF  }
0x44f: {  	_ =	shalt  }

</sc_bundles>
